<compile_context>
chip_gen: v7x
topology: tpu7x:2x2x1
jax: 0.10.2.dev20260603
libtpu: 0.0.44.dev20260713+nightly
codegen_flags: <defaults>
</compile_context>

<pallas_src>
import jax
import jax.numpy as jnp
from jax import lax
from jax.experimental import pallas as pl
from jax.experimental.pallas import tpu as pltpu
from jax.experimental.pallas import tpu_sc as plsc

N = 10000
CH = 128
E = 320000
NC = 2
NS = 16
NW = NC * NS
EPT = E // NW
CHUNK = 128
NCHUNK = 80
NPAIR = NCHUNK // 2 + 2
EPAD = NPAIR * 2 * CHUNK
NPAD = 10240
DUMMY = N
RPT = NPAD // NS
RB = 1280

_MESH = plsc.VectorSubcoreMesh(
    core_axis_name="c", subcore_axis_name="s", num_cores=NC, num_subcores=NS
)


def _deg_body(dstp_hbm, out_hbm, dst_v, ones_v, zrow_v, deg_sh):
    c = lax.axis_index("c")
    s = lax.axis_index("s")
    w = c * NS + s
    for k in range(CHUNK // 16):
        ones_v[pl.ds(k * 16, 16)] = jnp.full((16,), 1.0, jnp.float32)
        zrow_v[pl.ds(k * 16, 16)] = jnp.zeros((16,), jnp.float32)
    for k in range(RPT // CHUNK):
        pltpu.sync_copy(zrow_v, deg_sh.at[pl.ds(s * RPT + k * CHUNK, CHUNK)])
    pltpu.sync_copy(dstp_hbm.at[w], dst_v)
    plsc.subcore_barrier()

    def body(j, carry):
        pltpu.sync_copy(ones_v, deg_sh.at[dst_v.at[j]], add=True)
        return carry

    lax.fori_loop(0, NCHUNK, body, 0)
    plsc.subcore_barrier()
    pltpu.sync_copy(deg_sh.at[pl.ds(s * RPT, RPT)], out_hbm.at[c, pl.ds(s * RPT, RPT)])


_deg_call = pl.kernel(
    _deg_body,
    out_type=jax.ShapeDtypeStruct((NC, NPAD), jnp.float32),
    mesh=_MESH,
    scratch_types=[
        pltpu.VMEM((NCHUNK, CHUNK), jnp.int32),
        pltpu.VMEM((CHUNK,), jnp.float32),
        pltpu.VMEM((CHUNK,), jnp.float32),
        pltpu.VMEM_SHARED((NPAD,), jnp.float32),
    ],
)


def _agg_body(y_hbm, srcp_hbm, dstp_hbm, out_hbm, srci_v, dsti_v, rows0_v,
              rows1_v, acc_sh, sg0, sg1, ss0, ss1, si0, si1):
    c = lax.axis_index("c")
    s = lax.axis_index("s")
    w = c * NS + s

    def g_start(bank, b, rows, sem):
        pltpu.async_copy(y_hbm.at[srci_v.at[bank, b]], rows, sem)

    def g_wait(bank, b, rows, sem):
        pltpu.make_async_copy(y_hbm.at[srci_v.at[bank, b]], rows, sem).wait()

    def s_start(bank, b, rows, sem):
        pltpu.async_copy(rows, acc_sh.at[dsti_v.at[bank, b]], sem, add=True)

    def s_wait(bank, b, rows, sem):
        pltpu.make_async_copy(rows, acc_sh.at[dsti_v.at[bank, b]], sem).wait()

    def i_start(bank, p, sem):
        pltpu.async_copy(srcp_hbm.at[w, p], srci_v.at[bank], sem)
        pltpu.async_copy(dstp_hbm.at[w, p], dsti_v.at[bank], sem)

    def i_wait(bank, p, sem):
        pltpu.make_async_copy(srcp_hbm.at[w, p], srci_v.at[bank], sem).wait()
        pltpu.make_async_copy(dstp_hbm.at[w, p], dsti_v.at[bank], sem).wait()

    def zr(i, carry):
        for k in range(CH // 16):
            rows0_v[i, pl.ds(k * 16, 16)] = jnp.zeros((16,), jnp.float32)
        return carry

    lax.fori_loop(0, CHUNK, zr, 0)
    for k in range(RPT // CHUNK):
        pltpu.sync_copy(rows0_v, acc_sh.at[pl.ds(s * RPT + k * CHUNK, CHUNK)])
    pltpu.sync_copy(srcp_hbm.at[w, 0], srci_v.at[0])
    pltpu.sync_copy(dstp_hbm.at[w, 0], dsti_v.at[0])
    pltpu.sync_copy(srcp_hbm.at[w, 1], srci_v.at[1])
    pltpu.sync_copy(dstp_hbm.at[w, 1], dsti_v.at[1])
    plsc.subcore_barrier()

    def body(t, carry):
        p = 2 * t
        d0 = pltpu.async_copy(y_hbm.at[srci_v.at[0, 0]], rows0_v, sg0)
        d1 = pltpu.async_copy(y_hbm.at[srci_v.at[0, 1]], rows1_v, sg1)
        d0.wait()
        pltpu.sync_copy(rows0_v, acc_sh.at[dsti_v.at[0, 0]], add=True)
        d2 = pltpu.async_copy(y_hbm.at[srci_v.at[1, 0]], rows0_v, sg0)
        d1.wait()
        pltpu.sync_copy(rows1_v, acc_sh.at[dsti_v.at[0, 1]], add=True)
        d3 = pltpu.async_copy(y_hbm.at[srci_v.at[1, 1]], rows1_v, sg1)
        i_start(0, p + 2, si0)
        d2.wait()
        pltpu.sync_copy(rows0_v, acc_sh.at[dsti_v.at[1, 0]], add=True)
        d3.wait()
        pltpu.sync_copy(rows1_v, acc_sh.at[dsti_v.at[1, 1]], add=True)
        i_start(1, p + 3, si1)
        i_wait(0, p + 2, si0)
        i_wait(1, p + 3, si1)
        return carry

    lax.fori_loop(0, NCHUNK // 4, body, 0)
    plsc.subcore_barrier()
    pltpu.sync_copy(acc_sh.at[pl.ds(s * RPT, RPT)],
                    out_hbm.at[c, pl.ds(s * RPT, RPT)])


_agg_call = pl.kernel(
    _agg_body,
    out_type=jax.ShapeDtypeStruct((NC, NPAD, CH), jnp.float32),
    mesh=_MESH,
    scratch_types=[
        pltpu.VMEM((2, 2, CHUNK), jnp.int32),
        pltpu.VMEM((2, 2, CHUNK), jnp.int32),
        pltpu.VMEM((CHUNK, CH), jnp.float32),
        pltpu.VMEM((CHUNK, CH), jnp.float32),
        pltpu.VMEM_SHARED((NPAD, CH), jnp.float32),
        pltpu.SemaphoreType.DMA,
        pltpu.SemaphoreType.DMA,
        pltpu.SemaphoreType.DMA,
        pltpu.SemaphoreType.DMA,
        pltpu.SemaphoreType.DMA,
        pltpu.SemaphoreType.DMA,
    ],
)


def _dot(a, b):
    return jnp.dot(a, b, preferred_element_type=jnp.float32)


def _tc_first_body(x_ref, w_ref, dp_ref, y_ref):
    dinv = lax.rsqrt(dp_ref[0] + dp_ref[1] + 1.0)
    y_ref[...] = _dot(x_ref[...], w_ref[...]) * dinv


def _tc_mid_body(p_ref, y_ref, dp_ref, b_ref, w_ref, o_ref):
    dinv = lax.rsqrt(dp_ref[0] + dp_ref[1] + 1.0)
    t = dinv * (p_ref[0] + p_ref[1] + y_ref[...]) + b_ref[...]
    t = jnp.maximum(t, 0.0)
    o_ref[...] = _dot(t, w_ref[...]) * dinv


def _tc_final_body(p_ref, y_ref, dp_ref, b_ref, o_ref):
    dinv = lax.rsqrt(dp_ref[0] + dp_ref[1] + 1.0)
    o_ref[...] = dinv * (p_ref[0] + p_ref[1] + y_ref[...]) + b_ref[...]


_ROWS = pl.BlockSpec((RB, CH), lambda r: (r, 0))
_WMAT = pl.BlockSpec((CH, CH), lambda r: (0, 0))
_DEGS = pl.BlockSpec((NC, RB, 1), lambda r: (0, r, 0))
_PART = pl.BlockSpec((NC, RB, CH), lambda r: (0, r, 0))
_BIAS = pl.BlockSpec((1, CH), lambda r: (0, 0))
_OUTF = jax.ShapeDtypeStruct((NPAD, CH), jnp.float32)

_tc_first = pl.pallas_call(
    _tc_first_body, grid=(NPAD // RB,),
    in_specs=[_ROWS, _WMAT, _DEGS], out_specs=_ROWS, out_shape=_OUTF)

_tc_mid = pl.pallas_call(
    _tc_mid_body, grid=(NPAD // RB,),
    in_specs=[_PART, _ROWS, _DEGS, _BIAS, _WMAT], out_specs=_ROWS,
    out_shape=_OUTF)

_tc_final = pl.pallas_call(
    _tc_final_body, grid=(NPAD // RB,),
    in_specs=[_PART, _ROWS, _DEGS, _BIAS], out_specs=_ROWS, out_shape=_OUTF)


def kernel(x, edge_index, W1, b1, W2, b2, W3, b3):
    ei = edge_index.astype(jnp.int32)
    srcp = jnp.pad(ei[0].reshape(NW, EPT), ((0, 0), (0, EPAD - EPT))
                   ).reshape(NW, NPAIR, 2, CHUNK)
    dstp = jnp.pad(ei[1].reshape(NW, EPT), ((0, 0), (0, EPAD - EPT)),
                   constant_values=DUMMY).reshape(NW, NPAIR, 2, CHUNK)
    dstd = dstp.reshape(NW, NPAIR * 2, CHUNK)[:, :NCHUNK]
    x_pad = jnp.pad(x, ((0, NPAD - N), (0, 0)))

    degp = _deg_call(dstd).reshape(NC, NPAD, 1)
    b1r, b2r, b3r = (b.reshape(1, CH) for b in (b1, b2, b3))

    y1 = _tc_first(x_pad, W1, degp)
    p1 = _agg_call(y1, srcp, dstp)
    y2 = _tc_mid(p1, y1, degp, b1r, W2)
    p2 = _agg_call(y2, srcp, dstp)
    y3 = _tc_mid(p2, y2, degp, b2r, W3)
    p3 = _agg_call(y3, srcp, dstp)
    out = _tc_final(p3, y3, degp, b3r)
    return out[:N]

# --- scband reference (transcript-rebuilt; emitter-appended) ---
"""Pipeline reference for scband-encoder-18708877541797 (READ-ONLY COPY).

The authoritative reference and input builder live on the scoring server;
editing this copy changes nothing except your own understanding.
"""

import jax, jax.numpy as jnp
import numpy as np

N_NODES = 10000
N_EDGES = 320000
IN_CH = 128
HID_CH = 128

def setup_inputs(seed: int = 0) -> dict:
    key = jax.random.key(seed)
    ks = jax.random.split(key, 8)
    x = jax.random.normal(ks[0], (N_NODES, IN_CH), dtype=jnp.float32)
    edge_index = jax.random.randint(ks[1], (2, N_EDGES), 0, N_NODES, dtype=jnp.int64)
    def glorot(k, fan_in, fan_out):
        limit = np.sqrt(6.0 / (fan_in + fan_out))
        return jax.random.uniform(k, (fan_in, fan_out), dtype=jnp.float32, minval=-limit, maxval=limit)
    W1 = glorot(ks[2], IN_CH, HID_CH)
    b1 = jnp.zeros((HID_CH,), dtype=jnp.float32)
    W2 = glorot(ks[3], HID_CH, HID_CH)
    b2 = jnp.zeros((HID_CH,), dtype=jnp.float32)
    W3 = glorot(ks[4], HID_CH, HID_CH)
    b3 = jnp.zeros((HID_CH,), dtype=jnp.float32)
    return {"x": x, "edge_index": edge_index, "W1": W1, "b1": b1, "W2": W2, "b2": b2, "W3": W3, "b3": b3}

def _gcn_conv(x, src, dst, norm, W, b):
    # PyG GCNConv: linear transform, then normalized sum aggregation, then bias
    xw = x @ W
    msg = jnp.take(xw, src, axis=0) * norm[:, None]
    out = jnp.zeros((x.shape[0], W.shape[1]), dtype=xw.dtype).at[dst].add(msg)
    return out + b

def _norm_and_loops(edge_index, n_nodes):
    loop = jnp.arange(n_nodes, dtype=edge_index.dtype)
    src = jnp.concatenate([edge_index[0], loop])
    dst = jnp.concatenate([edge_index[1], loop])
    deg = jnp.zeros((n_nodes,), dtype=jnp.float32).at[dst].add(1.0)
    dinv = jnp.where(deg > 0, jax.lax.rsqrt(deg), 0.0)
    norm = jnp.take(dinv, src) * jnp.take(dinv, dst)
    return src, dst, norm

def reference(x, edge_index, W1, b1, W2, b2, W3, b3):
    src, dst, norm = _norm_and_loops(edge_index, x.shape[0])
    h = jax.nn.relu(_gcn_conv(x, src, dst, norm, W1, b1))
    h = jax.nn.relu(_gcn_conv(h, src, dst, norm, W2, b2))
    h = _gcn_conv(h, src, dst, norm, W3, b3)
    return h

if __name__ == "__main__":
    import jax
    _d = setup_inputs()
    print(jax.jit(kernel)(*tuple(_d.values())))

</pallas_src>

<mosaic_0001>
#map = affine_map<(d0, d1) -> (0, 0)>
#map1 = affine_map<(d0, d1) -> (0, 0, 0, 0)>
#map2 = affine_map<(d0, d1) -> (0, 0, 0)>
module attributes {stable_mosaic.version = 14 : i64} {
  func.func @_agg_body(%arg0: i32, %arg1: i32, %arg2: memref<10240x128xf32, #tpu.memory_space<hbm>>, %arg3: memref<32x42x2x128xi32, #tpu.memory_space<hbm>>, %arg4: memref<32x42x2x128xi32, #tpu.memory_space<hbm>>, %arg5: memref<2x10240x128xf32, #tpu.memory_space<hbm>>, %arg6: memref<2x2x128xi32, #tpu.memory_space<vmem>>, %arg7: memref<2x2x128xi32, #tpu.memory_space<vmem>>, %arg8: memref<128x128xf32, #tpu.memory_space<vmem>>, %arg9: memref<128x128xf32, #tpu.memory_space<vmem>>, %arg10: memref<10240x128xf32, #tpu.memory_space<vmem_shared>>, %arg11: memref<!tpu.dma_semaphore, #tpu.memory_space<semaphore_mem>>, %arg12: memref<!tpu.dma_semaphore, #tpu.memory_space<semaphore_mem>>, %arg13: memref<!tpu.dma_semaphore, #tpu.memory_space<semaphore_mem>>, %arg14: memref<!tpu.dma_semaphore, #tpu.memory_space<semaphore_mem>>, %arg15: memref<!tpu.dma_semaphore, #tpu.memory_space<semaphore_mem>>, %arg16: memref<!tpu.dma_semaphore, #tpu.memory_space<semaphore_mem>>) attributes {dimension_semantics = [#tpu.dimension_semantics<core_parallel>, #tpu.dimension_semantics<subcore_parallel>], iteration_bounds = array<i64: 2, 16>, scalar_prefetch = 0 : i64, scratch_operands = 11 : i64, tpu.core_type = #tpu.core_type<sc_vector_subcore>, window_params = [{transform_indices = #map}, {transform_indices = #map1}, {transform_indices = #map1}, {transform_indices = #map2}]} {
    %mul3A = arith.constant 16 : i32
    %mul3A_0 = arith.muli %arg0, %mul3A : i32
    %add3A = arith.addi %mul3A_0, %arg1 : i32
    %scan3A = arith.constant 0 : i32
    %scan3A_1 = arith.constant 0 : i32
    %scan3A_2 = arith.constant 128 : i32
    %scan3A_3 = arith.addi %scan3A_1, %scan3A_2 : i32
    %scan3A_4 = arith.constant 1 : i32
    scf.for %scan3A_44 = %scan3A_1 to %scan3A_3 step %scan3A_4  : i32 {
      %broadcast_in_dim3A = arith.constant 0.000000e+00 : f32
      %broadcast_in_dim3A_45 = vector.broadcast %broadcast_in_dim3A : f32 to vector<16xf32>
      %swap3A = arith.index_cast %scan3A_44 : i32 to index
      %swap3A_46 = arith.constant 0 : index
      %swap3A_47 = tpu.vector_load %arg8[%swap3A, %swap3A_46] {strides = array<i32>} : memref<128x128xf32, #tpu.memory_space<vmem>>, vector<1x16xf32>,
      %swap3A_48 = vector.shape_cast %swap3A_47 : vector<1x16xf32> to vector<16xf32>
      %swap3A_49 = vector.shape_cast %broadcast_in_dim3A_45 : vector<16xf32> to vector<1x16xf32>
      tpu.vector_store %arg8[%swap3A, %swap3A_46], %swap3A_49 {strides = array<i32>} : memref<128x128xf32, #tpu.memory_space<vmem>>, vector<1x16xf32>,
      %broadcast_in_dim3A_50 = arith.constant 0.000000e+00 : f32
      %broadcast_in_dim3A_51 = vector.broadcast %broadcast_in_dim3A_50 : f32 to vector<16xf32>
      %swap3A_52 = arith.index_cast %scan3A_44 : i32 to index
      %swap3A_53 = arith.constant 16 : index
      %swap3A_54 = tpu.vector_load %arg8[%swap3A_52, %swap3A_53] {strides = array<i32>} : memref<128x128xf32, #tpu.memory_space<vmem>>, vector<1x16xf32>,
      %swap3A_55 = vector.shape_cast %swap3A_54 : vector<1x16xf32> to vector<16xf32>
      %swap3A_56 = vector.shape_cast %broadcast_in_dim3A_51 : vector<16xf32> to vector<1x16xf32>
      tpu.vector_store %arg8[%swap3A_52, %swap3A_53], %swap3A_56 {strides = array<i32>} : memref<128x128xf32, #tpu.memory_space<vmem>>, vector<1x16xf32>,
      %broadcast_in_dim3A_57 = arith.constant 0.000000e+00 : f32
      %broadcast_in_dim3A_58 = vector.broadcast %broadcast_in_dim3A_57 : f32 to vector<16xf32>
      %swap3A_59 = arith.index_cast %scan3A_44 : i32 to index
      %swap3A_60 = arith.constant 32 : index
      %swap3A_61 = tpu.vector_load %arg8[%swap3A_59, %swap3A_60] {strides = array<i32>} : memref<128x128xf32, #tpu.memory_space<vmem>>, vector<1x16xf32>,
      %swap3A_62 = vector.shape_cast %swap3A_61 : vector<1x16xf32> to vector<16xf32>
      %swap3A_63 = vector.shape_cast %broadcast_in_dim3A_58 : vector<16xf32> to vector<1x16xf32>
      tpu.vector_store %arg8[%swap3A_59, %swap3A_60], %swap3A_63 {strides = array<i32>} : memref<128x128xf32, #tpu.memory_space<vmem>>, vector<1x16xf32>,
      %broadcast_in_dim3A_64 = arith.constant 0.000000e+00 : f32
      %broadcast_in_dim3A_65 = vector.broadcast %broadcast_in_dim3A_64 : f32 to vector<16xf32>
      %swap3A_66 = arith.index_cast %scan3A_44 : i32 to index
      %swap3A_67 = arith.constant 48 : index
      %swap3A_68 = tpu.vector_load %arg8[%swap3A_66, %swap3A_67] {strides = array<i32>} : memref<128x128xf32, #tpu.memory_space<vmem>>, vector<1x16xf32>,
      %swap3A_69 = vector.shape_cast %swap3A_68 : vector<1x16xf32> to vector<16xf32>
      %swap3A_70 = vector.shape_cast %broadcast_in_dim3A_65 : vector<16xf32> to vector<1x16xf32>
      tpu.vector_store %arg8[%swap3A_66, %swap3A_67], %swap3A_70 {strides = array<i32>} : memref<128x128xf32, #tpu.memory_space<vmem>>, vector<1x16xf32>,
      %broadcast_in_dim3A_71 = arith.constant 0.000000e+00 : f32
      %broadcast_in_dim3A_72 = vector.broadcast %broadcast_in_dim3A_71 : f32 to vector<16xf32>
      %swap3A_73 = arith.index_cast %scan3A_44 : i32 to index
      %swap3A_74 = arith.constant 64 : index
      %swap3A_75 = tpu.vector_load %arg8[%swap3A_73, %swap3A_74] {strides = array<i32>} : memref<128x128xf32, #tpu.memory_space<vmem>>, vector<1x16xf32>,
      %swap3A_76 = vector.shape_cast %swap3A_75 : vector<1x16xf32> to vector<16xf32>
      %swap3A_77 = vector.shape_cast %broadcast_in_dim3A_72 : vector<16xf32> to vector<1x16xf32>
      tpu.vector_store %arg8[%swap3A_73, %swap3A_74], %swap3A_77 {strides = array<i32>} : memref<128x128xf32, #tpu.memory_space<vmem>>, vector<1x16xf32>,
      %broadcast_in_dim3A_78 = arith.constant 0.000000e+00 : f32
      %broadcast_in_dim3A_79 = vector.broadcast %broadcast_in_dim3A_78 : f32 to vector<16xf32>
      %swap3A_80 = arith.index_cast %scan3A_44 : i32 to index
      %swap3A_81 = arith.constant 80 : index
      %swap3A_82 = tpu.vector_load %arg8[%swap3A_80, %swap3A_81] {strides = array<i32>} : memref<128x128xf32, #tpu.memory_space<vmem>>, vector<1x16xf32>,
      %swap3A_83 = vector.shape_cast %swap3A_82 : vector<1x16xf32> to vector<16xf32>
      %swap3A_84 = vector.shape_cast %broadcast_in_dim3A_79 : vector<16xf32> to vector<1x16xf32>
      tpu.vector_store %arg8[%swap3A_80, %swap3A_81], %swap3A_84 {strides = array<i32>} : memref<128x128xf32, #tpu.memory_space<vmem>>, vector<1x16xf32>,
      %broadcast_in_dim3A_85 = arith.constant 0.000000e+00 : f32
      %broadcast_in_dim3A_86 = vector.broadcast %broadcast_in_dim3A_85 : f32 to vector<16xf32>
      %swap3A_87 = arith.index_cast %scan3A_44 : i32 to index
      %swap3A_88 = arith.constant 96 : index
      %swap3A_89 = tpu.vector_load %arg8[%swap3A_87, %swap3A_88] {strides = array<i32>} : memref<128x128xf32, #tpu.memory_space<vmem>>, vector<1x16xf32>,
      %swap3A_90 = vector.shape_cast %swap3A_89 : vector<1x16xf32> to vector<16xf32>
      %swap3A_91 = vector.shape_cast %broadcast_in_dim3A_86 : vector<16xf32> to vector<1x16xf32>
      tpu.vector_store %arg8[%swap3A_87, %swap3A_88], %swap3A_91 {strides = array<i32>} : memref<128x128xf32, #tpu.memory_space<vmem>>, vector<1x16xf32>,
      %broadcast_in_dim3A_92 = arith.constant 0.000000e+00 : f32
      %broadcast_in_dim3A_93 = vector.broadcast %broadcast_in_dim3A_92 : f32 to vector<16xf32>
      %swap3A_94 = arith.index_cast %scan3A_44 : i32 to index
      %swap3A_95 = arith.constant 112 : index
      %swap3A_96 = tpu.vector_load %arg8[%swap3A_94, %swap3A_95] {strides = array<i32>} : memref<128x128xf32, #tpu.memory_space<vmem>>, vector<1x16xf32>,
      %swap3A_97 = vector.shape_cast %swap3A_96 : vector<1x16xf32> to vector<16xf32>
      %swap3A_98 = vector.shape_cast %broadcast_in_dim3A_93 : vector<16xf32> to vector<1x16xf32>
      tpu.vector_store %arg8[%swap3A_94, %swap3A_95], %swap3A_98 {strides = array<i32>} : memref<128x128xf32, #tpu.memory_space<vmem>>, vector<1x16xf32>,
    }
    %scan3A_5 = arith.constant 128 : i32
    %mul3A_6 = arith.constant 640 : i32
    %mul3A_7 = arith.muli %arg1, %mul3A_6 : i32
    %add3A_8 = arith.constant 0 : i32
    %add3A_9 = arith.addi %mul3A_7, %add3A_8 : i32
    "tpu.region"() ({
      %run_scoped3A_44 = tpu.sem_alloc : memref<!tpu.dma_semaphore, #tpu.memory_space<semaphore_mem>>
      %dma_start3A = arith.constant 0 : i32
      %dma_start3A_45 = tpu.memref_slice %arg10[%add3A_9, %dma_start3A] : memref<10240x128xf32, #tpu.memory_space<vmem_shared>> -> memref<128x128xf32, #tpu.memory_space<vmem_shared>>
      %dma_start3A_46 = arith.constant 0 : i32
      %dma_start3A_47 = tpu.memref_slice %arg10[%add3A_9, %dma_start3A_46] : memref<10240x128xf32, #tpu.memory_space<vmem_shared>> -> memref<128x128xf32, #tpu.memory_space<vmem_shared>>
      tpu.enqueue_dma source(%arg8 : memref<128x128xf32, #tpu.memory_space<vmem>>) target(%dma_start3A_47 : memref<128x128xf32, #tpu.memory_space<vmem_shared>>) target_semaphore(%run_scoped3A_44 : memref<!tpu.dma_semaphore, #tpu.memory_space<semaphore_mem>>)
      %dma_wait3A = arith.constant 0 : i32
      %dma_wait3A_48 = tpu.memref_slice %arg10[%add3A_9, %dma_wait3A] : memref<10240x128xf32, #tpu.memory_space<vmem_shared>> -> memref<128x128xf32, #tpu.memory_space<vmem_shared>>
      %dma_wait3A_49 = arith.constant 0 : i32
      %dma_wait3A_50 = tpu.memref_slice %arg10[%add3A_9, %dma_wait3A_49] : memref<10240x128xf32, #tpu.memory_space<vmem_shared>> -> memref<128x128xf32, #tpu.memory_space<vmem_shared>>
      tpu.wait_dma2 semaphore(%run_scoped3A_44 : memref<!tpu.dma_semaphore, #tpu.memory_space<semaphore_mem>>) src(%arg8 : memref<128x128xf32, #tpu.memory_space<vmem>>) dst(%dma_wait3A_50 : memref<128x128xf32, #tpu.memory_space<vmem_shared>>)
      tpu.yield
    }) : () -> ()
    %mul3A_10 = arith.constant 640 : i32
    %mul3A_11 = arith.muli %arg1, %mul3A_10 : i32
    %add3A_12 = arith.constant 128 : i32
    %add3A_13 = arith.addi %mul3A_11, %add3A_12 : i32
    "tpu.region"() ({
      %run_scoped3A_44 = tpu.sem_alloc : memref<!tpu.dma_semaphore, #tpu.memory_space<semaphore_mem>>
      %dma_start3A = arith.constant 0 : i32
      %dma_start3A_45 = tpu.memref_slice %arg10[%add3A_13, %dma_start3A] : memref<10240x128xf32, #tpu.memory_space<vmem_shared>> -> memref<128x128xf32, #tpu.memory_space<vmem_shared>>
      %dma_start3A_46 = arith.constant 0 : i32
      %dma_start3A_47 = tpu.memref_slice %arg10[%add3A_13, %dma_start3A_46] : memref<10240x128xf32, #tpu.memory_space<vmem_shared>> -> memref<128x128xf32, #tpu.memory_space<vmem_shared>>
      tpu.enqueue_dma source(%arg8 : memref<128x128xf32, #tpu.memory_space<vmem>>) target(%dma_start3A_47 : memref<128x128xf32, #tpu.memory_space<vmem_shared>>) target_semaphore(%run_scoped3A_44 : memref<!tpu.dma_semaphore, #tpu.memory_space<semaphore_mem>>)
      %dma_wait3A = arith.constant 0 : i32
      %dma_wait3A_48 = tpu.memref_slice %arg10[%add3A_13, %dma_wait3A] : memref<10240x128xf32, #tpu.memory_space<vmem_shared>> -> memref<128x128xf32, #tpu.memory_space<vmem_shared>>
      %dma_wait3A_49 = arith.constant 0 : i32
      %dma_wait3A_50 = tpu.memref_slice %arg10[%add3A_13, %dma_wait3A_49] : memref<10240x128xf32, #tpu.memory_space<vmem_shared>> -> memref<128x128xf32, #tpu.memory_space<vmem_shared>>
      tpu.wait_dma2 semaphore(%run_scoped3A_44 : memref<!tpu.dma_semaphore, #tpu.memory_space<semaphore_mem>>) src(%arg8 : memref<128x128xf32, #tpu.memory_space<vmem>>) dst(%dma_wait3A_50 : memref<128x128xf32, #tpu.memory_space<vmem_shared>>)
      tpu.yield
    }) : () -> ()
    %mul3A_14 = arith.constant 640 : i32
    %mul3A_15 = arith.muli %arg1, %mul3A_14 : i32
    %add3A_16 = arith.constant 256 : i32
    %add3A_17 = arith.addi %mul3A_15, %add3A_16 : i32
    "tpu.region"() ({
      %run_scoped3A_44 = tpu.sem_alloc : memref<!tpu.dma_semaphore, #tpu.memory_space<semaphore_mem>>
      %dma_start3A = arith.constant 0 : i32
      %dma_start3A_45 = tpu.memref_slice %arg10[%add3A_17, %dma_start3A] : memref<10240x128xf32, #tpu.memory_space<vmem_shared>> -> memref<128x128xf32, #tpu.memory_space<vmem_shared>>
      %dma_start3A_46 = arith.constant 0 : i32
      %dma_start3A_47 = tpu.memref_slice %arg10[%add3A_17, %dma_start3A_46] : memref<10240x128xf32, #tpu.memory_space<vmem_shared>> -> memref<128x128xf32, #tpu.memory_space<vmem_shared>>
      tpu.enqueue_dma source(%arg8 : memref<128x128xf32, #tpu.memory_space<vmem>>) target(%dma_start3A_47 : memref<128x128xf32, #tpu.memory_space<vmem_shared>>) target_semaphore(%run_scoped3A_44 : memref<!tpu.dma_semaphore, #tpu.memory_space<semaphore_mem>>)
      %dma_wait3A = arith.constant 0 : i32
      %dma_wait3A_48 = tpu.memref_slice %arg10[%add3A_17, %dma_wait3A] : memref<10240x128xf32, #tpu.memory_space<vmem_shared>> -> memref<128x128xf32, #tpu.memory_space<vmem_shared>>
      %dma_wait3A_49 = arith.constant 0 : i32
      %dma_wait3A_50 = tpu.memref_slice %arg10[%add3A_17, %dma_wait3A_49] : memref<10240x128xf32, #tpu.memory_space<vmem_shared>> -> memref<128x128xf32, #tpu.memory_space<vmem_shared>>
      tpu.wait_dma2 semaphore(%run_scoped3A_44 : memref<!tpu.dma_semaphore, #tpu.memory_space<semaphore_mem>>) src(%arg8 : memref<128x128xf32, #tpu.memory_space<vmem>>) dst(%dma_wait3A_50 : memref<128x128xf32, #tpu.memory_space<vmem_shared>>)
      tpu.yield
    }) : () -> ()
    %mul3A_18 = arith.constant 640 : i32
    %mul3A_19 = arith.muli %arg1, %mul3A_18 : i32
    %add3A_20 = arith.constant 384 : i32
    %add3A_21 = arith.addi %mul3A_19, %add3A_20 : i32
    "tpu.region"() ({
      %run_scoped3A_44 = tpu.sem_alloc : memref<!tpu.dma_semaphore, #tpu.memory_space<semaphore_mem>>
      %dma_start3A = arith.constant 0 : i32
      %dma_start3A_45 = tpu.memref_slice %arg10[%add3A_21, %dma_start3A] : memref<10240x128xf32, #tpu.memory_space<vmem_shared>> -> memref<128x128xf32, #tpu.memory_space<vmem_shared>>
      %dma_start3A_46 = arith.constant 0 : i32
      %dma_start3A_47 = tpu.memref_slice %arg10[%add3A_21, %dma_start3A_46] : memref<10240x128xf32, #tpu.memory_space<vmem_shared>> -> memref<128x128xf32, #tpu.memory_space<vmem_shared>>
      tpu.enqueue_dma source(%arg8 : memref<128x128xf32, #tpu.memory_space<vmem>>) target(%dma_start3A_47 : memref<128x128xf32, #tpu.memory_space<vmem_shared>>) target_semaphore(%run_scoped3A_44 : memref<!tpu.dma_semaphore, #tpu.memory_space<semaphore_mem>>)
      %dma_wait3A = arith.constant 0 : i32
      %dma_wait3A_48 = tpu.memref_slice %arg10[%add3A_21, %dma_wait3A] : memref<10240x128xf32, #tpu.memory_space<vmem_shared>> -> memref<128x128xf32, #tpu.memory_space<vmem_shared>>
      %dma_wait3A_49 = arith.constant 0 : i32
      %dma_wait3A_50 = tpu.memref_slice %arg10[%add3A_21, %dma_wait3A_49] : memref<10240x128xf32, #tpu.memory_space<vmem_shared>> -> memref<128x128xf32, #tpu.memory_space<vmem_shared>>
      tpu.wait_dma2 semaphore(%run_scoped3A_44 : memref<!tpu.dma_semaphore, #tpu.memory_space<semaphore_mem>>) src(%arg8 : memref<128x128xf32, #tpu.memory_space<vmem>>) dst(%dma_wait3A_50 : memref<128x128xf32, #tpu.memory_space<vmem_shared>>)
      tpu.yield
    }) : () -> ()
    %mul3A_22 = arith.constant 640 : i32
    %mul3A_23 = arith.muli %arg1, %mul3A_22 : i32
    %add3A_24 = arith.constant 512 : i32
    %add3A_25 = arith.addi %mul3A_23, %add3A_24 : i32
    "tpu.region"() ({
      %run_scoped3A_44 = tpu.sem_alloc : memref<!tpu.dma_semaphore, #tpu.memory_space<semaphore_mem>>
      %dma_start3A = arith.constant 0 : i32
      %dma_start3A_45 = tpu.memref_slice %arg10[%add3A_25, %dma_start3A] : memref<10240x128xf32, #tpu.memory_space<vmem_shared>> -> memref<128x128xf32, #tpu.memory_space<vmem_shared>>
      %dma_start3A_46 = arith.constant 0 : i32
      %dma_start3A_47 = tpu.memref_slice %arg10[%add3A_25, %dma_start3A_46] : memref<10240x128xf32, #tpu.memory_space<vmem_shared>> -> memref<128x128xf32, #tpu.memory_space<vmem_shared>>
      tpu.enqueue_dma source(%arg8 : memref<128x128xf32, #tpu.memory_space<vmem>>) target(%dma_start3A_47 : memref<128x128xf32, #tpu.memory_space<vmem_shared>>) target_semaphore(%run_scoped3A_44 : memref<!tpu.dma_semaphore, #tpu.memory_space<semaphore_mem>>)
      %dma_wait3A = arith.constant 0 : i32
      %dma_wait3A_48 = tpu.memref_slice %arg10[%add3A_25, %dma_wait3A] : memref<10240x128xf32, #tpu.memory_space<vmem_shared>> -> memref<128x128xf32, #tpu.memory_space<vmem_shared>>
      %dma_wait3A_49 = arith.constant 0 : i32
      %dma_wait3A_50 = tpu.memref_slice %arg10[%add3A_25, %dma_wait3A_49] : memref<10240x128xf32, #tpu.memory_space<vmem_shared>> -> memref<128x128xf32, #tpu.memory_space<vmem_shared>>
      tpu.wait_dma2 semaphore(%run_scoped3A_44 : memref<!tpu.dma_semaphore, #tpu.memory_space<semaphore_mem>>) src(%arg8 : memref<128x128xf32, #tpu.memory_space<vmem>>) dst(%dma_wait3A_50 : memref<128x128xf32, #tpu.memory_space<vmem_shared>>)
      tpu.yield
    }) : () -> ()
    %run_scoped3A = arith.constant 0 : i32
    %run_scoped3A_26 = arith.constant 0 : i32
    "tpu.region"() ({
      %run_scoped3A_44 = tpu.sem_alloc : memref<!tpu.dma_semaphore, #tpu.memory_space<semaphore_mem>>
      %dma_start3A = arith.constant 0 : i32
      %dma_start3A_45 = arith.constant 0 : i32
      %dma_start3A_46 = tpu.memref_slice %arg6[%run_scoped3A_26, %dma_start3A, %dma_start3A_45] : memref<2x2x128xi32, #tpu.memory_space<vmem>> -> memref<1x2x128xi32, #tpu.memory_space<vmem>>
      %dma_start3A_47 = tpu.memref_squeeze %dma_start3A_46 : memref<1x2x128xi32, #tpu.memory_space<vmem>> -> memref<2x128xi32, #tpu.memory_space<vmem>>
      %dma_start3A_48 = arith.constant 0 : i32
      %dma_start3A_49 = arith.constant 0 : i32
      %dma_start3A_50 = tpu.memref_slice %arg3[%add3A, %run_scoped3A, %dma_start3A_48, %dma_start3A_49] : memref<32x42x2x128xi32, #tpu.memory_space<hbm>> -> memref<1x1x2x128xi32, #tpu.memory_space<hbm>>
      %dma_start3A_51 = tpu.memref_squeeze %dma_start3A_50 : memref<1x1x2x128xi32, #tpu.memory_space<hbm>> -> memref<2x128xi32, #tpu.memory_space<hbm>>
      %dma_start3A_52 = arith.constant 0 : i32
      %dma_start3A_53 = arith.constant 0 : i32
      %dma_start3A_54 = tpu.memref_slice %arg6[%run_scoped3A_26, %dma_start3A_52, %dma_start3A_53] : memref<2x2x128xi32, #tpu.memory_space<vmem>> -> memref<1x2x128xi32, #tpu.memory_space<vmem>>
      %dma_start3A_55 = tpu.memref_squeeze %dma_start3A_54 : memref<1x2x128xi32, #tpu.memory_space<vmem>> -> memref<2x128xi32, #tpu.memory_space<vmem>>
      %dma_start3A_56 = arith.constant 0 : i32
      %dma_start3A_57 = arith.constant 0 : i32
      %dma_start3A_58 = tpu.memref_slice %arg3[%add3A, %run_scoped3A, %dma_start3A_56, %dma_start3A_57] : memref<32x42x2x128xi32, #tpu.memory_space<hbm>> -> memref<1x1x2x128xi32, #tpu.memory_space<hbm>>
      %dma_start3A_59 = tpu.memref_squeeze %dma_start3A_58 : memref<1x1x2x128xi32, #tpu.memory_space<hbm>> -> memref<2x128xi32, #tpu.memory_space<hbm>>
      tpu.enqueue_dma source(%dma_start3A_59 : memref<2x128xi32, #tpu.memory_space<hbm>>) target(%dma_start3A_55 : memref<2x128xi32, #tpu.memory_space<vmem>>) target_semaphore(%run_scoped3A_44 : memref<!tpu.dma_semaphore, #tpu.memory_space<semaphore_mem>>)
      %dma_wait3A = arith.constant 0 : i32
      %dma_wait3A_60 = arith.constant 0 : i32
      %dma_wait3A_61 = tpu.memref_slice %arg6[%run_scoped3A_26, %dma_wait3A, %dma_wait3A_60] : memref<2x2x128xi32, #tpu.memory_space<vmem>> -> memref<1x2x128xi32, #tpu.memory_space<vmem>>
      %dma_wait3A_62 = tpu.memref_squeeze %dma_wait3A_61 : memref<1x2x128xi32, #tpu.memory_space<vmem>> -> memref<2x128xi32, #tpu.memory_space<vmem>>
      %dma_wait3A_63 = arith.constant 0 : i32
      %dma_wait3A_64 = arith.constant 0 : i32
      %dma_wait3A_65 = tpu.memref_slice %arg3[%add3A, %run_scoped3A, %dma_wait3A_63, %dma_wait3A_64] : memref<32x42x2x128xi32, #tpu.memory_space<hbm>> -> memref<1x1x2x128xi32, #tpu.memory_space<hbm>>
      %dma_wait3A_66 = tpu.memref_squeeze %dma_wait3A_65 : memref<1x1x2x128xi32, #tpu.memory_space<hbm>> -> memref<2x128xi32, #tpu.memory_space<hbm>>
      %dma_wait3A_67 = arith.constant 0 : i32
      %dma_wait3A_68 = arith.constant 0 : i32
      %dma_wait3A_69 = tpu.memref_slice %arg6[%run_scoped3A_26, %dma_wait3A_67, %dma_wait3A_68] : memref<2x2x128xi32, #tpu.memory_space<vmem>> -> memref<1x2x128xi32, #tpu.memory_space<vmem>>
      %dma_wait3A_70 = tpu.memref_squeeze %dma_wait3A_69 : memref<1x2x128xi32, #tpu.memory_space<vmem>> -> memref<2x128xi32, #tpu.memory_space<vmem>>
      %dma_wait3A_71 = arith.constant 0 : i32
      %dma_wait3A_72 = arith.constant 0 : i32
      %dma_wait3A_73 = tpu.memref_slice %arg3[%add3A, %run_scoped3A, %dma_wait3A_71, %dma_wait3A_72] : memref<32x42x2x128xi32, #tpu.memory_space<hbm>> -> memref<1x1x2x128xi32, #tpu.memory_space<hbm>>
      %dma_wait3A_74 = tpu.memref_squeeze %dma_wait3A_73 : memref<1x1x2x128xi32, #tpu.memory_space<hbm>> -> memref<2x128xi32, #tpu.memory_space<hbm>>
      tpu.wait_dma2 semaphore(%run_scoped3A_44 : memref<!tpu.dma_semaphore, #tpu.memory_space<semaphore_mem>>) src(%dma_wait3A_74 : memref<2x128xi32, #tpu.memory_space<hbm>>) dst(%dma_wait3A_70 : memref<2x128xi32, #tpu.memory_space<vmem>>)
      tpu.yield
    }) : () -> ()
    %run_scoped3A_27 = arith.constant 0 : i32
    %run_scoped3A_28 = arith.constant 0 : i32
    "tpu.region"() ({
      %run_scoped3A_44 = tpu.sem_alloc : memref<!tpu.dma_semaphore, #tpu.memory_space<semaphore_mem>>
      %dma_start3A = arith.constant 0 : i32
      %dma_start3A_45 = arith.constant 0 : i32
      %dma_start3A_46 = tpu.memref_slice %arg7[%run_scoped3A_28, %dma_start3A, %dma_start3A_45] : memref<2x2x128xi32, #tpu.memory_space<vmem>> -> memref<1x2x128xi32, #tpu.memory_space<vmem>>
      %dma_start3A_47 = tpu.memref_squeeze %dma_start3A_46 : memref<1x2x128xi32, #tpu.memory_space<vmem>> -> memref<2x128xi32, #tpu.memory_space<vmem>>
      %dma_start3A_48 = arith.constant 0 : i32
      %dma_start3A_49 = arith.constant 0 : i32
      %dma_start3A_50 = tpu.memref_slice %arg4[%add3A, %run_scoped3A_27, %dma_start3A_48, %dma_start3A_49] : memref<32x42x2x128xi32, #tpu.memory_space<hbm>> -> memref<1x1x2x128xi32, #tpu.memory_space<hbm>>
      %dma_start3A_51 = tpu.memref_squeeze %dma_start3A_50 : memref<1x1x2x128xi32, #tpu.memory_space<hbm>> -> memref<2x128xi32, #tpu.memory_space<hbm>>
      %dma_start3A_52 = arith.constant 0 : i32
      %dma_start3A_53 = arith.constant 0 : i32
      %dma_start3A_54 = tpu.memref_slice %arg7[%run_scoped3A_28, %dma_start3A_52, %dma_start3A_53] : memref<2x2x128xi32, #tpu.memory_space<vmem>> -> memref<1x2x128xi32, #tpu.memory_space<vmem>>
      %dma_start3A_55 = tpu.memref_squeeze %dma_start3A_54 : memref<1x2x128xi32, #tpu.memory_space<vmem>> -> memref<2x128xi32, #tpu.memory_space<vmem>>
      %dma_start3A_56 = arith.constant 0 : i32
      %dma_start3A_57 = arith.constant 0 : i32
      %dma_start3A_58 = tpu.memref_slice %arg4[%add3A, %run_scoped3A_27, %dma_start3A_56, %dma_start3A_57] : memref<32x42x2x128xi32, #tpu.memory_space<hbm>> -> memref<1x1x2x128xi32, #tpu.memory_space<hbm>>
      %dma_start3A_59 = tpu.memref_squeeze %dma_start3A_58 : memref<1x1x2x128xi32, #tpu.memory_space<hbm>> -> memref<2x128xi32, #tpu.memory_space<hbm>>
      tpu.enqueue_dma source(%dma_start3A_59 : memref<2x128xi32, #tpu.memory_space<hbm>>) target(%dma_start3A_55 : memref<2x128xi32, #tpu.memory_space<vmem>>) target_semaphore(%run_scoped3A_44 : memref<!tpu.dma_semaphore, #tpu.memory_space<semaphore_mem>>)
      %dma_wait3A = arith.constant 0 : i32
      %dma_wait3A_60 = arith.constant 0 : i32
      %dma_wait3A_61 = tpu.memref_slice %arg7[%run_scoped3A_28, %dma_wait3A, %dma_wait3A_60] : memref<2x2x128xi32, #tpu.memory_space<vmem>> -> memref<1x2x128xi32, #tpu.memory_space<vmem>>
      %dma_wait3A_62 = tpu.memref_squeeze %dma_wait3A_61 : memref<1x2x128xi32, #tpu.memory_space<vmem>> -> memref<2x128xi32, #tpu.memory_space<vmem>>
      %dma_wait3A_63 = arith.constant 0 : i32
      %dma_wait3A_64 = arith.constant 0 : i32
      %dma_wait3A_65 = tpu.memref_slice %arg4[%add3A, %run_scoped3A_27, %dma_wait3A_63, %dma_wait3A_64] : memref<32x42x2x128xi32, #tpu.memory_space<hbm>> -> memref<1x1x2x128xi32, #tpu.memory_space<hbm>>
      %dma_wait3A_66 = tpu.memref_squeeze %dma_wait3A_65 : memref<1x1x2x128xi32, #tpu.memory_space<hbm>> -> memref<2x128xi32, #tpu.memory_space<hbm>>
      %dma_wait3A_67 = arith.constant 0 : i32
      %dma_wait3A_68 = arith.constant 0 : i32
      %dma_wait3A_69 = tpu.memref_slice %arg7[%run_scoped3A_28, %dma_wait3A_67, %dma_wait3A_68] : memref<2x2x128xi32, #tpu.memory_space<vmem>> -> memref<1x2x128xi32, #tpu.memory_space<vmem>>
      %dma_wait3A_70 = tpu.memref_squeeze %dma_wait3A_69 : memref<1x2x128xi32, #tpu.memory_space<vmem>> -> memref<2x128xi32, #tpu.memory_space<vmem>>
      %dma_wait3A_71 = arith.constant 0 : i32
      %dma_wait3A_72 = arith.constant 0 : i32
      %dma_wait3A_73 = tpu.memref_slice %arg4[%add3A, %run_scoped3A_27, %dma_wait3A_71, %dma_wait3A_72] : memref<32x42x2x128xi32, #tpu.memory_space<hbm>> -> memref<1x1x2x128xi32, #tpu.memory_space<hbm>>
      %dma_wait3A_74 = tpu.memref_squeeze %dma_wait3A_73 : memref<1x1x2x128xi32, #tpu.memory_space<hbm>> -> memref<2x128xi32, #tpu.memory_space<hbm>>
      tpu.wait_dma2 semaphore(%run_scoped3A_44 : memref<!tpu.dma_semaphore, #tpu.memory_space<semaphore_mem>>) src(%dma_wait3A_74 : memref<2x128xi32, #tpu.memory_space<hbm>>) dst(%dma_wait3A_70 : memref<2x128xi32, #tpu.memory_space<vmem>>)
      tpu.yield
    }) : () -> ()
    %run_scoped3A_29 = arith.constant 1 : i32
    %run_scoped3A_30 = arith.constant 1 : i32
    "tpu.region"() ({
      %run_scoped3A_44 = tpu.sem_alloc : memref<!tpu.dma_semaphore, #tpu.memory_space<semaphore_mem>>
      %dma_start3A = arith.constant 0 : i32
      %dma_start3A_45 = arith.constant 0 : i32
      %dma_start3A_46 = tpu.memref_slice %arg6[%run_scoped3A_30, %dma_start3A, %dma_start3A_45] : memref<2x2x128xi32, #tpu.memory_space<vmem>> -> memref<1x2x128xi32, #tpu.memory_space<vmem>>
      %dma_start3A_47 = tpu.memref_squeeze %dma_start3A_46 : memref<1x2x128xi32, #tpu.memory_space<vmem>> -> memref<2x128xi32, #tpu.memory_space<vmem>>
      %dma_start3A_48 = arith.constant 0 : i32
      %dma_start3A_49 = arith.constant 0 : i32
      %dma_start3A_50 = tpu.memref_slice %arg3[%add3A, %run_scoped3A_29, %dma_start3A_48, %dma_start3A_49] : memref<32x42x2x128xi32, #tpu.memory_space<hbm>> -> memref<1x1x2x128xi32, #tpu.memory_space<hbm>>
      %dma_start3A_51 = tpu.memref_squeeze %dma_start3A_50 : memref<1x1x2x128xi32, #tpu.memory_space<hbm>> -> memref<2x128xi32, #tpu.memory_space<hbm>>
      %dma_start3A_52 = arith.constant 0 : i32
      %dma_start3A_53 = arith.constant 0 : i32
      %dma_start3A_54 = tpu.memref_slice %arg6[%run_scoped3A_30, %dma_start3A_52, %dma_start3A_53] : memref<2x2x128xi32, #tpu.memory_space<vmem>> -> memref<1x2x128xi32, #tpu.memory_space<vmem>>
      %dma_start3A_55 = tpu.memref_squeeze %dma_start3A_54 : memref<1x2x128xi32, #tpu.memory_space<vmem>> -> memref<2x128xi32, #tpu.memory_space<vmem>>
      %dma_start3A_56 = arith.constant 0 : i32
      %dma_start3A_57 = arith.constant 0 : i32
      %dma_start3A_58 = tpu.memref_slice %arg3[%add3A, %run_scoped3A_29, %dma_start3A_56, %dma_start3A_57] : memref<32x42x2x128xi32, #tpu.memory_space<hbm>> -> memref<1x1x2x128xi32, #tpu.memory_space<hbm>>
      %dma_start3A_59 = tpu.memref_squeeze %dma_start3A_58 : memref<1x1x2x128xi32, #tpu.memory_space<hbm>> -> memref<2x128xi32, #tpu.memory_space<hbm>>
      tpu.enqueue_dma source(%dma_start3A_59 : memref<2x128xi32, #tpu.memory_space<hbm>>) target(%dma_start3A_55 : memref<2x128xi32, #tpu.memory_space<vmem>>) target_semaphore(%run_scoped3A_44 : memref<!tpu.dma_semaphore, #tpu.memory_space<semaphore_mem>>)
      %dma_wait3A = arith.constant 0 : i32
      %dma_wait3A_60 = arith.constant 0 : i32
      %dma_wait3A_61 = tpu.memref_slice %arg6[%run_scoped3A_30, %dma_wait3A, %dma_wait3A_60] : memref<2x2x128xi32, #tpu.memory_space<vmem>> -> memref<1x2x128xi32, #tpu.memory_space<vmem>>
      %dma_wait3A_62 = tpu.memref_squeeze %dma_wait3A_61 : memref<1x2x128xi32, #tpu.memory_space<vmem>> -> memref<2x128xi32, #tpu.memory_space<vmem>>
      %dma_wait3A_63 = arith.constant 0 : i32
      %dma_wait3A_64 = arith.constant 0 : i32
      %dma_wait3A_65 = tpu.memref_slice %arg3[%add3A, %run_scoped3A_29, %dma_wait3A_63, %dma_wait3A_64] : memref<32x42x2x128xi32, #tpu.memory_space<hbm>> -> memref<1x1x2x128xi32, #tpu.memory_space<hbm>>
      %dma_wait3A_66 = tpu.memref_squeeze %dma_wait3A_65 : memref<1x1x2x128xi32, #tpu.memory_space<hbm>> -> memref<2x128xi32, #tpu.memory_space<hbm>>
      %dma_wait3A_67 = arith.constant 0 : i32
      %dma_wait3A_68 = arith.constant 0 : i32
      %dma_wait3A_69 = tpu.memref_slice %arg6[%run_scoped3A_30, %dma_wait3A_67, %dma_wait3A_68] : memref<2x2x128xi32, #tpu.memory_space<vmem>> -> memref<1x2x128xi32, #tpu.memory_space<vmem>>
      %dma_wait3A_70 = tpu.memref_squeeze %dma_wait3A_69 : memref<1x2x128xi32, #tpu.memory_space<vmem>> -> memref<2x128xi32, #tpu.memory_space<vmem>>
      %dma_wait3A_71 = arith.constant 0 : i32
      %dma_wait3A_72 = arith.constant 0 : i32
      %dma_wait3A_73 = tpu.memref_slice %arg3[%add3A, %run_scoped3A_29, %dma_wait3A_71, %dma_wait3A_72] : memref<32x42x2x128xi32, #tpu.memory_space<hbm>> -> memref<1x1x2x128xi32, #tpu.memory_space<hbm>>
      %dma_wait3A_74 = tpu.memref_squeeze %dma_wait3A_73 : memref<1x1x2x128xi32, #tpu.memory_space<hbm>> -> memref<2x128xi32, #tpu.memory_space<hbm>>
      tpu.wait_dma2 semaphore(%run_scoped3A_44 : memref<!tpu.dma_semaphore, #tpu.memory_space<semaphore_mem>>) src(%dma_wait3A_74 : memref<2x128xi32, #tpu.memory_space<hbm>>) dst(%dma_wait3A_70 : memref<2x128xi32, #tpu.memory_space<vmem>>)
      tpu.yield
    }) : () -> ()
    %run_scoped3A_31 = arith.constant 1 : i32
    %run_scoped3A_32 = arith.constant 1 : i32
    "tpu.region"() ({
      %run_scoped3A_44 = tpu.sem_alloc : memref<!tpu.dma_semaphore, #tpu.memory_space<semaphore_mem>>
      %dma_start3A = arith.constant 0 : i32
      %dma_start3A_45 = arith.constant 0 : i32
      %dma_start3A_46 = tpu.memref_slice %arg7[%run_scoped3A_32, %dma_start3A, %dma_start3A_45] : memref<2x2x128xi32, #tpu.memory_space<vmem>> -> memref<1x2x128xi32, #tpu.memory_space<vmem>>
      %dma_start3A_47 = tpu.memref_squeeze %dma_start3A_46 : memref<1x2x128xi32, #tpu.memory_space<vmem>> -> memref<2x128xi32, #tpu.memory_space<vmem>>
      %dma_start3A_48 = arith.constant 0 : i32
      %dma_start3A_49 = arith.constant 0 : i32
      %dma_start3A_50 = tpu.memref_slice %arg4[%add3A, %run_scoped3A_31, %dma_start3A_48, %dma_start3A_49] : memref<32x42x2x128xi32, #tpu.memory_space<hbm>> -> memref<1x1x2x128xi32, #tpu.memory_space<hbm>>
      %dma_start3A_51 = tpu.memref_squeeze %dma_start3A_50 : memref<1x1x2x128xi32, #tpu.memory_space<hbm>> -> memref<2x128xi32, #tpu.memory_space<hbm>>
      %dma_start3A_52 = arith.constant 0 : i32
      %dma_start3A_53 = arith.constant 0 : i32
      %dma_start3A_54 = tpu.memref_slice %arg7[%run_scoped3A_32, %dma_start3A_52, %dma_start3A_53] : memref<2x2x128xi32, #tpu.memory_space<vmem>> -> memref<1x2x128xi32, #tpu.memory_space<vmem>>
      %dma_start3A_55 = tpu.memref_squeeze %dma_start3A_54 : memref<1x2x128xi32, #tpu.memory_space<vmem>> -> memref<2x128xi32, #tpu.memory_space<vmem>>
      %dma_start3A_56 = arith.constant 0 : i32
      %dma_start3A_57 = arith.constant 0 : i32
      %dma_start3A_58 = tpu.memref_slice %arg4[%add3A, %run_scoped3A_31, %dma_start3A_56, %dma_start3A_57] : memref<32x42x2x128xi32, #tpu.memory_space<hbm>> -> memref<1x1x2x128xi32, #tpu.memory_space<hbm>>
      %dma_start3A_59 = tpu.memref_squeeze %dma_start3A_58 : memref<1x1x2x128xi32, #tpu.memory_space<hbm>> -> memref<2x128xi32, #tpu.memory_space<hbm>>
      tpu.enqueue_dma source(%dma_start3A_59 : memref<2x128xi32, #tpu.memory_space<hbm>>) target(%dma_start3A_55 : memref<2x128xi32, #tpu.memory_space<vmem>>) target_semaphore(%run_scoped3A_44 : memref<!tpu.dma_semaphore, #tpu.memory_space<semaphore_mem>>)
      %dma_wait3A = arith.constant 0 : i32
      %dma_wait3A_60 = arith.constant 0 : i32
      %dma_wait3A_61 = tpu.memref_slice %arg7[%run_scoped3A_32, %dma_wait3A, %dma_wait3A_60] : memref<2x2x128xi32, #tpu.memory_space<vmem>> -> memref<1x2x128xi32, #tpu.memory_space<vmem>>
      %dma_wait3A_62 = tpu.memref_squeeze %dma_wait3A_61 : memref<1x2x128xi32, #tpu.memory_space<vmem>> -> memref<2x128xi32, #tpu.memory_space<vmem>>
      %dma_wait3A_63 = arith.constant 0 : i32
      %dma_wait3A_64 = arith.constant 0 : i32
      %dma_wait3A_65 = tpu.memref_slice %arg4[%add3A, %run_scoped3A_31, %dma_wait3A_63, %dma_wait3A_64] : memref<32x42x2x128xi32, #tpu.memory_space<hbm>> -> memref<1x1x2x128xi32, #tpu.memory_space<hbm>>
      %dma_wait3A_66 = tpu.memref_squeeze %dma_wait3A_65 : memref<1x1x2x128xi32, #tpu.memory_space<hbm>> -> memref<2x128xi32, #tpu.memory_space<hbm>>
      %dma_wait3A_67 = arith.constant 0 : i32
      %dma_wait3A_68 = arith.constant 0 : i32
      %dma_wait3A_69 = tpu.memref_slice %arg7[%run_scoped3A_32, %dma_wait3A_67, %dma_wait3A_68] : memref<2x2x128xi32, #tpu.memory_space<vmem>> -> memref<1x2x128xi32, #tpu.memory_space<vmem>>
      %dma_wait3A_70 = tpu.memref_squeeze %dma_wait3A_69 : memref<1x2x128xi32, #tpu.memory_space<vmem>> -> memref<2x128xi32, #tpu.memory_space<vmem>>
      %dma_wait3A_71 = arith.constant 0 : i32
      %dma_wait3A_72 = arith.constant 0 : i32
      %dma_wait3A_73 = tpu.memref_slice %arg4[%add3A, %run_scoped3A_31, %dma_wait3A_71, %dma_wait3A_72] : memref<32x42x2x128xi32, #tpu.memory_space<hbm>> -> memref<1x1x2x128xi32, #tpu.memory_space<hbm>>
      %dma_wait3A_74 = tpu.memref_squeeze %dma_wait3A_73 : memref<1x1x2x128xi32, #tpu.memory_space<hbm>> -> memref<2x128xi32, #tpu.memory_space<hbm>>
      tpu.wait_dma2 semaphore(%run_scoped3A_44 : memref<!tpu.dma_semaphore, #tpu.memory_space<semaphore_mem>>) src(%dma_wait3A_74 : memref<2x128xi32, #tpu.memory_space<hbm>>) dst(%dma_wait3A_70 : memref<2x128xi32, #tpu.memory_space<vmem>>)
      tpu.yield
    }) : () -> ()
    %barrier3A = arith.constant 0 : index
    tpu.barrier barrier_id(%barrier3A)
    %scan3A_33 = arith.constant 0 : i32
    %scan3A_34 = arith.constant 0 : i32
    %scan3A_35 = arith.constant 20 : i32
    %scan3A_36 = arith.addi %scan3A_34, %scan3A_35 : i32
    %scan3A_37 = arith.constant 1 : i32
    scf.for %scan3A_44 = %scan3A_34 to %scan3A_36 step %scan3A_37  : i32 {
      %mul3A_45 = arith.constant 2 : i32
      %mul3A_46 = arith.muli %mul3A_45, %scan3A_44 : i32
      %dma_start3A = arith.constant 0 : i32
      %dma_start3A_47 = arith.constant 0 : i32
      %dma_start3A_48 = arith.constant 0 : i32
      %dma_start3A_49 = tpu.memref_slice %arg6[%dma_start3A, %dma_start3A_47, %dma_start3A_48] : memref<2x2x128xi32, #tpu.memory_space<vmem>> -> memref<1x1x128xi32, #tpu.memory_space<vmem>>
      %dma_start3A_50 = tpu.memref_squeeze %dma_start3A_49 : memref<1x1x128xi32, #tpu.memory_space<vmem>> -> memref<128xi32, #tpu.memory_space<vmem>>
      %dma_start3A_51 = arith.constant 0 : i32
      %dma_start3A_52 = arith.constant 0 : i32
      %dma_start3A_53 = tpu.memref_slice %arg2[%dma_start3A_51, %dma_start3A_52] : memref<10240x128xf32, #tpu.memory_space<hbm>> -> memref<10240x128xf32, #tpu.memory_space<hbm>>
      tpu.enqueue_indirect_dma source(%dma_start3A_53 : memref<10240x128xf32, #tpu.memory_space<hbm>>) target(%arg8 : memref<128x128xf32, #tpu.memory_space<vmem>>) offsets(%dma_start3A_50 : memref<128xi32, #tpu.memory_space<vmem>>) semaphore(%arg11 : memref<!tpu.dma_semaphore, #tpu.memory_space<semaphore_mem>>)
      %dma_start3A_54 = arith.constant 0 : i32
      %dma_start3A_55 = arith.constant 1 : i32
      %dma_start3A_56 = arith.constant 0 : i32
      %dma_start3A_57 = tpu.memref_slice %arg6[%dma_start3A_54, %dma_start3A_55, %dma_start3A_56] : memref<2x2x128xi32, #tpu.memory_space<vmem>> -> memref<1x1x128xi32, #tpu.memory_space<vmem>>
      %dma_start3A_58 = tpu.memref_squeeze %dma_start3A_57 : memref<1x1x128xi32, #tpu.memory_space<vmem>> -> memref<128xi32, #tpu.memory_space<vmem>>
      %dma_start3A_59 = arith.constant 0 : i32
      %dma_start3A_60 = arith.constant 0 : i32
      %dma_start3A_61 = tpu.memref_slice %arg2[%dma_start3A_59, %dma_start3A_60] : memref<10240x128xf32, #tpu.memory_space<hbm>> -> memref<10240x128xf32, #tpu.memory_space<hbm>>
      tpu.enqueue_indirect_dma source(%dma_start3A_61 : memref<10240x128xf32, #tpu.memory_space<hbm>>) target(%arg9 : memref<128x128xf32, #tpu.memory_space<vmem>>) offsets(%dma_start3A_58 : memref<128xi32, #tpu.memory_space<vmem>>) semaphore(%arg12 : memref<!tpu.dma_semaphore, #tpu.memory_space<semaphore_mem>>)
      %dma_wait3A = arith.constant 0 : i32
      %dma_wait3A_62 = arith.constant 0 : i32
      %dma_wait3A_63 = arith.constant 0 : i32
      %dma_wait3A_64 = tpu.memref_slice %arg6[%dma_wait3A, %dma_wait3A_62, %dma_wait3A_63] : memref<2x2x128xi32, #tpu.memory_space<vmem>> -> memref<1x1x128xi32, #tpu.memory_space<vmem>>
      %dma_wait3A_65 = tpu.memref_squeeze %dma_wait3A_64 : memref<1x1x128xi32, #tpu.memory_space<vmem>> -> memref<128xi32, #tpu.memory_space<vmem>>
      %dma_wait3A_66 = arith.constant 0 : i32
      %dma_wait3A_67 = arith.constant 0 : i32
      %dma_wait3A_68 = tpu.memref_slice %arg2[%dma_wait3A_66, %dma_wait3A_67] : memref<10240x128xf32, #tpu.memory_space<hbm>> -> memref<10240x128xf32, #tpu.memory_space<hbm>>
      tpu.wait_indirect_dma semaphore(%arg11 : memref<!tpu.dma_semaphore, #tpu.memory_space<semaphore_mem>>) src(%dma_wait3A_68 : memref<10240x128xf32, #tpu.memory_space<hbm>>) dst(%arg8 : memref<128x128xf32, #tpu.memory_space<vmem>>)
      %run_scoped3A_69 = arith.constant 0 : i32
      %run_scoped3A_70 = arith.constant 0 : i32
      "tpu.region"() ({
        %run_scoped3A_261 = tpu.sem_alloc : memref<!tpu.dma_semaphore, #tpu.memory_space<semaphore_mem>>
        %dma_start3A_262 = arith.constant 0 : i32
        %dma_start3A_263 = tpu.memref_slice %arg7[%run_scoped3A_69, %run_scoped3A_70, %dma_start3A_262] : memref<2x2x128xi32, #tpu.memory_space<vmem>> -> memref<1x1x128xi32, #tpu.memory_space<vmem>>
        %dma_start3A_264 = tpu.memref_squeeze %dma_start3A_263 : memref<1x1x128xi32, #tpu.memory_space<vmem>> -> memref<128xi32, #tpu.memory_space<vmem>>
        %dma_start3A_265 = arith.constant 0 : i32
        %dma_start3A_266 = arith.constant 0 : i32
        %dma_start3A_267 = tpu.memref_slice %arg10[%dma_start3A_265, %dma_start3A_266] : memref<10240x128xf32, #tpu.memory_space<vmem_shared>> -> memref<10240x128xf32, #tpu.memory_space<vmem_shared>>
        tpu.enqueue_indirect_dma source(%arg8 : memref<128x128xf32, #tpu.memory_space<vmem>>) target(%dma_start3A_267 : memref<10240x128xf32, #tpu.memory_space<vmem_shared>>) offsets(%dma_start3A_264 : memref<128xi32, #tpu.memory_space<vmem>>) semaphore(%run_scoped3A_261 : memref<!tpu.dma_semaphore, #tpu.memory_space<semaphore_mem>>) {add = true}
        %dma_wait3A_268 = arith.constant 0 : i32
        %dma_wait3A_269 = tpu.memref_slice %arg7[%run_scoped3A_69, %run_scoped3A_70, %dma_wait3A_268] : memref<2x2x128xi32, #tpu.memory_space<vmem>> -> memref<1x1x128xi32, #tpu.memory_space<vmem>>
        %dma_wait3A_270 = tpu.memref_squeeze %dma_wait3A_269 : memref<1x1x128xi32, #tpu.memory_space<vmem>> -> memref<128xi32, #tpu.memory_space<vmem>>
        %dma_wait3A_271 = arith.constant 0 : i32
        %dma_wait3A_272 = arith.constant 0 : i32
        %dma_wait3A_273 = tpu.memref_slice %arg10[%dma_wait3A_271, %dma_wait3A_272] : memref<10240x128xf32, #tpu.memory_space<vmem_shared>> -> memref<10240x128xf32, #tpu.memory_space<vmem_shared>>
        tpu.wait_indirect_dma semaphore(%run_scoped3A_261 : memref<!tpu.dma_semaphore, #tpu.memory_space<semaphore_mem>>) src(%arg8 : memref<128x128xf32, #tpu.memory_space<vmem>>) dst(%dma_wait3A_273 : memref<10240x128xf32, #tpu.memory_space<vmem_shared>>)
        tpu.yield
      }) : () -> ()
      %dma_start3A_71 = arith.constant 1 : i32
      %dma_start3A_72 = arith.constant 0 : i32
      %dma_start3A_73 = arith.constant 0 : i32
      %dma_start3A_74 = tpu.memref_slice %arg6[%dma_start3A_71, %dma_start3A_72, %dma_start3A_73] : memref<2x2x128xi32, #tpu.memory_space<vmem>> -> memref<1x1x128xi32, #tpu.memory_space<vmem>>
      %dma_start3A_75 = tpu.memref_squeeze %dma_start3A_74 : memref<1x1x128xi32, #tpu.memory_space<vmem>> -> memref<128xi32, #tpu.memory_space<vmem>>
      %dma_start3A_76 = arith.constant 0 : i32
      %dma_start3A_77 = arith.constant 0 : i32
      %dma_start3A_78 = tpu.memref_slice %arg2[%dma_start3A_76, %dma_start3A_77] : memref<10240x128xf32, #tpu.memory_space<hbm>> -> memref<10240x128xf32, #tpu.memory_space<hbm>>
      tpu.enqueue_indirect_dma source(%dma_start3A_78 : memref<10240x128xf32, #tpu.memory_space<hbm>>) target(%arg8 : memref<128x128xf32, #tpu.memory_space<vmem>>) offsets(%dma_start3A_75 : memref<128xi32, #tpu.memory_space<vmem>>) semaphore(%arg11 : memref<!tpu.dma_semaphore, #tpu.memory_space<semaphore_mem>>)
      %dma_wait3A_79 = arith.constant 0 : i32
      %dma_wait3A_80 = arith.constant 1 : i32
      %dma_wait3A_81 = arith.constant 0 : i32
      %dma_wait3A_82 = tpu.memref_slice %arg6[%dma_wait3A_79, %dma_wait3A_80, %dma_wait3A_81] : memref<2x2x128xi32, #tpu.memory_space<vmem>> -> memref<1x1x128xi32, #tpu.memory_space<vmem>>
      %dma_wait3A_83 = tpu.memref_squeeze %dma_wait3A_82 : memref<1x1x128xi32, #tpu.memory_space<vmem>> -> memref<128xi32, #tpu.memory_space<vmem>>
      %dma_wait3A_84 = arith.constant 0 : i32
      %dma_wait3A_85 = arith.constant 0 : i32
      %dma_wait3A_86 = tpu.memref_slice %arg2[%dma_wait3A_84, %dma_wait3A_85] : memref<10240x128xf32, #tpu.memory_space<hbm>> -> memref<10240x128xf32, #tpu.memory_space<hbm>>
      tpu.wait_indirect_dma semaphore(%arg12 : memref<!tpu.dma_semaphore, #tpu.memory_space<semaphore_mem>>) src(%dma_wait3A_86 : memref<10240x128xf32, #tpu.memory_space<hbm>>) dst(%arg9 : memref<128x128xf32, #tpu.memory_space<vmem>>)
      %run_scoped3A_87 = arith.constant 0 : i32
      %run_scoped3A_88 = arith.constant 1 : i32
      "tpu.region"() ({
        %run_scoped3A_261 = tpu.sem_alloc : memref<!tpu.dma_semaphore, #tpu.memory_space<semaphore_mem>>
        %dma_start3A_262 = arith.constant 0 : i32
        %dma_start3A_263 = tpu.memref_slice %arg7[%run_scoped3A_87, %run_scoped3A_88, %dma_start3A_262] : memref<2x2x128xi32, #tpu.memory_space<vmem>> -> memref<1x1x128xi32, #tpu.memory_space<vmem>>
        %dma_start3A_264 = tpu.memref_squeeze %dma_start3A_263 : memref<1x1x128xi32, #tpu.memory_space<vmem>> -> memref<128xi32, #tpu.memory_space<vmem>>
        %dma_start3A_265 = arith.constant 0 : i32
        %dma_start3A_266 = arith.constant 0 : i32
        %dma_start3A_267 = tpu.memref_slice %arg10[%dma_start3A_265, %dma_start3A_266] : memref<10240x128xf32, #tpu.memory_space<vmem_shared>> -> memref<10240x128xf32, #tpu.memory_space<vmem_shared>>
        tpu.enqueue_indirect_dma source(%arg9 : memref<128x128xf32, #tpu.memory_space<vmem>>) target(%dma_start3A_267 : memref<10240x128xf32, #tpu.memory_space<vmem_shared>>) offsets(%dma_start3A_264 : memref<128xi32, #tpu.memory_space<vmem>>) semaphore(%run_scoped3A_261 : memref<!tpu.dma_semaphore, #tpu.memory_space<semaphore_mem>>) {add = true}
        %dma_wait3A_268 = arith.constant 0 : i32
        %dma_wait3A_269 = tpu.memref_slice %arg7[%run_scoped3A_87, %run_scoped3A_88, %dma_wait3A_268] : memref<2x2x128xi32, #tpu.memory_space<vmem>> -> memref<1x1x128xi32, #tpu.memory_space<vmem>>
        %dma_wait3A_270 = tpu.memref_squeeze %dma_wait3A_269 : memref<1x1x128xi32, #tpu.memory_space<vmem>> -> memref<128xi32, #tpu.memory_space<vmem>>
        %dma_wait3A_271 = arith.constant 0 : i32
        %dma_wait3A_272 = arith.constant 0 : i32
        %dma_wait3A_273 = tpu.memref_slice %arg10[%dma_wait3A_271, %dma_wait3A_272] : memref<10240x128xf32, #tpu.memory_space<vmem_shared>> -> memref<10240x128xf32, #tpu.memory_space<vmem_shared>>
        tpu.wait_indirect_dma semaphore(%run_scoped3A_261 : memref<!tpu.dma_semaphore, #tpu.memory_space<semaphore_mem>>) src(%arg9 : memref<128x128xf32, #tpu.memory_space<vmem>>) dst(%dma_wait3A_273 : memref<10240x128xf32, #tpu.memory_space<vmem_shared>>)
        tpu.yield
      }) : () -> ()
      %dma_start3A_89 = arith.constant 1 : i32
      %dma_start3A_90 = arith.constant 1 : i32
      %dma_start3A_91 = arith.constant 0 : i32
      %dma_start3A_92 = tpu.memref_slice %arg6[%dma_start3A_89, %dma_start3A_90, %dma_start3A_91] : memref<2x2x128xi32, #tpu.memory_space<vmem>> -> memref<1x1x128xi32, #tpu.memory_space<vmem>>
      %dma_start3A_93 = tpu.memref_squeeze %dma_start3A_92 : memref<1x1x128xi32, #tpu.memory_space<vmem>> -> memref<128xi32, #tpu.memory_space<vmem>>
      %dma_start3A_94 = arith.constant 0 : i32
      %dma_start3A_95 = arith.constant 0 : i32
      %dma_start3A_96 = tpu.memref_slice %arg2[%dma_start3A_94, %dma_start3A_95] : memref<10240x128xf32, #tpu.memory_space<hbm>> -> memref<10240x128xf32, #tpu.memory_space<hbm>>
      tpu.enqueue_indirect_dma source(%dma_start3A_96 : memref<10240x128xf32, #tpu.memory_space<hbm>>) target(%arg9 : memref<128x128xf32, #tpu.memory_space<vmem>>) offsets(%dma_start3A_93 : memref<128xi32, #tpu.memory_space<vmem>>) semaphore(%arg12 : memref<!tpu.dma_semaphore, #tpu.memory_space<semaphore_mem>>)
      %add3A_97 = arith.constant 2 : i32
      %add3A_98 = arith.addi %mul3A_46, %add3A_97 : i32
      %dma_start3A_99 = arith.constant 0 : i32
      %dma_start3A_100 = arith.constant 0 : i32
      %dma_start3A_101 = arith.constant 0 : i32
      %dma_start3A_102 = tpu.memref_slice %arg6[%dma_start3A_99, %dma_start3A_100, %dma_start3A_101] : memref<2x2x128xi32, #tpu.memory_space<vmem>> -> memref<1x2x128xi32, #tpu.memory_space<vmem>>
      %dma_start3A_103 = tpu.memref_squeeze %dma_start3A_102 : memref<1x2x128xi32, #tpu.memory_space<vmem>> -> memref<2x128xi32, #tpu.memory_space<vmem>>
      %dma_start3A_104 = arith.constant 0 : i32
      %dma_start3A_105 = arith.constant 0 : i32
      %dma_start3A_106 = tpu.memref_slice %arg3[%add3A, %add3A_98, %dma_start3A_104, %dma_start3A_105] : memref<32x42x2x128xi32, #tpu.memory_space<hbm>> -> memref<1x1x2x128xi32, #tpu.memory_space<hbm>>
      %dma_start3A_107 = tpu.memref_squeeze %dma_start3A_106 : memref<1x1x2x128xi32, #tpu.memory_space<hbm>> -> memref<2x128xi32, #tpu.memory_space<hbm>>
      %dma_start3A_108 = arith.constant 0 : i32
      %dma_start3A_109 = arith.constant 0 : i32
      %dma_start3A_110 = tpu.memref_slice %arg6[%dma_start3A_99, %dma_start3A_108, %dma_start3A_109] : memref<2x2x128xi32, #tpu.memory_space<vmem>> -> memref<1x2x128xi32, #tpu.memory_space<vmem>>
      %dma_start3A_111 = tpu.memref_squeeze %dma_start3A_110 : memref<1x2x128xi32, #tpu.memory_space<vmem>> -> memref<2x128xi32, #tpu.memory_space<vmem>>
      %dma_start3A_112 = arith.constant 0 : i32
      %dma_start3A_113 = arith.constant 0 : i32
      %dma_start3A_114 = tpu.memref_slice %arg3[%add3A, %add3A_98, %dma_start3A_112, %dma_start3A_113] : memref<32x42x2x128xi32, #tpu.memory_space<hbm>> -> memref<1x1x2x128xi32, #tpu.memory_space<hbm>>
      %dma_start3A_115 = tpu.memref_squeeze %dma_start3A_114 : memref<1x1x2x128xi32, #tpu.memory_space<hbm>> -> memref<2x128xi32, #tpu.memory_space<hbm>>
      tpu.enqueue_dma source(%dma_start3A_115 : memref<2x128xi32, #tpu.memory_space<hbm>>) target(%dma_start3A_111 : memref<2x128xi32, #tpu.memory_space<vmem>>) target_semaphore(%arg15 : memref<!tpu.dma_semaphore, #tpu.memory_space<semaphore_mem>>)
      %dma_start3A_116 = arith.constant 0 : i32
      %dma_start3A_117 = arith.constant 0 : i32
      %dma_start3A_118 = arith.constant 0 : i32
      %dma_start3A_119 = tpu.memref_slice %arg7[%dma_start3A_116, %dma_start3A_117, %dma_start3A_118] : memref<2x2x128xi32, #tpu.memory_space<vmem>> -> memref<1x2x128xi32, #tpu.memory_space<vmem>>
      %dma_start3A_120 = tpu.memref_squeeze %dma_start3A_119 : memref<1x2x128xi32, #tpu.memory_space<vmem>> -> memref<2x128xi32, #tpu.memory_space<vmem>>
      %dma_start3A_121 = arith.constant 0 : i32
      %dma_start3A_122 = arith.constant 0 : i32
      %dma_start3A_123 = tpu.memref_slice %arg4[%add3A, %add3A_98, %dma_start3A_121, %dma_start3A_122] : memref<32x42x2x128xi32, #tpu.memory_space<hbm>> -> memref<1x1x2x128xi32, #tpu.memory_space<hbm>>
      %dma_start3A_124 = tpu.memref_squeeze %dma_start3A_123 : memref<1x1x2x128xi32, #tpu.memory_space<hbm>> -> memref<2x128xi32, #tpu.memory_space<hbm>>
      %dma_start3A_125 = arith.constant 0 : i32
      %dma_start3A_126 = arith.constant 0 : i32
      %dma_start3A_127 = tpu.memref_slice %arg7[%dma_start3A_116, %dma_start3A_125, %dma_start3A_126] : memref<2x2x128xi32, #tpu.memory_space<vmem>> -> memref<1x2x128xi32, #tpu.memory_space<vmem>>
      %dma_start3A_128 = tpu.memref_squeeze %dma_start3A_127 : memref<1x2x128xi32, #tpu.memory_space<vmem>> -> memref<2x128xi32, #tpu.memory_space<vmem>>
      %dma_start3A_129 = arith.constant 0 : i32
      %dma_start3A_130 = arith.constant 0 : i32
      %dma_start3A_131 = tpu.memref_slice %arg4[%add3A, %add3A_98, %dma_start3A_129, %dma_start3A_130] : memref<32x42x2x128xi32, #tpu.memory_space<hbm>> -> memref<1x1x2x128xi32, #tpu.memory_space<hbm>>
      %dma_start3A_132 = tpu.memref_squeeze %dma_start3A_131 : memref<1x1x2x128xi32, #tpu.memory_space<hbm>> -> memref<2x128xi32, #tpu.memory_space<hbm>>
      tpu.enqueue_dma source(%dma_start3A_132 : memref<2x128xi32, #tpu.memory_space<hbm>>) target(%dma_start3A_128 : memref<2x128xi32, #tpu.memory_space<vmem>>) target_semaphore(%arg15 : memref<!tpu.dma_semaphore, #tpu.memory_space<semaphore_mem>>)
      %dma_wait3A_133 = arith.constant 1 : i32
      %dma_wait3A_134 = arith.constant 0 : i32
      %dma_wait3A_135 = arith.constant 0 : i32
      %dma_wait3A_136 = tpu.memref_slice %arg6[%dma_wait3A_133, %dma_wait3A_134, %dma_wait3A_135] : memref<2x2x128xi32, #tpu.memory_space<vmem>> -> memref<1x1x128xi32, #tpu.memory_space<vmem>>
      %dma_wait3A_137 = tpu.memref_squeeze %dma_wait3A_136 : memref<1x1x128xi32, #tpu.memory_space<vmem>> -> memref<128xi32, #tpu.memory_space<vmem>>
      %dma_wait3A_138 = arith.constant 0 : i32
      %dma_wait3A_139 = arith.constant 0 : i32
      %dma_wait3A_140 = tpu.memref_slice %arg2[%dma_wait3A_138, %dma_wait3A_139] : memref<10240x128xf32, #tpu.memory_space<hbm>> -> memref<10240x128xf32, #tpu.memory_space<hbm>>
      tpu.wait_indirect_dma semaphore(%arg11 : memref<!tpu.dma_semaphore, #tpu.memory_space<semaphore_mem>>) src(%dma_wait3A_140 : memref<10240x128xf32, #tpu.memory_space<hbm>>) dst(%arg8 : memref<128x128xf32, #tpu.memory_space<vmem>>)
      %run_scoped3A_141 = arith.constant 1 : i32
      %run_scoped3A_142 = arith.constant 0 : i32
      "tpu.region"() ({
        %run_scoped3A_261 = tpu.sem_alloc : memref<!tpu.dma_semaphore, #tpu.memory_space<semaphore_mem>>
        %dma_start3A_262 = arith.constant 0 : i32
        %dma_start3A_263 = tpu.memref_slice %arg7[%run_scoped3A_141, %run_scoped3A_142, %dma_start3A_262] : memref<2x2x128xi32, #tpu.memory_space<vmem>> -> memref<1x1x128xi32, #tpu.memory_space<vmem>>
        %dma_start3A_264 = tpu.memref_squeeze %dma_start3A_263 : memref<1x1x128xi32, #tpu.memory_space<vmem>> -> memref<128xi32, #tpu.memory_space<vmem>>
        %dma_start3A_265 = arith.constant 0 : i32
        %dma_start3A_266 = arith.constant 0 : i32
        %dma_start3A_267 = tpu.memref_slice %arg10[%dma_start3A_265, %dma_start3A_266] : memref<10240x128xf32, #tpu.memory_space<vmem_shared>> -> memref<10240x128xf32, #tpu.memory_space<vmem_shared>>
        tpu.enqueue_indirect_dma source(%arg8 : memref<128x128xf32, #tpu.memory_space<vmem>>) target(%dma_start3A_267 : memref<10240x128xf32, #tpu.memory_space<vmem_shared>>) offsets(%dma_start3A_264 : memref<128xi32, #tpu.memory_space<vmem>>) semaphore(%run_scoped3A_261 : memref<!tpu.dma_semaphore, #tpu.memory_space<semaphore_mem>>) {add = true}
        %dma_wait3A_268 = arith.constant 0 : i32
        %dma_wait3A_269 = tpu.memref_slice %arg7[%run_scoped3A_141, %run_scoped3A_142, %dma_wait3A_268] : memref<2x2x128xi32, #tpu.memory_space<vmem>> -> memref<1x1x128xi32, #tpu.memory_space<vmem>>
        %dma_wait3A_270 = tpu.memref_squeeze %dma_wait3A_269 : memref<1x1x128xi32, #tpu.memory_space<vmem>> -> memref<128xi32, #tpu.memory_space<vmem>>
        %dma_wait3A_271 = arith.constant 0 : i32
        %dma_wait3A_272 = arith.constant 0 : i32
        %dma_wait3A_273 = tpu.memref_slice %arg10[%dma_wait3A_271, %dma_wait3A_272] : memref<10240x128xf32, #tpu.memory_space<vmem_shared>> -> memref<10240x128xf32, #tpu.memory_space<vmem_shared>>
        tpu.wait_indirect_dma semaphore(%run_scoped3A_261 : memref<!tpu.dma_semaphore, #tpu.memory_space<semaphore_mem>>) src(%arg8 : memref<128x128xf32, #tpu.memory_space<vmem>>) dst(%dma_wait3A_273 : memref<10240x128xf32, #tpu.memory_space<vmem_shared>>)
        tpu.yield
      }) : () -> ()
      %dma_wait3A_143 = arith.constant 1 : i32
      %dma_wait3A_144 = arith.constant 1 : i32
      %dma_wait3A_145 = arith.constant 0 : i32
      %dma_wait3A_146 = tpu.memref_slice %arg6[%dma_wait3A_143, %dma_wait3A_144, %dma_wait3A_145] : memref<2x2x128xi32, #tpu.memory_space<vmem>> -> memref<1x1x128xi32, #tpu.memory_space<vmem>>
      %dma_wait3A_147 = tpu.memref_squeeze %dma_wait3A_146 : memref<1x1x128xi32, #tpu.memory_space<vmem>> -> memref<128xi32, #tpu.memory_space<vmem>>
      %dma_wait3A_148 = arith.constant 0 : i32
      %dma_wait3A_149 = arith.constant 0 : i32
      %dma_wait3A_150 = tpu.memref_slice %arg2[%dma_wait3A_148, %dma_wait3A_149] : memref<10240x128xf32, #tpu.memory_space<hbm>> -> memref<10240x128xf32, #tpu.memory_space<hbm>>
      tpu.wait_indirect_dma semaphore(%arg12 : memref<!tpu.dma_semaphore, #tpu.memory_space<semaphore_mem>>) src(%dma_wait3A_150 : memref<10240x128xf32, #tpu.memory_space<hbm>>) dst(%arg9 : memref<128x128xf32, #tpu.memory_space<vmem>>)
      %run_scoped3A_151 = arith.constant 1 : i32
      %run_scoped3A_152 = arith.constant 1 : i32
      "tpu.region"() ({
        %run_scoped3A_261 = tpu.sem_alloc : memref<!tpu.dma_semaphore, #tpu.memory_space<semaphore_mem>>
        %dma_start3A_262 = arith.constant 0 : i32
        %dma_start3A_263 = tpu.memref_slice %arg7[%run_scoped3A_151, %run_scoped3A_152, %dma_start3A_262] : memref<2x2x128xi32, #tpu.memory_space<vmem>> -> memref<1x1x128xi32, #tpu.memory_space<vmem>>
        %dma_start3A_264 = tpu.memref_squeeze %dma_start3A_263 : memref<1x1x128xi32, #tpu.memory_space<vmem>> -> memref<128xi32, #tpu.memory_space<vmem>>
        %dma_start3A_265 = arith.constant 0 : i32
        %dma_start3A_266 = arith.constant 0 : i32
        %dma_start3A_267 = tpu.memref_slice %arg10[%dma_start3A_265, %dma_start3A_266] : memref<10240x128xf32, #tpu.memory_space<vmem_shared>> -> memref<10240x128xf32, #tpu.memory_space<vmem_shared>>
        tpu.enqueue_indirect_dma source(%arg9 : memref<128x128xf32, #tpu.memory_space<vmem>>) target(%dma_start3A_267 : memref<10240x128xf32, #tpu.memory_space<vmem_shared>>) offsets(%dma_start3A_264 : memref<128xi32, #tpu.memory_space<vmem>>) semaphore(%run_scoped3A_261 : memref<!tpu.dma_semaphore, #tpu.memory_space<semaphore_mem>>) {add = true}
        %dma_wait3A_268 = arith.constant 0 : i32
        %dma_wait3A_269 = tpu.memref_slice %arg7[%run_scoped3A_151, %run_scoped3A_152, %dma_wait3A_268] : memref<2x2x128xi32, #tpu.memory_space<vmem>> -> memref<1x1x128xi32, #tpu.memory_space<vmem>>
        %dma_wait3A_270 = tpu.memref_squeeze %dma_wait3A_269 : memref<1x1x128xi32, #tpu.memory_space<vmem>> -> memref<128xi32, #tpu.memory_space<vmem>>
        %dma_wait3A_271 = arith.constant 0 : i32
        %dma_wait3A_272 = arith.constant 0 : i32
        %dma_wait3A_273 = tpu.memref_slice %arg10[%dma_wait3A_271, %dma_wait3A_272] : memref<10240x128xf32, #tpu.memory_space<vmem_shared>> -> memref<10240x128xf32, #tpu.memory_space<vmem_shared>>
        tpu.wait_indirect_dma semaphore(%run_scoped3A_261 : memref<!tpu.dma_semaphore, #tpu.memory_space<semaphore_mem>>) src(%arg9 : memref<128x128xf32, #tpu.memory_space<vmem>>) dst(%dma_wait3A_273 : memref<10240x128xf32, #tpu.memory_space<vmem_shared>>)
        tpu.yield
      }) : () -> ()
      %add3A_153 = arith.constant 3 : i32
      %add3A_154 = arith.addi %mul3A_46, %add3A_153 : i32
      %dma_start3A_155 = arith.constant 1 : i32
      %dma_start3A_156 = arith.constant 0 : i32
      %dma_start3A_157 = arith.constant 0 : i32
      %dma_start3A_158 = tpu.memref_slice %arg6[%dma_start3A_155, %dma_start3A_156, %dma_start3A_157] : memref<2x2x128xi32, #tpu.memory_space<vmem>> -> memref<1x2x128xi32, #tpu.memory_space<vmem>>
      %dma_start3A_159 = tpu.memref_squeeze %dma_start3A_158 : memref<1x2x128xi32, #tpu.memory_space<vmem>> -> memref<2x128xi32, #tpu.memory_space<vmem>>
      %dma_start3A_160 = arith.constant 0 : i32
      %dma_start3A_161 = arith.constant 0 : i32
      %dma_start3A_162 = tpu.memref_slice %arg3[%add3A, %add3A_154, %dma_start3A_160, %dma_start3A_161] : memref<32x42x2x128xi32, #tpu.memory_space<hbm>> -> memref<1x1x2x128xi32, #tpu.memory_space<hbm>>
      %dma_start3A_163 = tpu.memref_squeeze %dma_start3A_162 : memref<1x1x2x128xi32, #tpu.memory_space<hbm>> -> memref<2x128xi32, #tpu.memory_space<hbm>>
      %dma_start3A_164 = arith.constant 0 : i32
      %dma_start3A_165 = arith.constant 0 : i32
      %dma_start3A_166 = tpu.memref_slice %arg6[%dma_start3A_155, %dma_start3A_164, %dma_start3A_165] : memref<2x2x128xi32, #tpu.memory_space<vmem>> -> memref<1x2x128xi32, #tpu.memory_space<vmem>>
      %dma_start3A_167 = tpu.memref_squeeze %dma_start3A_166 : memref<1x2x128xi32, #tpu.memory_space<vmem>> -> memref<2x128xi32, #tpu.memory_space<vmem>>
      %dma_start3A_168 = arith.constant 0 : i32
      %dma_start3A_169 = arith.constant 0 : i32
      %dma_start3A_170 = tpu.memref_slice %arg3[%add3A, %add3A_154, %dma_start3A_168, %dma_start3A_169] : memref<32x42x2x128xi32, #tpu.memory_space<hbm>> -> memref<1x1x2x128xi32, #tpu.memory_space<hbm>>
      %dma_start3A_171 = tpu.memref_squeeze %dma_start3A_170 : memref<1x1x2x128xi32, #tpu.memory_space<hbm>> -> memref<2x128xi32, #tpu.memory_space<hbm>>
      tpu.enqueue_dma source(%dma_start3A_171 : memref<2x128xi32, #tpu.memory_space<hbm>>) target(%dma_start3A_167 : memref<2x128xi32, #tpu.memory_space<vmem>>) target_semaphore(%arg16 : memref<!tpu.dma_semaphore, #tpu.memory_space<semaphore_mem>>)
      %dma_start3A_172 = arith.constant 1 : i32
      %dma_start3A_173 = arith.constant 0 : i32
      %dma_start3A_174 = arith.constant 0 : i32
      %dma_start3A_175 = tpu.memref_slice %arg7[%dma_start3A_172, %dma_start3A_173, %dma_start3A_174] : memref<2x2x128xi32, #tpu.memory_space<vmem>> -> memref<1x2x128xi32, #tpu.memory_space<vmem>>
      %dma_start3A_176 = tpu.memref_squeeze %dma_start3A_175 : memref<1x2x128xi32, #tpu.memory_space<vmem>> -> memref<2x128xi32, #tpu.memory_space<vmem>>
      %dma_start3A_177 = arith.constant 0 : i32
      %dma_start3A_178 = arith.constant 0 : i32
      %dma_start3A_179 = tpu.memref_slice %arg4[%add3A, %add3A_154, %dma_start3A_177, %dma_start3A_178] : memref<32x42x2x128xi32, #tpu.memory_space<hbm>> -> memref<1x1x2x128xi32, #tpu.memory_space<hbm>>
      %dma_start3A_180 = tpu.memref_squeeze %dma_start3A_179 : memref<1x1x2x128xi32, #tpu.memory_space<hbm>> -> memref<2x128xi32, #tpu.memory_space<hbm>>
      %dma_start3A_181 = arith.constant 0 : i32
      %dma_start3A_182 = arith.constant 0 : i32
      %dma_start3A_183 = tpu.memref_slice %arg7[%dma_start3A_172, %dma_start3A_181, %dma_start3A_182] : memref<2x2x128xi32, #tpu.memory_space<vmem>> -> memref<1x2x128xi32, #tpu.memory_space<vmem>>
      %dma_start3A_184 = tpu.memref_squeeze %dma_start3A_183 : memref<1x2x128xi32, #tpu.memory_space<vmem>> -> memref<2x128xi32, #tpu.memory_space<vmem>>
      %dma_start3A_185 = arith.constant 0 : i32
      %dma_start3A_186 = arith.constant 0 : i32
      %dma_start3A_187 = tpu.memref_slice %arg4[%add3A, %add3A_154, %dma_start3A_185, %dma_start3A_186] : memref<32x42x2x128xi32, #tpu.memory_space<hbm>> -> memref<1x1x2x128xi32, #tpu.memory_space<hbm>>
      %dma_start3A_188 = tpu.memref_squeeze %dma_start3A_187 : memref<1x1x2x128xi32, #tpu.memory_space<hbm>> -> memref<2x128xi32, #tpu.memory_space<hbm>>
      tpu.enqueue_dma source(%dma_start3A_188 : memref<2x128xi32, #tpu.memory_space<hbm>>) target(%dma_start3A_184 : memref<2x128xi32, #tpu.memory_space<vmem>>) target_semaphore(%arg16 : memref<!tpu.dma_semaphore, #tpu.memory_space<semaphore_mem>>)
      %add3A_189 = arith.constant 2 : i32
      %add3A_190 = arith.addi %mul3A_46, %add3A_189 : i32
      %dma_wait3A_191 = arith.constant 0 : i32
      %dma_wait3A_192 = arith.constant 0 : i32
      %dma_wait3A_193 = arith.constant 0 : i32
      %dma_wait3A_194 = tpu.memref_slice %arg6[%dma_wait3A_191, %dma_wait3A_192, %dma_wait3A_193] : memref<2x2x128xi32, #tpu.memory_space<vmem>> -> memref<1x2x128xi32, #tpu.memory_space<vmem>>
      %dma_wait3A_195 = tpu.memref_squeeze %dma_wait3A_194 : memref<1x2x128xi32, #tpu.memory_space<vmem>> -> memref<2x128xi32, #tpu.memory_space<vmem>>
      %dma_wait3A_196 = arith.constant 0 : i32
      %dma_wait3A_197 = arith.constant 0 : i32
      %dma_wait3A_198 = tpu.memref_slice %arg3[%add3A, %add3A_190, %dma_wait3A_196, %dma_wait3A_197] : memref<32x42x2x128xi32, #tpu.memory_space<hbm>> -> memref<1x1x2x128xi32, #tpu.memory_space<hbm>>
      %dma_wait3A_199 = tpu.memref_squeeze %dma_wait3A_198 : memref<1x1x2x128xi32, #tpu.memory_space<hbm>> -> memref<2x128xi32, #tpu.memory_space<hbm>>
      %dma_wait3A_200 = arith.constant 0 : i32
      %dma_wait3A_201 = arith.constant 0 : i32
      %dma_wait3A_202 = tpu.memref_slice %arg6[%dma_wait3A_191, %dma_wait3A_200, %dma_wait3A_201] : memref<2x2x128xi32, #tpu.memory_space<vmem>> -> memref<1x2x128xi32, #tpu.memory_space<vmem>>
      %dma_wait3A_203 = tpu.memref_squeeze %dma_wait3A_202 : memref<1x2x128xi32, #tpu.memory_space<vmem>> -> memref<2x128xi32, #tpu.memory_space<vmem>>
      %dma_wait3A_204 = arith.constant 0 : i32
      %dma_wait3A_205 = arith.constant 0 : i32
      %dma_wait3A_206 = tpu.memref_slice %arg3[%add3A, %add3A_190, %dma_wait3A_204, %dma_wait3A_205] : memref<32x42x2x128xi32, #tpu.memory_space<hbm>> -> memref<1x1x2x128xi32, #tpu.memory_space<hbm>>
      %dma_wait3A_207 = tpu.memref_squeeze %dma_wait3A_206 : memref<1x1x2x128xi32, #tpu.memory_space<hbm>> -> memref<2x128xi32, #tpu.memory_space<hbm>>
      tpu.wait_dma2 semaphore(%arg15 : memref<!tpu.dma_semaphore, #tpu.memory_space<semaphore_mem>>) src(%dma_wait3A_207 : memref<2x128xi32, #tpu.memory_space<hbm>>) dst(%dma_wait3A_203 : memref<2x128xi32, #tpu.memory_space<vmem>>)
      %dma_wait3A_208 = arith.constant 0 : i32
      %dma_wait3A_209 = arith.constant 0 : i32
      %dma_wait3A_210 = arith.constant 0 : i32
      %dma_wait3A_211 = tpu.memref_slice %arg7[%dma_wait3A_208, %dma_wait3A_209, %dma_wait3A_210] : memref<2x2x128xi32, #tpu.memory_space<vmem>> -> memref<1x2x128xi32, #tpu.memory_space<vmem>>
      %dma_wait3A_212 = tpu.memref_squeeze %dma_wait3A_211 : memref<1x2x128xi32, #tpu.memory_space<vmem>> -> memref<2x128xi32, #tpu.memory_space<vmem>>
      %dma_wait3A_213 = arith.constant 0 : i32
      %dma_wait3A_214 = arith.constant 0 : i32
      %dma_wait3A_215 = tpu.memref_slice %arg4[%add3A, %add3A_190, %dma_wait3A_213, %dma_wait3A_214] : memref<32x42x2x128xi32, #tpu.memory_space<hbm>> -> memref<1x1x2x128xi32, #tpu.memory_space<hbm>>
      %dma_wait3A_216 = tpu.memref_squeeze %dma_wait3A_215 : memref<1x1x2x128xi32, #tpu.memory_space<hbm>> -> memref<2x128xi32, #tpu.memory_space<hbm>>
      %dma_wait3A_217 = arith.constant 0 : i32
      %dma_wait3A_218 = arith.constant 0 : i32
      %dma_wait3A_219 = tpu.memref_slice %arg7[%dma_wait3A_208, %dma_wait3A_217, %dma_wait3A_218] : memref<2x2x128xi32, #tpu.memory_space<vmem>> -> memref<1x2x128xi32, #tpu.memory_space<vmem>>
      %dma_wait3A_220 = tpu.memref_squeeze %dma_wait3A_219 : memref<1x2x128xi32, #tpu.memory_space<vmem>> -> memref<2x128xi32, #tpu.memory_space<vmem>>
      %dma_wait3A_221 = arith.constant 0 : i32
      %dma_wait3A_222 = arith.constant 0 : i32
      %dma_wait3A_223 = tpu.memref_slice %arg4[%add3A, %add3A_190, %dma_wait3A_221, %dma_wait3A_222] : memref<32x42x2x128xi32, #tpu.memory_space<hbm>> -> memref<1x1x2x128xi32, #tpu.memory_space<hbm>>
      %dma_wait3A_224 = tpu.memref_squeeze %dma_wait3A_223 : memref<1x1x2x128xi32, #tpu.memory_space<hbm>> -> memref<2x128xi32, #tpu.memory_space<hbm>>
      tpu.wait_dma2 semaphore(%arg15 : memref<!tpu.dma_semaphore, #tpu.memory_space<semaphore_mem>>) src(%dma_wait3A_224 : memref<2x128xi32, #tpu.memory_space<hbm>>) dst(%dma_wait3A_220 : memref<2x128xi32, #tpu.memory_space<vmem>>)
      %add3A_225 = arith.constant 3 : i32
      %add3A_226 = arith.addi %mul3A_46, %add3A_225 : i32
      %dma_wait3A_227 = arith.constant 1 : i32
      %dma_wait3A_228 = arith.constant 0 : i32
      %dma_wait3A_229 = arith.constant 0 : i32
      %dma_wait3A_230 = tpu.memref_slice %arg6[%dma_wait3A_227, %dma_wait3A_228, %dma_wait3A_229] : memref<2x2x128xi32, #tpu.memory_space<vmem>> -> memref<1x2x128xi32, #tpu.memory_space<vmem>>
      %dma_wait3A_231 = tpu.memref_squeeze %dma_wait3A_230 : memref<1x2x128xi32, #tpu.memory_space<vmem>> -> memref<2x128xi32, #tpu.memory_space<vmem>>
      %dma_wait3A_232 = arith.constant 0 : i32
      %dma_wait3A_233 = arith.constant 0 : i32
      %dma_wait3A_234 = tpu.memref_slice %arg3[%add3A, %add3A_226, %dma_wait3A_232, %dma_wait3A_233] : memref<32x42x2x128xi32, #tpu.memory_space<hbm>> -> memref<1x1x2x128xi32, #tpu.memory_space<hbm>>
      %dma_wait3A_235 = tpu.memref_squeeze %dma_wait3A_234 : memref<1x1x2x128xi32, #tpu.memory_space<hbm>> -> memref<2x128xi32, #tpu.memory_space<hbm>>
      %dma_wait3A_236 = arith.constant 0 : i32
      %dma_wait3A_237 = arith.constant 0 : i32
      %dma_wait3A_238 = tpu.memref_slice %arg6[%dma_wait3A_227, %dma_wait3A_236, %dma_wait3A_237] : memref<2x2x128xi32, #tpu.memory_space<vmem>> -> memref<1x2x128xi32, #tpu.memory_space<vmem>>
      %dma_wait3A_239 = tpu.memref_squeeze %dma_wait3A_238 : memref<1x2x128xi32, #tpu.memory_space<vmem>> -> memref<2x128xi32, #tpu.memory_space<vmem>>
      %dma_wait3A_240 = arith.constant 0 : i32
      %dma_wait3A_241 = arith.constant 0 : i32
      %dma_wait3A_242 = tpu.memref_slice %arg3[%add3A, %add3A_226, %dma_wait3A_240, %dma_wait3A_241] : memref<32x42x2x128xi32, #tpu.memory_space<hbm>> -> memref<1x1x2x128xi32, #tpu.memory_space<hbm>>
      %dma_wait3A_243 = tpu.memref_squeeze %dma_wait3A_242 : memref<1x1x2x128xi32, #tpu.memory_space<hbm>> -> memref<2x128xi32, #tpu.memory_space<hbm>>
      tpu.wait_dma2 semaphore(%arg16 : memref<!tpu.dma_semaphore, #tpu.memory_space<semaphore_mem>>) src(%dma_wait3A_243 : memref<2x128xi32, #tpu.memory_space<hbm>>) dst(%dma_wait3A_239 : memref<2x128xi32, #tpu.memory_space<vmem>>)
      %dma_wait3A_244 = arith.constant 1 : i32
      %dma_wait3A_245 = arith.constant 0 : i32
      %dma_wait3A_246 = arith.constant 0 : i32
      %dma_wait3A_247 = tpu.memref_slice %arg7[%dma_wait3A_244, %dma_wait3A_245, %dma_wait3A_246] : memref<2x2x128xi32, #tpu.memory_space<vmem>> -> memref<1x2x128xi32, #tpu.memory_space<vmem>>
      %dma_wait3A_248 = tpu.memref_squeeze %dma_wait3A_247 : memref<1x2x128xi32, #tpu.memory_space<vmem>> -> memref<2x128xi32, #tpu.memory_space<vmem>>
      %dma_wait3A_249 = arith.constant 0 : i32
      %dma_wait3A_250 = arith.constant 0 : i32
      %dma_wait3A_251 = tpu.memref_slice %arg4[%add3A, %add3A_226, %dma_wait3A_249, %dma_wait3A_250] : memref<32x42x2x128xi32, #tpu.memory_space<hbm>> -> memref<1x1x2x128xi32, #tpu.memory_space<hbm>>
      %dma_wait3A_252 = tpu.memref_squeeze %dma_wait3A_251 : memref<1x1x2x128xi32, #tpu.memory_space<hbm>> -> memref<2x128xi32, #tpu.memory_space<hbm>>
      %dma_wait3A_253 = arith.constant 0 : i32
      %dma_wait3A_254 = arith.constant 0 : i32
      %dma_wait3A_255 = tpu.memref_slice %arg7[%dma_wait3A_244, %dma_wait3A_253, %dma_wait3A_254] : memref<2x2x128xi32, #tpu.memory_space<vmem>> -> memref<1x2x128xi32, #tpu.memory_space<vmem>>
      %dma_wait3A_256 = tpu.memref_squeeze %dma_wait3A_255 : memref<1x2x128xi32, #tpu.memory_space<vmem>> -> memref<2x128xi32, #tpu.memory_space<vmem>>
      %dma_wait3A_257 = arith.constant 0 : i32
      %dma_wait3A_258 = arith.constant 0 : i32
      %dma_wait3A_259 = tpu.memref_slice %arg4[%add3A, %add3A_226, %dma_wait3A_257, %dma_wait3A_258] : memref<32x42x2x128xi32, #tpu.memory_space<hbm>> -> memref<1x1x2x128xi32, #tpu.memory_space<hbm>>
      %dma_wait3A_260 = tpu.memref_squeeze %dma_wait3A_259 : memref<1x1x2x128xi32, #tpu.memory_space<hbm>> -> memref<2x128xi32, #tpu.memory_space<hbm>>
      tpu.wait_dma2 semaphore(%arg16 : memref<!tpu.dma_semaphore, #tpu.memory_space<semaphore_mem>>) src(%dma_wait3A_260 : memref<2x128xi32, #tpu.memory_space<hbm>>) dst(%dma_wait3A_256 : memref<2x128xi32, #tpu.memory_space<vmem>>)
    }
    %scan3A_38 = arith.constant 20 : i32
    %barrier3A_39 = arith.constant 0 : index
    tpu.barrier barrier_id(%barrier3A_39)
    %mul3A_40 = arith.constant 640 : i32
    %mul3A_41 = arith.muli %arg1, %mul3A_40 : i32
    %mul3A_42 = arith.constant 640 : i32
    %mul3A_43 = arith.muli %arg1, %mul3A_42 : i32
    "tpu.region"() ({
      %run_scoped3A_44 = tpu.sem_alloc : memref<!tpu.dma_semaphore, #tpu.memory_space<semaphore_mem>>
      %dma_start3A = arith.constant 0 : i32
      %dma_start3A_45 = tpu.memref_slice %arg5[%arg0, %mul3A_43, %dma_start3A] : memref<2x10240x128xf32, #tpu.memory_space<hbm>> -> memref<1x640x128xf32, #tpu.memory_space<hbm>>
      %dma_start3A_46 = tpu.memref_squeeze %dma_start3A_45 : memref<1x640x128xf32, #tpu.memory_space<hbm>> -> memref<640x128xf32, #tpu.memory_space<hbm>>
      %dma_start3A_47 = arith.constant 0 : i32
      %dma_start3A_48 = tpu.memref_slice %arg10[%mul3A_41, %dma_start3A_47] : memref<10240x128xf32, #tpu.memory_space<vmem_shared>> -> memref<640x128xf32, #tpu.memory_space<vmem_shared>>
      tpu.enqueue_dma source(%dma_start3A_48 : memref<640x128xf32, #tpu.memory_space<vmem_shared>>) target(%dma_start3A_46 : memref<640x128xf32, #tpu.memory_space<hbm>>) target_semaphore(%run_scoped3A_44 : memref<!tpu.dma_semaphore, #tpu.memory_space<semaphore_mem>>)
      %dma_wait3A = arith.constant 0 : i32
      %dma_wait3A_49 = tpu.memref_slice %arg5[%arg0, %mul3A_43, %dma_wait3A] : memref<2x10240x128xf32, #tpu.memory_space<hbm>> -> memref<1x640x128xf32, #tpu.memory_space<hbm>>
      %dma_wait3A_50 = tpu.memref_squeeze %dma_wait3A_49 : memref<1x640x128xf32, #tpu.memory_space<hbm>> -> memref<640x128xf32, #tpu.memory_space<hbm>>
      %dma_wait3A_51 = arith.constant 0 : i32
      %dma_wait3A_52 = tpu.memref_slice %arg10[%mul3A_41, %dma_wait3A_51] : memref<10240x128xf32, #tpu.memory_space<vmem_shared>> -> memref<640x128xf32, #tpu.memory_space<vmem_shared>>
      tpu.wait_dma2 semaphore(%run_scoped3A_44 : memref<!tpu.dma_semaphore, #tpu.memory_space<semaphore_mem>>) src(%dma_wait3A_52 : memref<640x128xf32, #tpu.memory_space<vmem_shared>>) dst(%dma_wait3A_50 : memref<640x128xf32, #tpu.memory_space<hbm>>)
      tpu.yield
    }) : () -> ()
    return
  }
}

#map = affine_map<(d0, d1) -> (0, 0, 0)>
#map1 = affine_map<(d0, d1) -> (0, 0)>
module attributes {stable_mosaic.version = 14 : i64} {
  func.func @_deg_body(%arg0: i32, %arg1: i32, %arg2: memref<32x80x128xi32, #tpu.memory_space<hbm>>, %arg3: memref<2x10240xf32, #tpu.memory_space<hbm>>, %arg4: memref<80x128xi32, #tpu.memory_space<vmem>>, %arg5: memref<128xf32, #tpu.memory_space<vmem>>, %arg6: memref<128xf32, #tpu.memory_space<vmem>>, %arg7: memref<10240xf32, #tpu.memory_space<vmem_shared>>) attributes {dimension_semantics = [#tpu.dimension_semantics<core_parallel>, #tpu.dimension_semantics<subcore_parallel>], iteration_bounds = array<i64: 2, 16>, scalar_prefetch = 0 : i64, scratch_operands = 4 : i64, tpu.core_type = #tpu.core_type<sc_vector_subcore>, window_params = [{transform_indices = #map}, {transform_indices = #map1}]} {
    %mul3A = arith.constant 16 : i32
    %mul3A_0 = arith.muli %arg0, %mul3A : i32
    %add3A = arith.addi %mul3A_0, %arg1 : i32
    %broadcast_in_dim3A = arith.constant 1.000000e+00 : f32
    %broadcast_in_dim3A_1 = vector.broadcast %broadcast_in_dim3A : f32 to vector<16xf32>
    %swap3A = arith.constant 0 : index
    %swap3A_2 = tpu.vector_load %arg5[%swap3A] {strides = array<i32>} : memref<128xf32, #tpu.memory_space<vmem>>, vector<16xf32>,
    %swap3A_3 = vector.shape_cast %swap3A_2 : vector<16xf32> to vector<16xf32>
    %swap3A_4 = vector.shape_cast %broadcast_in_dim3A_1 : vector<16xf32> to vector<16xf32>
    tpu.vector_store %arg5[%swap3A], %swap3A_4 {strides = array<i32>} : memref<128xf32, #tpu.memory_space<vmem>>, vector<16xf32>,
    %broadcast_in_dim3A_5 = arith.constant 0.000000e+00 : f32
    %broadcast_in_dim3A_6 = vector.broadcast %broadcast_in_dim3A_5 : f32 to vector<16xf32>
    %swap3A_7 = arith.constant 0 : index
    %swap3A_8 = tpu.vector_load %arg6[%swap3A_7] {strides = array<i32>} : memref<128xf32, #tpu.memory_space<vmem>>, vector<16xf32>,
    %swap3A_9 = vector.shape_cast %swap3A_8 : vector<16xf32> to vector<16xf32>
    %swap3A_10 = vector.shape_cast %broadcast_in_dim3A_6 : vector<16xf32> to vector<16xf32>
    tpu.vector_store %arg6[%swap3A_7], %swap3A_10 {strides = array<i32>} : memref<128xf32, #tpu.memory_space<vmem>>, vector<16xf32>,
    %broadcast_in_dim3A_11 = arith.constant 1.000000e+00 : f32
    %broadcast_in_dim3A_12 = vector.broadcast %broadcast_in_dim3A_11 : f32 to vector<16xf32>
    %swap3A_13 = arith.constant 16 : index
    %swap3A_14 = tpu.vector_load %arg5[%swap3A_13] {strides = array<i32>} : memref<128xf32, #tpu.memory_space<vmem>>, vector<16xf32>,
    %swap3A_15 = vector.shape_cast %swap3A_14 : vector<16xf32> to vector<16xf32>
    %swap3A_16 = vector.shape_cast %broadcast_in_dim3A_12 : vector<16xf32> to vector<16xf32>
    tpu.vector_store %arg5[%swap3A_13], %swap3A_16 {strides = array<i32>} : memref<128xf32, #tpu.memory_space<vmem>>, vector<16xf32>,
    %broadcast_in_dim3A_17 = arith.constant 0.000000e+00 : f32
    %broadcast_in_dim3A_18 = vector.broadcast %broadcast_in_dim3A_17 : f32 to vector<16xf32>
    %swap3A_19 = arith.constant 16 : index
    %swap3A_20 = tpu.vector_load %arg6[%swap3A_19] {strides = array<i32>} : memref<128xf32, #tpu.memory_space<vmem>>, vector<16xf32>,
    %swap3A_21 = vector.shape_cast %swap3A_20 : vector<16xf32> to vector<16xf32>
    %swap3A_22 = vector.shape_cast %broadcast_in_dim3A_18 : vector<16xf32> to vector<16xf32>
    tpu.vector_store %arg6[%swap3A_19], %swap3A_22 {strides = array<i32>} : memref<128xf32, #tpu.memory_space<vmem>>, vector<16xf32>,
    %broadcast_in_dim3A_23 = arith.constant 1.000000e+00 : f32
    %broadcast_in_dim3A_24 = vector.broadcast %broadcast_in_dim3A_23 : f32 to vector<16xf32>
    %swap3A_25 = arith.constant 32 : index
    %swap3A_26 = tpu.vector_load %arg5[%swap3A_25] {strides = array<i32>} : memref<128xf32, #tpu.memory_space<vmem>>, vector<16xf32>,
    %swap3A_27 = vector.shape_cast %swap3A_26 : vector<16xf32> to vector<16xf32>
    %swap3A_28 = vector.shape_cast %broadcast_in_dim3A_24 : vector<16xf32> to vector<16xf32>
    tpu.vector_store %arg5[%swap3A_25], %swap3A_28 {strides = array<i32>} : memref<128xf32, #tpu.memory_space<vmem>>, vector<16xf32>,
    %broadcast_in_dim3A_29 = arith.constant 0.000000e+00 : f32
    %broadcast_in_dim3A_30 = vector.broadcast %broadcast_in_dim3A_29 : f32 to vector<16xf32>
    %swap3A_31 = arith.constant 32 : index
    %swap3A_32 = tpu.vector_load %arg6[%swap3A_31] {strides = array<i32>} : memref<128xf32, #tpu.memory_space<vmem>>, vector<16xf32>,
    %swap3A_33 = vector.shape_cast %swap3A_32 : vector<16xf32> to vector<16xf32>
    %swap3A_34 = vector.shape_cast %broadcast_in_dim3A_30 : vector<16xf32> to vector<16xf32>
    tpu.vector_store %arg6[%swap3A_31], %swap3A_34 {strides = array<i32>} : memref<128xf32, #tpu.memory_space<vmem>>, vector<16xf32>,
    %broadcast_in_dim3A_35 = arith.constant 1.000000e+00 : f32
    %broadcast_in_dim3A_36 = vector.broadcast %broadcast_in_dim3A_35 : f32 to vector<16xf32>
    %swap3A_37 = arith.constant 48 : index
    %swap3A_38 = tpu.vector_load %arg5[%swap3A_37] {strides = array<i32>} : memref<128xf32, #tpu.memory_space<vmem>>, vector<16xf32>,
    %swap3A_39 = vector.shape_cast %swap3A_38 : vector<16xf32> to vector<16xf32>
    %swap3A_40 = vector.shape_cast %broadcast_in_dim3A_36 : vector<16xf32> to vector<16xf32>
    tpu.vector_store %arg5[%swap3A_37], %swap3A_40 {strides = array<i32>} : memref<128xf32, #tpu.memory_space<vmem>>, vector<16xf32>,
    %broadcast_in_dim3A_41 = arith.constant 0.000000e+00 : f32
    %broadcast_in_dim3A_42 = vector.broadcast %broadcast_in_dim3A_41 : f32 to vector<16xf32>
    %swap3A_43 = arith.constant 48 : index
    %swap3A_44 = tpu.vector_load %arg6[%swap3A_43] {strides = array<i32>} : memref<128xf32, #tpu.memory_space<vmem>>, vector<16xf32>,
    %swap3A_45 = vector.shape_cast %swap3A_44 : vector<16xf32> to vector<16xf32>
    %swap3A_46 = vector.shape_cast %broadcast_in_dim3A_42 : vector<16xf32> to vector<16xf32>
    tpu.vector_store %arg6[%swap3A_43], %swap3A_46 {strides = array<i32>} : memref<128xf32, #tpu.memory_space<vmem>>, vector<16xf32>,
    %broadcast_in_dim3A_47 = arith.constant 1.000000e+00 : f32
    %broadcast_in_dim3A_48 = vector.broadcast %broadcast_in_dim3A_47 : f32 to vector<16xf32>
    %swap3A_49 = arith.constant 64 : index
    %swap3A_50 = tpu.vector_load %arg5[%swap3A_49] {strides = array<i32>} : memref<128xf32, #tpu.memory_space<vmem>>, vector<16xf32>,
    %swap3A_51 = vector.shape_cast %swap3A_50 : vector<16xf32> to vector<16xf32>
    %swap3A_52 = vector.shape_cast %broadcast_in_dim3A_48 : vector<16xf32> to vector<16xf32>
    tpu.vector_store %arg5[%swap3A_49], %swap3A_52 {strides = array<i32>} : memref<128xf32, #tpu.memory_space<vmem>>, vector<16xf32>,
    %broadcast_in_dim3A_53 = arith.constant 0.000000e+00 : f32
    %broadcast_in_dim3A_54 = vector.broadcast %broadcast_in_dim3A_53 : f32 to vector<16xf32>
    %swap3A_55 = arith.constant 64 : index
    %swap3A_56 = tpu.vector_load %arg6[%swap3A_55] {strides = array<i32>} : memref<128xf32, #tpu.memory_space<vmem>>, vector<16xf32>,
    %swap3A_57 = vector.shape_cast %swap3A_56 : vector<16xf32> to vector<16xf32>
    %swap3A_58 = vector.shape_cast %broadcast_in_dim3A_54 : vector<16xf32> to vector<16xf32>
    tpu.vector_store %arg6[%swap3A_55], %swap3A_58 {strides = array<i32>} : memref<128xf32, #tpu.memory_space<vmem>>, vector<16xf32>,
    %broadcast_in_dim3A_59 = arith.constant 1.000000e+00 : f32
    %broadcast_in_dim3A_60 = vector.broadcast %broadcast_in_dim3A_59 : f32 to vector<16xf32>
    %swap3A_61 = arith.constant 80 : index
    %swap3A_62 = tpu.vector_load %arg5[%swap3A_61] {strides = array<i32>} : memref<128xf32, #tpu.memory_space<vmem>>, vector<16xf32>,
    %swap3A_63 = vector.shape_cast %swap3A_62 : vector<16xf32> to vector<16xf32>
    %swap3A_64 = vector.shape_cast %broadcast_in_dim3A_60 : vector<16xf32> to vector<16xf32>
    tpu.vector_store %arg5[%swap3A_61], %swap3A_64 {strides = array<i32>} : memref<128xf32, #tpu.memory_space<vmem>>, vector<16xf32>,
    %broadcast_in_dim3A_65 = arith.constant 0.000000e+00 : f32
    %broadcast_in_dim3A_66 = vector.broadcast %broadcast_in_dim3A_65 : f32 to vector<16xf32>
    %swap3A_67 = arith.constant 80 : index
    %swap3A_68 = tpu.vector_load %arg6[%swap3A_67] {strides = array<i32>} : memref<128xf32, #tpu.memory_space<vmem>>, vector<16xf32>,
    %swap3A_69 = vector.shape_cast %swap3A_68 : vector<16xf32> to vector<16xf32>
    %swap3A_70 = vector.shape_cast %broadcast_in_dim3A_66 : vector<16xf32> to vector<16xf32>
    tpu.vector_store %arg6[%swap3A_67], %swap3A_70 {strides = array<i32>} : memref<128xf32, #tpu.memory_space<vmem>>, vector<16xf32>,
    %broadcast_in_dim3A_71 = arith.constant 1.000000e+00 : f32
    %broadcast_in_dim3A_72 = vector.broadcast %broadcast_in_dim3A_71 : f32 to vector<16xf32>
    %swap3A_73 = arith.constant 96 : index
    %swap3A_74 = tpu.vector_load %arg5[%swap3A_73] {strides = array<i32>} : memref<128xf32, #tpu.memory_space<vmem>>, vector<16xf32>,
    %swap3A_75 = vector.shape_cast %swap3A_74 : vector<16xf32> to vector<16xf32>
    %swap3A_76 = vector.shape_cast %broadcast_in_dim3A_72 : vector<16xf32> to vector<16xf32>
    tpu.vector_store %arg5[%swap3A_73], %swap3A_76 {strides = array<i32>} : memref<128xf32, #tpu.memory_space<vmem>>, vector<16xf32>,
    %broadcast_in_dim3A_77 = arith.constant 0.000000e+00 : f32
    %broadcast_in_dim3A_78 = vector.broadcast %broadcast_in_dim3A_77 : f32 to vector<16xf32>
    %swap3A_79 = arith.constant 96 : index
    %swap3A_80 = tpu.vector_load %arg6[%swap3A_79] {strides = array<i32>} : memref<128xf32, #tpu.memory_space<vmem>>, vector<16xf32>,
    %swap3A_81 = vector.shape_cast %swap3A_80 : vector<16xf32> to vector<16xf32>
    %swap3A_82 = vector.shape_cast %broadcast_in_dim3A_78 : vector<16xf32> to vector<16xf32>
    tpu.vector_store %arg6[%swap3A_79], %swap3A_82 {strides = array<i32>} : memref<128xf32, #tpu.memory_space<vmem>>, vector<16xf32>,
    %broadcast_in_dim3A_83 = arith.constant 1.000000e+00 : f32
    %broadcast_in_dim3A_84 = vector.broadcast %broadcast_in_dim3A_83 : f32 to vector<16xf32>
    %swap3A_85 = arith.constant 112 : index
    %swap3A_86 = tpu.vector_load %arg5[%swap3A_85] {strides = array<i32>} : memref<128xf32, #tpu.memory_space<vmem>>, vector<16xf32>,
    %swap3A_87 = vector.shape_cast %swap3A_86 : vector<16xf32> to vector<16xf32>
    %swap3A_88 = vector.shape_cast %broadcast_in_dim3A_84 : vector<16xf32> to vector<16xf32>
    tpu.vector_store %arg5[%swap3A_85], %swap3A_88 {strides = array<i32>} : memref<128xf32, #tpu.memory_space<vmem>>, vector<16xf32>,
    %broadcast_in_dim3A_89 = arith.constant 0.000000e+00 : f32
    %broadcast_in_dim3A_90 = vector.broadcast %broadcast_in_dim3A_89 : f32 to vector<16xf32>
    %swap3A_91 = arith.constant 112 : index
    %swap3A_92 = tpu.vector_load %arg6[%swap3A_91] {strides = array<i32>} : memref<128xf32, #tpu.memory_space<vmem>>, vector<16xf32>,
    %swap3A_93 = vector.shape_cast %swap3A_92 : vector<16xf32> to vector<16xf32>
    %swap3A_94 = vector.shape_cast %broadcast_in_dim3A_90 : vector<16xf32> to vector<16xf32>
    tpu.vector_store %arg6[%swap3A_91], %swap3A_94 {strides = array<i32>} : memref<128xf32, #tpu.memory_space<vmem>>, vector<16xf32>,
    %mul3A_95 = arith.constant 640 : i32
    %mul3A_96 = arith.muli %arg1, %mul3A_95 : i32
    %add3A_97 = arith.constant 0 : i32
    %add3A_98 = arith.addi %mul3A_96, %add3A_97 : i32
    "tpu.region"() ({
      %run_scoped3A = tpu.sem_alloc : memref<!tpu.dma_semaphore, #tpu.memory_space<semaphore_mem>>
      %dma_start3A = tpu.memref_slice %arg7[%add3A_98] : memref<10240xf32, #tpu.memory_space<vmem_shared>> -> memref<128xf32, #tpu.memory_space<vmem_shared>>
      %dma_start3A_125 = tpu.memref_slice %arg7[%add3A_98] : memref<10240xf32, #tpu.memory_space<vmem_shared>> -> memref<128xf32, #tpu.memory_space<vmem_shared>>
      tpu.enqueue_dma source(%arg6 : memref<128xf32, #tpu.memory_space<vmem>>) target(%dma_start3A_125 : memref<128xf32, #tpu.memory_space<vmem_shared>>) target_semaphore(%run_scoped3A : memref<!tpu.dma_semaphore, #tpu.memory_space<semaphore_mem>>)
      %dma_wait3A = tpu.memref_slice %arg7[%add3A_98] : memref<10240xf32, #tpu.memory_space<vmem_shared>> -> memref<128xf32, #tpu.memory_space<vmem_shared>>
      %dma_wait3A_126 = tpu.memref_slice %arg7[%add3A_98] : memref<10240xf32, #tpu.memory_space<vmem_shared>> -> memref<128xf32, #tpu.memory_space<vmem_shared>>
      tpu.wait_dma2 semaphore(%run_scoped3A : memref<!tpu.dma_semaphore, #tpu.memory_space<semaphore_mem>>) src(%arg6 : memref<128xf32, #tpu.memory_space<vmem>>) dst(%dma_wait3A_126 : memref<128xf32, #tpu.memory_space<vmem_shared>>)
      tpu.yield
    }) : () -> ()
    %mul3A_99 = arith.constant 640 : i32
    %mul3A_100 = arith.muli %arg1, %mul3A_99 : i32
    %add3A_101 = arith.constant 128 : i32
    %add3A_102 = arith.addi %mul3A_100, %add3A_101 : i32
    "tpu.region"() ({
      %run_scoped3A = tpu.sem_alloc : memref<!tpu.dma_semaphore, #tpu.memory_space<semaphore_mem>>
      %dma_start3A = tpu.memref_slice %arg7[%add3A_102] : memref<10240xf32, #tpu.memory_space<vmem_shared>> -> memref<128xf32, #tpu.memory_space<vmem_shared>>
      %dma_start3A_125 = tpu.memref_slice %arg7[%add3A_102] : memref<10240xf32, #tpu.memory_space<vmem_shared>> -> memref<128xf32, #tpu.memory_space<vmem_shared>>
      tpu.enqueue_dma source(%arg6 : memref<128xf32, #tpu.memory_space<vmem>>) target(%dma_start3A_125 : memref<128xf32, #tpu.memory_space<vmem_shared>>) target_semaphore(%run_scoped3A : memref<!tpu.dma_semaphore, #tpu.memory_space<semaphore_mem>>)
      %dma_wait3A = tpu.memref_slice %arg7[%add3A_102] : memref<10240xf32, #tpu.memory_space<vmem_shared>> -> memref<128xf32, #tpu.memory_space<vmem_shared>>
      %dma_wait3A_126 = tpu.memref_slice %arg7[%add3A_102] : memref<10240xf32, #tpu.memory_space<vmem_shared>> -> memref<128xf32, #tpu.memory_space<vmem_shared>>
      tpu.wait_dma2 semaphore(%run_scoped3A : memref<!tpu.dma_semaphore, #tpu.memory_space<semaphore_mem>>) src(%arg6 : memref<128xf32, #tpu.memory_space<vmem>>) dst(%dma_wait3A_126 : memref<128xf32, #tpu.memory_space<vmem_shared>>)
      tpu.yield
    }) : () -> ()
    %mul3A_103 = arith.constant 640 : i32
    %mul3A_104 = arith.muli %arg1, %mul3A_103 : i32
    %add3A_105 = arith.constant 256 : i32
    %add3A_106 = arith.addi %mul3A_104, %add3A_105 : i32
    "tpu.region"() ({
      %run_scoped3A = tpu.sem_alloc : memref<!tpu.dma_semaphore, #tpu.memory_space<semaphore_mem>>
      %dma_start3A = tpu.memref_slice %arg7[%add3A_106] : memref<10240xf32, #tpu.memory_space<vmem_shared>> -> memref<128xf32, #tpu.memory_space<vmem_shared>>
      %dma_start3A_125 = tpu.memref_slice %arg7[%add3A_106] : memref<10240xf32, #tpu.memory_space<vmem_shared>> -> memref<128xf32, #tpu.memory_space<vmem_shared>>
      tpu.enqueue_dma source(%arg6 : memref<128xf32, #tpu.memory_space<vmem>>) target(%dma_start3A_125 : memref<128xf32, #tpu.memory_space<vmem_shared>>) target_semaphore(%run_scoped3A : memref<!tpu.dma_semaphore, #tpu.memory_space<semaphore_mem>>)
      %dma_wait3A = tpu.memref_slice %arg7[%add3A_106] : memref<10240xf32, #tpu.memory_space<vmem_shared>> -> memref<128xf32, #tpu.memory_space<vmem_shared>>
      %dma_wait3A_126 = tpu.memref_slice %arg7[%add3A_106] : memref<10240xf32, #tpu.memory_space<vmem_shared>> -> memref<128xf32, #tpu.memory_space<vmem_shared>>
      tpu.wait_dma2 semaphore(%run_scoped3A : memref<!tpu.dma_semaphore, #tpu.memory_space<semaphore_mem>>) src(%arg6 : memref<128xf32, #tpu.memory_space<vmem>>) dst(%dma_wait3A_126 : memref<128xf32, #tpu.memory_space<vmem_shared>>)
      tpu.yield
    }) : () -> ()
    %mul3A_107 = arith.constant 640 : i32
    %mul3A_108 = arith.muli %arg1, %mul3A_107 : i32
    %add3A_109 = arith.constant 384 : i32
    %add3A_110 = arith.addi %mul3A_108, %add3A_109 : i32
    "tpu.region"() ({
      %run_scoped3A = tpu.sem_alloc : memref<!tpu.dma_semaphore, #tpu.memory_space<semaphore_mem>>
      %dma_start3A = tpu.memref_slice %arg7[%add3A_110] : memref<10240xf32, #tpu.memory_space<vmem_shared>> -> memref<128xf32, #tpu.memory_space<vmem_shared>>
      %dma_start3A_125 = tpu.memref_slice %arg7[%add3A_110] : memref<10240xf32, #tpu.memory_space<vmem_shared>> -> memref<128xf32, #tpu.memory_space<vmem_shared>>
      tpu.enqueue_dma source(%arg6 : memref<128xf32, #tpu.memory_space<vmem>>) target(%dma_start3A_125 : memref<128xf32, #tpu.memory_space<vmem_shared>>) target_semaphore(%run_scoped3A : memref<!tpu.dma_semaphore, #tpu.memory_space<semaphore_mem>>)
      %dma_wait3A = tpu.memref_slice %arg7[%add3A_110] : memref<10240xf32, #tpu.memory_space<vmem_shared>> -> memref<128xf32, #tpu.memory_space<vmem_shared>>
      %dma_wait3A_126 = tpu.memref_slice %arg7[%add3A_110] : memref<10240xf32, #tpu.memory_space<vmem_shared>> -> memref<128xf32, #tpu.memory_space<vmem_shared>>
      tpu.wait_dma2 semaphore(%run_scoped3A : memref<!tpu.dma_semaphore, #tpu.memory_space<semaphore_mem>>) src(%arg6 : memref<128xf32, #tpu.memory_space<vmem>>) dst(%dma_wait3A_126 : memref<128xf32, #tpu.memory_space<vmem_shared>>)
      tpu.yield
    }) : () -> ()
    %mul3A_111 = arith.constant 640 : i32
    %mul3A_112 = arith.muli %arg1, %mul3A_111 : i32
    %add3A_113 = arith.constant 512 : i32
    %add3A_114 = arith.addi %mul3A_112, %add3A_113 : i32
    "tpu.region"() ({
      %run_scoped3A = tpu.sem_alloc : memref<!tpu.dma_semaphore, #tpu.memory_space<semaphore_mem>>
      %dma_start3A = tpu.memref_slice %arg7[%add3A_114] : memref<10240xf32, #tpu.memory_space<vmem_shared>> -> memref<128xf32, #tpu.memory_space<vmem_shared>>
      %dma_start3A_125 = tpu.memref_slice %arg7[%add3A_114] : memref<10240xf32, #tpu.memory_space<vmem_shared>> -> memref<128xf32, #tpu.memory_space<vmem_shared>>
      tpu.enqueue_dma source(%arg6 : memref<128xf32, #tpu.memory_space<vmem>>) target(%dma_start3A_125 : memref<128xf32, #tpu.memory_space<vmem_shared>>) target_semaphore(%run_scoped3A : memref<!tpu.dma_semaphore, #tpu.memory_space<semaphore_mem>>)
      %dma_wait3A = tpu.memref_slice %arg7[%add3A_114] : memref<10240xf32, #tpu.memory_space<vmem_shared>> -> memref<128xf32, #tpu.memory_space<vmem_shared>>
      %dma_wait3A_126 = tpu.memref_slice %arg7[%add3A_114] : memref<10240xf32, #tpu.memory_space<vmem_shared>> -> memref<128xf32, #tpu.memory_space<vmem_shared>>
      tpu.wait_dma2 semaphore(%run_scoped3A : memref<!tpu.dma_semaphore, #tpu.memory_space<semaphore_mem>>) src(%arg6 : memref<128xf32, #tpu.memory_space<vmem>>) dst(%dma_wait3A_126 : memref<128xf32, #tpu.memory_space<vmem_shared>>)
      tpu.yield
    }) : () -> ()
    "tpu.region"() ({
      %run_scoped3A = tpu.sem_alloc : memref<!tpu.dma_semaphore, #tpu.memory_space<semaphore_mem>>
      %dma_start3A = arith.constant 0 : i32
      %dma_start3A_125 = arith.constant 0 : i32
      %dma_start3A_126 = tpu.memref_slice %arg2[%add3A, %dma_start3A, %dma_start3A_125] : memref<32x80x128xi32, #tpu.memory_space<hbm>> -> memref<1x80x128xi32, #tpu.memory_space<hbm>>
      %dma_start3A_127 = tpu.memref_squeeze %dma_start3A_126 : memref<1x80x128xi32, #tpu.memory_space<hbm>> -> memref<80x128xi32, #tpu.memory_space<hbm>>
      %dma_start3A_128 = arith.constant 0 : i32
      %dma_start3A_129 = arith.constant 0 : i32
      %dma_start3A_130 = tpu.memref_slice %arg2[%add3A, %dma_start3A_128, %dma_start3A_129] : memref<32x80x128xi32, #tpu.memory_space<hbm>> -> memref<1x80x128xi32, #tpu.memory_space<hbm>>
      %dma_start3A_131 = tpu.memref_squeeze %dma_start3A_130 : memref<1x80x128xi32, #tpu.memory_space<hbm>> -> memref<80x128xi32, #tpu.memory_space<hbm>>
      tpu.enqueue_dma source(%dma_start3A_131 : memref<80x128xi32, #tpu.memory_space<hbm>>) target(%arg4 : memref<80x128xi32, #tpu.memory_space<vmem>>) target_semaphore(%run_scoped3A : memref<!tpu.dma_semaphore, #tpu.memory_space<semaphore_mem>>)
      %dma_wait3A = arith.constant 0 : i32
      %dma_wait3A_132 = arith.constant 0 : i32
      %dma_wait3A_133 = tpu.memref_slice %arg2[%add3A, %dma_wait3A, %dma_wait3A_132] : memref<32x80x128xi32, #tpu.memory_space<hbm>> -> memref<1x80x128xi32, #tpu.memory_space<hbm>>
      %dma_wait3A_134 = tpu.memref_squeeze %dma_wait3A_133 : memref<1x80x128xi32, #tpu.memory_space<hbm>> -> memref<80x128xi32, #tpu.memory_space<hbm>>
      %dma_wait3A_135 = arith.constant 0 : i32
      %dma_wait3A_136 = arith.constant 0 : i32
      %dma_wait3A_137 = tpu.memref_slice %arg2[%add3A, %dma_wait3A_135, %dma_wait3A_136] : memref<32x80x128xi32, #tpu.memory_space<hbm>> -> memref<1x80x128xi32, #tpu.memory_space<hbm>>
      %dma_wait3A_138 = tpu.memref_squeeze %dma_wait3A_137 : memref<1x80x128xi32, #tpu.memory_space<hbm>> -> memref<80x128xi32, #tpu.memory_space<hbm>>
      tpu.wait_dma2 semaphore(%run_scoped3A : memref<!tpu.dma_semaphore, #tpu.memory_space<semaphore_mem>>) src(%dma_wait3A_138 : memref<80x128xi32, #tpu.memory_space<hbm>>) dst(%arg4 : memref<80x128xi32, #tpu.memory_space<vmem>>)
      tpu.yield
    }) : () -> ()
    %barrier3A = arith.constant 0 : index
    tpu.barrier barrier_id(%barrier3A)
    %scan3A = arith.constant 0 : i32
    %scan3A_115 = arith.constant 0 : i32
    %scan3A_116 = arith.constant 80 : i32
    %scan3A_117 = arith.addi %scan3A_115, %scan3A_116 : i32
    %scan3A_118 = arith.constant 1 : i32
    scf.for %scan3A_125 = %scan3A_115 to %scan3A_117 step %scan3A_118  : i32 {
      "tpu.region"() ({
        %run_scoped3A = tpu.sem_alloc : memref<!tpu.dma_semaphore, #tpu.memory_space<semaphore_mem>>
        %dma_start3A = arith.constant 0 : i32
        %dma_start3A_126 = tpu.memref_slice %arg4[%scan3A_125, %dma_start3A] : memref<80x128xi32, #tpu.memory_space<vmem>> -> memref<1x128xi32, #tpu.memory_space<vmem>>
        %dma_start3A_127 = tpu.memref_squeeze %dma_start3A_126 : memref<1x128xi32, #tpu.memory_space<vmem>> -> memref<128xi32, #tpu.memory_space<vmem>>
        %dma_start3A_128 = arith.constant 0 : i32
        %dma_start3A_129 = tpu.memref_slice %arg7[%dma_start3A_128] : memref<10240xf32, #tpu.memory_space<vmem_shared>> -> memref<10240xf32, #tpu.memory_space<vmem_shared>>
        tpu.enqueue_indirect_dma source(%arg5 : memref<128xf32, #tpu.memory_space<vmem>>) target(%dma_start3A_129 : memref<10240xf32, #tpu.memory_space<vmem_shared>>) offsets(%dma_start3A_127 : memref<128xi32, #tpu.memory_space<vmem>>) semaphore(%run_scoped3A : memref<!tpu.dma_semaphore, #tpu.memory_space<semaphore_mem>>) {add = true}
        %dma_wait3A = arith.constant 0 : i32
        %dma_wait3A_130 = tpu.memref_slice %arg4[%scan3A_125, %dma_wait3A] : memref<80x128xi32, #tpu.memory_space<vmem>> -> memref<1x128xi32, #tpu.memory_space<vmem>>
        %dma_wait3A_131 = tpu.memref_squeeze %dma_wait3A_130 : memref<1x128xi32, #tpu.memory_space<vmem>> -> memref<128xi32, #tpu.memory_space<vmem>>
        %dma_wait3A_132 = arith.constant 0 : i32
        %dma_wait3A_133 = tpu.memref_slice %arg7[%dma_wait3A_132] : memref<10240xf32, #tpu.memory_space<vmem_shared>> -> memref<10240xf32, #tpu.memory_space<vmem_shared>>
        tpu.wait_indirect_dma semaphore(%run_scoped3A : memref<!tpu.dma_semaphore, #tpu.memory_space<semaphore_mem>>) src(%arg5 : memref<128xf32, #tpu.memory_space<vmem>>) dst(%dma_wait3A_133 : memref<10240xf32, #tpu.memory_space<vmem_shared>>)
        tpu.yield
      }) : () -> ()
    }
    %scan3A_119 = arith.constant 80 : i32
    %barrier3A_120 = arith.constant 0 : index
    tpu.barrier barrier_id(%barrier3A_120)
    %mul3A_121 = arith.constant 640 : i32
    %mul3A_122 = arith.muli %arg1, %mul3A_121 : i32
    %mul3A_123 = arith.constant 640 : i32
    %mul3A_124 = arith.muli %arg1, %mul3A_123 : i32
    "tpu.region"() ({
      %run_scoped3A = tpu.sem_alloc : memref<!tpu.dma_semaphore, #tpu.memory_space<semaphore_mem>>
      %dma_start3A = tpu.memref_slice %arg3[%arg0, %mul3A_124] : memref<2x10240xf32, #tpu.memory_space<hbm>> -> memref<1x640xf32, #tpu.memory_space<hbm>>
      %dma_start3A_125 = tpu.memref_squeeze %dma_start3A : memref<1x640xf32, #tpu.memory_space<hbm>> -> memref<640xf32, #tpu.memory_space<hbm>>
      %dma_start3A_126 = tpu.memref_slice %arg7[%mul3A_122] : memref<10240xf32, #tpu.memory_space<vmem_shared>> -> memref<640xf32, #tpu.memory_space<vmem_shared>>
      tpu.enqueue_dma source(%dma_start3A_126 : memref<640xf32, #tpu.memory_space<vmem_shared>>) target(%dma_start3A_125 : memref<640xf32, #tpu.memory_space<hbm>>) target_semaphore(%run_scoped3A : memref<!tpu.dma_semaphore, #tpu.memory_space<semaphore_mem>>)
      %dma_wait3A = tpu.memref_slice %arg3[%arg0, %mul3A_124] : memref<2x10240xf32, #tpu.memory_space<hbm>> -> memref<1x640xf32, #tpu.memory_space<hbm>>
      %dma_wait3A_127 = tpu.memref_squeeze %dma_wait3A : memref<1x640xf32, #tpu.memory_space<hbm>> -> memref<640xf32, #tpu.memory_space<hbm>>
      %dma_wait3A_128 = tpu.memref_slice %arg7[%mul3A_122] : memref<10240xf32, #tpu.memory_space<vmem_shared>> -> memref<640xf32, #tpu.memory_space<vmem_shared>>
      tpu.wait_dma2 semaphore(%run_scoped3A : memref<!tpu.dma_semaphore, #tpu.memory_space<semaphore_mem>>) src(%dma_wait3A_128 : memref<640xf32, #tpu.memory_space<vmem_shared>>) dst(%dma_wait3A_127 : memref<640xf32, #tpu.memory_space<hbm>>)
      tpu.yield
    }) : () -> ()
    return
  }
}

#map = affine_map<(d0, d1) -> (0, 0)>
#map1 = affine_map<(d0, d1) -> (0, 0, 0, 0)>
#map2 = affine_map<(d0, d1) -> (0, 0, 0)>
module attributes {stable_mosaic.version = 14 : i64} {
  func.func @_agg_body(%arg0: i32, %arg1: i32, %arg2: memref<10240x128xf32, #tpu.memory_space<hbm>>, %arg3: memref<32x42x2x128xi32, #tpu.memory_space<hbm>>, %arg4: memref<32x42x2x128xi32, #tpu.memory_space<hbm>>, %arg5: memref<2x10240x128xf32, #tpu.memory_space<hbm>>, %arg6: memref<2x2x128xi32, #tpu.memory_space<vmem>>, %arg7: memref<2x2x128xi32, #tpu.memory_space<vmem>>, %arg8: memref<128x128xf32, #tpu.memory_space<vmem>>, %arg9: memref<128x128xf32, #tpu.memory_space<vmem>>, %arg10: memref<10240x128xf32, #tpu.memory_space<vmem_shared>>, %arg11: memref<!tpu.dma_semaphore, #tpu.memory_space<semaphore_mem>>, %arg12: memref<!tpu.dma_semaphore, #tpu.memory_space<semaphore_mem>>, %arg13: memref<!tpu.dma_semaphore, #tpu.memory_space<semaphore_mem>>, %arg14: memref<!tpu.dma_semaphore, #tpu.memory_space<semaphore_mem>>, %arg15: memref<!tpu.dma_semaphore, #tpu.memory_space<semaphore_mem>>, %arg16: memref<!tpu.dma_semaphore, #tpu.memory_space<semaphore_mem>>) attributes {dimension_semantics = [#tpu.dimension_semantics<core_parallel>, #tpu.dimension_semantics<subcore_parallel>], iteration_bounds = array<i64: 2, 16>, scalar_prefetch = 0 : i64, scratch_operands = 11 : i64, tpu.core_type = #tpu.core_type<sc_vector_subcore>, window_params = [{transform_indices = #map}, {transform_indices = #map1}, {transform_indices = #map1}, {transform_indices = #map2}]} {
    %mul3A = arith.constant 16 : i32
    %mul3A_0 = arith.muli %arg0, %mul3A : i32
    %add3A = arith.addi %mul3A_0, %arg1 : i32
    %scan3A = arith.constant 0 : i32
    %scan3A_1 = arith.constant 0 : i32
    %scan3A_2 = arith.constant 128 : i32
    %scan3A_3 = arith.addi %scan3A_1, %scan3A_2 : i32
    %scan3A_4 = arith.constant 1 : i32
    scf.for %scan3A_44 = %scan3A_1 to %scan3A_3 step %scan3A_4  : i32 {
      %broadcast_in_dim3A = arith.constant 0.000000e+00 : f32
      %broadcast_in_dim3A_45 = vector.broadcast %broadcast_in_dim3A : f32 to vector<16xf32>
      %swap3A = arith.index_cast %scan3A_44 : i32 to index
      %swap3A_46 = arith.constant 0 : index
      %swap3A_47 = tpu.vector_load %arg8[%swap3A, %swap3A_46] {strides = array<i32>} : memref<128x128xf32, #tpu.memory_space<vmem>>, vector<1x16xf32>,
      %swap3A_48 = vector.shape_cast %swap3A_47 : vector<1x16xf32> to vector<16xf32>
      %swap3A_49 = vector.shape_cast %broadcast_in_dim3A_45 : vector<16xf32> to vector<1x16xf32>
      tpu.vector_store %arg8[%swap3A, %swap3A_46], %swap3A_49 {strides = array<i32>} : memref<128x128xf32, #tpu.memory_space<vmem>>, vector<1x16xf32>,
      %broadcast_in_dim3A_50 = arith.constant 0.000000e+00 : f32
      %broadcast_in_dim3A_51 = vector.broadcast %broadcast_in_dim3A_50 : f32 to vector<16xf32>
      %swap3A_52 = arith.index_cast %scan3A_44 : i32 to index
      %swap3A_53 = arith.constant 16 : index
      %swap3A_54 = tpu.vector_load %arg8[%swap3A_52, %swap3A_53] {strides = array<i32>} : memref<128x128xf32, #tpu.memory_space<vmem>>, vector<1x16xf32>,
      %swap3A_55 = vector.shape_cast %swap3A_54 : vector<1x16xf32> to vector<16xf32>
      %swap3A_56 = vector.shape_cast %broadcast_in_dim3A_51 : vector<16xf32> to vector<1x16xf32>
      tpu.vector_store %arg8[%swap3A_52, %swap3A_53], %swap3A_56 {strides = array<i32>} : memref<128x128xf32, #tpu.memory_space<vmem>>, vector<1x16xf32>,
      %broadcast_in_dim3A_57 = arith.constant 0.000000e+00 : f32
      %broadcast_in_dim3A_58 = vector.broadcast %broadcast_in_dim3A_57 : f32 to vector<16xf32>
      %swap3A_59 = arith.index_cast %scan3A_44 : i32 to index
      %swap3A_60 = arith.constant 32 : index
      %swap3A_61 = tpu.vector_load %arg8[%swap3A_59, %swap3A_60] {strides = array<i32>} : memref<128x128xf32, #tpu.memory_space<vmem>>, vector<1x16xf32>,
      %swap3A_62 = vector.shape_cast %swap3A_61 : vector<1x16xf32> to vector<16xf32>
      %swap3A_63 = vector.shape_cast %broadcast_in_dim3A_58 : vector<16xf32> to vector<1x16xf32>
      tpu.vector_store %arg8[%swap3A_59, %swap3A_60], %swap3A_63 {strides = array<i32>} : memref<128x128xf32, #tpu.memory_space<vmem>>, vector<1x16xf32>,
      %broadcast_in_dim3A_64 = arith.constant 0.000000e+00 : f32
      %broadcast_in_dim3A_65 = vector.broadcast %broadcast_in_dim3A_64 : f32 to vector<16xf32>
      %swap3A_66 = arith.index_cast %scan3A_44 : i32 to index
      %swap3A_67 = arith.constant 48 : index
      %swap3A_68 = tpu.vector_load %arg8[%swap3A_66, %swap3A_67] {strides = array<i32>} : memref<128x128xf32, #tpu.memory_space<vmem>>, vector<1x16xf32>,
      %swap3A_69 = vector.shape_cast %swap3A_68 : vector<1x16xf32> to vector<16xf32>
      %swap3A_70 = vector.shape_cast %broadcast_in_dim3A_65 : vector<16xf32> to vector<1x16xf32>
      tpu.vector_store %arg8[%swap3A_66, %swap3A_67], %swap3A_70 {strides = array<i32>} : memref<128x128xf32, #tpu.memory_space<vmem>>, vector<1x16xf32>,
      %broadcast_in_dim3A_71 = arith.constant 0.000000e+00 : f32
      %broadcast_in_dim3A_72 = vector.broadcast %broadcast_in_dim3A_71 : f32 to vector<16xf32>
      %swap3A_73 = arith.index_cast %scan3A_44 : i32 to index
      %swap3A_74 = arith.constant 64 : index
      %swap3A_75 = tpu.vector_load %arg8[%swap3A_73, %swap3A_74] {strides = array<i32>} : memref<128x128xf32, #tpu.memory_space<vmem>>, vector<1x16xf32>,
      %swap3A_76 = vector.shape_cast %swap3A_75 : vector<1x16xf32> to vector<16xf32>
      %swap3A_77 = vector.shape_cast %broadcast_in_dim3A_72 : vector<16xf32> to vector<1x16xf32>
      tpu.vector_store %arg8[%swap3A_73, %swap3A_74], %swap3A_77 {strides = array<i32>} : memref<128x128xf32, #tpu.memory_space<vmem>>, vector<1x16xf32>,
      %broadcast_in_dim3A_78 = arith.constant 0.000000e+00 : f32
      %broadcast_in_dim3A_79 = vector.broadcast %broadcast_in_dim3A_78 : f32 to vector<16xf32>
      %swap3A_80 = arith.index_cast %scan3A_44 : i32 to index
      %swap3A_81 = arith.constant 80 : index
      %swap3A_82 = tpu.vector_load %arg8[%swap3A_80, %swap3A_81] {strides = array<i32>} : memref<128x128xf32, #tpu.memory_space<vmem>>, vector<1x16xf32>,
      %swap3A_83 = vector.shape_cast %swap3A_82 : vector<1x16xf32> to vector<16xf32>
      %swap3A_84 = vector.shape_cast %broadcast_in_dim3A_79 : vector<16xf32> to vector<1x16xf32>
      tpu.vector_store %arg8[%swap3A_80, %swap3A_81], %swap3A_84 {strides = array<i32>} : memref<128x128xf32, #tpu.memory_space<vmem>>, vector<1x16xf32>,
      %broadcast_in_dim3A_85 = arith.constant 0.000000e+00 : f32
      %broadcast_in_dim3A_86 = vector.broadcast %broadcast_in_dim3A_85 : f32 to vector<16xf32>
      %swap3A_87 = arith.index_cast %scan3A_44 : i32 to index
      %swap3A_88 = arith.constant 96 : index
      %swap3A_89 = tpu.vector_load %arg8[%swap3A_87, %swap3A_88] {strides = array<i32>} : memref<128x128xf32, #tpu.memory_space<vmem>>, vector<1x16xf32>,
      %swap3A_90 = vector.shape_cast %swap3A_89 : vector<1x16xf32> to vector<16xf32>
      %swap3A_91 = vector.shape_cast %broadcast_in_dim3A_86 : vector<16xf32> to vector<1x16xf32>
      tpu.vector_store %arg8[%swap3A_87, %swap3A_88], %swap3A_91 {strides = array<i32>} : memref<128x128xf32, #tpu.memory_space<vmem>>, vector<1x16xf32>,
      %broadcast_in_dim3A_92 = arith.constant 0.000000e+00 : f32
      %broadcast_in_dim3A_93 = vector.broadcast %broadcast_in_dim3A_92 : f32 to vector<16xf32>
      %swap3A_94 = arith.index_cast %scan3A_44 : i32 to index
      %swap3A_95 = arith.constant 112 : index
      %swap3A_96 = tpu.vector_load %arg8[%swap3A_94, %swap3A_95] {strides = array<i32>} : memref<128x128xf32, #tpu.memory_space<vmem>>, vector<1x16xf32>,
      %swap3A_97 = vector.shape_cast %swap3A_96 : vector<1x16xf32> to vector<16xf32>
      %swap3A_98 = vector.shape_cast %broadcast_in_dim3A_93 : vector<16xf32> to vector<1x16xf32>
      tpu.vector_store %arg8[%swap3A_94, %swap3A_95], %swap3A_98 {strides = array<i32>} : memref<128x128xf32, #tpu.memory_space<vmem>>, vector<1x16xf32>,
    }
    %scan3A_5 = arith.constant 128 : i32
    %mul3A_6 = arith.constant 640 : i32
    %mul3A_7 = arith.muli %arg1, %mul3A_6 : i32
    %add3A_8 = arith.constant 0 : i32
    %add3A_9 = arith.addi %mul3A_7, %add3A_8 : i32
    "tpu.region"() ({
      %run_scoped3A_44 = tpu.sem_alloc : memref<!tpu.dma_semaphore, #tpu.memory_space<semaphore_mem>>
      %dma_start3A = arith.constant 0 : i32
      %dma_start3A_45 = tpu.memref_slice %arg10[%add3A_9, %dma_start3A] : memref<10240x128xf32, #tpu.memory_space<vmem_shared>> -> memref<128x128xf32, #tpu.memory_space<vmem_shared>>
      %dma_start3A_46 = arith.constant 0 : i32
      %dma_start3A_47 = tpu.memref_slice %arg10[%add3A_9, %dma_start3A_46] : memref<10240x128xf32, #tpu.memory_space<vmem_shared>> -> memref<128x128xf32, #tpu.memory_space<vmem_shared>>
      tpu.enqueue_dma source(%arg8 : memref<128x128xf32, #tpu.memory_space<vmem>>) target(%dma_start3A_47 : memref<128x128xf32, #tpu.memory_space<vmem_shared>>) target_semaphore(%run_scoped3A_44 : memref<!tpu.dma_semaphore, #tpu.memory_space<semaphore_mem>>)
      %dma_wait3A = arith.constant 0 : i32
      %dma_wait3A_48 = tpu.memref_slice %arg10[%add3A_9, %dma_wait3A] : memref<10240x128xf32, #tpu.memory_space<vmem_shared>> -> memref<128x128xf32, #tpu.memory_space<vmem_shared>>
      %dma_wait3A_49 = arith.constant 0 : i32
      %dma_wait3A_50 = tpu.memref_slice %arg10[%add3A_9, %dma_wait3A_49] : memref<10240x128xf32, #tpu.memory_space<vmem_shared>> -> memref<128x128xf32, #tpu.memory_space<vmem_shared>>
      tpu.wait_dma2 semaphore(%run_scoped3A_44 : memref<!tpu.dma_semaphore, #tpu.memory_space<semaphore_mem>>) src(%arg8 : memref<128x128xf32, #tpu.memory_space<vmem>>) dst(%dma_wait3A_50 : memref<128x128xf32, #tpu.memory_space<vmem_shared>>)
      tpu.yield
    }) : () -> ()
    %mul3A_10 = arith.constant 640 : i32
    %mul3A_11 = arith.muli %arg1, %mul3A_10 : i32
    %add3A_12 = arith.constant 128 : i32
    %add3A_13 = arith.addi %mul3A_11, %add3A_12 : i32
    "tpu.region"() ({
      %run_scoped3A_44 = tpu.sem_alloc : memref<!tpu.dma_semaphore, #tpu.memory_space<semaphore_mem>>
      %dma_start3A = arith.constant 0 : i32
      %dma_start3A_45 = tpu.memref_slice %arg10[%add3A_13, %dma_start3A] : memref<10240x128xf32, #tpu.memory_space<vmem_shared>> -> memref<128x128xf32, #tpu.memory_space<vmem_shared>>
      %dma_start3A_46 = arith.constant 0 : i32
      %dma_start3A_47 = tpu.memref_slice %arg10[%add3A_13, %dma_start3A_46] : memref<10240x128xf32, #tpu.memory_space<vmem_shared>> -> memref<128x128xf32, #tpu.memory_space<vmem_shared>>
      tpu.enqueue_dma source(%arg8 : memref<128x128xf32, #tpu.memory_space<vmem>>) target(%dma_start3A_47 : memref<128x128xf32, #tpu.memory_space<vmem_shared>>) target_semaphore(%run_scoped3A_44 : memref<!tpu.dma_semaphore, #tpu.memory_space<semaphore_mem>>)
      %dma_wait3A = arith.constant 0 : i32
      %dma_wait3A_48 = tpu.memref_slice %arg10[%add3A_13, %dma_wait3A] : memref<10240x128xf32, #tpu.memory_space<vmem_shared>> -> memref<128x128xf32, #tpu.memory_space<vmem_shared>>
      %dma_wait3A_49 = arith.constant 0 : i32
      %dma_wait3A_50 = tpu.memref_slice %arg10[%add3A_13, %dma_wait3A_49] : memref<10240x128xf32, #tpu.memory_space<vmem_shared>> -> memref<128x128xf32, #tpu.memory_space<vmem_shared>>
      tpu.wait_dma2 semaphore(%run_scoped3A_44 : memref<!tpu.dma_semaphore, #tpu.memory_space<semaphore_mem>>) src(%arg8 : memref<128x128xf32, #tpu.memory_space<vmem>>) dst(%dma_wait3A_50 : memref<128x128xf32, #tpu.memory_space<vmem_shared>>)
      tpu.yield
    }) : () -> ()
    %mul3A_14 = arith.constant 640 : i32
    %mul3A_15 = arith.muli %arg1, %mul3A_14 : i32
    %add3A_16 = arith.constant 256 : i32
    %add3A_17 = arith.addi %mul3A_15, %add3A_16 : i32
    "tpu.region"() ({
      %run_scoped3A_44 = tpu.sem_alloc : memref<!tpu.dma_semaphore, #tpu.memory_space<semaphore_mem>>
      %dma_start3A = arith.constant 0 : i32
      %dma_start3A_45 = tpu.memref_slice %arg10[%add3A_17, %dma_start3A] : memref<10240x128xf32, #tpu.memory_space<vmem_shared>> -> memref<128x128xf32, #tpu.memory_space<vmem_shared>>
      %dma_start3A_46 = arith.constant 0 : i32
      %dma_start3A_47 = tpu.memref_slice %arg10[%add3A_17, %dma_start3A_46] : memref<10240x128xf32, #tpu.memory_space<vmem_shared>> -> memref<128x128xf32, #tpu.memory_space<vmem_shared>>
      tpu.enqueue_dma source(%arg8 : memref<128x128xf32, #tpu.memory_space<vmem>>) target(%dma_start3A_47 : memref<128x128xf32, #tpu.memory_space<vmem_shared>>) target_semaphore(%run_scoped3A_44 : memref<!tpu.dma_semaphore, #tpu.memory_space<semaphore_mem>>)
      %dma_wait3A = arith.constant 0 : i32
      %dma_wait3A_48 = tpu.memref_slice %arg10[%add3A_17, %dma_wait3A] : memref<10240x128xf32, #tpu.memory_space<vmem_shared>> -> memref<128x128xf32, #tpu.memory_space<vmem_shared>>
      %dma_wait3A_49 = arith.constant 0 : i32
      %dma_wait3A_50 = tpu.memref_slice %arg10[%add3A_17, %dma_wait3A_49] : memref<10240x128xf32, #tpu.memory_space<vmem_shared>> -> memref<128x128xf32, #tpu.memory_space<vmem_shared>>
      tpu.wait_dma2 semaphore(%run_scoped3A_44 : memref<!tpu.dma_semaphore, #tpu.memory_space<semaphore_mem>>) src(%arg8 : memref<128x128xf32, #tpu.memory_space<vmem>>) dst(%dma_wait3A_50 : memref<128x128xf32, #tpu.memory_space<vmem_shared>>)
      tpu.yield
    }) : () -> ()
    %mul3A_18 = arith.constant 640 : i32
    %mul3A_19 = arith.muli %arg1, %mul3A_18 : i32
    %add3A_20 = arith.constant 384 : i32
    %add3A_21 = arith.addi %mul3A_19, %add3A_20 : i32
    "tpu.region"() ({
      %run_scoped3A_44 = tpu.sem_alloc : memref<!tpu.dma_semaphore, #tpu.memory_space<semaphore_mem>>
      %dma_start3A = arith.constant 0 : i32
      %dma_start3A_45 = tpu.memref_slice %arg10[%add3A_21, %dma_start3A] : memref<10240x128xf32, #tpu.memory_space<vmem_shared>> -> memref<128x128xf32, #tpu.memory_space<vmem_shared>>
      %dma_start3A_46 = arith.constant 0 : i32
      %dma_start3A_47 = tpu.memref_slice %arg10[%add3A_21, %dma_start3A_46] : memref<10240x128xf32, #tpu.memory_space<vmem_shared>> -> memref<128x128xf32, #tpu.memory_space<vmem_shared>>
      tpu.enqueue_dma source(%arg8 : memref<128x128xf32, #tpu.memory_space<vmem>>) target(%dma_start3A_47 : memref<128x128xf32, #tpu.memory_space<vmem_shared>>) target_semaphore(%run_scoped3A_44 : memref<!tpu.dma_semaphore, #tpu.memory_space<semaphore_mem>>)
      %dma_wait3A = arith.constant 0 : i32
      %dma_wait3A_48 = tpu.memref_slice %arg10[%add3A_21, %dma_wait3A] : memref<10240x128xf32, #tpu.memory_space<vmem_shared>> -> memref<128x128xf32, #tpu.memory_space<vmem_shared>>
      %dma_wait3A_49 = arith.constant 0 : i32
      %dma_wait3A_50 = tpu.memref_slice %arg10[%add3A_21, %dma_wait3A_49] : memref<10240x128xf32, #tpu.memory_space<vmem_shared>> -> memref<128x128xf32, #tpu.memory_space<vmem_shared>>
      tpu.wait_dma2 semaphore(%run_scoped3A_44 : memref<!tpu.dma_semaphore, #tpu.memory_space<semaphore_mem>>) src(%arg8 : memref<128x128xf32, #tpu.memory_space<vmem>>) dst(%dma_wait3A_50 : memref<128x128xf32, #tpu.memory_space<vmem_shared>>)
      tpu.yield
    }) : () -> ()
    %mul3A_22 = arith.constant 640 : i32
    %mul3A_23 = arith.muli %arg1, %mul3A_22 : i32
    %add3A_24 = arith.constant 512 : i32
    %add3A_25 = arith.addi %mul3A_23, %add3A_24 : i32
    "tpu.region"() ({
      %run_scoped3A_44 = tpu.sem_alloc : memref<!tpu.dma_semaphore, #tpu.memory_space<semaphore_mem>>
      %dma_start3A = arith.constant 0 : i32
      %dma_start3A_45 = tpu.memref_slice %arg10[%add3A_25, %dma_start3A] : memref<10240x128xf32, #tpu.memory_space<vmem_shared>> -> memref<128x128xf32, #tpu.memory_space<vmem_shared>>
      %dma_start3A_46 = arith.constant 0 : i32
      %dma_start3A_47 = tpu.memref_slice %arg10[%add3A_25, %dma_start3A_46] : memref<10240x128xf32, #tpu.memory_space<vmem_shared>> -> memref<128x128xf32, #tpu.memory_space<vmem_shared>>
      tpu.enqueue_dma source(%arg8 : memref<128x128xf32, #tpu.memory_space<vmem>>) target(%dma_start3A_47 : memref<128x128xf32, #tpu.memory_space<vmem_shared>>) target_semaphore(%run_scoped3A_44 : memref<!tpu.dma_semaphore, #tpu.memory_space<semaphore_mem>>)
      %dma_wait3A = arith.constant 0 : i32
      %dma_wait3A_48 = tpu.memref_slice %arg10[%add3A_25, %dma_wait3A] : memref<10240x128xf32, #tpu.memory_space<vmem_shared>> -> memref<128x128xf32, #tpu.memory_space<vmem_shared>>
      %dma_wait3A_49 = arith.constant 0 : i32
      %dma_wait3A_50 = tpu.memref_slice %arg10[%add3A_25, %dma_wait3A_49] : memref<10240x128xf32, #tpu.memory_space<vmem_shared>> -> memref<128x128xf32, #tpu.memory_space<vmem_shared>>
      tpu.wait_dma2 semaphore(%run_scoped3A_44 : memref<!tpu.dma_semaphore, #tpu.memory_space<semaphore_mem>>) src(%arg8 : memref<128x128xf32, #tpu.memory_space<vmem>>) dst(%dma_wait3A_50 : memref<128x128xf32, #tpu.memory_space<vmem_shared>>)
      tpu.yield
    }) : () -> ()
    %run_scoped3A = arith.constant 0 : i32
    %run_scoped3A_26 = arith.constant 0 : i32
    "tpu.region"() ({
      %run_scoped3A_44 = tpu.sem_alloc : memref<!tpu.dma_semaphore, #tpu.memory_space<semaphore_mem>>
      %dma_start3A = arith.constant 0 : i32
      %dma_start3A_45 = arith.constant 0 : i32
      %dma_start3A_46 = tpu.memref_slice %arg6[%run_scoped3A_26, %dma_start3A, %dma_start3A_45] : memref<2x2x128xi32, #tpu.memory_space<vmem>> -> memref<1x2x128xi32, #tpu.memory_space<vmem>>
      %dma_start3A_47 = tpu.memref_squeeze %dma_start3A_46 : memref<1x2x128xi32, #tpu.memory_space<vmem>> -> memref<2x128xi32, #tpu.memory_space<vmem>>
      %dma_start3A_48 = arith.constant 0 : i32
      %dma_start3A_49 = arith.constant 0 : i32
      %dma_start3A_50 = tpu.memref_slice %arg3[%add3A, %run_scoped3A, %dma_start3A_48, %dma_start3A_49] : memref<32x42x2x128xi32, #tpu.memory_space<hbm>> -> memref<1x1x2x128xi32, #tpu.memory_space<hbm>>
      %dma_start3A_51 = tpu.memref_squeeze %dma_start3A_50 : memref<1x1x2x128xi32, #tpu.memory_space<hbm>> -> memref<2x128xi32, #tpu.memory_space<hbm>>
      %dma_start3A_52 = arith.constant 0 : i32
      %dma_start3A_53 = arith.constant 0 : i32
      %dma_start3A_54 = tpu.memref_slice %arg6[%run_scoped3A_26, %dma_start3A_52, %dma_start3A_53] : memref<2x2x128xi32, #tpu.memory_space<vmem>> -> memref<1x2x128xi32, #tpu.memory_space<vmem>>
      %dma_start3A_55 = tpu.memref_squeeze %dma_start3A_54 : memref<1x2x128xi32, #tpu.memory_space<vmem>> -> memref<2x128xi32, #tpu.memory_space<vmem>>
      %dma_start3A_56 = arith.constant 0 : i32
      %dma_start3A_57 = arith.constant 0 : i32
      %dma_start3A_58 = tpu.memref_slice %arg3[%add3A, %run_scoped3A, %dma_start3A_56, %dma_start3A_57] : memref<32x42x2x128xi32, #tpu.memory_space<hbm>> -> memref<1x1x2x128xi32, #tpu.memory_space<hbm>>
      %dma_start3A_59 = tpu.memref_squeeze %dma_start3A_58 : memref<1x1x2x128xi32, #tpu.memory_space<hbm>> -> memref<2x128xi32, #tpu.memory_space<hbm>>
      tpu.enqueue_dma source(%dma_start3A_59 : memref<2x128xi32, #tpu.memory_space<hbm>>) target(%dma_start3A_55 : memref<2x128xi32, #tpu.memory_space<vmem>>) target_semaphore(%run_scoped3A_44 : memref<!tpu.dma_semaphore, #tpu.memory_space<semaphore_mem>>)
      %dma_wait3A = arith.constant 0 : i32
      %dma_wait3A_60 = arith.constant 0 : i32
      %dma_wait3A_61 = tpu.memref_slice %arg6[%run_scoped3A_26, %dma_wait3A, %dma_wait3A_60] : memref<2x2x128xi32, #tpu.memory_space<vmem>> -> memref<1x2x128xi32, #tpu.memory_space<vmem>>
      %dma_wait3A_62 = tpu.memref_squeeze %dma_wait3A_61 : memref<1x2x128xi32, #tpu.memory_space<vmem>> -> memref<2x128xi32, #tpu.memory_space<vmem>>
      %dma_wait3A_63 = arith.constant 0 : i32
      %dma_wait3A_64 = arith.constant 0 : i32
      %dma_wait3A_65 = tpu.memref_slice %arg3[%add3A, %run_scoped3A, %dma_wait3A_63, %dma_wait3A_64] : memref<32x42x2x128xi32, #tpu.memory_space<hbm>> -> memref<1x1x2x128xi32, #tpu.memory_space<hbm>>
      %dma_wait3A_66 = tpu.memref_squeeze %dma_wait3A_65 : memref<1x1x2x128xi32, #tpu.memory_space<hbm>> -> memref<2x128xi32, #tpu.memory_space<hbm>>
      %dma_wait3A_67 = arith.constant 0 : i32
      %dma_wait3A_68 = arith.constant 0 : i32
      %dma_wait3A_69 = tpu.memref_slice %arg6[%run_scoped3A_26, %dma_wait3A_67, %dma_wait3A_68] : memref<2x2x128xi32, #tpu.memory_space<vmem>> -> memref<1x2x128xi32, #tpu.memory_space<vmem>>
      %dma_wait3A_70 = tpu.memref_squeeze %dma_wait3A_69 : memref<1x2x128xi32, #tpu.memory_space<vmem>> -> memref<2x128xi32, #tpu.memory_space<vmem>>
      %dma_wait3A_71 = arith.constant 0 : i32
      %dma_wait3A_72 = arith.constant 0 : i32
      %dma_wait3A_73 = tpu.memref_slice %arg3[%add3A, %run_scoped3A, %dma_wait3A_71, %dma_wait3A_72] : memref<32x42x2x128xi32, #tpu.memory_space<hbm>> -> memref<1x1x2x128xi32, #tpu.memory_space<hbm>>
      %dma_wait3A_74 = tpu.memref_squeeze %dma_wait3A_73 : memref<1x1x2x128xi32, #tpu.memory_space<hbm>> -> memref<2x128xi32, #tpu.memory_space<hbm>>
      tpu.wait_dma2 semaphore(%run_scoped3A_44 : memref<!tpu.dma_semaphore, #tpu.memory_space<semaphore_mem>>) src(%dma_wait3A_74 : memref<2x128xi32, #tpu.memory_space<hbm>>) dst(%dma_wait3A_70 : memref<2x128xi32, #tpu.memory_space<vmem>>)
      tpu.yield
    }) : () -> ()
    %run_scoped3A_27 = arith.constant 0 : i32
    %run_scoped3A_28 = arith.constant 0 : i32
    "tpu.region"() ({
      %run_scoped3A_44 = tpu.sem_alloc : memref<!tpu.dma_semaphore, #tpu.memory_space<semaphore_mem>>
      %dma_start3A = arith.constant 0 : i32
      %dma_start3A_45 = arith.constant 0 : i32
      %dma_start3A_46 = tpu.memref_slice %arg7[%run_scoped3A_28, %dma_start3A, %dma_start3A_45] : memref<2x2x128xi32, #tpu.memory_space<vmem>> -> memref<1x2x128xi32, #tpu.memory_space<vmem>>
      %dma_start3A_47 = tpu.memref_squeeze %dma_start3A_46 : memref<1x2x128xi32, #tpu.memory_space<vmem>> -> memref<2x128xi32, #tpu.memory_space<vmem>>
      %dma_start3A_48 = arith.constant 0 : i32
      %dma_start3A_49 = arith.constant 0 : i32
      %dma_start3A_50 = tpu.memref_slice %arg4[%add3A, %run_scoped3A_27, %dma_start3A_48, %dma_start3A_49] : memref<32x42x2x128xi32, #tpu.memory_space<hbm>> -> memref<1x1x2x128xi32, #tpu.memory_space<hbm>>
      %dma_start3A_51 = tpu.memref_squeeze %dma_start3A_50 : memref<1x1x2x128xi32, #tpu.memory_space<hbm>> -> memref<2x128xi32, #tpu.memory_space<hbm>>
      %dma_start3A_52 = arith.constant 0 : i32
      %dma_start3A_53 = arith.constant 0 : i32
      %dma_start3A_54 = tpu.memref_slice %arg7[%run_scoped3A_28, %dma_start3A_52, %dma_start3A_53] : memref<2x2x128xi32, #tpu.memory_space<vmem>> -> memref<1x2x128xi32, #tpu.memory_space<vmem>>
      %dma_start3A_55 = tpu.memref_squeeze %dma_start3A_54 : memref<1x2x128xi32, #tpu.memory_space<vmem>> -> memref<2x128xi32, #tpu.memory_space<vmem>>
      %dma_start3A_56 = arith.constant 0 : i32
      %dma_start3A_57 = arith.constant 0 : i32
      %dma_start3A_58 = tpu.memref_slice %arg4[%add3A, %run_scoped3A_27, %dma_start3A_56, %dma_start3A_57] : memref<32x42x2x128xi32, #tpu.memory_space<hbm>> -> memref<1x1x2x128xi32, #tpu.memory_space<hbm>>
      %dma_start3A_59 = tpu.memref_squeeze %dma_start3A_58 : memref<1x1x2x128xi32, #tpu.memory_space<hbm>> -> memref<2x128xi32, #tpu.memory_space<hbm>>
      tpu.enqueue_dma source(%dma_start3A_59 : memref<2x128xi32, #tpu.memory_space<hbm>>) target(%dma_start3A_55 : memref<2x128xi32, #tpu.memory_space<vmem>>) target_semaphore(%run_scoped3A_44 : memref<!tpu.dma_semaphore, #tpu.memory_space<semaphore_mem>>)
      %dma_wait3A = arith.constant 0 : i32
      %dma_wait3A_60 = arith.constant 0 : i32
      %dma_wait3A_61 = tpu.memref_slice %arg7[%run_scoped3A_28, %dma_wait3A, %dma_wait3A_60] : memref<2x2x128xi32, #tpu.memory_space<vmem>> -> memref<1x2x128xi32, #tpu.memory_space<vmem>>
      %dma_wait3A_62 = tpu.memref_squeeze %dma_wait3A_61 : memref<1x2x128xi32, #tpu.memory_space<vmem>> -> memref<2x128xi32, #tpu.memory_space<vmem>>
      %dma_wait3A_63 = arith.constant 0 : i32
      %dma_wait3A_64 = arith.constant 0 : i32
      %dma_wait3A_65 = tpu.memref_slice %arg4[%add3A, %run_scoped3A_27, %dma_wait3A_63, %dma_wait3A_64] : memref<32x42x2x128xi32, #tpu.memory_space<hbm>> -> memref<1x1x2x128xi32, #tpu.memory_space<hbm>>
      %dma_wait3A_66 = tpu.memref_squeeze %dma_wait3A_65 : memref<1x1x2x128xi32, #tpu.memory_space<hbm>> -> memref<2x128xi32, #tpu.memory_space<hbm>>
      %dma_wait3A_67 = arith.constant 0 : i32
      %dma_wait3A_68 = arith.constant 0 : i32
      %dma_wait3A_69 = tpu.memref_slice %arg7[%run_scoped3A_28, %dma_wait3A_67, %dma_wait3A_68] : memref<2x2x128xi32, #tpu.memory_space<vmem>> -> memref<1x2x128xi32, #tpu.memory_space<vmem>>
      %dma_wait3A_70 = tpu.memref_squeeze %dma_wait3A_69 : memref<1x2x128xi32, #tpu.memory_space<vmem>> -> memref<2x128xi32, #tpu.memory_space<vmem>>
      %dma_wait3A_71 = arith.constant 0 : i32
      %dma_wait3A_72 = arith.constant 0 : i32
      %dma_wait3A_73 = tpu.memref_slice %arg4[%add3A, %run_scoped3A_27, %dma_wait3A_71, %dma_wait3A_72] : memref<32x42x2x128xi32, #tpu.memory_space<hbm>> -> memref<1x1x2x128xi32, #tpu.memory_space<hbm>>
      %dma_wait3A_74 = tpu.memref_squeeze %dma_wait3A_73 : memref<1x1x2x128xi32, #tpu.memory_space<hbm>> -> memref<2x128xi32, #tpu.memory_space<hbm>>
      tpu.wait_dma2 semaphore(%run_scoped3A_44 : memref<!tpu.dma_semaphore, #tpu.memory_space<semaphore_mem>>) src(%dma_wait3A_74 : memref<2x128xi32, #tpu.memory_space<hbm>>) dst(%dma_wait3A_70 : memref<2x128xi32, #tpu.memory_space<vmem>>)
      tpu.yield
    }) : () -> ()
    %run_scoped3A_29 = arith.constant 1 : i32
    %run_scoped3A_30 = arith.constant 1 : i32
    "tpu.region"() ({
      %run_scoped3A_44 = tpu.sem_alloc : memref<!tpu.dma_semaphore, #tpu.memory_space<semaphore_mem>>
      %dma_start3A = arith.constant 0 : i32
      %dma_start3A_45 = arith.constant 0 : i32
      %dma_start3A_46 = tpu.memref_slice %arg6[%run_scoped3A_30, %dma_start3A, %dma_start3A_45] : memref<2x2x128xi32, #tpu.memory_space<vmem>> -> memref<1x2x128xi32, #tpu.memory_space<vmem>>
      %dma_start3A_47 = tpu.memref_squeeze %dma_start3A_46 : memref<1x2x128xi32, #tpu.memory_space<vmem>> -> memref<2x128xi32, #tpu.memory_space<vmem>>
      %dma_start3A_48 = arith.constant 0 : i32
      %dma_start3A_49 = arith.constant 0 : i32
      %dma_start3A_50 = tpu.memref_slice %arg3[%add3A, %run_scoped3A_29, %dma_start3A_48, %dma_start3A_49] : memref<32x42x2x128xi32, #tpu.memory_space<hbm>> -> memref<1x1x2x128xi32, #tpu.memory_space<hbm>>
      %dma_start3A_51 = tpu.memref_squeeze %dma_start3A_50 : memref<1x1x2x128xi32, #tpu.memory_space<hbm>> -> memref<2x128xi32, #tpu.memory_space<hbm>>
      %dma_start3A_52 = arith.constant 0 : i32
      %dma_start3A_53 = arith.constant 0 : i32
      %dma_start3A_54 = tpu.memref_slice %arg6[%run_scoped3A_30, %dma_start3A_52, %dma_start3A_53] : memref<2x2x128xi32, #tpu.memory_space<vmem>> -> memref<1x2x128xi32, #tpu.memory_space<vmem>>
      %dma_start3A_55 = tpu.memref_squeeze %dma_start3A_54 : memref<1x2x128xi32, #tpu.memory_space<vmem>> -> memref<2x128xi32, #tpu.memory_space<vmem>>
      %dma_start3A_56 = arith.constant 0 : i32
      %dma_start3A_57 = arith.constant 0 : i32
      %dma_start3A_58 = tpu.memref_slice %arg3[%add3A, %run_scoped3A_29, %dma_start3A_56, %dma_start3A_57] : memref<32x42x2x128xi32, #tpu.memory_space<hbm>> -> memref<1x1x2x128xi32, #tpu.memory_space<hbm>>
      %dma_start3A_59 = tpu.memref_squeeze %dma_start3A_58 : memref<1x1x2x128xi32, #tpu.memory_space<hbm>> -> memref<2x128xi32, #tpu.memory_space<hbm>>
      tpu.enqueue_dma source(%dma_start3A_59 : memref<2x128xi32, #tpu.memory_space<hbm>>) target(%dma_start3A_55 : memref<2x128xi32, #tpu.memory_space<vmem>>) target_semaphore(%run_scoped3A_44 : memref<!tpu.dma_semaphore, #tpu.memory_space<semaphore_mem>>)
      %dma_wait3A = arith.constant 0 : i32
      %dma_wait3A_60 = arith.constant 0 : i32
      %dma_wait3A_61 = tpu.memref_slice %arg6[%run_scoped3A_30, %dma_wait3A, %dma_wait3A_60] : memref<2x2x128xi32, #tpu.memory_space<vmem>> -> memref<1x2x128xi32, #tpu.memory_space<vmem>>
      %dma_wait3A_62 = tpu.memref_squeeze %dma_wait3A_61 : memref<1x2x128xi32, #tpu.memory_space<vmem>> -> memref<2x128xi32, #tpu.memory_space<vmem>>
      %dma_wait3A_63 = arith.constant 0 : i32
      %dma_wait3A_64 = arith.constant 0 : i32
      %dma_wait3A_65 = tpu.memref_slice %arg3[%add3A, %run_scoped3A_29, %dma_wait3A_63, %dma_wait3A_64] : memref<32x42x2x128xi32, #tpu.memory_space<hbm>> -> memref<1x1x2x128xi32, #tpu.memory_space<hbm>>
      %dma_wait3A_66 = tpu.memref_squeeze %dma_wait3A_65 : memref<1x1x2x128xi32, #tpu.memory_space<hbm>> -> memref<2x128xi32, #tpu.memory_space<hbm>>
      %dma_wait3A_67 = arith.constant 0 : i32
      %dma_wait3A_68 = arith.constant 0 : i32
      %dma_wait3A_69 = tpu.memref_slice %arg6[%run_scoped3A_30, %dma_wait3A_67, %dma_wait3A_68] : memref<2x2x128xi32, #tpu.memory_space<vmem>> -> memref<1x2x128xi32, #tpu.memory_space<vmem>>
      %dma_wait3A_70 = tpu.memref_squeeze %dma_wait3A_69 : memref<1x2x128xi32, #tpu.memory_space<vmem>> -> memref<2x128xi32, #tpu.memory_space<vmem>>
      %dma_wait3A_71 = arith.constant 0 : i32
      %dma_wait3A_72 = arith.constant 0 : i32
      %dma_wait3A_73 = tpu.memref_slice %arg3[%add3A, %run_scoped3A_29, %dma_wait3A_71, %dma_wait3A_72] : memref<32x42x2x128xi32, #tpu.memory_space<hbm>> -> memref<1x1x2x128xi32, #tpu.memory_space<hbm>>
      %dma_wait3A_74 = tpu.memref_squeeze %dma_wait3A_73 : memref<1x1x2x128xi32, #tpu.memory_space<hbm>> -> memref<2x128xi32, #tpu.memory_space<hbm>>
      tpu.wait_dma2 semaphore(%run_scoped3A_44 : memref<!tpu.dma_semaphore, #tpu.memory_space<semaphore_mem>>) src(%dma_wait3A_74 : memref<2x128xi32, #tpu.memory_space<hbm>>) dst(%dma_wait3A_70 : memref<2x128xi32, #tpu.memory_space<vmem>>)
      tpu.yield
    }) : () -> ()
    %run_scoped3A_31 = arith.constant 1 : i32
    %run_scoped3A_32 = arith.constant 1 : i32
    "tpu.region"() ({
      %run_scoped3A_44 = tpu.sem_alloc : memref<!tpu.dma_semaphore, #tpu.memory_space<semaphore_mem>>
      %dma_start3A = arith.constant 0 : i32
      %dma_start3A_45 = arith.constant 0 : i32
      %dma_start3A_46 = tpu.memref_slice %arg7[%run_scoped3A_32, %dma_start3A, %dma_start3A_45] : memref<2x2x128xi32, #tpu.memory_space<vmem>> -> memref<1x2x128xi32, #tpu.memory_space<vmem>>
      %dma_start3A_47 = tpu.memref_squeeze %dma_start3A_46 : memref<1x2x128xi32, #tpu.memory_space<vmem>> -> memref<2x128xi32, #tpu.memory_space<vmem>>
      %dma_start3A_48 = arith.constant 0 : i32
      %dma_start3A_49 = arith.constant 0 : i32
      %dma_start3A_50 = tpu.memref_slice %arg4[%add3A, %run_scoped3A_31, %dma_start3A_48, %dma_start3A_49] : memref<32x42x2x128xi32, #tpu.memory_space<hbm>> -> memref<1x1x2x128xi32, #tpu.memory_space<hbm>>
      %dma_start3A_51 = tpu.memref_squeeze %dma_start3A_50 : memref<1x1x2x128xi32, #tpu.memory_space<hbm>> -> memref<2x128xi32, #tpu.memory_space<hbm>>
      %dma_start3A_52 = arith.constant 0 : i32
      %dma_start3A_53 = arith.constant 0 : i32
      %dma_start3A_54 = tpu.memref_slice %arg7[%run_scoped3A_32, %dma_start3A_52, %dma_start3A_53] : memref<2x2x128xi32, #tpu.memory_space<vmem>> -> memref<1x2x128xi32, #tpu.memory_space<vmem>>
      %dma_start3A_55 = tpu.memref_squeeze %dma_start3A_54 : memref<1x2x128xi32, #tpu.memory_space<vmem>> -> memref<2x128xi32, #tpu.memory_space<vmem>>
      %dma_start3A_56 = arith.constant 0 : i32
      %dma_start3A_57 = arith.constant 0 : i32
      %dma_start3A_58 = tpu.memref_slice %arg4[%add3A, %run_scoped3A_31, %dma_start3A_56, %dma_start3A_57] : memref<32x42x2x128xi32, #tpu.memory_space<hbm>> -> memref<1x1x2x128xi32, #tpu.memory_space<hbm>>
      %dma_start3A_59 = tpu.memref_squeeze %dma_start3A_58 : memref<1x1x2x128xi32, #tpu.memory_space<hbm>> -> memref<2x128xi32, #tpu.memory_space<hbm>>
      tpu.enqueue_dma source(%dma_start3A_59 : memref<2x128xi32, #tpu.memory_space<hbm>>) target(%dma_start3A_55 : memref<2x128xi32, #tpu.memory_space<vmem>>) target_semaphore(%run_scoped3A_44 : memref<!tpu.dma_semaphore, #tpu.memory_space<semaphore_mem>>)
      %dma_wait3A = arith.constant 0 : i32
      %dma_wait3A_60 = arith.constant 0 : i32
      %dma_wait3A_61 = tpu.memref_slice %arg7[%run_scoped3A_32, %dma_wait3A, %dma_wait3A_60] : memref<2x2x128xi32, #tpu.memory_space<vmem>> -> memref<1x2x128xi32, #tpu.memory_space<vmem>>
      %dma_wait3A_62 = tpu.memref_squeeze %dma_wait3A_61 : memref<1x2x128xi32, #tpu.memory_space<vmem>> -> memref<2x128xi32, #tpu.memory_space<vmem>>
      %dma_wait3A_63 = arith.constant 0 : i32
      %dma_wait3A_64 = arith.constant 0 : i32
      %dma_wait3A_65 = tpu.memref_slice %arg4[%add3A, %run_scoped3A_31, %dma_wait3A_63, %dma_wait3A_64] : memref<32x42x2x128xi32, #tpu.memory_space<hbm>> -> memref<1x1x2x128xi32, #tpu.memory_space<hbm>>
      %dma_wait3A_66 = tpu.memref_squeeze %dma_wait3A_65 : memref<1x1x2x128xi32, #tpu.memory_space<hbm>> -> memref<2x128xi32, #tpu.memory_space<hbm>>
      %dma_wait3A_67 = arith.constant 0 : i32
      %dma_wait3A_68 = arith.constant 0 : i32
      %dma_wait3A_69 = tpu.memref_slice %arg7[%run_scoped3A_32, %dma_wait3A_67, %dma_wait3A_68] : memref<2x2x128xi32, #tpu.memory_space<vmem>> -> memref<1x2x128xi32, #tpu.memory_space<vmem>>
      %dma_wait3A_70 = tpu.memref_squeeze %dma_wait3A_69 : memref<1x2x128xi32, #tpu.memory_space<vmem>> -> memref<2x128xi32, #tpu.memory_space<vmem>>
      %dma_wait3A_71 = arith.constant 0 : i32
      %dma_wait3A_72 = arith.constant 0 : i32
      %dma_wait3A_73 = tpu.memref_slice %arg4[%add3A, %run_scoped3A_31, %dma_wait3A_71, %dma_wait3A_72] : memref<32x42x2x128xi32, #tpu.memory_space<hbm>> -> memref<1x1x2x128xi32, #tpu.memory_space<hbm>>
      %dma_wait3A_74 = tpu.memref_squeeze %dma_wait3A_73 : memref<1x1x2x128xi32, #tpu.memory_space<hbm>> -> memref<2x128xi32, #tpu.memory_space<hbm>>
      tpu.wait_dma2 semaphore(%run_scoped3A_44 : memref<!tpu.dma_semaphore, #tpu.memory_space<semaphore_mem>>) src(%dma_wait3A_74 : memref<2x128xi32, #tpu.memory_space<hbm>>) dst(%dma_wait3A_70 : memref<2x128xi32, #tpu.memory_space<vmem>>)
      tpu.yield
    }) : () -> ()
    %barrier3A = arith.constant 0 : index
    tpu.barrier barrier_id(%barrier3A)
    %scan3A_33 = arith.constant 0 : i32
    %scan3A_34 = arith.constant 0 : i32
    %scan3A_35 = arith.constant 20 : i32
    %scan3A_36 = arith.addi %scan3A_34, %scan3A_35 : i32
    %scan3A_37 = arith.constant 1 : i32
    scf.for %scan3A_44 = %scan3A_34 to %scan3A_36 step %scan3A_37  : i32 {
      %mul3A_45 = arith.constant 2 : i32
      %mul3A_46 = arith.muli %mul3A_45, %scan3A_44 : i32
      %dma_start3A = arith.constant 0 : i32
      %dma_start3A_47 = arith.constant 0 : i32
      %dma_start3A_48 = arith.constant 0 : i32
      %dma_start3A_49 = tpu.memref_slice %arg6[%dma_start3A, %dma_start3A_47, %dma_start3A_48] : memref<2x2x128xi32, #tpu.memory_space<vmem>> -> memref<1x1x128xi32, #tpu.memory_space<vmem>>
      %dma_start3A_50 = tpu.memref_squeeze %dma_start3A_49 : memref<1x1x128xi32, #tpu.memory_space<vmem>> -> memref<128xi32, #tpu.memory_space<vmem>>
      %dma_start3A_51 = arith.constant 0 : i32
      %dma_start3A_52 = arith.constant 0 : i32
      %dma_start3A_53 = tpu.memref_slice %arg2[%dma_start3A_51, %dma_start3A_52] : memref<10240x128xf32, #tpu.memory_space<hbm>> -> memref<10240x128xf32, #tpu.memory_space<hbm>>
      tpu.enqueue_indirect_dma source(%dma_start3A_53 : memref<10240x128xf32, #tpu.memory_space<hbm>>) target(%arg8 : memref<128x128xf32, #tpu.memory_space<vmem>>) offsets(%dma_start3A_50 : memref<128xi32, #tpu.memory_space<vmem>>) semaphore(%arg11 : memref<!tpu.dma_semaphore, #tpu.memory_space<semaphore_mem>>)
      %dma_start3A_54 = arith.constant 0 : i32
      %dma_start3A_55 = arith.constant 1 : i32
      %dma_start3A_56 = arith.constant 0 : i32
      %dma_start3A_57 = tpu.memref_slice %arg6[%dma_start3A_54, %dma_start3A_55, %dma_start3A_56] : memref<2x2x128xi32, #tpu.memory_space<vmem>> -> memref<1x1x128xi32, #tpu.memory_space<vmem>>
      %dma_start3A_58 = tpu.memref_squeeze %dma_start3A_57 : memref<1x1x128xi32, #tpu.memory_space<vmem>> -> memref<128xi32, #tpu.memory_space<vmem>>
      %dma_start3A_59 = arith.constant 0 : i32
      %dma_start3A_60 = arith.constant 0 : i32
      %dma_start3A_61 = tpu.memref_slice %arg2[%dma_start3A_59, %dma_start3A_60] : memref<10240x128xf32, #tpu.memory_space<hbm>> -> memref<10240x128xf32, #tpu.memory_space<hbm>>
      tpu.enqueue_indirect_dma source(%dma_start3A_61 : memref<10240x128xf32, #tpu.memory_space<hbm>>) target(%arg9 : memref<128x128xf32, #tpu.memory_space<vmem>>) offsets(%dma_start3A_58 : memref<128xi32, #tpu.memory_space<vmem>>) semaphore(%arg12 : memref<!tpu.dma_semaphore, #tpu.memory_space<semaphore_mem>>)
      %dma_wait3A = arith.constant 0 : i32
      %dma_wait3A_62 = arith.constant 0 : i32
      %dma_wait3A_63 = arith.constant 0 : i32
      %dma_wait3A_64 = tpu.memref_slice %arg6[%dma_wait3A, %dma_wait3A_62, %dma_wait3A_63] : memref<2x2x128xi32, #tpu.memory_space<vmem>> -> memref<1x1x128xi32, #tpu.memory_space<vmem>>
      %dma_wait3A_65 = tpu.memref_squeeze %dma_wait3A_64 : memref<1x1x128xi32, #tpu.memory_space<vmem>> -> memref<128xi32, #tpu.memory_space<vmem>>
      %dma_wait3A_66 = arith.constant 0 : i32
      %dma_wait3A_67 = arith.constant 0 : i32
      %dma_wait3A_68 = tpu.memref_slice %arg2[%dma_wait3A_66, %dma_wait3A_67] : memref<10240x128xf32, #tpu.memory_space<hbm>> -> memref<10240x128xf32, #tpu.memory_space<hbm>>
      tpu.wait_indirect_dma semaphore(%arg11 : memref<!tpu.dma_semaphore, #tpu.memory_space<semaphore_mem>>) src(%dma_wait3A_68 : memref<10240x128xf32, #tpu.memory_space<hbm>>) dst(%arg8 : memref<128x128xf32, #tpu.memory_space<vmem>>)
      %run_scoped3A_69 = arith.constant 0 : i32
      %run_scoped3A_70 = arith.constant 0 : i32
      "tpu.region"() ({
        %run_scoped3A_261 = tpu.sem_alloc : memref<!tpu.dma_semaphore, #tpu.memory_space<semaphore_mem>>
        %dma_start3A_262 = arith.constant 0 : i32
        %dma_start3A_263 = tpu.memref_slice %arg7[%run_scoped3A_69, %run_scoped3A_70, %dma_start3A_262] : memref<2x2x128xi32, #tpu.memory_space<vmem>> -> memref<1x1x128xi32, #tpu.memory_space<vmem>>
        %dma_start3A_264 = tpu.memref_squeeze %dma_start3A_263 : memref<1x1x128xi32, #tpu.memory_space<vmem>> -> memref<128xi32, #tpu.memory_space<vmem>>
        %dma_start3A_265 = arith.constant 0 : i32
        %dma_start3A_266 = arith.constant 0 : i32
        %dma_start3A_267 = tpu.memref_slice %arg10[%dma_start3A_265, %dma_start3A_266] : memref<10240x128xf32, #tpu.memory_space<vmem_shared>> -> memref<10240x128xf32, #tpu.memory_space<vmem_shared>>
        tpu.enqueue_indirect_dma source(%arg8 : memref<128x128xf32, #tpu.memory_space<vmem>>) target(%dma_start3A_267 : memref<10240x128xf32, #tpu.memory_space<vmem_shared>>) offsets(%dma_start3A_264 : memref<128xi32, #tpu.memory_space<vmem>>) semaphore(%run_scoped3A_261 : memref<!tpu.dma_semaphore, #tpu.memory_space<semaphore_mem>>) {add = true}
        %dma_wait3A_268 = arith.constant 0 : i32
        %dma_wait3A_269 = tpu.memref_slice %arg7[%run_scoped3A_69, %run_scoped3A_70, %dma_wait3A_268] : memref<2x2x128xi32, #tpu.memory_space<vmem>> -> memref<1x1x128xi32, #tpu.memory_space<vmem>>
        %dma_wait3A_270 = tpu.memref_squeeze %dma_wait3A_269 : memref<1x1x128xi32, #tpu.memory_space<vmem>> -> memref<128xi32, #tpu.memory_space<vmem>>
        %dma_wait3A_271 = arith.constant 0 : i32
        %dma_wait3A_272 = arith.constant 0 : i32
        %dma_wait3A_273 = tpu.memref_slice %arg10[%dma_wait3A_271, %dma_wait3A_272] : memref<10240x128xf32, #tpu.memory_space<vmem_shared>> -> memref<10240x128xf32, #tpu.memory_space<vmem_shared>>
        tpu.wait_indirect_dma semaphore(%run_scoped3A_261 : memref<!tpu.dma_semaphore, #tpu.memory_space<semaphore_mem>>) src(%arg8 : memref<128x128xf32, #tpu.memory_space<vmem>>) dst(%dma_wait3A_273 : memref<10240x128xf32, #tpu.memory_space<vmem_shared>>)
        tpu.yield
      }) : () -> ()
      %dma_start3A_71 = arith.constant 1 : i32
      %dma_start3A_72 = arith.constant 0 : i32
      %dma_start3A_73 = arith.constant 0 : i32
      %dma_start3A_74 = tpu.memref_slice %arg6[%dma_start3A_71, %dma_start3A_72, %dma_start3A_73] : memref<2x2x128xi32, #tpu.memory_space<vmem>> -> memref<1x1x128xi32, #tpu.memory_space<vmem>>
      %dma_start3A_75 = tpu.memref_squeeze %dma_start3A_74 : memref<1x1x128xi32, #tpu.memory_space<vmem>> -> memref<128xi32, #tpu.memory_space<vmem>>
      %dma_start3A_76 = arith.constant 0 : i32
      %dma_start3A_77 = arith.constant 0 : i32
      %dma_start3A_78 = tpu.memref_slice %arg2[%dma_start3A_76, %dma_start3A_77] : memref<10240x128xf32, #tpu.memory_space<hbm>> -> memref<10240x128xf32, #tpu.memory_space<hbm>>
      tpu.enqueue_indirect_dma source(%dma_start3A_78 : memref<10240x128xf32, #tpu.memory_space<hbm>>) target(%arg8 : memref<128x128xf32, #tpu.memory_space<vmem>>) offsets(%dma_start3A_75 : memref<128xi32, #tpu.memory_space<vmem>>) semaphore(%arg11 : memref<!tpu.dma_semaphore, #tpu.memory_space<semaphore_mem>>)
      %dma_wait3A_79 = arith.constant 0 : i32
      %dma_wait3A_80 = arith.constant 1 : i32
      %dma_wait3A_81 = arith.constant 0 : i32
      %dma_wait3A_82 = tpu.memref_slice %arg6[%dma_wait3A_79, %dma_wait3A_80, %dma_wait3A_81] : memref<2x2x128xi32, #tpu.memory_space<vmem>> -> memref<1x1x128xi32, #tpu.memory_space<vmem>>
      %dma_wait3A_83 = tpu.memref_squeeze %dma_wait3A_82 : memref<1x1x128xi32, #tpu.memory_space<vmem>> -> memref<128xi32, #tpu.memory_space<vmem>>
      %dma_wait3A_84 = arith.constant 0 : i32
      %dma_wait3A_85 = arith.constant 0 : i32
      %dma_wait3A_86 = tpu.memref_slice %arg2[%dma_wait3A_84, %dma_wait3A_85] : memref<10240x128xf32, #tpu.memory_space<hbm>> -> memref<10240x128xf32, #tpu.memory_space<hbm>>
      tpu.wait_indirect_dma semaphore(%arg12 : memref<!tpu.dma_semaphore, #tpu.memory_space<semaphore_mem>>) src(%dma_wait3A_86 : memref<10240x128xf32, #tpu.memory_space<hbm>>) dst(%arg9 : memref<128x128xf32, #tpu.memory_space<vmem>>)
      %run_scoped3A_87 = arith.constant 0 : i32
      %run_scoped3A_88 = arith.constant 1 : i32
      "tpu.region"() ({
        %run_scoped3A_261 = tpu.sem_alloc : memref<!tpu.dma_semaphore, #tpu.memory_space<semaphore_mem>>
        %dma_start3A_262 = arith.constant 0 : i32
        %dma_start3A_263 = tpu.memref_slice %arg7[%run_scoped3A_87, %run_scoped3A_88, %dma_start3A_262] : memref<2x2x128xi32, #tpu.memory_space<vmem>> -> memref<1x1x128xi32, #tpu.memory_space<vmem>>
        %dma_start3A_264 = tpu.memref_squeeze %dma_start3A_263 : memref<1x1x128xi32, #tpu.memory_space<vmem>> -> memref<128xi32, #tpu.memory_space<vmem>>
        %dma_start3A_265 = arith.constant 0 : i32
        %dma_start3A_266 = arith.constant 0 : i32
        %dma_start3A_267 = tpu.memref_slice %arg10[%dma_start3A_265, %dma_start3A_266] : memref<10240x128xf32, #tpu.memory_space<vmem_shared>> -> memref<10240x128xf32, #tpu.memory_space<vmem_shared>>
        tpu.enqueue_indirect_dma source(%arg9 : memref<128x128xf32, #tpu.memory_space<vmem>>) target(%dma_start3A_267 : memref<10240x128xf32, #tpu.memory_space<vmem_shared>>) offsets(%dma_start3A_264 : memref<128xi32, #tpu.memory_space<vmem>>) semaphore(%run_scoped3A_261 : memref<!tpu.dma_semaphore, #tpu.memory_space<semaphore_mem>>) {add = true}
        %dma_wait3A_268 = arith.constant 0 : i32
        %dma_wait3A_269 = tpu.memref_slice %arg7[%run_scoped3A_87, %run_scoped3A_88, %dma_wait3A_268] : memref<2x2x128xi32, #tpu.memory_space<vmem>> -> memref<1x1x128xi32, #tpu.memory_space<vmem>>
        %dma_wait3A_270 = tpu.memref_squeeze %dma_wait3A_269 : memref<1x1x128xi32, #tpu.memory_space<vmem>> -> memref<128xi32, #tpu.memory_space<vmem>>
        %dma_wait3A_271 = arith.constant 0 : i32
        %dma_wait3A_272 = arith.constant 0 : i32
        %dma_wait3A_273 = tpu.memref_slice %arg10[%dma_wait3A_271, %dma_wait3A_272] : memref<10240x128xf32, #tpu.memory_space<vmem_shared>> -> memref<10240x128xf32, #tpu.memory_space<vmem_shared>>
        tpu.wait_indirect_dma semaphore(%run_scoped3A_261 : memref<!tpu.dma_semaphore, #tpu.memory_space<semaphore_mem>>) src(%arg9 : memref<128x128xf32, #tpu.memory_space<vmem>>) dst(%dma_wait3A_273 : memref<10240x128xf32, #tpu.memory_space<vmem_shared>>)
        tpu.yield
      }) : () -> ()
      %dma_start3A_89 = arith.constant 1 : i32
      %dma_start3A_90 = arith.constant 1 : i32
      %dma_start3A_91 = arith.constant 0 : i32
      %dma_start3A_92 = tpu.memref_slice %arg6[%dma_start3A_89, %dma_start3A_90, %dma_start3A_91] : memref<2x2x128xi32, #tpu.memory_space<vmem>> -> memref<1x1x128xi32, #tpu.memory_space<vmem>>
      %dma_start3A_93 = tpu.memref_squeeze %dma_start3A_92 : memref<1x1x128xi32, #tpu.memory_space<vmem>> -> memref<128xi32, #tpu.memory_space<vmem>>
      %dma_start3A_94 = arith.constant 0 : i32
      %dma_start3A_95 = arith.constant 0 : i32
      %dma_start3A_96 = tpu.memref_slice %arg2[%dma_start3A_94, %dma_start3A_95] : memref<10240x128xf32, #tpu.memory_space<hbm>> -> memref<10240x128xf32, #tpu.memory_space<hbm>>
      tpu.enqueue_indirect_dma source(%dma_start3A_96 : memref<10240x128xf32, #tpu.memory_space<hbm>>) target(%arg9 : memref<128x128xf32, #tpu.memory_space<vmem>>) offsets(%dma_start3A_93 : memref<128xi32, #tpu.memory_space<vmem>>) semaphore(%arg12 : memref<!tpu.dma_semaphore, #tpu.memory_space<semaphore_mem>>)
      %add3A_97 = arith.constant 2 : i32
      %add3A_98 = arith.addi %mul3A_46, %add3A_97 : i32
      %dma_start3A_99 = arith.constant 0 : i32
      %dma_start3A_100 = arith.constant 0 : i32
      %dma_start3A_101 = arith.constant 0 : i32
      %dma_start3A_102 = tpu.memref_slice %arg6[%dma_start3A_99, %dma_start3A_100, %dma_start3A_101] : memref<2x2x128xi32, #tpu.memory_space<vmem>> -> memref<1x2x128xi32, #tpu.memory_space<vmem>>
      %dma_start3A_103 = tpu.memref_squeeze %dma_start3A_102 : memref<1x2x128xi32, #tpu.memory_space<vmem>> -> memref<2x128xi32, #tpu.memory_space<vmem>>
      %dma_start3A_104 = arith.constant 0 : i32
      %dma_start3A_105 = arith.constant 0 : i32
      %dma_start3A_106 = tpu.memref_slice %arg3[%add3A, %add3A_98, %dma_start3A_104, %dma_start3A_105] : memref<32x42x2x128xi32, #tpu.memory_space<hbm>> -> memref<1x1x2x128xi32, #tpu.memory_space<hbm>>
      %dma_start3A_107 = tpu.memref_squeeze %dma_start3A_106 : memref<1x1x2x128xi32, #tpu.memory_space<hbm>> -> memref<2x128xi32, #tpu.memory_space<hbm>>
      %dma_start3A_108 = arith.constant 0 : i32
      %dma_start3A_109 = arith.constant 0 : i32
      %dma_start3A_110 = tpu.memref_slice %arg6[%dma_start3A_99, %dma_start3A_108, %dma_start3A_109] : memref<2x2x128xi32, #tpu.memory_space<vmem>> -> memref<1x2x128xi32, #tpu.memory_space<vmem>>
      %dma_start3A_111 = tpu.memref_squeeze %dma_start3A_110 : memref<1x2x128xi32, #tpu.memory_space<vmem>> -> memref<2x128xi32, #tpu.memory_space<vmem>>
      %dma_start3A_112 = arith.constant 0 : i32
      %dma_start3A_113 = arith.constant 0 : i32
      %dma_start3A_114 = tpu.memref_slice %arg3[%add3A, %add3A_98, %dma_start3A_112, %dma_start3A_113] : memref<32x42x2x128xi32, #tpu.memory_space<hbm>> -> memref<1x1x2x128xi32, #tpu.memory_space<hbm>>
      %dma_start3A_115 = tpu.memref_squeeze %dma_start3A_114 : memref<1x1x2x128xi32, #tpu.memory_space<hbm>> -> memref<2x128xi32, #tpu.memory_space<hbm>>
      tpu.enqueue_dma source(%dma_start3A_115 : memref<2x128xi32, #tpu.memory_space<hbm>>) target(%dma_start3A_111 : memref<2x128xi32, #tpu.memory_space<vmem>>) target_semaphore(%arg15 : memref<!tpu.dma_semaphore, #tpu.memory_space<semaphore_mem>>)
      %dma_start3A_116 = arith.constant 0 : i32
      %dma_start3A_117 = arith.constant 0 : i32
      %dma_start3A_118 = arith.constant 0 : i32
      %dma_start3A_119 = tpu.memref_slice %arg7[%dma_start3A_116, %dma_start3A_117, %dma_start3A_118] : memref<2x2x128xi32, #tpu.memory_space<vmem>> -> memref<1x2x128xi32, #tpu.memory_space<vmem>>
      %dma_start3A_120 = tpu.memref_squeeze %dma_start3A_119 : memref<1x2x128xi32, #tpu.memory_space<vmem>> -> memref<2x128xi32, #tpu.memory_space<vmem>>
      %dma_start3A_121 = arith.constant 0 : i32
      %dma_start3A_122 = arith.constant 0 : i32
      %dma_start3A_123 = tpu.memref_slice %arg4[%add3A, %add3A_98, %dma_start3A_121, %dma_start3A_122] : memref<32x42x2x128xi32, #tpu.memory_space<hbm>> -> memref<1x1x2x128xi32, #tpu.memory_space<hbm>>
      %dma_start3A_124 = tpu.memref_squeeze %dma_start3A_123 : memref<1x1x2x128xi32, #tpu.memory_space<hbm>> -> memref<2x128xi32, #tpu.memory_space<hbm>>
      %dma_start3A_125 = arith.constant 0 : i32
      %dma_start3A_126 = arith.constant 0 : i32
      %dma_start3A_127 = tpu.memref_slice %arg7[%dma_start3A_116, %dma_start3A_125, %dma_start3A_126] : memref<2x2x128xi32, #tpu.memory_space<vmem>> -> memref<1x2x128xi32, #tpu.memory_space<vmem>>
      %dma_start3A_128 = tpu.memref_squeeze %dma_start3A_127 : memref<1x2x128xi32, #tpu.memory_space<vmem>> -> memref<2x128xi32, #tpu.memory_space<vmem>>
      %dma_start3A_129 = arith.constant 0 : i32
      %dma_start3A_130 = arith.constant 0 : i32
      %dma_start3A_131 = tpu.memref_slice %arg4[%add3A, %add3A_98, %dma_start3A_129, %dma_start3A_130] : memref<32x42x2x128xi32, #tpu.memory_space<hbm>> -> memref<1x1x2x128xi32, #tpu.memory_space<hbm>>
      %dma_start3A_132 = tpu.memref_squeeze %dma_start3A_131 : memref<1x1x2x128xi32, #tpu.memory_space<hbm>> -> memref<2x128xi32, #tpu.memory_space<hbm>>
      tpu.enqueue_dma source(%dma_start3A_132 : memref<2x128xi32, #tpu.memory_space<hbm>>) target(%dma_start3A_128 : memref<2x128xi32, #tpu.memory_space<vmem>>) target_semaphore(%arg15 : memref<!tpu.dma_semaphore, #tpu.memory_space<semaphore_mem>>)
      %dma_wait3A_133 = arith.constant 1 : i32
      %dma_wait3A_134 = arith.constant 0 : i32
      %dma_wait3A_135 = arith.constant 0 : i32
      %dma_wait3A_136 = tpu.memref_slice %arg6[%dma_wait3A_133, %dma_wait3A_134, %dma_wait3A_135] : memref<2x2x128xi32, #tpu.memory_space<vmem>> -> memref<1x1x128xi32, #tpu.memory_space<vmem>>
      %dma_wait3A_137 = tpu.memref_squeeze %dma_wait3A_136 : memref<1x1x128xi32, #tpu.memory_space<vmem>> -> memref<128xi32, #tpu.memory_space<vmem>>
      %dma_wait3A_138 = arith.constant 0 : i32
      %dma_wait3A_139 = arith.constant 0 : i32
      %dma_wait3A_140 = tpu.memref_slice %arg2[%dma_wait3A_138, %dma_wait3A_139] : memref<10240x128xf32, #tpu.memory_space<hbm>> -> memref<10240x128xf32, #tpu.memory_space<hbm>>
      tpu.wait_indirect_dma semaphore(%arg11 : memref<!tpu.dma_semaphore, #tpu.memory_space<semaphore_mem>>) src(%dma_wait3A_140 : memref<10240x128xf32, #tpu.memory_space<hbm>>) dst(%arg8 : memref<128x128xf32, #tpu.memory_space<vmem>>)
      %run_scoped3A_141 = arith.constant 1 : i32
      %run_scoped3A_142 = arith.constant 0 : i32
      "tpu.region"() ({
        %run_scoped3A_261 = tpu.sem_alloc : memref<!tpu.dma_semaphore, #tpu.memory_space<semaphore_mem>>
        %dma_start3A_262 = arith.constant 0 : i32
        %dma_start3A_263 = tpu.memref_slice %arg7[%run_scoped3A_141, %run_scoped3A_142, %dma_start3A_262] : memref<2x2x128xi32, #tpu.memory_space<vmem>> -> memref<1x1x128xi32, #tpu.memory_space<vmem>>
        %dma_start3A_264 = tpu.memref_squeeze %dma_start3A_263 : memref<1x1x128xi32, #tpu.memory_space<vmem>> -> memref<128xi32, #tpu.memory_space<vmem>>
        %dma_start3A_265 = arith.constant 0 : i32
        %dma_start3A_266 = arith.constant 0 : i32
        %dma_start3A_267 = tpu.memref_slice %arg10[%dma_start3A_265, %dma_start3A_266] : memref<10240x128xf32, #tpu.memory_space<vmem_shared>> -> memref<10240x128xf32, #tpu.memory_space<vmem_shared>>
        tpu.enqueue_indirect_dma source(%arg8 : memref<128x128xf32, #tpu.memory_space<vmem>>) target(%dma_start3A_267 : memref<10240x128xf32, #tpu.memory_space<vmem_shared>>) offsets(%dma_start3A_264 : memref<128xi32, #tpu.memory_space<vmem>>) semaphore(%run_scoped3A_261 : memref<!tpu.dma_semaphore, #tpu.memory_space<semaphore_mem>>) {add = true}
        %dma_wait3A_268 = arith.constant 0 : i32
        %dma_wait3A_269 = tpu.memref_slice %arg7[%run_scoped3A_141, %run_scoped3A_142, %dma_wait3A_268] : memref<2x2x128xi32, #tpu.memory_space<vmem>> -> memref<1x1x128xi32, #tpu.memory_space<vmem>>
        %dma_wait3A_270 = tpu.memref_squeeze %dma_wait3A_269 : memref<1x1x128xi32, #tpu.memory_space<vmem>> -> memref<128xi32, #tpu.memory_space<vmem>>
        %dma_wait3A_271 = arith.constant 0 : i32
        %dma_wait3A_272 = arith.constant 0 : i32
        %dma_wait3A_273 = tpu.memref_slice %arg10[%dma_wait3A_271, %dma_wait3A_272] : memref<10240x128xf32, #tpu.memory_space<vmem_shared>> -> memref<10240x128xf32, #tpu.memory_space<vmem_shared>>
        tpu.wait_indirect_dma semaphore(%run_scoped3A_261 : memref<!tpu.dma_semaphore, #tpu.memory_space<semaphore_mem>>) src(%arg8 : memref<128x128xf32, #tpu.memory_space<vmem>>) dst(%dma_wait3A_273 : memref<10240x128xf32, #tpu.memory_space<vmem_shared>>)
        tpu.yield
      }) : () -> ()
      %dma_wait3A_143 = arith.constant 1 : i32
      %dma_wait3A_144 = arith.constant 1 : i32
      %dma_wait3A_145 = arith.constant 0 : i32
      %dma_wait3A_146 = tpu.memref_slice %arg6[%dma_wait3A_143, %dma_wait3A_144, %dma_wait3A_145] : memref<2x2x128xi32, #tpu.memory_space<vmem>> -> memref<1x1x128xi32, #tpu.memory_space<vmem>>
      %dma_wait3A_147 = tpu.memref_squeeze %dma_wait3A_146 : memref<1x1x128xi32, #tpu.memory_space<vmem>> -> memref<128xi32, #tpu.memory_space<vmem>>
      %dma_wait3A_148 = arith.constant 0 : i32
      %dma_wait3A_149 = arith.constant 0 : i32
      %dma_wait3A_150 = tpu.memref_slice %arg2[%dma_wait3A_148, %dma_wait3A_149] : memref<10240x128xf32, #tpu.memory_space<hbm>> -> memref<10240x128xf32, #tpu.memory_space<hbm>>
      tpu.wait_indirect_dma semaphore(%arg12 : memref<!tpu.dma_semaphore, #tpu.memory_space<semaphore_mem>>) src(%dma_wait3A_150 : memref<10240x128xf32, #tpu.memory_space<hbm>>) dst(%arg9 : memref<128x128xf32, #tpu.memory_space<vmem>>)
      %run_scoped3A_151 = arith.constant 1 : i32
      %run_scoped3A_152 = arith.constant 1 : i32
      "tpu.region"() ({
        %run_scoped3A_261 = tpu.sem_alloc : memref<!tpu.dma_semaphore, #tpu.memory_space<semaphore_mem>>
        %dma_start3A_262 = arith.constant 0 : i32
        %dma_start3A_263 = tpu.memref_slice %arg7[%run_scoped3A_151, %run_scoped3A_152, %dma_start3A_262] : memref<2x2x128xi32, #tpu.memory_space<vmem>> -> memref<1x1x128xi32, #tpu.memory_space<vmem>>
        %dma_start3A_264 = tpu.memref_squeeze %dma_start3A_263 : memref<1x1x128xi32, #tpu.memory_space<vmem>> -> memref<128xi32, #tpu.memory_space<vmem>>
        %dma_start3A_265 = arith.constant 0 : i32
        %dma_start3A_266 = arith.constant 0 : i32
        %dma_start3A_267 = tpu.memref_slice %arg10[%dma_start3A_265, %dma_start3A_266] : memref<10240x128xf32, #tpu.memory_space<vmem_shared>> -> memref<10240x128xf32, #tpu.memory_space<vmem_shared>>
        tpu.enqueue_indirect_dma source(%arg9 : memref<128x128xf32, #tpu.memory_space<vmem>>) target(%dma_start3A_267 : memref<10240x128xf32, #tpu.memory_space<vmem_shared>>) offsets(%dma_start3A_264 : memref<128xi32, #tpu.memory_space<vmem>>) semaphore(%run_scoped3A_261 : memref<!tpu.dma_semaphore, #tpu.memory_space<semaphore_mem>>) {add = true}
        %dma_wait3A_268 = arith.constant 0 : i32
        %dma_wait3A_269 = tpu.memref_slice %arg7[%run_scoped3A_151, %run_scoped3A_152, %dma_wait3A_268] : memref<2x2x128xi32, #tpu.memory_space<vmem>> -> memref<1x1x128xi32, #tpu.memory_space<vmem>>
        %dma_wait3A_270 = tpu.memref_squeeze %dma_wait3A_269 : memref<1x1x128xi32, #tpu.memory_space<vmem>> -> memref<128xi32, #tpu.memory_space<vmem>>
        %dma_wait3A_271 = arith.constant 0 : i32
        %dma_wait3A_272 = arith.constant 0 : i32
        %dma_wait3A_273 = tpu.memref_slice %arg10[%dma_wait3A_271, %dma_wait3A_272] : memref<10240x128xf32, #tpu.memory_space<vmem_shared>> -> memref<10240x128xf32, #tpu.memory_space<vmem_shared>>
        tpu.wait_indirect_dma semaphore(%run_scoped3A_261 : memref<!tpu.dma_semaphore, #tpu.memory_space<semaphore_mem>>) src(%arg9 : memref<128x128xf32, #tpu.memory_space<vmem>>) dst(%dma_wait3A_273 : memref<10240x128xf32, #tpu.memory_space<vmem_shared>>)
        tpu.yield
      }) : () -> ()
      %add3A_153 = arith.constant 3 : i32
      %add3A_154 = arith.addi %mul3A_46, %add3A_153 : i32
      %dma_start3A_155 = arith.constant 1 : i32
      %dma_start3A_156 = arith.constant 0 : i32
      %dma_start3A_157 = arith.constant 0 : i32
      %dma_start3A_158 = tpu.memref_slice %arg6[%dma_start3A_155, %dma_start3A_156, %dma_start3A_157] : memref<2x2x128xi32, #tpu.memory_space<vmem>> -> memref<1x2x128xi32, #tpu.memory_space<vmem>>
      %dma_start3A_159 = tpu.memref_squeeze %dma_start3A_158 : memref<1x2x128xi32, #tpu.memory_space<vmem>> -> memref<2x128xi32, #tpu.memory_space<vmem>>
      %dma_start3A_160 = arith.constant 0 : i32
      %dma_start3A_161 = arith.constant 0 : i32
      %dma_start3A_162 = tpu.memref_slice %arg3[%add3A, %add3A_154, %dma_start3A_160, %dma_start3A_161] : memref<32x42x2x128xi32, #tpu.memory_space<hbm>> -> memref<1x1x2x128xi32, #tpu.memory_space<hbm>>
      %dma_start3A_163 = tpu.memref_squeeze %dma_start3A_162 : memref<1x1x2x128xi32, #tpu.memory_space<hbm>> -> memref<2x128xi32, #tpu.memory_space<hbm>>
      %dma_start3A_164 = arith.constant 0 : i32
      %dma_start3A_165 = arith.constant 0 : i32
      %dma_start3A_166 = tpu.memref_slice %arg6[%dma_start3A_155, %dma_start3A_164, %dma_start3A_165] : memref<2x2x128xi32, #tpu.memory_space<vmem>> -> memref<1x2x128xi32, #tpu.memory_space<vmem>>
      %dma_start3A_167 = tpu.memref_squeeze %dma_start3A_166 : memref<1x2x128xi32, #tpu.memory_space<vmem>> -> memref<2x128xi32, #tpu.memory_space<vmem>>
      %dma_start3A_168 = arith.constant 0 : i32
      %dma_start3A_169 = arith.constant 0 : i32
      %dma_start3A_170 = tpu.memref_slice %arg3[%add3A, %add3A_154, %dma_start3A_168, %dma_start3A_169] : memref<32x42x2x128xi32, #tpu.memory_space<hbm>> -> memref<1x1x2x128xi32, #tpu.memory_space<hbm>>
      %dma_start3A_171 = tpu.memref_squeeze %dma_start3A_170 : memref<1x1x2x128xi32, #tpu.memory_space<hbm>> -> memref<2x128xi32, #tpu.memory_space<hbm>>
      tpu.enqueue_dma source(%dma_start3A_171 : memref<2x128xi32, #tpu.memory_space<hbm>>) target(%dma_start3A_167 : memref<2x128xi32, #tpu.memory_space<vmem>>) target_semaphore(%arg16 : memref<!tpu.dma_semaphore, #tpu.memory_space<semaphore_mem>>)
      %dma_start3A_172 = arith.constant 1 : i32
      %dma_start3A_173 = arith.constant 0 : i32
      %dma_start3A_174 = arith.constant 0 : i32
      %dma_start3A_175 = tpu.memref_slice %arg7[%dma_start3A_172, %dma_start3A_173, %dma_start3A_174] : memref<2x2x128xi32, #tpu.memory_space<vmem>> -> memref<1x2x128xi32, #tpu.memory_space<vmem>>
      %dma_start3A_176 = tpu.memref_squeeze %dma_start3A_175 : memref<1x2x128xi32, #tpu.memory_space<vmem>> -> memref<2x128xi32, #tpu.memory_space<vmem>>
      %dma_start3A_177 = arith.constant 0 : i32
      %dma_start3A_178 = arith.constant 0 : i32
      %dma_start3A_179 = tpu.memref_slice %arg4[%add3A, %add3A_154, %dma_start3A_177, %dma_start3A_178] : memref<32x42x2x128xi32, #tpu.memory_space<hbm>> -> memref<1x1x2x128xi32, #tpu.memory_space<hbm>>
      %dma_start3A_180 = tpu.memref_squeeze %dma_start3A_179 : memref<1x1x2x128xi32, #tpu.memory_space<hbm>> -> memref<2x128xi32, #tpu.memory_space<hbm>>
      %dma_start3A_181 = arith.constant 0 : i32
      %dma_start3A_182 = arith.constant 0 : i32
      %dma_start3A_183 = tpu.memref_slice %arg7[%dma_start3A_172, %dma_start3A_181, %dma_start3A_182] : memref<2x2x128xi32, #tpu.memory_space<vmem>> -> memref<1x2x128xi32, #tpu.memory_space<vmem>>
      %dma_start3A_184 = tpu.memref_squeeze %dma_start3A_183 : memref<1x2x128xi32, #tpu.memory_space<vmem>> -> memref<2x128xi32, #tpu.memory_space<vmem>>
      %dma_start3A_185 = arith.constant 0 : i32
      %dma_start3A_186 = arith.constant 0 : i32
      %dma_start3A_187 = tpu.memref_slice %arg4[%add3A, %add3A_154, %dma_start3A_185, %dma_start3A_186] : memref<32x42x2x128xi32, #tpu.memory_space<hbm>> -> memref<1x1x2x128xi32, #tpu.memory_space<hbm>>
      %dma_start3A_188 = tpu.memref_squeeze %dma_start3A_187 : memref<1x1x2x128xi32, #tpu.memory_space<hbm>> -> memref<2x128xi32, #tpu.memory_space<hbm>>
      tpu.enqueue_dma source(%dma_start3A_188 : memref<2x128xi32, #tpu.memory_space<hbm>>) target(%dma_start3A_184 : memref<2x128xi32, #tpu.memory_space<vmem>>) target_semaphore(%arg16 : memref<!tpu.dma_semaphore, #tpu.memory_space<semaphore_mem>>)
      %add3A_189 = arith.constant 2 : i32
      %add3A_190 = arith.addi %mul3A_46, %add3A_189 : i32
      %dma_wait3A_191 = arith.constant 0 : i32
      %dma_wait3A_192 = arith.constant 0 : i32
      %dma_wait3A_193 = arith.constant 0 : i32
      %dma_wait3A_194 = tpu.memref_slice %arg6[%dma_wait3A_191, %dma_wait3A_192, %dma_wait3A_193] : memref<2x2x128xi32, #tpu.memory_space<vmem>> -> memref<1x2x128xi32, #tpu.memory_space<vmem>>
      %dma_wait3A_195 = tpu.memref_squeeze %dma_wait3A_194 : memref<1x2x128xi32, #tpu.memory_space<vmem>> -> memref<2x128xi32, #tpu.memory_space<vmem>>
      %dma_wait3A_196 = arith.constant 0 : i32
      %dma_wait3A_197 = arith.constant 0 : i32
      %dma_wait3A_198 = tpu.memref_slice %arg3[%add3A, %add3A_190, %dma_wait3A_196, %dma_wait3A_197] : memref<32x42x2x128xi32, #tpu.memory_space<hbm>> -> memref<1x1x2x128xi32, #tpu.memory_space<hbm>>
      %dma_wait3A_199 = tpu.memref_squeeze %dma_wait3A_198 : memref<1x1x2x128xi32, #tpu.memory_space<hbm>> -> memref<2x128xi32, #tpu.memory_space<hbm>>
      %dma_wait3A_200 = arith.constant 0 : i32
      %dma_wait3A_201 = arith.constant 0 : i32
      %dma_wait3A_202 = tpu.memref_slice %arg6[%dma_wait3A_191, %dma_wait3A_200, %dma_wait3A_201] : memref<2x2x128xi32, #tpu.memory_space<vmem>> -> memref<1x2x128xi32, #tpu.memory_space<vmem>>
      %dma_wait3A_203 = tpu.memref_squeeze %dma_wait3A_202 : memref<1x2x128xi32, #tpu.memory_space<vmem>> -> memref<2x128xi32, #tpu.memory_space<vmem>>
      %dma_wait3A_204 = arith.constant 0 : i32
      %dma_wait3A_205 = arith.constant 0 : i32
      %dma_wait3A_206 = tpu.memref_slice %arg3[%add3A, %add3A_190, %dma_wait3A_204, %dma_wait3A_205] : memref<32x42x2x128xi32, #tpu.memory_space<hbm>> -> memref<1x1x2x128xi32, #tpu.memory_space<hbm>>
      %dma_wait3A_207 = tpu.memref_squeeze %dma_wait3A_206 : memref<1x1x2x128xi32, #tpu.memory_space<hbm>> -> memref<2x128xi32, #tpu.memory_space<hbm>>
      tpu.wait_dma2 semaphore(%arg15 : memref<!tpu.dma_semaphore, #tpu.memory_space<semaphore_mem>>) src(%dma_wait3A_207 : memref<2x128xi32, #tpu.memory_space<hbm>>) dst(%dma_wait3A_203 : memref<2x128xi32, #tpu.memory_space<vmem>>)
      %dma_wait3A_208 = arith.constant 0 : i32
      %dma_wait3A_209 = arith.constant 0 : i32
      %dma_wait3A_210 = arith.constant 0 : i32
      %dma_wait3A_211 = tpu.memref_slice %arg7[%dma_wait3A_208, %dma_wait3A_209, %dma_wait3A_210] : memref<2x2x128xi32, #tpu.memory_space<vmem>> -> memref<1x2x128xi32, #tpu.memory_space<vmem>>
      %dma_wait3A_212 = tpu.memref_squeeze %dma_wait3A_211 : memref<1x2x128xi32, #tpu.memory_space<vmem>> -> memref<2x128xi32, #tpu.memory_space<vmem>>
      %dma_wait3A_213 = arith.constant 0 : i32
      %dma_wait3A_214 = arith.constant 0 : i32
      %dma_wait3A_215 = tpu.memref_slice %arg4[%add3A, %add3A_190, %dma_wait3A_213, %dma_wait3A_214] : memref<32x42x2x128xi32, #tpu.memory_space<hbm>> -> memref<1x1x2x128xi32, #tpu.memory_space<hbm>>
      %dma_wait3A_216 = tpu.memref_squeeze %dma_wait3A_215 : memref<1x1x2x128xi32, #tpu.memory_space<hbm>> -> memref<2x128xi32, #tpu.memory_space<hbm>>
      %dma_wait3A_217 = arith.constant 0 : i32
      %dma_wait3A_218 = arith.constant 0 : i32
      %dma_wait3A_219 = tpu.memref_slice %arg7[%dma_wait3A_208, %dma_wait3A_217, %dma_wait3A_218] : memref<2x2x128xi32, #tpu.memory_space<vmem>> -> memref<1x2x128xi32, #tpu.memory_space<vmem>>
      %dma_wait3A_220 = tpu.memref_squeeze %dma_wait3A_219 : memref<1x2x128xi32, #tpu.memory_space<vmem>> -> memref<2x128xi32, #tpu.memory_space<vmem>>
      %dma_wait3A_221 = arith.constant 0 : i32
      %dma_wait3A_222 = arith.constant 0 : i32
      %dma_wait3A_223 = tpu.memref_slice %arg4[%add3A, %add3A_190, %dma_wait3A_221, %dma_wait3A_222] : memref<32x42x2x128xi32, #tpu.memory_space<hbm>> -> memref<1x1x2x128xi32, #tpu.memory_space<hbm>>
      %dma_wait3A_224 = tpu.memref_squeeze %dma_wait3A_223 : memref<1x1x2x128xi32, #tpu.memory_space<hbm>> -> memref<2x128xi32, #tpu.memory_space<hbm>>
      tpu.wait_dma2 semaphore(%arg15 : memref<!tpu.dma_semaphore, #tpu.memory_space<semaphore_mem>>) src(%dma_wait3A_224 : memref<2x128xi32, #tpu.memory_space<hbm>>) dst(%dma_wait3A_220 : memref<2x128xi32, #tpu.memory_space<vmem>>)
      %add3A_225 = arith.constant 3 : i32
      %add3A_226 = arith.addi %mul3A_46, %add3A_225 : i32
      %dma_wait3A_227 = arith.constant 1 : i32
      %dma_wait3A_228 = arith.constant 0 : i32
      %dma_wait3A_229 = arith.constant 0 : i32
      %dma_wait3A_230 = tpu.memref_slice %arg6[%dma_wait3A_227, %dma_wait3A_228, %dma_wait3A_229] : memref<2x2x128xi32, #tpu.memory_space<vmem>> -> memref<1x2x128xi32, #tpu.memory_space<vmem>>
      %dma_wait3A_231 = tpu.memref_squeeze %dma_wait3A_230 : memref<1x2x128xi32, #tpu.memory_space<vmem>> -> memref<2x128xi32, #tpu.memory_space<vmem>>
      %dma_wait3A_232 = arith.constant 0 : i32
      %dma_wait3A_233 = arith.constant 0 : i32
      %dma_wait3A_234 = tpu.memref_slice %arg3[%add3A, %add3A_226, %dma_wait3A_232, %dma_wait3A_233] : memref<32x42x2x128xi32, #tpu.memory_space<hbm>> -> memref<1x1x2x128xi32, #tpu.memory_space<hbm>>
      %dma_wait3A_235 = tpu.memref_squeeze %dma_wait3A_234 : memref<1x1x2x128xi32, #tpu.memory_space<hbm>> -> memref<2x128xi32, #tpu.memory_space<hbm>>
      %dma_wait3A_236 = arith.constant 0 : i32
      %dma_wait3A_237 = arith.constant 0 : i32
      %dma_wait3A_238 = tpu.memref_slice %arg6[%dma_wait3A_227, %dma_wait3A_236, %dma_wait3A_237] : memref<2x2x128xi32, #tpu.memory_space<vmem>> -> memref<1x2x128xi32, #tpu.memory_space<vmem>>
      %dma_wait3A_239 = tpu.memref_squeeze %dma_wait3A_238 : memref<1x2x128xi32, #tpu.memory_space<vmem>> -> memref<2x128xi32, #tpu.memory_space<vmem>>
      %dma_wait3A_240 = arith.constant 0 : i32
      %dma_wait3A_241 = arith.constant 0 : i32
      %dma_wait3A_242 = tpu.memref_slice %arg3[%add3A, %add3A_226, %dma_wait3A_240, %dma_wait3A_241] : memref<32x42x2x128xi32, #tpu.memory_space<hbm>> -> memref<1x1x2x128xi32, #tpu.memory_space<hbm>>
      %dma_wait3A_243 = tpu.memref_squeeze %dma_wait3A_242 : memref<1x1x2x128xi32, #tpu.memory_space<hbm>> -> memref<2x128xi32, #tpu.memory_space<hbm>>
      tpu.wait_dma2 semaphore(%arg16 : memref<!tpu.dma_semaphore, #tpu.memory_space<semaphore_mem>>) src(%dma_wait3A_243 : memref<2x128xi32, #tpu.memory_space<hbm>>) dst(%dma_wait3A_239 : memref<2x128xi32, #tpu.memory_space<vmem>>)
      %dma_wait3A_244 = arith.constant 1 : i32
      %dma_wait3A_245 = arith.constant 0 : i32
      %dma_wait3A_246 = arith.constant 0 : i32
      %dma_wait3A_247 = tpu.memref_slice %arg7[%dma_wait3A_244, %dma_wait3A_245, %dma_wait3A_246] : memref<2x2x128xi32, #tpu.memory_space<vmem>> -> memref<1x2x128xi32, #tpu.memory_space<vmem>>
      %dma_wait3A_248 = tpu.memref_squeeze %dma_wait3A_247 : memref<1x2x128xi32, #tpu.memory_space<vmem>> -> memref<2x128xi32, #tpu.memory_space<vmem>>
      %dma_wait3A_249 = arith.constant 0 : i32
      %dma_wait3A_250 = arith.constant 0 : i32
      %dma_wait3A_251 = tpu.memref_slice %arg4[%add3A, %add3A_226, %dma_wait3A_249, %dma_wait3A_250] : memref<32x42x2x128xi32, #tpu.memory_space<hbm>> -> memref<1x1x2x128xi32, #tpu.memory_space<hbm>>
      %dma_wait3A_252 = tpu.memref_squeeze %dma_wait3A_251 : memref<1x1x2x128xi32, #tpu.memory_space<hbm>> -> memref<2x128xi32, #tpu.memory_space<hbm>>
      %dma_wait3A_253 = arith.constant 0 : i32
      %dma_wait3A_254 = arith.constant 0 : i32
      %dma_wait3A_255 = tpu.memref_slice %arg7[%dma_wait3A_244, %dma_wait3A_253, %dma_wait3A_254] : memref<2x2x128xi32, #tpu.memory_space<vmem>> -> memref<1x2x128xi32, #tpu.memory_space<vmem>>
      %dma_wait3A_256 = tpu.memref_squeeze %dma_wait3A_255 : memref<1x2x128xi32, #tpu.memory_space<vmem>> -> memref<2x128xi32, #tpu.memory_space<vmem>>
      %dma_wait3A_257 = arith.constant 0 : i32
      %dma_wait3A_258 = arith.constant 0 : i32
      %dma_wait3A_259 = tpu.memref_slice %arg4[%add3A, %add3A_226, %dma_wait3A_257, %dma_wait3A_258] : memref<32x42x2x128xi32, #tpu.memory_space<hbm>> -> memref<1x1x2x128xi32, #tpu.memory_space<hbm>>
      %dma_wait3A_260 = tpu.memref_squeeze %dma_wait3A_259 : memref<1x1x2x128xi32, #tpu.memory_space<hbm>> -> memref<2x128xi32, #tpu.memory_space<hbm>>
      tpu.wait_dma2 semaphore(%arg16 : memref<!tpu.dma_semaphore, #tpu.memory_space<semaphore_mem>>) src(%dma_wait3A_260 : memref<2x128xi32, #tpu.memory_space<hbm>>) dst(%dma_wait3A_256 : memref<2x128xi32, #tpu.memory_space<vmem>>)
    }
    %scan3A_38 = arith.constant 20 : i32
    %barrier3A_39 = arith.constant 0 : index
    tpu.barrier barrier_id(%barrier3A_39)
    %mul3A_40 = arith.constant 640 : i32
    %mul3A_41 = arith.muli %arg1, %mul3A_40 : i32
    %mul3A_42 = arith.constant 640 : i32
    %mul3A_43 = arith.muli %arg1, %mul3A_42 : i32
    "tpu.region"() ({
      %run_scoped3A_44 = tpu.sem_alloc : memref<!tpu.dma_semaphore, #tpu.memory_space<semaphore_mem>>
      %dma_start3A = arith.constant 0 : i32
      %dma_start3A_45 = tpu.memref_slice %arg5[%arg0, %mul3A_43, %dma_start3A] : memref<2x10240x128xf32, #tpu.memory_space<hbm>> -> memref<1x640x128xf32, #tpu.memory_space<hbm>>
      %dma_start3A_46 = tpu.memref_squeeze %dma_start3A_45 : memref<1x640x128xf32, #tpu.memory_space<hbm>> -> memref<640x128xf32, #tpu.memory_space<hbm>>
      %dma_start3A_47 = arith.constant 0 : i32
      %dma_start3A_48 = tpu.memref_slice %arg10[%mul3A_41, %dma_start3A_47] : memref<10240x128xf32, #tpu.memory_space<vmem_shared>> -> memref<640x128xf32, #tpu.memory_space<vmem_shared>>
      tpu.enqueue_dma source(%dma_start3A_48 : memref<640x128xf32, #tpu.memory_space<vmem_shared>>) target(%dma_start3A_46 : memref<640x128xf32, #tpu.memory_space<hbm>>) target_semaphore(%run_scoped3A_44 : memref<!tpu.dma_semaphore, #tpu.memory_space<semaphore_mem>>)
      %dma_wait3A = arith.constant 0 : i32
      %dma_wait3A_49 = tpu.memref_slice %arg5[%arg0, %mul3A_43, %dma_wait3A] : memref<2x10240x128xf32, #tpu.memory_space<hbm>> -> memref<1x640x128xf32, #tpu.memory_space<hbm>>
      %dma_wait3A_50 = tpu.memref_squeeze %dma_wait3A_49 : memref<1x640x128xf32, #tpu.memory_space<hbm>> -> memref<640x128xf32, #tpu.memory_space<hbm>>
      %dma_wait3A_51 = arith.constant 0 : i32
      %dma_wait3A_52 = tpu.memref_slice %arg10[%mul3A_41, %dma_wait3A_51] : memref<10240x128xf32, #tpu.memory_space<vmem_shared>> -> memref<640x128xf32, #tpu.memory_space<vmem_shared>>
      tpu.wait_dma2 semaphore(%run_scoped3A_44 : memref<!tpu.dma_semaphore, #tpu.memory_space<semaphore_mem>>) src(%dma_wait3A_52 : memref<640x128xf32, #tpu.memory_space<vmem_shared>>) dst(%dma_wait3A_50 : memref<640x128xf32, #tpu.memory_space<hbm>>)
      tpu.yield
    }) : () -> ()
    return
  }
}

#map = affine_map<(d0, d1) -> (0, 0)>
#map1 = affine_map<(d0, d1) -> (0, 0, 0, 0)>
#map2 = affine_map<(d0, d1) -> (0, 0, 0)>
module attributes {stable_mosaic.version = 14 : i64} {
  func.func @_agg_body(%arg0: i32, %arg1: i32, %arg2: memref<10240x128xf32, #tpu.memory_space<hbm>>, %arg3: memref<32x42x2x128xi32, #tpu.memory_space<hbm>>, %arg4: memref<32x42x2x128xi32, #tpu.memory_space<hbm>>, %arg5: memref<2x10240x128xf32, #tpu.memory_space<hbm>>, %arg6: memref<2x2x128xi32, #tpu.memory_space<vmem>>, %arg7: memref<2x2x128xi32, #tpu.memory_space<vmem>>, %arg8: memref<128x128xf32, #tpu.memory_space<vmem>>, %arg9: memref<128x128xf32, #tpu.memory_space<vmem>>, %arg10: memref<10240x128xf32, #tpu.memory_space<vmem_shared>>, %arg11: memref<!tpu.dma_semaphore, #tpu.memory_space<semaphore_mem>>, %arg12: memref<!tpu.dma_semaphore, #tpu.memory_space<semaphore_mem>>, %arg13: memref<!tpu.dma_semaphore, #tpu.memory_space<semaphore_mem>>, %arg14: memref<!tpu.dma_semaphore, #tpu.memory_space<semaphore_mem>>, %arg15: memref<!tpu.dma_semaphore, #tpu.memory_space<semaphore_mem>>, %arg16: memref<!tpu.dma_semaphore, #tpu.memory_space<semaphore_mem>>) attributes {dimension_semantics = [#tpu.dimension_semantics<core_parallel>, #tpu.dimension_semantics<subcore_parallel>], iteration_bounds = array<i64: 2, 16>, scalar_prefetch = 0 : i64, scratch_operands = 11 : i64, tpu.core_type = #tpu.core_type<sc_vector_subcore>, window_params = [{transform_indices = #map}, {transform_indices = #map1}, {transform_indices = #map1}, {transform_indices = #map2}]} {
    %mul3A = arith.constant 16 : i32
    %mul3A_0 = arith.muli %arg0, %mul3A : i32
    %add3A = arith.addi %mul3A_0, %arg1 : i32
    %scan3A = arith.constant 0 : i32
    %scan3A_1 = arith.constant 0 : i32
    %scan3A_2 = arith.constant 128 : i32
    %scan3A_3 = arith.addi %scan3A_1, %scan3A_2 : i32
    %scan3A_4 = arith.constant 1 : i32
    scf.for %scan3A_44 = %scan3A_1 to %scan3A_3 step %scan3A_4  : i32 {
      %broadcast_in_dim3A = arith.constant 0.000000e+00 : f32
      %broadcast_in_dim3A_45 = vector.broadcast %broadcast_in_dim3A : f32 to vector<16xf32>
      %swap3A = arith.index_cast %scan3A_44 : i32 to index
      %swap3A_46 = arith.constant 0 : index
      %swap3A_47 = tpu.vector_load %arg8[%swap3A, %swap3A_46] {strides = array<i32>} : memref<128x128xf32, #tpu.memory_space<vmem>>, vector<1x16xf32>,
      %swap3A_48 = vector.shape_cast %swap3A_47 : vector<1x16xf32> to vector<16xf32>
      %swap3A_49 = vector.shape_cast %broadcast_in_dim3A_45 : vector<16xf32> to vector<1x16xf32>
      tpu.vector_store %arg8[%swap3A, %swap3A_46], %swap3A_49 {strides = array<i32>} : memref<128x128xf32, #tpu.memory_space<vmem>>, vector<1x16xf32>,
      %broadcast_in_dim3A_50 = arith.constant 0.000000e+00 : f32
      %broadcast_in_dim3A_51 = vector.broadcast %broadcast_in_dim3A_50 : f32 to vector<16xf32>
      %swap3A_52 = arith.index_cast %scan3A_44 : i32 to index
      %swap3A_53 = arith.constant 16 : index
      %swap3A_54 = tpu.vector_load %arg8[%swap3A_52, %swap3A_53] {strides = array<i32>} : memref<128x128xf32, #tpu.memory_space<vmem>>, vector<1x16xf32>,
      %swap3A_55 = vector.shape_cast %swap3A_54 : vector<1x16xf32> to vector<16xf32>
      %swap3A_56 = vector.shape_cast %broadcast_in_dim3A_51 : vector<16xf32> to vector<1x16xf32>
      tpu.vector_store %arg8[%swap3A_52, %swap3A_53], %swap3A_56 {strides = array<i32>} : memref<128x128xf32, #tpu.memory_space<vmem>>, vector<1x16xf32>,
      %broadcast_in_dim3A_57 = arith.constant 0.000000e+00 : f32
      %broadcast_in_dim3A_58 = vector.broadcast %broadcast_in_dim3A_57 : f32 to vector<16xf32>
      %swap3A_59 = arith.index_cast %scan3A_44 : i32 to index
      %swap3A_60 = arith.constant 32 : index
      %swap3A_61 = tpu.vector_load %arg8[%swap3A_59, %swap3A_60] {strides = array<i32>} : memref<128x128xf32, #tpu.memory_space<vmem>>, vector<1x16xf32>,
      %swap3A_62 = vector.shape_cast %swap3A_61 : vector<1x16xf32> to vector<16xf32>
      %swap3A_63 = vector.shape_cast %broadcast_in_dim3A_58 : vector<16xf32> to vector<1x16xf32>
      tpu.vector_store %arg8[%swap3A_59, %swap3A_60], %swap3A_63 {strides = array<i32>} : memref<128x128xf32, #tpu.memory_space<vmem>>, vector<1x16xf32>,
      %broadcast_in_dim3A_64 = arith.constant 0.000000e+00 : f32
      %broadcast_in_dim3A_65 = vector.broadcast %broadcast_in_dim3A_64 : f32 to vector<16xf32>
      %swap3A_66 = arith.index_cast %scan3A_44 : i32 to index
      %swap3A_67 = arith.constant 48 : index
      %swap3A_68 = tpu.vector_load %arg8[%swap3A_66, %swap3A_67] {strides = array<i32>} : memref<128x128xf32, #tpu.memory_space<vmem>>, vector<1x16xf32>,
      %swap3A_69 = vector.shape_cast %swap3A_68 : vector<1x16xf32> to vector<16xf32>
      %swap3A_70 = vector.shape_cast %broadcast_in_dim3A_65 : vector<16xf32> to vector<1x16xf32>
      tpu.vector_store %arg8[%swap3A_66, %swap3A_67], %swap3A_70 {strides = array<i32>} : memref<128x128xf32, #tpu.memory_space<vmem>>, vector<1x16xf32>,
      %broadcast_in_dim3A_71 = arith.constant 0.000000e+00 : f32
      %broadcast_in_dim3A_72 = vector.broadcast %broadcast_in_dim3A_71 : f32 to vector<16xf32>
      %swap3A_73 = arith.index_cast %scan3A_44 : i32 to index
      %swap3A_74 = arith.constant 64 : index
      %swap3A_75 = tpu.vector_load %arg8[%swap3A_73, %swap3A_74] {strides = array<i32>} : memref<128x128xf32, #tpu.memory_space<vmem>>, vector<1x16xf32>,
      %swap3A_76 = vector.shape_cast %swap3A_75 : vector<1x16xf32> to vector<16xf32>
      %swap3A_77 = vector.shape_cast %broadcast_in_dim3A_72 : vector<16xf32> to vector<1x16xf32>
      tpu.vector_store %arg8[%swap3A_73, %swap3A_74], %swap3A_77 {strides = array<i32>} : memref<128x128xf32, #tpu.memory_space<vmem>>, vector<1x16xf32>,
      %broadcast_in_dim3A_78 = arith.constant 0.000000e+00 : f32
      %broadcast_in_dim3A_79 = vector.broadcast %broadcast_in_dim3A_78 : f32 to vector<16xf32>
      %swap3A_80 = arith.index_cast %scan3A_44 : i32 to index
      %swap3A_81 = arith.constant 80 : index
      %swap3A_82 = tpu.vector_load %arg8[%swap3A_80, %swap3A_81] {strides = array<i32>} : memref<128x128xf32, #tpu.memory_space<vmem>>, vector<1x16xf32>,
      %swap3A_83 = vector.shape_cast %swap3A_82 : vector<1x16xf32> to vector<16xf32>
      %swap3A_84 = vector.shape_cast %broadcast_in_dim3A_79 : vector<16xf32> to vector<1x16xf32>
      tpu.vector_store %arg8[%swap3A_80, %swap3A_81], %swap3A_84 {strides = array<i32>} : memref<128x128xf32, #tpu.memory_space<vmem>>, vector<1x16xf32>,
      %broadcast_in_dim3A_85 = arith.constant 0.000000e+00 : f32
      %broadcast_in_dim3A_86 = vector.broadcast %broadcast_in_dim3A_85 : f32 to vector<16xf32>
      %swap3A_87 = arith.index_cast %scan3A_44 : i32 to index
      %swap3A_88 = arith.constant 96 : index
      %swap3A_89 = tpu.vector_load %arg8[%swap3A_87, %swap3A_88] {strides = array<i32>} : memref<128x128xf32, #tpu.memory_space<vmem>>, vector<1x16xf32>,
      %swap3A_90 = vector.shape_cast %swap3A_89 : vector<1x16xf32> to vector<16xf32>
      %swap3A_91 = vector.shape_cast %broadcast_in_dim3A_86 : vector<16xf32> to vector<1x16xf32>
      tpu.vector_store %arg8[%swap3A_87, %swap3A_88], %swap3A_91 {strides = array<i32>} : memref<128x128xf32, #tpu.memory_space<vmem>>, vector<1x16xf32>,
      %broadcast_in_dim3A_92 = arith.constant 0.000000e+00 : f32
      %broadcast_in_dim3A_93 = vector.broadcast %broadcast_in_dim3A_92 : f32 to vector<16xf32>
      %swap3A_94 = arith.index_cast %scan3A_44 : i32 to index
      %swap3A_95 = arith.constant 112 : index
      %swap3A_96 = tpu.vector_load %arg8[%swap3A_94, %swap3A_95] {strides = array<i32>} : memref<128x128xf32, #tpu.memory_space<vmem>>, vector<1x16xf32>,
      %swap3A_97 = vector.shape_cast %swap3A_96 : vector<1x16xf32> to vector<16xf32>
      %swap3A_98 = vector.shape_cast %broadcast_in_dim3A_93 : vector<16xf32> to vector<1x16xf32>
      tpu.vector_store %arg8[%swap3A_94, %swap3A_95], %swap3A_98 {strides = array<i32>} : memref<128x128xf32, #tpu.memory_space<vmem>>, vector<1x16xf32>,
    }
    %scan3A_5 = arith.constant 128 : i32
    %mul3A_6 = arith.constant 640 : i32
    %mul3A_7 = arith.muli %arg1, %mul3A_6 : i32
    %add3A_8 = arith.constant 0 : i32
    %add3A_9 = arith.addi %mul3A_7, %add3A_8 : i32
    "tpu.region"() ({
      %run_scoped3A_44 = tpu.sem_alloc : memref<!tpu.dma_semaphore, #tpu.memory_space<semaphore_mem>>
      %dma_start3A = arith.constant 0 : i32
      %dma_start3A_45 = tpu.memref_slice %arg10[%add3A_9, %dma_start3A] : memref<10240x128xf32, #tpu.memory_space<vmem_shared>> -> memref<128x128xf32, #tpu.memory_space<vmem_shared>>
      %dma_start3A_46 = arith.constant 0 : i32
      %dma_start3A_47 = tpu.memref_slice %arg10[%add3A_9, %dma_start3A_46] : memref<10240x128xf32, #tpu.memory_space<vmem_shared>> -> memref<128x128xf32, #tpu.memory_space<vmem_shared>>
      tpu.enqueue_dma source(%arg8 : memref<128x128xf32, #tpu.memory_space<vmem>>) target(%dma_start3A_47 : memref<128x128xf32, #tpu.memory_space<vmem_shared>>) target_semaphore(%run_scoped3A_44 : memref<!tpu.dma_semaphore, #tpu.memory_space<semaphore_mem>>)
      %dma_wait3A = arith.constant 0 : i32
      %dma_wait3A_48 = tpu.memref_slice %arg10[%add3A_9, %dma_wait3A] : memref<10240x128xf32, #tpu.memory_space<vmem_shared>> -> memref<128x128xf32, #tpu.memory_space<vmem_shared>>
      %dma_wait3A_49 = arith.constant 0 : i32
      %dma_wait3A_50 = tpu.memref_slice %arg10[%add3A_9, %dma_wait3A_49] : memref<10240x128xf32, #tpu.memory_space<vmem_shared>> -> memref<128x128xf32, #tpu.memory_space<vmem_shared>>
      tpu.wait_dma2 semaphore(%run_scoped3A_44 : memref<!tpu.dma_semaphore, #tpu.memory_space<semaphore_mem>>) src(%arg8 : memref<128x128xf32, #tpu.memory_space<vmem>>) dst(%dma_wait3A_50 : memref<128x128xf32, #tpu.memory_space<vmem_shared>>)
      tpu.yield
    }) : () -> ()
    %mul3A_10 = arith.constant 640 : i32
    %mul3A_11 = arith.muli %arg1, %mul3A_10 : i32
    %add3A_12 = arith.constant 128 : i32
    %add3A_13 = arith.addi %mul3A_11, %add3A_12 : i32
    "tpu.region"() ({
      %run_scoped3A_44 = tpu.sem_alloc : memref<!tpu.dma_semaphore, #tpu.memory_space<semaphore_mem>>
      %dma_start3A = arith.constant 0 : i32
      %dma_start3A_45 = tpu.memref_slice %arg10[%add3A_13, %dma_start3A] : memref<10240x128xf32, #tpu.memory_space<vmem_shared>> -> memref<128x128xf32, #tpu.memory_space<vmem_shared>>
      %dma_start3A_46 = arith.constant 0 : i32
      %dma_start3A_47 = tpu.memref_slice %arg10[%add3A_13, %dma_start3A_46] : memref<10240x128xf32, #tpu.memory_space<vmem_shared>> -> memref<128x128xf32, #tpu.memory_space<vmem_shared>>
      tpu.enqueue_dma source(%arg8 : memref<128x128xf32, #tpu.memory_space<vmem>>) target(%dma_start3A_47 : memref<128x128xf32, #tpu.memory_space<vmem_shared>>) target_semaphore(%run_scoped3A_44 : memref<!tpu.dma_semaphore, #tpu.memory_space<semaphore_mem>>)
      %dma_wait3A = arith.constant 0 : i32
      %dma_wait3A_48 = tpu.memref_slice %arg10[%add3A_13, %dma_wait3A] : memref<10240x128xf32, #tpu.memory_space<vmem_shared>> -> memref<128x128xf32, #tpu.memory_space<vmem_shared>>
      %dma_wait3A_49 = arith.constant 0 : i32
      %dma_wait3A_50 = tpu.memref_slice %arg10[%add3A_13, %dma_wait3A_49] : memref<10240x128xf32, #tpu.memory_space<vmem_shared>> -> memref<128x128xf32, #tpu.memory_space<vmem_shared>>
      tpu.wait_dma2 semaphore(%run_scoped3A_44 : memref<!tpu.dma_semaphore, #tpu.memory_space<semaphore_mem>>) src(%arg8 : memref<128x128xf32, #tpu.memory_space<vmem>>) dst(%dma_wait3A_50 : memref<128x128xf32, #tpu.memory_space<vmem_shared>>)
      tpu.yield
    }) : () -> ()
    %mul3A_14 = arith.constant 640 : i32
    %mul3A_15 = arith.muli %arg1, %mul3A_14 : i32
    %add3A_16 = arith.constant 256 : i32
    %add3A_17 = arith.addi %mul3A_15, %add3A_16 : i32
    "tpu.region"() ({
      %run_scoped3A_44 = tpu.sem_alloc : memref<!tpu.dma_semaphore, #tpu.memory_space<semaphore_mem>>
      %dma_start3A = arith.constant 0 : i32
      %dma_start3A_45 = tpu.memref_slice %arg10[%add3A_17, %dma_start3A] : memref<10240x128xf32, #tpu.memory_space<vmem_shared>> -> memref<128x128xf32, #tpu.memory_space<vmem_shared>>
      %dma_start3A_46 = arith.constant 0 : i32
      %dma_start3A_47 = tpu.memref_slice %arg10[%add3A_17, %dma_start3A_46] : memref<10240x128xf32, #tpu.memory_space<vmem_shared>> -> memref<128x128xf32, #tpu.memory_space<vmem_shared>>
      tpu.enqueue_dma source(%arg8 : memref<128x128xf32, #tpu.memory_space<vmem>>) target(%dma_start3A_47 : memref<128x128xf32, #tpu.memory_space<vmem_shared>>) target_semaphore(%run_scoped3A_44 : memref<!tpu.dma_semaphore, #tpu.memory_space<semaphore_mem>>)
      %dma_wait3A = arith.constant 0 : i32
      %dma_wait3A_48 = tpu.memref_slice %arg10[%add3A_17, %dma_wait3A] : memref<10240x128xf32, #tpu.memory_space<vmem_shared>> -> memref<128x128xf32, #tpu.memory_space<vmem_shared>>
      %dma_wait3A_49 = arith.constant 0 : i32
      %dma_wait3A_50 = tpu.memref_slice %arg10[%add3A_17, %dma_wait3A_49] : memref<10240x128xf32, #tpu.memory_space<vmem_shared>> -> memref<128x128xf32, #tpu.memory_space<vmem_shared>>
      tpu.wait_dma2 semaphore(%run_scoped3A_44 : memref<!tpu.dma_semaphore, #tpu.memory_space<semaphore_mem>>) src(%arg8 : memref<128x128xf32, #tpu.memory_space<vmem>>) dst(%dma_wait3A_50 : memref<128x128xf32, #tpu.memory_space<vmem_shared>>)
      tpu.yield
    }) : () -> ()
    %mul3A_18 = arith.constant 640 : i32
    %mul3A_19 = arith.muli %arg1, %mul3A_18 : i32
    %add3A_20 = arith.constant 384 : i32
    %add3A_21 = arith.addi %mul3A_19, %add3A_20 : i32
    "tpu.region"() ({
      %run_scoped3A_44 = tpu.sem_alloc : memref<!tpu.dma_semaphore, #tpu.memory_space<semaphore_mem>>
      %dma_start3A = arith.constant 0 : i32
      %dma_start3A_45 = tpu.memref_slice %arg10[%add3A_21, %dma_start3A] : memref<10240x128xf32, #tpu.memory_space<vmem_shared>> -> memref<128x128xf32, #tpu.memory_space<vmem_shared>>
      %dma_start3A_46 = arith.constant 0 : i32
      %dma_start3A_47 = tpu.memref_slice %arg10[%add3A_21, %dma_start3A_46] : memref<10240x128xf32, #tpu.memory_space<vmem_shared>> -> memref<128x128xf32, #tpu.memory_space<vmem_shared>>
      tpu.enqueue_dma source(%arg8 : memref<128x128xf32, #tpu.memory_space<vmem>>) target(%dma_start3A_47 : memref<128x128xf32, #tpu.memory_space<vmem_shared>>) target_semaphore(%run_scoped3A_44 : memref<!tpu.dma_semaphore, #tpu.memory_space<semaphore_mem>>)
      %dma_wait3A = arith.constant 0 : i32
      %dma_wait3A_48 = tpu.memref_slice %arg10[%add3A_21, %dma_wait3A] : memref<10240x128xf32, #tpu.memory_space<vmem_shared>> -> memref<128x128xf32, #tpu.memory_space<vmem_shared>>
      %dma_wait3A_49 = arith.constant 0 : i32
      %dma_wait3A_50 = tpu.memref_slice %arg10[%add3A_21, %dma_wait3A_49] : memref<10240x128xf32, #tpu.memory_space<vmem_shared>> -> memref<128x128xf32, #tpu.memory_space<vmem_shared>>
      tpu.wait_dma2 semaphore(%run_scoped3A_44 : memref<!tpu.dma_semaphore, #tpu.memory_space<semaphore_mem>>) src(%arg8 : memref<128x128xf32, #tpu.memory_space<vmem>>) dst(%dma_wait3A_50 : memref<128x128xf32, #tpu.memory_space<vmem_shared>>)
      tpu.yield
    }) : () -> ()
    %mul3A_22 = arith.constant 640 : i32
    %mul3A_23 = arith.muli %arg1, %mul3A_22 : i32
    %add3A_24 = arith.constant 512 : i32
    %add3A_25 = arith.addi %mul3A_23, %add3A_24 : i32
    "tpu.region"() ({
      %run_scoped3A_44 = tpu.sem_alloc : memref<!tpu.dma_semaphore, #tpu.memory_space<semaphore_mem>>
      %dma_start3A = arith.constant 0 : i32
      %dma_start3A_45 = tpu.memref_slice %arg10[%add3A_25, %dma_start3A] : memref<10240x128xf32, #tpu.memory_space<vmem_shared>> -> memref<128x128xf32, #tpu.memory_space<vmem_shared>>
      %dma_start3A_46 = arith.constant 0 : i32
      %dma_start3A_47 = tpu.memref_slice %arg10[%add3A_25, %dma_start3A_46] : memref<10240x128xf32, #tpu.memory_space<vmem_shared>> -> memref<128x128xf32, #tpu.memory_space<vmem_shared>>
      tpu.enqueue_dma source(%arg8 : memref<128x128xf32, #tpu.memory_space<vmem>>) target(%dma_start3A_47 : memref<128x128xf32, #tpu.memory_space<vmem_shared>>) target_semaphore(%run_scoped3A_44 : memref<!tpu.dma_semaphore, #tpu.memory_space<semaphore_mem>>)
      %dma_wait3A = arith.constant 0 : i32
      %dma_wait3A_48 = tpu.memref_slice %arg10[%add3A_25, %dma_wait3A] : memref<10240x128xf32, #tpu.memory_space<vmem_shared>> -> memref<128x128xf32, #tpu.memory_space<vmem_shared>>
      %dma_wait3A_49 = arith.constant 0 : i32
      %dma_wait3A_50 = tpu.memref_slice %arg10[%add3A_25, %dma_wait3A_49] : memref<10240x128xf32, #tpu.memory_space<vmem_shared>> -> memref<128x128xf32, #tpu.memory_space<vmem_shared>>
      tpu.wait_dma2 semaphore(%run_scoped3A_44 : memref<!tpu.dma_semaphore, #tpu.memory_space<semaphore_mem>>) src(%arg8 : memref<128x128xf32, #tpu.memory_space<vmem>>) dst(%dma_wait3A_50 : memref<128x128xf32, #tpu.memory_space<vmem_shared>>)
      tpu.yield
    }) : () -> ()
    %run_scoped3A = arith.constant 0 : i32
    %run_scoped3A_26 = arith.constant 0 : i32
    "tpu.region"() ({
      %run_scoped3A_44 = tpu.sem_alloc : memref<!tpu.dma_semaphore, #tpu.memory_space<semaphore_mem>>
      %dma_start3A = arith.constant 0 : i32
      %dma_start3A_45 = arith.constant 0 : i32
      %dma_start3A_46 = tpu.memref_slice %arg6[%run_scoped3A_26, %dma_start3A, %dma_start3A_45] : memref<2x2x128xi32, #tpu.memory_space<vmem>> -> memref<1x2x128xi32, #tpu.memory_space<vmem>>
      %dma_start3A_47 = tpu.memref_squeeze %dma_start3A_46 : memref<1x2x128xi32, #tpu.memory_space<vmem>> -> memref<2x128xi32, #tpu.memory_space<vmem>>
      %dma_start3A_48 = arith.constant 0 : i32
      %dma_start3A_49 = arith.constant 0 : i32
      %dma_start3A_50 = tpu.memref_slice %arg3[%add3A, %run_scoped3A, %dma_start3A_48, %dma_start3A_49] : memref<32x42x2x128xi32, #tpu.memory_space<hbm>> -> memref<1x1x2x128xi32, #tpu.memory_space<hbm>>
      %dma_start3A_51 = tpu.memref_squeeze %dma_start3A_50 : memref<1x1x2x128xi32, #tpu.memory_space<hbm>> -> memref<2x128xi32, #tpu.memory_space<hbm>>
      %dma_start3A_52 = arith.constant 0 : i32
      %dma_start3A_53 = arith.constant 0 : i32
      %dma_start3A_54 = tpu.memref_slice %arg6[%run_scoped3A_26, %dma_start3A_52, %dma_start3A_53] : memref<2x2x128xi32, #tpu.memory_space<vmem>> -> memref<1x2x128xi32, #tpu.memory_space<vmem>>
      %dma_start3A_55 = tpu.memref_squeeze %dma_start3A_54 : memref<1x2x128xi32, #tpu.memory_space<vmem>> -> memref<2x128xi32, #tpu.memory_space<vmem>>
      %dma_start3A_56 = arith.constant 0 : i32
      %dma_start3A_57 = arith.constant 0 : i32
      %dma_start3A_58 = tpu.memref_slice %arg3[%add3A, %run_scoped3A, %dma_start3A_56, %dma_start3A_57] : memref<32x42x2x128xi32, #tpu.memory_space<hbm>> -> memref<1x1x2x128xi32, #tpu.memory_space<hbm>>
      %dma_start3A_59 = tpu.memref_squeeze %dma_start3A_58 : memref<1x1x2x128xi32, #tpu.memory_space<hbm>> -> memref<2x128xi32, #tpu.memory_space<hbm>>
      tpu.enqueue_dma source(%dma_start3A_59 : memref<2x128xi32, #tpu.memory_space<hbm>>) target(%dma_start3A_55 : memref<2x128xi32, #tpu.memory_space<vmem>>) target_semaphore(%run_scoped3A_44 : memref<!tpu.dma_semaphore, #tpu.memory_space<semaphore_mem>>)
      %dma_wait3A = arith.constant 0 : i32
      %dma_wait3A_60 = arith.constant 0 : i32
      %dma_wait3A_61 = tpu.memref_slice %arg6[%run_scoped3A_26, %dma_wait3A, %dma_wait3A_60] : memref<2x2x128xi32, #tpu.memory_space<vmem>> -> memref<1x2x128xi32, #tpu.memory_space<vmem>>
      %dma_wait3A_62 = tpu.memref_squeeze %dma_wait3A_61 : memref<1x2x128xi32, #tpu.memory_space<vmem>> -> memref<2x128xi32, #tpu.memory_space<vmem>>
      %dma_wait3A_63 = arith.constant 0 : i32
      %dma_wait3A_64 = arith.constant 0 : i32
      %dma_wait3A_65 = tpu.memref_slice %arg3[%add3A, %run_scoped3A, %dma_wait3A_63, %dma_wait3A_64] : memref<32x42x2x128xi32, #tpu.memory_space<hbm>> -> memref<1x1x2x128xi32, #tpu.memory_space<hbm>>
      %dma_wait3A_66 = tpu.memref_squeeze %dma_wait3A_65 : memref<1x1x2x128xi32, #tpu.memory_space<hbm>> -> memref<2x128xi32, #tpu.memory_space<hbm>>
      %dma_wait3A_67 = arith.constant 0 : i32
      %dma_wait3A_68 = arith.constant 0 : i32
      %dma_wait3A_69 = tpu.memref_slice %arg6[%run_scoped3A_26, %dma_wait3A_67, %dma_wait3A_68] : memref<2x2x128xi32, #tpu.memory_space<vmem>> -> memref<1x2x128xi32, #tpu.memory_space<vmem>>
      %dma_wait3A_70 = tpu.memref_squeeze %dma_wait3A_69 : memref<1x2x128xi32, #tpu.memory_space<vmem>> -> memref<2x128xi32, #tpu.memory_space<vmem>>
      %dma_wait3A_71 = arith.constant 0 : i32
      %dma_wait3A_72 = arith.constant 0 : i32
      %dma_wait3A_73 = tpu.memref_slice %arg3[%add3A, %run_scoped3A, %dma_wait3A_71, %dma_wait3A_72] : memref<32x42x2x128xi32, #tpu.memory_space<hbm>> -> memref<1x1x2x128xi32, #tpu.memory_space<hbm>>
      %dma_wait3A_74 = tpu.memref_squeeze %dma_wait3A_73 : memref<1x1x2x128xi32, #tpu.memory_space<hbm>> -> memref<2x128xi32, #tpu.memory_space<hbm>>
      tpu.wait_dma2 semaphore(%run_scoped3A_44 : memref<!tpu.dma_semaphore, #tpu.memory_space<semaphore_mem>>) src(%dma_wait3A_74 : memref<2x128xi32, #tpu.memory_space<hbm>>) dst(%dma_wait3A_70 : memref<2x128xi32, #tpu.memory_space<vmem>>)
      tpu.yield
    }) : () -> ()
    %run_scoped3A_27 = arith.constant 0 : i32
    %run_scoped3A_28 = arith.constant 0 : i32
    "tpu.region"() ({
      %run_scoped3A_44 = tpu.sem_alloc : memref<!tpu.dma_semaphore, #tpu.memory_space<semaphore_mem>>
      %dma_start3A = arith.constant 0 : i32
      %dma_start3A_45 = arith.constant 0 : i32
      %dma_start3A_46 = tpu.memref_slice %arg7[%run_scoped3A_28, %dma_start3A, %dma_start3A_45] : memref<2x2x128xi32, #tpu.memory_space<vmem>> -> memref<1x2x128xi32, #tpu.memory_space<vmem>>
      %dma_start3A_47 = tpu.memref_squeeze %dma_start3A_46 : memref<1x2x128xi32, #tpu.memory_space<vmem>> -> memref<2x128xi32, #tpu.memory_space<vmem>>
      %dma_start3A_48 = arith.constant 0 : i32
      %dma_start3A_49 = arith.constant 0 : i32
      %dma_start3A_50 = tpu.memref_slice %arg4[%add3A, %run_scoped3A_27, %dma_start3A_48, %dma_start3A_49] : memref<32x42x2x128xi32, #tpu.memory_space<hbm>> -> memref<1x1x2x128xi32, #tpu.memory_space<hbm>>
      %dma_start3A_51 = tpu.memref_squeeze %dma_start3A_50 : memref<1x1x2x128xi32, #tpu.memory_space<hbm>> -> memref<2x128xi32, #tpu.memory_space<hbm>>
      %dma_start3A_52 = arith.constant 0 : i32
      %dma_start3A_53 = arith.constant 0 : i32
      %dma_start3A_54 = tpu.memref_slice %arg7[%run_scoped3A_28, %dma_start3A_52, %dma_start3A_53] : memref<2x2x128xi32, #tpu.memory_space<vmem>> -> memref<1x2x128xi32, #tpu.memory_space<vmem>>
      %dma_start3A_55 = tpu.memref_squeeze %dma_start3A_54 : memref<1x2x128xi32, #tpu.memory_space<vmem>> -> memref<2x128xi32, #tpu.memory_space<vmem>>
      %dma_start3A_56 = arith.constant 0 : i32
      %dma_start3A_57 = arith.constant 0 : i32
      %dma_start3A_58 = tpu.memref_slice %arg4[%add3A, %run_scoped3A_27, %dma_start3A_56, %dma_start3A_57] : memref<32x42x2x128xi32, #tpu.memory_space<hbm>> -> memref<1x1x2x128xi32, #tpu.memory_space<hbm>>
      %dma_start3A_59 = tpu.memref_squeeze %dma_start3A_58 : memref<1x1x2x128xi32, #tpu.memory_space<hbm>> -> memref<2x128xi32, #tpu.memory_space<hbm>>
      tpu.enqueue_dma source(%dma_start3A_59 : memref<2x128xi32, #tpu.memory_space<hbm>>) target(%dma_start3A_55 : memref<2x128xi32, #tpu.memory_space<vmem>>) target_semaphore(%run_scoped3A_44 : memref<!tpu.dma_semaphore, #tpu.memory_space<semaphore_mem>>)
      %dma_wait3A = arith.constant 0 : i32
      %dma_wait3A_60 = arith.constant 0 : i32
      %dma_wait3A_61 = tpu.memref_slice %arg7[%run_scoped3A_28, %dma_wait3A, %dma_wait3A_60] : memref<2x2x128xi32, #tpu.memory_space<vmem>> -> memref<1x2x128xi32, #tpu.memory_space<vmem>>
      %dma_wait3A_62 = tpu.memref_squeeze %dma_wait3A_61 : memref<1x2x128xi32, #tpu.memory_space<vmem>> -> memref<2x128xi32, #tpu.memory_space<vmem>>
      %dma_wait3A_63 = arith.constant 0 : i32
      %dma_wait3A_64 = arith.constant 0 : i32
      %dma_wait3A_65 = tpu.memref_slice %arg4[%add3A, %run_scoped3A_27, %dma_wait3A_63, %dma_wait3A_64] : memref<32x42x2x128xi32, #tpu.memory_space<hbm>> -> memref<1x1x2x128xi32, #tpu.memory_space<hbm>>
      %dma_wait3A_66 = tpu.memref_squeeze %dma_wait3A_65 : memref<1x1x2x128xi32, #tpu.memory_space<hbm>> -> memref<2x128xi32, #tpu.memory_space<hbm>>
      %dma_wait3A_67 = arith.constant 0 : i32
      %dma_wait3A_68 = arith.constant 0 : i32
      %dma_wait3A_69 = tpu.memref_slice %arg7[%run_scoped3A_28, %dma_wait3A_67, %dma_wait3A_68] : memref<2x2x128xi32, #tpu.memory_space<vmem>> -> memref<1x2x128xi32, #tpu.memory_space<vmem>>
      %dma_wait3A_70 = tpu.memref_squeeze %dma_wait3A_69 : memref<1x2x128xi32, #tpu.memory_space<vmem>> -> memref<2x128xi32, #tpu.memory_space<vmem>>
      %dma_wait3A_71 = arith.constant 0 : i32
      %dma_wait3A_72 = arith.constant 0 : i32
      %dma_wait3A_73 = tpu.memref_slice %arg4[%add3A, %run_scoped3A_27, %dma_wait3A_71, %dma_wait3A_72] : memref<32x42x2x128xi32, #tpu.memory_space<hbm>> -> memref<1x1x2x128xi32, #tpu.memory_space<hbm>>
      %dma_wait3A_74 = tpu.memref_squeeze %dma_wait3A_73 : memref<1x1x2x128xi32, #tpu.memory_space<hbm>> -> memref<2x128xi32, #tpu.memory_space<hbm>>
      tpu.wait_dma2 semaphore(%run_scoped3A_44 : memref<!tpu.dma_semaphore, #tpu.memory_space<semaphore_mem>>) src(%dma_wait3A_74 : memref<2x128xi32, #tpu.memory_space<hbm>>) dst(%dma_wait3A_70 : memref<2x128xi32, #tpu.memory_space<vmem>>)
      tpu.yield
    }) : () -> ()
    %run_scoped3A_29 = arith.constant 1 : i32
    %run_scoped3A_30 = arith.constant 1 : i32
    "tpu.region"() ({
      %run_scoped3A_44 = tpu.sem_alloc : memref<!tpu.dma_semaphore, #tpu.memory_space<semaphore_mem>>
      %dma_start3A = arith.constant 0 : i32
      %dma_start3A_45 = arith.constant 0 : i32
      %dma_start3A_46 = tpu.memref_slice %arg6[%run_scoped3A_30, %dma_start3A, %dma_start3A_45] : memref<2x2x128xi32, #tpu.memory_space<vmem>> -> memref<1x2x128xi32, #tpu.memory_space<vmem>>
      %dma_start3A_47 = tpu.memref_squeeze %dma_start3A_46 : memref<1x2x128xi32, #tpu.memory_space<vmem>> -> memref<2x128xi32, #tpu.memory_space<vmem>>
      %dma_start3A_48 = arith.constant 0 : i32
      %dma_start3A_49 = arith.constant 0 : i32
      %dma_start3A_50 = tpu.memref_slice %arg3[%add3A, %run_scoped3A_29, %dma_start3A_48, %dma_start3A_49] : memref<32x42x2x128xi32, #tpu.memory_space<hbm>> -> memref<1x1x2x128xi32, #tpu.memory_space<hbm>>
      %dma_start3A_51 = tpu.memref_squeeze %dma_start3A_50 : memref<1x1x2x128xi32, #tpu.memory_space<hbm>> -> memref<2x128xi32, #tpu.memory_space<hbm>>
      %dma_start3A_52 = arith.constant 0 : i32
      %dma_start3A_53 = arith.constant 0 : i32
      %dma_start3A_54 = tpu.memref_slice %arg6[%run_scoped3A_30, %dma_start3A_52, %dma_start3A_53] : memref<2x2x128xi32, #tpu.memory_space<vmem>> -> memref<1x2x128xi32, #tpu.memory_space<vmem>>
      %dma_start3A_55 = tpu.memref_squeeze %dma_start3A_54 : memref<1x2x128xi32, #tpu.memory_space<vmem>> -> memref<2x128xi32, #tpu.memory_space<vmem>>
      %dma_start3A_56 = arith.constant 0 : i32
      %dma_start3A_57 = arith.constant 0 : i32
      %dma_start3A_58 = tpu.memref_slice %arg3[%add3A, %run_scoped3A_29, %dma_start3A_56, %dma_start3A_57] : memref<32x42x2x128xi32, #tpu.memory_space<hbm>> -> memref<1x1x2x128xi32, #tpu.memory_space<hbm>>
      %dma_start3A_59 = tpu.memref_squeeze %dma_start3A_58 : memref<1x1x2x128xi32, #tpu.memory_space<hbm>> -> memref<2x128xi32, #tpu.memory_space<hbm>>
      tpu.enqueue_dma source(%dma_start3A_59 : memref<2x128xi32, #tpu.memory_space<hbm>>) target(%dma_start3A_55 : memref<2x128xi32, #tpu.memory_space<vmem>>) target_semaphore(%run_scoped3A_44 : memref<!tpu.dma_semaphore, #tpu.memory_space<semaphore_mem>>)
      %dma_wait3A = arith.constant 0 : i32
      %dma_wait3A_60 = arith.constant 0 : i32
      %dma_wait3A_61 = tpu.memref_slice %arg6[%run_scoped3A_30, %dma_wait3A, %dma_wait3A_60] : memref<2x2x128xi32, #tpu.memory_space<vmem>> -> memref<1x2x128xi32, #tpu.memory_space<vmem>>
      %dma_wait3A_62 = tpu.memref_squeeze %dma_wait3A_61 : memref<1x2x128xi32, #tpu.memory_space<vmem>> -> memref<2x128xi32, #tpu.memory_space<vmem>>
      %dma_wait3A_63 = arith.constant 0 : i32
      %dma_wait3A_64 = arith.constant 0 : i32
      %dma_wait3A_65 = tpu.memref_slice %arg3[%add3A, %run_scoped3A_29, %dma_wait3A_63, %dma_wait3A_64] : memref<32x42x2x128xi32, #tpu.memory_space<hbm>> -> memref<1x1x2x128xi32, #tpu.memory_space<hbm>>
      %dma_wait3A_66 = tpu.memref_squeeze %dma_wait3A_65 : memref<1x1x2x128xi32, #tpu.memory_space<hbm>> -> memref<2x128xi32, #tpu.memory_space<hbm>>
      %dma_wait3A_67 = arith.constant 0 : i32
      %dma_wait3A_68 = arith.constant 0 : i32
      %dma_wait3A_69 = tpu.memref_slice %arg6[%run_scoped3A_30, %dma_wait3A_67, %dma_wait3A_68] : memref<2x2x128xi32, #tpu.memory_space<vmem>> -> memref<1x2x128xi32, #tpu.memory_space<vmem>>
      %dma_wait3A_70 = tpu.memref_squeeze %dma_wait3A_69 : memref<1x2x128xi32, #tpu.memory_space<vmem>> -> memref<2x128xi32, #tpu.memory_space<vmem>>
      %dma_wait3A_71 = arith.constant 0 : i32
      %dma_wait3A_72 = arith.constant 0 : i32
      %dma_wait3A_73 = tpu.memref_slice %arg3[%add3A, %run_scoped3A_29, %dma_wait3A_71, %dma_wait3A_72] : memref<32x42x2x128xi32, #tpu.memory_space<hbm>> -> memref<1x1x2x128xi32, #tpu.memory_space<hbm>>
      %dma_wait3A_74 = tpu.memref_squeeze %dma_wait3A_73 : memref<1x1x2x128xi32, #tpu.memory_space<hbm>> -> memref<2x128xi32, #tpu.memory_space<hbm>>
      tpu.wait_dma2 semaphore(%run_scoped3A_44 : memref<!tpu.dma_semaphore, #tpu.memory_space<semaphore_mem>>) src(%dma_wait3A_74 : memref<2x128xi32, #tpu.memory_space<hbm>>) dst(%dma_wait3A_70 : memref<2x128xi32, #tpu.memory_space<vmem>>)
      tpu.yield
    }) : () -> ()
    %run_scoped3A_31 = arith.constant 1 : i32
    %run_scoped3A_32 = arith.constant 1 : i32
    "tpu.region"() ({
      %run_scoped3A_44 = tpu.sem_alloc : memref<!tpu.dma_semaphore, #tpu.memory_space<semaphore_mem>>
      %dma_start3A = arith.constant 0 : i32
      %dma_start3A_45 = arith.constant 0 : i32
      %dma_start3A_46 = tpu.memref_slice %arg7[%run_scoped3A_32, %dma_start3A, %dma_start3A_45] : memref<2x2x128xi32, #tpu.memory_space<vmem>> -> memref<1x2x128xi32, #tpu.memory_space<vmem>>
      %dma_start3A_47 = tpu.memref_squeeze %dma_start3A_46 : memref<1x2x128xi32, #tpu.memory_space<vmem>> -> memref<2x128xi32, #tpu.memory_space<vmem>>
      %dma_start3A_48 = arith.constant 0 : i32
      %dma_start3A_49 = arith.constant 0 : i32
      %dma_start3A_50 = tpu.memref_slice %arg4[%add3A, %run_scoped3A_31, %dma_start3A_48, %dma_start3A_49] : memref<32x42x2x128xi32, #tpu.memory_space<hbm>> -> memref<1x1x2x128xi32, #tpu.memory_space<hbm>>
      %dma_start3A_51 = tpu.memref_squeeze %dma_start3A_50 : memref<1x1x2x128xi32, #tpu.memory_space<hbm>> -> memref<2x128xi32, #tpu.memory_space<hbm>>
      %dma_start3A_52 = arith.constant 0 : i32
      %dma_start3A_53 = arith.constant 0 : i32
      %dma_start3A_54 = tpu.memref_slice %arg7[%run_scoped3A_32, %dma_start3A_52, %dma_start3A_53] : memref<2x2x128xi32, #tpu.memory_space<vmem>> -> memref<1x2x128xi32, #tpu.memory_space<vmem>>
      %dma_start3A_55 = tpu.memref_squeeze %dma_start3A_54 : memref<1x2x128xi32, #tpu.memory_space<vmem>> -> memref<2x128xi32, #tpu.memory_space<vmem>>
      %dma_start3A_56 = arith.constant 0 : i32
      %dma_start3A_57 = arith.constant 0 : i32
      %dma_start3A_58 = tpu.memref_slice %arg4[%add3A, %run_scoped3A_31, %dma_start3A_56, %dma_start3A_57] : memref<32x42x2x128xi32, #tpu.memory_space<hbm>> -> memref<1x1x2x128xi32, #tpu.memory_space<hbm>>
      %dma_start3A_59 = tpu.memref_squeeze %dma_start3A_58 : memref<1x1x2x128xi32, #tpu.memory_space<hbm>> -> memref<2x128xi32, #tpu.memory_space<hbm>>
      tpu.enqueue_dma source(%dma_start3A_59 : memref<2x128xi32, #tpu.memory_space<hbm>>) target(%dma_start3A_55 : memref<2x128xi32, #tpu.memory_space<vmem>>) target_semaphore(%run_scoped3A_44 : memref<!tpu.dma_semaphore, #tpu.memory_space<semaphore_mem>>)
      %dma_wait3A = arith.constant 0 : i32
      %dma_wait3A_60 = arith.constant 0 : i32
      %dma_wait3A_61 = tpu.memref_slice %arg7[%run_scoped3A_32, %dma_wait3A, %dma_wait3A_60] : memref<2x2x128xi32, #tpu.memory_space<vmem>> -> memref<1x2x128xi32, #tpu.memory_space<vmem>>
      %dma_wait3A_62 = tpu.memref_squeeze %dma_wait3A_61 : memref<1x2x128xi32, #tpu.memory_space<vmem>> -> memref<2x128xi32, #tpu.memory_space<vmem>>
      %dma_wait3A_63 = arith.constant 0 : i32
      %dma_wait3A_64 = arith.constant 0 : i32
      %dma_wait3A_65 = tpu.memref_slice %arg4[%add3A, %run_scoped3A_31, %dma_wait3A_63, %dma_wait3A_64] : memref<32x42x2x128xi32, #tpu.memory_space<hbm>> -> memref<1x1x2x128xi32, #tpu.memory_space<hbm>>
      %dma_wait3A_66 = tpu.memref_squeeze %dma_wait3A_65 : memref<1x1x2x128xi32, #tpu.memory_space<hbm>> -> memref<2x128xi32, #tpu.memory_space<hbm>>
      %dma_wait3A_67 = arith.constant 0 : i32
      %dma_wait3A_68 = arith.constant 0 : i32
      %dma_wait3A_69 = tpu.memref_slice %arg7[%run_scoped3A_32, %dma_wait3A_67, %dma_wait3A_68] : memref<2x2x128xi32, #tpu.memory_space<vmem>> -> memref<1x2x128xi32, #tpu.memory_space<vmem>>
      %dma_wait3A_70 = tpu.memref_squeeze %dma_wait3A_69 : memref<1x2x128xi32, #tpu.memory_space<vmem>> -> memref<2x128xi32, #tpu.memory_space<vmem>>
      %dma_wait3A_71 = arith.constant 0 : i32
      %dma_wait3A_72 = arith.constant 0 : i32
      %dma_wait3A_73 = tpu.memref_slice %arg4[%add3A, %run_scoped3A_31, %dma_wait3A_71, %dma_wait3A_72] : memref<32x42x2x128xi32, #tpu.memory_space<hbm>> -> memref<1x1x2x128xi32, #tpu.memory_space<hbm>>
      %dma_wait3A_74 = tpu.memref_squeeze %dma_wait3A_73 : memref<1x1x2x128xi32, #tpu.memory_space<hbm>> -> memref<2x128xi32, #tpu.memory_space<hbm>>
      tpu.wait_dma2 semaphore(%run_scoped3A_44 : memref<!tpu.dma_semaphore, #tpu.memory_space<semaphore_mem>>) src(%dma_wait3A_74 : memref<2x128xi32, #tpu.memory_space<hbm>>) dst(%dma_wait3A_70 : memref<2x128xi32, #tpu.memory_space<vmem>>)
      tpu.yield
    }) : () -> ()
    %barrier3A = arith.constant 0 : index
    tpu.barrier barrier_id(%barrier3A)
    %scan3A_33 = arith.constant 0 : i32
    %scan3A_34 = arith.constant 0 : i32
    %scan3A_35 = arith.constant 20 : i32
    %scan3A_36 = arith.addi %scan3A_34, %scan3A_35 : i32
    %scan3A_37 = arith.constant 1 : i32
    scf.for %scan3A_44 = %scan3A_34 to %scan3A_36 step %scan3A_37  : i32 {
      %mul3A_45 = arith.constant 2 : i32
      %mul3A_46 = arith.muli %mul3A_45, %scan3A_44 : i32
      %dma_start3A = arith.constant 0 : i32
      %dma_start3A_47 = arith.constant 0 : i32
      %dma_start3A_48 = arith.constant 0 : i32
      %dma_start3A_49 = tpu.memref_slice %arg6[%dma_start3A, %dma_start3A_47, %dma_start3A_48] : memref<2x2x128xi32, #tpu.memory_space<vmem>> -> memref<1x1x128xi32, #tpu.memory_space<vmem>>
      %dma_start3A_50 = tpu.memref_squeeze %dma_start3A_49 : memref<1x1x128xi32, #tpu.memory_space<vmem>> -> memref<128xi32, #tpu.memory_space<vmem>>
      %dma_start3A_51 = arith.constant 0 : i32
      %dma_start3A_52 = arith.constant 0 : i32
      %dma_start3A_53 = tpu.memref_slice %arg2[%dma_start3A_51, %dma_start3A_52] : memref<10240x128xf32, #tpu.memory_space<hbm>> -> memref<10240x128xf32, #tpu.memory_space<hbm>>
      tpu.enqueue_indirect_dma source(%dma_start3A_53 : memref<10240x128xf32, #tpu.memory_space<hbm>>) target(%arg8 : memref<128x128xf32, #tpu.memory_space<vmem>>) offsets(%dma_start3A_50 : memref<128xi32, #tpu.memory_space<vmem>>) semaphore(%arg11 : memref<!tpu.dma_semaphore, #tpu.memory_space<semaphore_mem>>)
      %dma_start3A_54 = arith.constant 0 : i32
      %dma_start3A_55 = arith.constant 1 : i32
      %dma_start3A_56 = arith.constant 0 : i32
      %dma_start3A_57 = tpu.memref_slice %arg6[%dma_start3A_54, %dma_start3A_55, %dma_start3A_56] : memref<2x2x128xi32, #tpu.memory_space<vmem>> -> memref<1x1x128xi32, #tpu.memory_space<vmem>>
      %dma_start3A_58 = tpu.memref_squeeze %dma_start3A_57 : memref<1x1x128xi32, #tpu.memory_space<vmem>> -> memref<128xi32, #tpu.memory_space<vmem>>
      %dma_start3A_59 = arith.constant 0 : i32
      %dma_start3A_60 = arith.constant 0 : i32
      %dma_start3A_61 = tpu.memref_slice %arg2[%dma_start3A_59, %dma_start3A_60] : memref<10240x128xf32, #tpu.memory_space<hbm>> -> memref<10240x128xf32, #tpu.memory_space<hbm>>
      tpu.enqueue_indirect_dma source(%dma_start3A_61 : memref<10240x128xf32, #tpu.memory_space<hbm>>) target(%arg9 : memref<128x128xf32, #tpu.memory_space<vmem>>) offsets(%dma_start3A_58 : memref<128xi32, #tpu.memory_space<vmem>>) semaphore(%arg12 : memref<!tpu.dma_semaphore, #tpu.memory_space<semaphore_mem>>)
      %dma_wait3A = arith.constant 0 : i32
      %dma_wait3A_62 = arith.constant 0 : i32
      %dma_wait3A_63 = arith.constant 0 : i32
      %dma_wait3A_64 = tpu.memref_slice %arg6[%dma_wait3A, %dma_wait3A_62, %dma_wait3A_63] : memref<2x2x128xi32, #tpu.memory_space<vmem>> -> memref<1x1x128xi32, #tpu.memory_space<vmem>>
      %dma_wait3A_65 = tpu.memref_squeeze %dma_wait3A_64 : memref<1x1x128xi32, #tpu.memory_space<vmem>> -> memref<128xi32, #tpu.memory_space<vmem>>
      %dma_wait3A_66 = arith.constant 0 : i32
      %dma_wait3A_67 = arith.constant 0 : i32
      %dma_wait3A_68 = tpu.memref_slice %arg2[%dma_wait3A_66, %dma_wait3A_67] : memref<10240x128xf32, #tpu.memory_space<hbm>> -> memref<10240x128xf32, #tpu.memory_space<hbm>>
      tpu.wait_indirect_dma semaphore(%arg11 : memref<!tpu.dma_semaphore, #tpu.memory_space<semaphore_mem>>) src(%dma_wait3A_68 : memref<10240x128xf32, #tpu.memory_space<hbm>>) dst(%arg8 : memref<128x128xf32, #tpu.memory_space<vmem>>)
      %run_scoped3A_69 = arith.constant 0 : i32
      %run_scoped3A_70 = arith.constant 0 : i32
      "tpu.region"() ({
        %run_scoped3A_261 = tpu.sem_alloc : memref<!tpu.dma_semaphore, #tpu.memory_space<semaphore_mem>>
        %dma_start3A_262 = arith.constant 0 : i32
        %dma_start3A_263 = tpu.memref_slice %arg7[%run_scoped3A_69, %run_scoped3A_70, %dma_start3A_262] : memref<2x2x128xi32, #tpu.memory_space<vmem>> -> memref<1x1x128xi32, #tpu.memory_space<vmem>>
        %dma_start3A_264 = tpu.memref_squeeze %dma_start3A_263 : memref<1x1x128xi32, #tpu.memory_space<vmem>> -> memref<128xi32, #tpu.memory_space<vmem>>
        %dma_start3A_265 = arith.constant 0 : i32
        %dma_start3A_266 = arith.constant 0 : i32
        %dma_start3A_267 = tpu.memref_slice %arg10[%dma_start3A_265, %dma_start3A_266] : memref<10240x128xf32, #tpu.memory_space<vmem_shared>> -> memref<10240x128xf32, #tpu.memory_space<vmem_shared>>
        tpu.enqueue_indirect_dma source(%arg8 : memref<128x128xf32, #tpu.memory_space<vmem>>) target(%dma_start3A_267 : memref<10240x128xf32, #tpu.memory_space<vmem_shared>>) offsets(%dma_start3A_264 : memref<128xi32, #tpu.memory_space<vmem>>) semaphore(%run_scoped3A_261 : memref<!tpu.dma_semaphore, #tpu.memory_space<semaphore_mem>>) {add = true}
        %dma_wait3A_268 = arith.constant 0 : i32
        %dma_wait3A_269 = tpu.memref_slice %arg7[%run_scoped3A_69, %run_scoped3A_70, %dma_wait3A_268] : memref<2x2x128xi32, #tpu.memory_space<vmem>> -> memref<1x1x128xi32, #tpu.memory_space<vmem>>
        %dma_wait3A_270 = tpu.memref_squeeze %dma_wait3A_269 : memref<1x1x128xi32, #tpu.memory_space<vmem>> -> memref<128xi32, #tpu.memory_space<vmem>>
        %dma_wait3A_271 = arith.constant 0 : i32
        %dma_wait3A_272 = arith.constant 0 : i32
        %dma_wait3A_273 = tpu.memref_slice %arg10[%dma_wait3A_271, %dma_wait3A_272] : memref<10240x128xf32, #tpu.memory_space<vmem_shared>> -> memref<10240x128xf32, #tpu.memory_space<vmem_shared>>
        tpu.wait_indirect_dma semaphore(%run_scoped3A_261 : memref<!tpu.dma_semaphore, #tpu.memory_space<semaphore_mem>>) src(%arg8 : memref<128x128xf32, #tpu.memory_space<vmem>>) dst(%dma_wait3A_273 : memref<10240x128xf32, #tpu.memory_space<vmem_shared>>)
        tpu.yield
      }) : () -> ()
      %dma_start3A_71 = arith.constant 1 : i32
      %dma_start3A_72 = arith.constant 0 : i32
      %dma_start3A_73 = arith.constant 0 : i32
      %dma_start3A_74 = tpu.memref_slice %arg6[%dma_start3A_71, %dma_start3A_72, %dma_start3A_73] : memref<2x2x128xi32, #tpu.memory_space<vmem>> -> memref<1x1x128xi32, #tpu.memory_space<vmem>>
      %dma_start3A_75 = tpu.memref_squeeze %dma_start3A_74 : memref<1x1x128xi32, #tpu.memory_space<vmem>> -> memref<128xi32, #tpu.memory_space<vmem>>
      %dma_start3A_76 = arith.constant 0 : i32
      %dma_start3A_77 = arith.constant 0 : i32
      %dma_start3A_78 = tpu.memref_slice %arg2[%dma_start3A_76, %dma_start3A_77] : memref<10240x128xf32, #tpu.memory_space<hbm>> -> memref<10240x128xf32, #tpu.memory_space<hbm>>
      tpu.enqueue_indirect_dma source(%dma_start3A_78 : memref<10240x128xf32, #tpu.memory_space<hbm>>) target(%arg8 : memref<128x128xf32, #tpu.memory_space<vmem>>) offsets(%dma_start3A_75 : memref<128xi32, #tpu.memory_space<vmem>>) semaphore(%arg11 : memref<!tpu.dma_semaphore, #tpu.memory_space<semaphore_mem>>)
      %dma_wait3A_79 = arith.constant 0 : i32
      %dma_wait3A_80 = arith.constant 1 : i32
      %dma_wait3A_81 = arith.constant 0 : i32
      %dma_wait3A_82 = tpu.memref_slice %arg6[%dma_wait3A_79, %dma_wait3A_80, %dma_wait3A_81] : memref<2x2x128xi32, #tpu.memory_space<vmem>> -> memref<1x1x128xi32, #tpu.memory_space<vmem>>
      %dma_wait3A_83 = tpu.memref_squeeze %dma_wait3A_82 : memref<1x1x128xi32, #tpu.memory_space<vmem>> -> memref<128xi32, #tpu.memory_space<vmem>>
      %dma_wait3A_84 = arith.constant 0 : i32
      %dma_wait3A_85 = arith.constant 0 : i32
      %dma_wait3A_86 = tpu.memref_slice %arg2[%dma_wait3A_84, %dma_wait3A_85] : memref<10240x128xf32, #tpu.memory_space<hbm>> -> memref<10240x128xf32, #tpu.memory_space<hbm>>
      tpu.wait_indirect_dma semaphore(%arg12 : memref<!tpu.dma_semaphore, #tpu.memory_space<semaphore_mem>>) src(%dma_wait3A_86 : memref<10240x128xf32, #tpu.memory_space<hbm>>) dst(%arg9 : memref<128x128xf32, #tpu.memory_space<vmem>>)
      %run_scoped3A_87 = arith.constant 0 : i32
      %run_scoped3A_88 = arith.constant 1 : i32
      "tpu.region"() ({
        %run_scoped3A_261 = tpu.sem_alloc : memref<!tpu.dma_semaphore, #tpu.memory_space<semaphore_mem>>
        %dma_start3A_262 = arith.constant 0 : i32
        %dma_start3A_263 = tpu.memref_slice %arg7[%run_scoped3A_87, %run_scoped3A_88, %dma_start3A_262] : memref<2x2x128xi32, #tpu.memory_space<vmem>> -> memref<1x1x128xi32, #tpu.memory_space<vmem>>
        %dma_start3A_264 = tpu.memref_squeeze %dma_start3A_263 : memref<1x1x128xi32, #tpu.memory_space<vmem>> -> memref<128xi32, #tpu.memory_space<vmem>>
        %dma_start3A_265 = arith.constant 0 : i32
        %dma_start3A_266 = arith.constant 0 : i32
        %dma_start3A_267 = tpu.memref_slice %arg10[%dma_start3A_265, %dma_start3A_266] : memref<10240x128xf32, #tpu.memory_space<vmem_shared>> -> memref<10240x128xf32, #tpu.memory_space<vmem_shared>>
        tpu.enqueue_indirect_dma source(%arg9 : memref<128x128xf32, #tpu.memory_space<vmem>>) target(%dma_start3A_267 : memref<10240x128xf32, #tpu.memory_space<vmem_shared>>) offsets(%dma_start3A_264 : memref<128xi32, #tpu.memory_space<vmem>>) semaphore(%run_scoped3A_261 : memref<!tpu.dma_semaphore, #tpu.memory_space<semaphore_mem>>) {add = true}
        %dma_wait3A_268 = arith.constant 0 : i32
        %dma_wait3A_269 = tpu.memref_slice %arg7[%run_scoped3A_87, %run_scoped3A_88, %dma_wait3A_268] : memref<2x2x128xi32, #tpu.memory_space<vmem>> -> memref<1x1x128xi32, #tpu.memory_space<vmem>>
        %dma_wait3A_270 = tpu.memref_squeeze %dma_wait3A_269 : memref<1x1x128xi32, #tpu.memory_space<vmem>> -> memref<128xi32, #tpu.memory_space<vmem>>
        %dma_wait3A_271 = arith.constant 0 : i32
        %dma_wait3A_272 = arith.constant 0 : i32
        %dma_wait3A_273 = tpu.memref_slice %arg10[%dma_wait3A_271, %dma_wait3A_272] : memref<10240x128xf32, #tpu.memory_space<vmem_shared>> -> memref<10240x128xf32, #tpu.memory_space<vmem_shared>>
        tpu.wait_indirect_dma semaphore(%run_scoped3A_261 : memref<!tpu.dma_semaphore, #tpu.memory_space<semaphore_mem>>) src(%arg9 : memref<128x128xf32, #tpu.memory_space<vmem>>) dst(%dma_wait3A_273 : memref<10240x128xf32, #tpu.memory_space<vmem_shared>>)
        tpu.yield
      }) : () -> ()
      %dma_start3A_89 = arith.constant 1 : i32
      %dma_start3A_90 = arith.constant 1 : i32
      %dma_start3A_91 = arith.constant 0 : i32
      %dma_start3A_92 = tpu.memref_slice %arg6[%dma_start3A_89, %dma_start3A_90, %dma_start3A_91] : memref<2x2x128xi32, #tpu.memory_space<vmem>> -> memref<1x1x128xi32, #tpu.memory_space<vmem>>
      %dma_start3A_93 = tpu.memref_squeeze %dma_start3A_92 : memref<1x1x128xi32, #tpu.memory_space<vmem>> -> memref<128xi32, #tpu.memory_space<vmem>>
      %dma_start3A_94 = arith.constant 0 : i32
      %dma_start3A_95 = arith.constant 0 : i32
      %dma_start3A_96 = tpu.memref_slice %arg2[%dma_start3A_94, %dma_start3A_95] : memref<10240x128xf32, #tpu.memory_space<hbm>> -> memref<10240x128xf32, #tpu.memory_space<hbm>>
      tpu.enqueue_indirect_dma source(%dma_start3A_96 : memref<10240x128xf32, #tpu.memory_space<hbm>>) target(%arg9 : memref<128x128xf32, #tpu.memory_space<vmem>>) offsets(%dma_start3A_93 : memref<128xi32, #tpu.memory_space<vmem>>) semaphore(%arg12 : memref<!tpu.dma_semaphore, #tpu.memory_space<semaphore_mem>>)
      %add3A_97 = arith.constant 2 : i32
      %add3A_98 = arith.addi %mul3A_46, %add3A_97 : i32
      %dma_start3A_99 = arith.constant 0 : i32
      %dma_start3A_100 = arith.constant 0 : i32
      %dma_start3A_101 = arith.constant 0 : i32
      %dma_start3A_102 = tpu.memref_slice %arg6[%dma_start3A_99, %dma_start3A_100, %dma_start3A_101] : memref<2x2x128xi32, #tpu.memory_space<vmem>> -> memref<1x2x128xi32, #tpu.memory_space<vmem>>
      %dma_start3A_103 = tpu.memref_squeeze %dma_start3A_102 : memref<1x2x128xi32, #tpu.memory_space<vmem>> -> memref<2x128xi32, #tpu.memory_space<vmem>>
      %dma_start3A_104 = arith.constant 0 : i32
      %dma_start3A_105 = arith.constant 0 : i32
      %dma_start3A_106 = tpu.memref_slice %arg3[%add3A, %add3A_98, %dma_start3A_104, %dma_start3A_105] : memref<32x42x2x128xi32, #tpu.memory_space<hbm>> -> memref<1x1x2x128xi32, #tpu.memory_space<hbm>>
      %dma_start3A_107 = tpu.memref_squeeze %dma_start3A_106 : memref<1x1x2x128xi32, #tpu.memory_space<hbm>> -> memref<2x128xi32, #tpu.memory_space<hbm>>
      %dma_start3A_108 = arith.constant 0 : i32
      %dma_start3A_109 = arith.constant 0 : i32
      %dma_start3A_110 = tpu.memref_slice %arg6[%dma_start3A_99, %dma_start3A_108, %dma_start3A_109] : memref<2x2x128xi32, #tpu.memory_space<vmem>> -> memref<1x2x128xi32, #tpu.memory_space<vmem>>
      %dma_start3A_111 = tpu.memref_squeeze %dma_start3A_110 : memref<1x2x128xi32, #tpu.memory_space<vmem>> -> memref<2x128xi32, #tpu.memory_space<vmem>>
      %dma_start3A_112 = arith.constant 0 : i32
      %dma_start3A_113 = arith.constant 0 : i32
      %dma_start3A_114 = tpu.memref_slice %arg3[%add3A, %add3A_98, %dma_start3A_112, %dma_start3A_113] : memref<32x42x2x128xi32, #tpu.memory_space<hbm>> -> memref<1x1x2x128xi32, #tpu.memory_space<hbm>>
      %dma_start3A_115 = tpu.memref_squeeze %dma_start3A_114 : memref<1x1x2x128xi32, #tpu.memory_space<hbm>> -> memref<2x128xi32, #tpu.memory_space<hbm>>
      tpu.enqueue_dma source(%dma_start3A_115 : memref<2x128xi32, #tpu.memory_space<hbm>>) target(%dma_start3A_111 : memref<2x128xi32, #tpu.memory_space<vmem>>) target_semaphore(%arg15 : memref<!tpu.dma_semaphore, #tpu.memory_space<semaphore_mem>>)
      %dma_start3A_116 = arith.constant 0 : i32
      %dma_start3A_117 = arith.constant 0 : i32
      %dma_start3A_118 = arith.constant 0 : i32
      %dma_start3A_119 = tpu.memref_slice %arg7[%dma_start3A_116, %dma_start3A_117, %dma_start3A_118] : memref<2x2x128xi32, #tpu.memory_space<vmem>> -> memref<1x2x128xi32, #tpu.memory_space<vmem>>
      %dma_start3A_120 = tpu.memref_squeeze %dma_start3A_119 : memref<1x2x128xi32, #tpu.memory_space<vmem>> -> memref<2x128xi32, #tpu.memory_space<vmem>>
      %dma_start3A_121 = arith.constant 0 : i32
      %dma_start3A_122 = arith.constant 0 : i32
      %dma_start3A_123 = tpu.memref_slice %arg4[%add3A, %add3A_98, %dma_start3A_121, %dma_start3A_122] : memref<32x42x2x128xi32, #tpu.memory_space<hbm>> -> memref<1x1x2x128xi32, #tpu.memory_space<hbm>>
      %dma_start3A_124 = tpu.memref_squeeze %dma_start3A_123 : memref<1x1x2x128xi32, #tpu.memory_space<hbm>> -> memref<2x128xi32, #tpu.memory_space<hbm>>
      %dma_start3A_125 = arith.constant 0 : i32
      %dma_start3A_126 = arith.constant 0 : i32
      %dma_start3A_127 = tpu.memref_slice %arg7[%dma_start3A_116, %dma_start3A_125, %dma_start3A_126] : memref<2x2x128xi32, #tpu.memory_space<vmem>> -> memref<1x2x128xi32, #tpu.memory_space<vmem>>
      %dma_start3A_128 = tpu.memref_squeeze %dma_start3A_127 : memref<1x2x128xi32, #tpu.memory_space<vmem>> -> memref<2x128xi32, #tpu.memory_space<vmem>>
      %dma_start3A_129 = arith.constant 0 : i32
      %dma_start3A_130 = arith.constant 0 : i32
      %dma_start3A_131 = tpu.memref_slice %arg4[%add3A, %add3A_98, %dma_start3A_129, %dma_start3A_130] : memref<32x42x2x128xi32, #tpu.memory_space<hbm>> -> memref<1x1x2x128xi32, #tpu.memory_space<hbm>>
      %dma_start3A_132 = tpu.memref_squeeze %dma_start3A_131 : memref<1x1x2x128xi32, #tpu.memory_space<hbm>> -> memref<2x128xi32, #tpu.memory_space<hbm>>
      tpu.enqueue_dma source(%dma_start3A_132 : memref<2x128xi32, #tpu.memory_space<hbm>>) target(%dma_start3A_128 : memref<2x128xi32, #tpu.memory_space<vmem>>) target_semaphore(%arg15 : memref<!tpu.dma_semaphore, #tpu.memory_space<semaphore_mem>>)
      %dma_wait3A_133 = arith.constant 1 : i32
      %dma_wait3A_134 = arith.constant 0 : i32
      %dma_wait3A_135 = arith.constant 0 : i32
      %dma_wait3A_136 = tpu.memref_slice %arg6[%dma_wait3A_133, %dma_wait3A_134, %dma_wait3A_135] : memref<2x2x128xi32, #tpu.memory_space<vmem>> -> memref<1x1x128xi32, #tpu.memory_space<vmem>>
      %dma_wait3A_137 = tpu.memref_squeeze %dma_wait3A_136 : memref<1x1x128xi32, #tpu.memory_space<vmem>> -> memref<128xi32, #tpu.memory_space<vmem>>
      %dma_wait3A_138 = arith.constant 0 : i32
      %dma_wait3A_139 = arith.constant 0 : i32
      %dma_wait3A_140 = tpu.memref_slice %arg2[%dma_wait3A_138, %dma_wait3A_139] : memref<10240x128xf32, #tpu.memory_space<hbm>> -> memref<10240x128xf32, #tpu.memory_space<hbm>>
      tpu.wait_indirect_dma semaphore(%arg11 : memref<!tpu.dma_semaphore, #tpu.memory_space<semaphore_mem>>) src(%dma_wait3A_140 : memref<10240x128xf32, #tpu.memory_space<hbm>>) dst(%arg8 : memref<128x128xf32, #tpu.memory_space<vmem>>)
      %run_scoped3A_141 = arith.constant 1 : i32
      %run_scoped3A_142 = arith.constant 0 : i32
      "tpu.region"() ({
        %run_scoped3A_261 = tpu.sem_alloc : memref<!tpu.dma_semaphore, #tpu.memory_space<semaphore_mem>>
        %dma_start3A_262 = arith.constant 0 : i32
        %dma_start3A_263 = tpu.memref_slice %arg7[%run_scoped3A_141, %run_scoped3A_142, %dma_start3A_262] : memref<2x2x128xi32, #tpu.memory_space<vmem>> -> memref<1x1x128xi32, #tpu.memory_space<vmem>>
        %dma_start3A_264 = tpu.memref_squeeze %dma_start3A_263 : memref<1x1x128xi32, #tpu.memory_space<vmem>> -> memref<128xi32, #tpu.memory_space<vmem>>
        %dma_start3A_265 = arith.constant 0 : i32
        %dma_start3A_266 = arith.constant 0 : i32
        %dma_start3A_267 = tpu.memref_slice %arg10[%dma_start3A_265, %dma_start3A_266] : memref<10240x128xf32, #tpu.memory_space<vmem_shared>> -> memref<10240x128xf32, #tpu.memory_space<vmem_shared>>
        tpu.enqueue_indirect_dma source(%arg8 : memref<128x128xf32, #tpu.memory_space<vmem>>) target(%dma_start3A_267 : memref<10240x128xf32, #tpu.memory_space<vmem_shared>>) offsets(%dma_start3A_264 : memref<128xi32, #tpu.memory_space<vmem>>) semaphore(%run_scoped3A_261 : memref<!tpu.dma_semaphore, #tpu.memory_space<semaphore_mem>>) {add = true}
        %dma_wait3A_268 = arith.constant 0 : i32
        %dma_wait3A_269 = tpu.memref_slice %arg7[%run_scoped3A_141, %run_scoped3A_142, %dma_wait3A_268] : memref<2x2x128xi32, #tpu.memory_space<vmem>> -> memref<1x1x128xi32, #tpu.memory_space<vmem>>
        %dma_wait3A_270 = tpu.memref_squeeze %dma_wait3A_269 : memref<1x1x128xi32, #tpu.memory_space<vmem>> -> memref<128xi32, #tpu.memory_space<vmem>>
        %dma_wait3A_271 = arith.constant 0 : i32
        %dma_wait3A_272 = arith.constant 0 : i32
        %dma_wait3A_273 = tpu.memref_slice %arg10[%dma_wait3A_271, %dma_wait3A_272] : memref<10240x128xf32, #tpu.memory_space<vmem_shared>> -> memref<10240x128xf32, #tpu.memory_space<vmem_shared>>
        tpu.wait_indirect_dma semaphore(%run_scoped3A_261 : memref<!tpu.dma_semaphore, #tpu.memory_space<semaphore_mem>>) src(%arg8 : memref<128x128xf32, #tpu.memory_space<vmem>>) dst(%dma_wait3A_273 : memref<10240x128xf32, #tpu.memory_space<vmem_shared>>)
        tpu.yield
      }) : () -> ()
      %dma_wait3A_143 = arith.constant 1 : i32
      %dma_wait3A_144 = arith.constant 1 : i32
      %dma_wait3A_145 = arith.constant 0 : i32
      %dma_wait3A_146 = tpu.memref_slice %arg6[%dma_wait3A_143, %dma_wait3A_144, %dma_wait3A_145] : memref<2x2x128xi32, #tpu.memory_space<vmem>> -> memref<1x1x128xi32, #tpu.memory_space<vmem>>
      %dma_wait3A_147 = tpu.memref_squeeze %dma_wait3A_146 : memref<1x1x128xi32, #tpu.memory_space<vmem>> -> memref<128xi32, #tpu.memory_space<vmem>>
      %dma_wait3A_148 = arith.constant 0 : i32
      %dma_wait3A_149 = arith.constant 0 : i32
      %dma_wait3A_150 = tpu.memref_slice %arg2[%dma_wait3A_148, %dma_wait3A_149] : memref<10240x128xf32, #tpu.memory_space<hbm>> -> memref<10240x128xf32, #tpu.memory_space<hbm>>
      tpu.wait_indirect_dma semaphore(%arg12 : memref<!tpu.dma_semaphore, #tpu.memory_space<semaphore_mem>>) src(%dma_wait3A_150 : memref<10240x128xf32, #tpu.memory_space<hbm>>) dst(%arg9 : memref<128x128xf32, #tpu.memory_space<vmem>>)
      %run_scoped3A_151 = arith.constant 1 : i32
      %run_scoped3A_152 = arith.constant 1 : i32
      "tpu.region"() ({
        %run_scoped3A_261 = tpu.sem_alloc : memref<!tpu.dma_semaphore, #tpu.memory_space<semaphore_mem>>
        %dma_start3A_262 = arith.constant 0 : i32
        %dma_start3A_263 = tpu.memref_slice %arg7[%run_scoped3A_151, %run_scoped3A_152, %dma_start3A_262] : memref<2x2x128xi32, #tpu.memory_space<vmem>> -> memref<1x1x128xi32, #tpu.memory_space<vmem>>
        %dma_start3A_264 = tpu.memref_squeeze %dma_start3A_263 : memref<1x1x128xi32, #tpu.memory_space<vmem>> -> memref<128xi32, #tpu.memory_space<vmem>>
        %dma_start3A_265 = arith.constant 0 : i32
        %dma_start3A_266 = arith.constant 0 : i32
        %dma_start3A_267 = tpu.memref_slice %arg10[%dma_start3A_265, %dma_start3A_266] : memref<10240x128xf32, #tpu.memory_space<vmem_shared>> -> memref<10240x128xf32, #tpu.memory_space<vmem_shared>>
        tpu.enqueue_indirect_dma source(%arg9 : memref<128x128xf32, #tpu.memory_space<vmem>>) target(%dma_start3A_267 : memref<10240x128xf32, #tpu.memory_space<vmem_shared>>) offsets(%dma_start3A_264 : memref<128xi32, #tpu.memory_space<vmem>>) semaphore(%run_scoped3A_261 : memref<!tpu.dma_semaphore, #tpu.memory_space<semaphore_mem>>) {add = true}
        %dma_wait3A_268 = arith.constant 0 : i32
        %dma_wait3A_269 = tpu.memref_slice %arg7[%run_scoped3A_151, %run_scoped3A_152, %dma_wait3A_268] : memref<2x2x128xi32, #tpu.memory_space<vmem>> -> memref<1x1x128xi32, #tpu.memory_space<vmem>>
        %dma_wait3A_270 = tpu.memref_squeeze %dma_wait3A_269 : memref<1x1x128xi32, #tpu.memory_space<vmem>> -> memref<128xi32, #tpu.memory_space<vmem>>
        %dma_wait3A_271 = arith.constant 0 : i32
        %dma_wait3A_272 = arith.constant 0 : i32
        %dma_wait3A_273 = tpu.memref_slice %arg10[%dma_wait3A_271, %dma_wait3A_272] : memref<10240x128xf32, #tpu.memory_space<vmem_shared>> -> memref<10240x128xf32, #tpu.memory_space<vmem_shared>>
        tpu.wait_indirect_dma semaphore(%run_scoped3A_261 : memref<!tpu.dma_semaphore, #tpu.memory_space<semaphore_mem>>) src(%arg9 : memref<128x128xf32, #tpu.memory_space<vmem>>) dst(%dma_wait3A_273 : memref<10240x128xf32, #tpu.memory_space<vmem_shared>>)
        tpu.yield
      }) : () -> ()
      %add3A_153 = arith.constant 3 : i32
      %add3A_154 = arith.addi %mul3A_46, %add3A_153 : i32
      %dma_start3A_155 = arith.constant 1 : i32
      %dma_start3A_156 = arith.constant 0 : i32
      %dma_start3A_157 = arith.constant 0 : i32
      %dma_start3A_158 = tpu.memref_slice %arg6[%dma_start3A_155, %dma_start3A_156, %dma_start3A_157] : memref<2x2x128xi32, #tpu.memory_space<vmem>> -> memref<1x2x128xi32, #tpu.memory_space<vmem>>
      %dma_start3A_159 = tpu.memref_squeeze %dma_start3A_158 : memref<1x2x128xi32, #tpu.memory_space<vmem>> -> memref<2x128xi32, #tpu.memory_space<vmem>>
      %dma_start3A_160 = arith.constant 0 : i32
      %dma_start3A_161 = arith.constant 0 : i32
      %dma_start3A_162 = tpu.memref_slice %arg3[%add3A, %add3A_154, %dma_start3A_160, %dma_start3A_161] : memref<32x42x2x128xi32, #tpu.memory_space<hbm>> -> memref<1x1x2x128xi32, #tpu.memory_space<hbm>>
      %dma_start3A_163 = tpu.memref_squeeze %dma_start3A_162 : memref<1x1x2x128xi32, #tpu.memory_space<hbm>> -> memref<2x128xi32, #tpu.memory_space<hbm>>
      %dma_start3A_164 = arith.constant 0 : i32
      %dma_start3A_165 = arith.constant 0 : i32
      %dma_start3A_166 = tpu.memref_slice %arg6[%dma_start3A_155, %dma_start3A_164, %dma_start3A_165] : memref<2x2x128xi32, #tpu.memory_space<vmem>> -> memref<1x2x128xi32, #tpu.memory_space<vmem>>
      %dma_start3A_167 = tpu.memref_squeeze %dma_start3A_166 : memref<1x2x128xi32, #tpu.memory_space<vmem>> -> memref<2x128xi32, #tpu.memory_space<vmem>>
      %dma_start3A_168 = arith.constant 0 : i32
      %dma_start3A_169 = arith.constant 0 : i32
      %dma_start3A_170 = tpu.memref_slice %arg3[%add3A, %add3A_154, %dma_start3A_168, %dma_start3A_169] : memref<32x42x2x128xi32, #tpu.memory_space<hbm>> -> memref<1x1x2x128xi32, #tpu.memory_space<hbm>>
      %dma_start3A_171 = tpu.memref_squeeze %dma_start3A_170 : memref<1x1x2x128xi32, #tpu.memory_space<hbm>> -> memref<2x128xi32, #tpu.memory_space<hbm>>
      tpu.enqueue_dma source(%dma_start3A_171 : memref<2x128xi32, #tpu.memory_space<hbm>>) target(%dma_start3A_167 : memref<2x128xi32, #tpu.memory_space<vmem>>) target_semaphore(%arg16 : memref<!tpu.dma_semaphore, #tpu.memory_space<semaphore_mem>>)
      %dma_start3A_172 = arith.constant 1 : i32
      %dma_start3A_173 = arith.constant 0 : i32
      %dma_start3A_174 = arith.constant 0 : i32
      %dma_start3A_175 = tpu.memref_slice %arg7[%dma_start3A_172, %dma_start3A_173, %dma_start3A_174] : memref<2x2x128xi32, #tpu.memory_space<vmem>> -> memref<1x2x128xi32, #tpu.memory_space<vmem>>
      %dma_start3A_176 = tpu.memref_squeeze %dma_start3A_175 : memref<1x2x128xi32, #tpu.memory_space<vmem>> -> memref<2x128xi32, #tpu.memory_space<vmem>>
      %dma_start3A_177 = arith.constant 0 : i32
      %dma_start3A_178 = arith.constant 0 : i32
      %dma_start3A_179 = tpu.memref_slice %arg4[%add3A, %add3A_154, %dma_start3A_177, %dma_start3A_178] : memref<32x42x2x128xi32, #tpu.memory_space<hbm>> -> memref<1x1x2x128xi32, #tpu.memory_space<hbm>>
      %dma_start3A_180 = tpu.memref_squeeze %dma_start3A_179 : memref<1x1x2x128xi32, #tpu.memory_space<hbm>> -> memref<2x128xi32, #tpu.memory_space<hbm>>
      %dma_start3A_181 = arith.constant 0 : i32
      %dma_start3A_182 = arith.constant 0 : i32
      %dma_start3A_183 = tpu.memref_slice %arg7[%dma_start3A_172, %dma_start3A_181, %dma_start3A_182] : memref<2x2x128xi32, #tpu.memory_space<vmem>> -> memref<1x2x128xi32, #tpu.memory_space<vmem>>
      %dma_start3A_184 = tpu.memref_squeeze %dma_start3A_183 : memref<1x2x128xi32, #tpu.memory_space<vmem>> -> memref<2x128xi32, #tpu.memory_space<vmem>>
      %dma_start3A_185 = arith.constant 0 : i32
      %dma_start3A_186 = arith.constant 0 : i32
      %dma_start3A_187 = tpu.memref_slice %arg4[%add3A, %add3A_154, %dma_start3A_185, %dma_start3A_186] : memref<32x42x2x128xi32, #tpu.memory_space<hbm>> -> memref<1x1x2x128xi32, #tpu.memory_space<hbm>>
      %dma_start3A_188 = tpu.memref_squeeze %dma_start3A_187 : memref<1x1x2x128xi32, #tpu.memory_space<hbm>> -> memref<2x128xi32, #tpu.memory_space<hbm>>
      tpu.enqueue_dma source(%dma_start3A_188 : memref<2x128xi32, #tpu.memory_space<hbm>>) target(%dma_start3A_184 : memref<2x128xi32, #tpu.memory_space<vmem>>) target_semaphore(%arg16 : memref<!tpu.dma_semaphore, #tpu.memory_space<semaphore_mem>>)
      %add3A_189 = arith.constant 2 : i32
      %add3A_190 = arith.addi %mul3A_46, %add3A_189 : i32
      %dma_wait3A_191 = arith.constant 0 : i32
      %dma_wait3A_192 = arith.constant 0 : i32
      %dma_wait3A_193 = arith.constant 0 : i32
      %dma_wait3A_194 = tpu.memref_slice %arg6[%dma_wait3A_191, %dma_wait3A_192, %dma_wait3A_193] : memref<2x2x128xi32, #tpu.memory_space<vmem>> -> memref<1x2x128xi32, #tpu.memory_space<vmem>>
      %dma_wait3A_195 = tpu.memref_squeeze %dma_wait3A_194 : memref<1x2x128xi32, #tpu.memory_space<vmem>> -> memref<2x128xi32, #tpu.memory_space<vmem>>
      %dma_wait3A_196 = arith.constant 0 : i32
      %dma_wait3A_197 = arith.constant 0 : i32
      %dma_wait3A_198 = tpu.memref_slice %arg3[%add3A, %add3A_190, %dma_wait3A_196, %dma_wait3A_197] : memref<32x42x2x128xi32, #tpu.memory_space<hbm>> -> memref<1x1x2x128xi32, #tpu.memory_space<hbm>>
      %dma_wait3A_199 = tpu.memref_squeeze %dma_wait3A_198 : memref<1x1x2x128xi32, #tpu.memory_space<hbm>> -> memref<2x128xi32, #tpu.memory_space<hbm>>
      %dma_wait3A_200 = arith.constant 0 : i32
      %dma_wait3A_201 = arith.constant 0 : i32
      %dma_wait3A_202 = tpu.memref_slice %arg6[%dma_wait3A_191, %dma_wait3A_200, %dma_wait3A_201] : memref<2x2x128xi32, #tpu.memory_space<vmem>> -> memref<1x2x128xi32, #tpu.memory_space<vmem>>
      %dma_wait3A_203 = tpu.memref_squeeze %dma_wait3A_202 : memref<1x2x128xi32, #tpu.memory_space<vmem>> -> memref<2x128xi32, #tpu.memory_space<vmem>>
      %dma_wait3A_204 = arith.constant 0 : i32
      %dma_wait3A_205 = arith.constant 0 : i32
      %dma_wait3A_206 = tpu.memref_slice %arg3[%add3A, %add3A_190, %dma_wait3A_204, %dma_wait3A_205] : memref<32x42x2x128xi32, #tpu.memory_space<hbm>> -> memref<1x1x2x128xi32, #tpu.memory_space<hbm>>
      %dma_wait3A_207 = tpu.memref_squeeze %dma_wait3A_206 : memref<1x1x2x128xi32, #tpu.memory_space<hbm>> -> memref<2x128xi32, #tpu.memory_space<hbm>>
      tpu.wait_dma2 semaphore(%arg15 : memref<!tpu.dma_semaphore, #tpu.memory_space<semaphore_mem>>) src(%dma_wait3A_207 : memref<2x128xi32, #tpu.memory_space<hbm>>) dst(%dma_wait3A_203 : memref<2x128xi32, #tpu.memory_space<vmem>>)
      %dma_wait3A_208 = arith.constant 0 : i32
      %dma_wait3A_209 = arith.constant 0 : i32
      %dma_wait3A_210 = arith.constant 0 : i32
      %dma_wait3A_211 = tpu.memref_slice %arg7[%dma_wait3A_208, %dma_wait3A_209, %dma_wait3A_210] : memref<2x2x128xi32, #tpu.memory_space<vmem>> -> memref<1x2x128xi32, #tpu.memory_space<vmem>>
      %dma_wait3A_212 = tpu.memref_squeeze %dma_wait3A_211 : memref<1x2x128xi32, #tpu.memory_space<vmem>> -> memref<2x128xi32, #tpu.memory_space<vmem>>
      %dma_wait3A_213 = arith.constant 0 : i32
      %dma_wait3A_214 = arith.constant 0 : i32
      %dma_wait3A_215 = tpu.memref_slice %arg4[%add3A, %add3A_190, %dma_wait3A_213, %dma_wait3A_214] : memref<32x42x2x128xi32, #tpu.memory_space<hbm>> -> memref<1x1x2x128xi32, #tpu.memory_space<hbm>>
      %dma_wait3A_216 = tpu.memref_squeeze %dma_wait3A_215 : memref<1x1x2x128xi32, #tpu.memory_space<hbm>> -> memref<2x128xi32, #tpu.memory_space<hbm>>
      %dma_wait3A_217 = arith.constant 0 : i32
      %dma_wait3A_218 = arith.constant 0 : i32
      %dma_wait3A_219 = tpu.memref_slice %arg7[%dma_wait3A_208, %dma_wait3A_217, %dma_wait3A_218] : memref<2x2x128xi32, #tpu.memory_space<vmem>> -> memref<1x2x128xi32, #tpu.memory_space<vmem>>
      %dma_wait3A_220 = tpu.memref_squeeze %dma_wait3A_219 : memref<1x2x128xi32, #tpu.memory_space<vmem>> -> memref<2x128xi32, #tpu.memory_space<vmem>>
      %dma_wait3A_221 = arith.constant 0 : i32
      %dma_wait3A_222 = arith.constant 0 : i32
      %dma_wait3A_223 = tpu.memref_slice %arg4[%add3A, %add3A_190, %dma_wait3A_221, %dma_wait3A_222] : memref<32x42x2x128xi32, #tpu.memory_space<hbm>> -> memref<1x1x2x128xi32, #tpu.memory_space<hbm>>
      %dma_wait3A_224 = tpu.memref_squeeze %dma_wait3A_223 : memref<1x1x2x128xi32, #tpu.memory_space<hbm>> -> memref<2x128xi32, #tpu.memory_space<hbm>>
      tpu.wait_dma2 semaphore(%arg15 : memref<!tpu.dma_semaphore, #tpu.memory_space<semaphore_mem>>) src(%dma_wait3A_224 : memref<2x128xi32, #tpu.memory_space<hbm>>) dst(%dma_wait3A_220 : memref<2x128xi32, #tpu.memory_space<vmem>>)
      %add3A_225 = arith.constant 3 : i32
      %add3A_226 = arith.addi %mul3A_46, %add3A_225 : i32
      %dma_wait3A_227 = arith.constant 1 : i32
      %dma_wait3A_228 = arith.constant 0 : i32
      %dma_wait3A_229 = arith.constant 0 : i32
      %dma_wait3A_230 = tpu.memref_slice %arg6[%dma_wait3A_227, %dma_wait3A_228, %dma_wait3A_229] : memref<2x2x128xi32, #tpu.memory_space<vmem>> -> memref<1x2x128xi32, #tpu.memory_space<vmem>>
      %dma_wait3A_231 = tpu.memref_squeeze %dma_wait3A_230 : memref<1x2x128xi32, #tpu.memory_space<vmem>> -> memref<2x128xi32, #tpu.memory_space<vmem>>
      %dma_wait3A_232 = arith.constant 0 : i32
      %dma_wait3A_233 = arith.constant 0 : i32
      %dma_wait3A_234 = tpu.memref_slice %arg3[%add3A, %add3A_226, %dma_wait3A_232, %dma_wait3A_233] : memref<32x42x2x128xi32, #tpu.memory_space<hbm>> -> memref<1x1x2x128xi32, #tpu.memory_space<hbm>>
      %dma_wait3A_235 = tpu.memref_squeeze %dma_wait3A_234 : memref<1x1x2x128xi32, #tpu.memory_space<hbm>> -> memref<2x128xi32, #tpu.memory_space<hbm>>
      %dma_wait3A_236 = arith.constant 0 : i32
      %dma_wait3A_237 = arith.constant 0 : i32
      %dma_wait3A_238 = tpu.memref_slice %arg6[%dma_wait3A_227, %dma_wait3A_236, %dma_wait3A_237] : memref<2x2x128xi32, #tpu.memory_space<vmem>> -> memref<1x2x128xi32, #tpu.memory_space<vmem>>
      %dma_wait3A_239 = tpu.memref_squeeze %dma_wait3A_238 : memref<1x2x128xi32, #tpu.memory_space<vmem>> -> memref<2x128xi32, #tpu.memory_space<vmem>>
      %dma_wait3A_240 = arith.constant 0 : i32
      %dma_wait3A_241 = arith.constant 0 : i32
      %dma_wait3A_242 = tpu.memref_slice %arg3[%add3A, %add3A_226, %dma_wait3A_240, %dma_wait3A_241] : memref<32x42x2x128xi32, #tpu.memory_space<hbm>> -> memref<1x1x2x128xi32, #tpu.memory_space<hbm>>
      %dma_wait3A_243 = tpu.memref_squeeze %dma_wait3A_242 : memref<1x1x2x128xi32, #tpu.memory_space<hbm>> -> memref<2x128xi32, #tpu.memory_space<hbm>>
      tpu.wait_dma2 semaphore(%arg16 : memref<!tpu.dma_semaphore, #tpu.memory_space<semaphore_mem>>) src(%dma_wait3A_243 : memref<2x128xi32, #tpu.memory_space<hbm>>) dst(%dma_wait3A_239 : memref<2x128xi32, #tpu.memory_space<vmem>>)
      %dma_wait3A_244 = arith.constant 1 : i32
      %dma_wait3A_245 = arith.constant 0 : i32
      %dma_wait3A_246 = arith.constant 0 : i32
      %dma_wait3A_247 = tpu.memref_slice %arg7[%dma_wait3A_244, %dma_wait3A_245, %dma_wait3A_246] : memref<2x2x128xi32, #tpu.memory_space<vmem>> -> memref<1x2x128xi32, #tpu.memory_space<vmem>>
      %dma_wait3A_248 = tpu.memref_squeeze %dma_wait3A_247 : memref<1x2x128xi32, #tpu.memory_space<vmem>> -> memref<2x128xi32, #tpu.memory_space<vmem>>
      %dma_wait3A_249 = arith.constant 0 : i32
      %dma_wait3A_250 = arith.constant 0 : i32
      %dma_wait3A_251 = tpu.memref_slice %arg4[%add3A, %add3A_226, %dma_wait3A_249, %dma_wait3A_250] : memref<32x42x2x128xi32, #tpu.memory_space<hbm>> -> memref<1x1x2x128xi32, #tpu.memory_space<hbm>>
      %dma_wait3A_252 = tpu.memref_squeeze %dma_wait3A_251 : memref<1x1x2x128xi32, #tpu.memory_space<hbm>> -> memref<2x128xi32, #tpu.memory_space<hbm>>
      %dma_wait3A_253 = arith.constant 0 : i32
      %dma_wait3A_254 = arith.constant 0 : i32
      %dma_wait3A_255 = tpu.memref_slice %arg7[%dma_wait3A_244, %dma_wait3A_253, %dma_wait3A_254] : memref<2x2x128xi32, #tpu.memory_space<vmem>> -> memref<1x2x128xi32, #tpu.memory_space<vmem>>
      %dma_wait3A_256 = tpu.memref_squeeze %dma_wait3A_255 : memref<1x2x128xi32, #tpu.memory_space<vmem>> -> memref<2x128xi32, #tpu.memory_space<vmem>>
      %dma_wait3A_257 = arith.constant 0 : i32
      %dma_wait3A_258 = arith.constant 0 : i32
      %dma_wait3A_259 = tpu.memref_slice %arg4[%add3A, %add3A_226, %dma_wait3A_257, %dma_wait3A_258] : memref<32x42x2x128xi32, #tpu.memory_space<hbm>> -> memref<1x1x2x128xi32, #tpu.memory_space<hbm>>
      %dma_wait3A_260 = tpu.memref_squeeze %dma_wait3A_259 : memref<1x1x2x128xi32, #tpu.memory_space<hbm>> -> memref<2x128xi32, #tpu.memory_space<hbm>>
      tpu.wait_dma2 semaphore(%arg16 : memref<!tpu.dma_semaphore, #tpu.memory_space<semaphore_mem>>) src(%dma_wait3A_260 : memref<2x128xi32, #tpu.memory_space<hbm>>) dst(%dma_wait3A_256 : memref<2x128xi32, #tpu.memory_space<vmem>>)
    }
    %scan3A_38 = arith.constant 20 : i32
    %barrier3A_39 = arith.constant 0 : index
    tpu.barrier barrier_id(%barrier3A_39)
    %mul3A_40 = arith.constant 640 : i32
    %mul3A_41 = arith.muli %arg1, %mul3A_40 : i32
    %mul3A_42 = arith.constant 640 : i32
    %mul3A_43 = arith.muli %arg1, %mul3A_42 : i32
    "tpu.region"() ({
      %run_scoped3A_44 = tpu.sem_alloc : memref<!tpu.dma_semaphore, #tpu.memory_space<semaphore_mem>>
      %dma_start3A = arith.constant 0 : i32
      %dma_start3A_45 = tpu.memref_slice %arg5[%arg0, %mul3A_43, %dma_start3A] : memref<2x10240x128xf32, #tpu.memory_space<hbm>> -> memref<1x640x128xf32, #tpu.memory_space<hbm>>
      %dma_start3A_46 = tpu.memref_squeeze %dma_start3A_45 : memref<1x640x128xf32, #tpu.memory_space<hbm>> -> memref<640x128xf32, #tpu.memory_space<hbm>>
      %dma_start3A_47 = arith.constant 0 : i32
      %dma_start3A_48 = tpu.memref_slice %arg10[%mul3A_41, %dma_start3A_47] : memref<10240x128xf32, #tpu.memory_space<vmem_shared>> -> memref<640x128xf32, #tpu.memory_space<vmem_shared>>
      tpu.enqueue_dma source(%dma_start3A_48 : memref<640x128xf32, #tpu.memory_space<vmem_shared>>) target(%dma_start3A_46 : memref<640x128xf32, #tpu.memory_space<hbm>>) target_semaphore(%run_scoped3A_44 : memref<!tpu.dma_semaphore, #tpu.memory_space<semaphore_mem>>)
      %dma_wait3A = arith.constant 0 : i32
      %dma_wait3A_49 = tpu.memref_slice %arg5[%arg0, %mul3A_43, %dma_wait3A] : memref<2x10240x128xf32, #tpu.memory_space<hbm>> -> memref<1x640x128xf32, #tpu.memory_space<hbm>>
      %dma_wait3A_50 = tpu.memref_squeeze %dma_wait3A_49 : memref<1x640x128xf32, #tpu.memory_space<hbm>> -> memref<640x128xf32, #tpu.memory_space<hbm>>
      %dma_wait3A_51 = arith.constant 0 : i32
      %dma_wait3A_52 = tpu.memref_slice %arg10[%mul3A_41, %dma_wait3A_51] : memref<10240x128xf32, #tpu.memory_space<vmem_shared>> -> memref<640x128xf32, #tpu.memory_space<vmem_shared>>
      tpu.wait_dma2 semaphore(%run_scoped3A_44 : memref<!tpu.dma_semaphore, #tpu.memory_space<semaphore_mem>>) src(%dma_wait3A_52 : memref<640x128xf32, #tpu.memory_space<vmem_shared>>) dst(%dma_wait3A_50 : memref<640x128xf32, #tpu.memory_space<hbm>>)
      tpu.yield
    }) : () -> ()
    return
  }
}

module attributes {stable_mosaic.version = 14 : i64} {
  func.func @_tc_first_body(%arg0: i32, %arg1: memref<1280x128xf32, #tpu.memory_space<vmem>>, %arg2: memref<128x128xf32, #tpu.memory_space<vmem>>, %arg3: memref<2x1280x1xf32, #tpu.memory_space<vmem>>, %arg4: memref<1280x128xf32, #tpu.memory_space<vmem>>) attributes {dimension_semantics = [#tpu.dimension_semantics<arbitrary>], iteration_bounds = array<i64: 8>, scalar_prefetch = 0 : i64, scratch_operands = 0 : i64, tpu.core_type = #tpu.core_type<tc>, window_params = [{transform_indices = @transform_0, window_bounds = array<i64: 1280, 128>}, {pipeline_mode = #tpu.pipeline_mode<synchronous>, transform_indices = @transform_1, window_bounds = array<i64: 128, 128>}, {transform_indices = @transform_2, window_bounds = array<i64: 2, 1280, 1>}, {transform_indices = @transform_3, window_bounds = array<i64: 1280, 128>}]} {
    %get3A = arith.constant 0 : index
    %get3A_0 = arith.constant 0 : index
    %get3A_1 = arith.constant 0 : index
    %get3A_2 = vector.load %arg3[%get3A, %get3A_0, %get3A_1] : memref<2x1280x1xf32, #tpu.memory_space<vmem>>, vector<1x1280x1xf32>
    %get3A_3 = vector.shape_cast %get3A_2 : vector<1x1280x1xf32> to vector<1280x1xf32>
    %get3A_4 = arith.constant 1 : index
    %get3A_5 = arith.constant 0 : index
    %get3A_6 = arith.constant 0 : index
    %get3A_7 = vector.load %arg3[%get3A_4, %get3A_5, %get3A_6] : memref<2x1280x1xf32, #tpu.memory_space<vmem>>, vector<1x1280x1xf32>
    %get3A_8 = vector.shape_cast %get3A_7 : vector<1x1280x1xf32> to vector<1280x1xf32>
    %add3A = arith.addf %get3A_3, %get3A_8 : vector<1280x1xf32>
    %add3A_9 = arith.constant 1.000000e+00 : f32
    %add3A_10 = vector.broadcast %add3A_9 : f32 to vector<1280x1xf32>
    %add3A_11 = arith.addf %add3A, %add3A_10 : vector<1280x1xf32>
    %rsqrt3A = math.rsqrt %add3A_11 : vector<1280x1xf32>
    %get3A_12 = arith.constant 0 : index
    %get3A_13 = arith.constant 0 : index
    %get3A_14 = vector.load %arg1[%get3A_12, %get3A_13] : memref<1280x128xf32, #tpu.memory_space<vmem>>, vector<1280x128xf32>
    %get3A_15 = arith.constant 0 : index
    %get3A_16 = arith.constant 0 : index
    %get3A_17 = vector.load %arg2[%get3A_15, %get3A_16] : memref<128x128xf32, #tpu.memory_space<vmem>>, vector<128x128xf32>
    %dot_general3A = arith.constant dense<0.000000e+00> : vector<1280x128xf32>
    %dot_general3A_18 = tpu.matmul %get3A_14, %get3A_17, %dot_general3A {dimension_numbers = #tpu.dot_dimension_numbers<[1], [0], [0], [1], [0, 0, 1, 1], [], []>, transpose_lhs_hint = false} : vector<1280x128xf32>, vector<128x128xf32>, vector<1280x128xf32> -> vector<1280x128xf32>
    %mul3A = vector.broadcast %rsqrt3A : vector<1280x1xf32> to vector<1280x128xf32>
    %mul3A_19 = arith.mulf %dot_general3A_18, %mul3A : vector<1280x128xf32>
    %swap3A = arith.constant 0 : index
    %swap3A_20 = arith.constant 0 : index
    %swap3A_21 = vector.load %arg4[%swap3A, %swap3A_20] : memref<1280x128xf32, #tpu.memory_space<vmem>>, vector<1280x128xf32>
    tpu.vector_store %arg4[%swap3A, %swap3A_20], %mul3A_19 {strides = array<i32>} : memref<1280x128xf32, #tpu.memory_space<vmem>>, vector<1280x128xf32>,
    return
  }
  func.func @transform_0(%arg0: i32) -> (i32, i32) {
    %c0_i32 = arith.constant 0 : i32
    %c0_i32_0 = arith.constant 0 : i32
    return %arg0, %c0_i32 : i32, i32
  }
  func.func @transform_1(%arg0: i32) -> (i32, i32) {
    %c0_i32 = arith.constant 0 : i32
    %c0_i32_0 = arith.constant 0 : i32
    %c0_i32_1 = arith.constant 0 : i32
    return %c0_i32, %c0_i32_0 : i32, i32
  }
  func.func @transform_2(%arg0: i32) -> (i32, i32, i32) {
    %c0_i32 = arith.constant 0 : i32
    %c0_i32_0 = arith.constant 0 : i32
    %c0_i32_1 = arith.constant 0 : i32
    return %c0_i32, %arg0, %c0_i32_0 : i32, i32, i32
  }
  func.func @transform_3(%arg0: i32) -> (i32, i32) {
    %c0_i32 = arith.constant 0 : i32
    %c0_i32_0 = arith.constant 0 : i32
    return %arg0, %c0_i32 : i32, i32
  }
}

module attributes {stable_mosaic.version = 14 : i64} {
  func.func @_tc_mid_body(%arg0: i32, %arg1: memref<2x1280x128xf32, #tpu.memory_space<vmem>>, %arg2: memref<1280x128xf32, #tpu.memory_space<vmem>>, %arg3: memref<2x1280x1xf32, #tpu.memory_space<vmem>>, %arg4: memref<1x128xf32, #tpu.memory_space<vmem>>, %arg5: memref<128x128xf32, #tpu.memory_space<vmem>>, %arg6: memref<1280x128xf32, #tpu.memory_space<vmem>>) attributes {dimension_semantics = [#tpu.dimension_semantics<arbitrary>], iteration_bounds = array<i64: 8>, scalar_prefetch = 0 : i64, scratch_operands = 0 : i64, tpu.core_type = #tpu.core_type<tc>, window_params = [{transform_indices = @transform_0, window_bounds = array<i64: 2, 1280, 128>}, {transform_indices = @transform_1, window_bounds = array<i64: 1280, 128>}, {transform_indices = @transform_2, window_bounds = array<i64: 2, 1280, 1>}, {pipeline_mode = #tpu.pipeline_mode<synchronous>, transform_indices = @transform_3, window_bounds = array<i64: 1, 128>}, {pipeline_mode = #tpu.pipeline_mode<synchronous>, transform_indices = @transform_4, window_bounds = array<i64: 128, 128>}, {transform_indices = @transform_5, window_bounds = array<i64: 1280, 128>}]} {
    %get3A = arith.constant 0 : index
    %get3A_0 = arith.constant 0 : index
    %get3A_1 = arith.constant 0 : index
    %get3A_2 = vector.load %arg3[%get3A, %get3A_0, %get3A_1] : memref<2x1280x1xf32, #tpu.memory_space<vmem>>, vector<1x1280x1xf32>
    %get3A_3 = vector.shape_cast %get3A_2 : vector<1x1280x1xf32> to vector<1280x1xf32>
    %get3A_4 = arith.constant 1 : index
    %get3A_5 = arith.constant 0 : index
    %get3A_6 = arith.constant 0 : index
    %get3A_7 = vector.load %arg3[%get3A_4, %get3A_5, %get3A_6] : memref<2x1280x1xf32, #tpu.memory_space<vmem>>, vector<1x1280x1xf32>
    %get3A_8 = vector.shape_cast %get3A_7 : vector<1x1280x1xf32> to vector<1280x1xf32>
    %add3A = arith.addf %get3A_3, %get3A_8 : vector<1280x1xf32>
    %add3A_9 = arith.constant 1.000000e+00 : f32
    %add3A_10 = vector.broadcast %add3A_9 : f32 to vector<1280x1xf32>
    %add3A_11 = arith.addf %add3A, %add3A_10 : vector<1280x1xf32>
    %rsqrt3A = math.rsqrt %add3A_11 : vector<1280x1xf32>
    %get3A_12 = arith.constant 0 : index
    %get3A_13 = arith.constant 0 : index
    %get3A_14 = arith.constant 0 : index
    %get3A_15 = vector.load %arg1[%get3A_12, %get3A_13, %get3A_14] : memref<2x1280x128xf32, #tpu.memory_space<vmem>>, vector<1x1280x128xf32>
    %get3A_16 = vector.shape_cast %get3A_15 : vector<1x1280x128xf32> to vector<1280x128xf32>
    %get3A_17 = arith.constant 1 : index
    %get3A_18 = arith.constant 0 : index
    %get3A_19 = arith.constant 0 : index
    %get3A_20 = vector.load %arg1[%get3A_17, %get3A_18, %get3A_19] : memref<2x1280x128xf32, #tpu.memory_space<vmem>>, vector<1x1280x128xf32>
    %get3A_21 = vector.shape_cast %get3A_20 : vector<1x1280x128xf32> to vector<1280x128xf32>
    %add3A_22 = arith.addf %get3A_16, %get3A_21 : vector<1280x128xf32>
    %get3A_23 = arith.constant 0 : index
    %get3A_24 = arith.constant 0 : index
    %get3A_25 = vector.load %arg2[%get3A_23, %get3A_24] : memref<1280x128xf32, #tpu.memory_space<vmem>>, vector<1280x128xf32>
    %add3A_26 = arith.addf %add3A_22, %get3A_25 : vector<1280x128xf32>
    %mul3A = vector.broadcast %rsqrt3A : vector<1280x1xf32> to vector<1280x128xf32>
    %mul3A_27 = arith.mulf %mul3A, %add3A_26 : vector<1280x128xf32>
    %get3A_28 = arith.constant 0 : index
    %get3A_29 = arith.constant 0 : index
    %get3A_30 = vector.load %arg4[%get3A_28, %get3A_29] : memref<1x128xf32, #tpu.memory_space<vmem>>, vector<1x128xf32>
    %add3A_31 = vector.broadcast %get3A_30 : vector<1x128xf32> to vector<1280x128xf32>
    %add3A_32 = arith.addf %mul3A_27, %add3A_31 : vector<1280x128xf32>
    %max3A = arith.constant 0.000000e+00 : f32
    %max3A_33 = vector.broadcast %max3A : f32 to vector<1280x128xf32>
    %max3A_34 = arith.maximumf %add3A_32, %max3A_33 : vector<1280x128xf32>
    %get3A_35 = arith.constant 0 : index
    %get3A_36 = arith.constant 0 : index
    %get3A_37 = vector.load %arg5[%get3A_35, %get3A_36] : memref<128x128xf32, #tpu.memory_space<vmem>>, vector<128x128xf32>
    %dot_general3A = arith.constant dense<0.000000e+00> : vector<1280x128xf32>
    %dot_general3A_38 = tpu.matmul %max3A_34, %get3A_37, %dot_general3A {dimension_numbers = #tpu.dot_dimension_numbers<[1], [0], [0], [1], [0, 0, 1, 1], [], []>, transpose_lhs_hint = false} : vector<1280x128xf32>, vector<128x128xf32>, vector<1280x128xf32> -> vector<1280x128xf32>
    %mul3A_39 = vector.broadcast %rsqrt3A : vector<1280x1xf32> to vector<1280x128xf32>
    %mul3A_40 = arith.mulf %dot_general3A_38, %mul3A_39 : vector<1280x128xf32>
    %swap3A = arith.constant 0 : index
    %swap3A_41 = arith.constant 0 : index
    %swap3A_42 = vector.load %arg6[%swap3A, %swap3A_41] : memref<1280x128xf32, #tpu.memory_space<vmem>>, vector<1280x128xf32>
    tpu.vector_store %arg6[%swap3A, %swap3A_41], %mul3A_40 {strides = array<i32>} : memref<1280x128xf32, #tpu.memory_space<vmem>>, vector<1280x128xf32>,
    return
  }
  func.func @transform_0(%arg0: i32) -> (i32, i32, i32) {
    %c0_i32 = arith.constant 0 : i32
    %c0_i32_0 = arith.constant 0 : i32
    %c0_i32_1 = arith.constant 0 : i32
    return %c0_i32, %arg0, %c0_i32_0 : i32, i32, i32
  }
  func.func @transform_1(%arg0: i32) -> (i32, i32) {
    %c0_i32 = arith.constant 0 : i32
    %c0_i32_0 = arith.constant 0 : i32
    return %arg0, %c0_i32 : i32, i32
  }
  func.func @transform_2(%arg0: i32) -> (i32, i32, i32) {
    %c0_i32 = arith.constant 0 : i32
    %c0_i32_0 = arith.constant 0 : i32
    %c0_i32_1 = arith.constant 0 : i32
    return %c0_i32, %arg0, %c0_i32_0 : i32, i32, i32
  }
  func.func @transform_3(%arg0: i32) -> (i32, i32) {
    %c0_i32 = arith.constant 0 : i32
    %c0_i32_0 = arith.constant 0 : i32
    %c0_i32_1 = arith.constant 0 : i32
    return %c0_i32, %c0_i32_0 : i32, i32
  }
  func.func @transform_4(%arg0: i32) -> (i32, i32) {
    %c0_i32 = arith.constant 0 : i32
    %c0_i32_0 = arith.constant 0 : i32
    %c0_i32_1 = arith.constant 0 : i32
    return %c0_i32, %c0_i32_0 : i32, i32
  }
  func.func @transform_5(%arg0: i32) -> (i32, i32) {
    %c0_i32 = arith.constant 0 : i32
    %c0_i32_0 = arith.constant 0 : i32
    return %arg0, %c0_i32 : i32, i32
  }
}

module attributes {stable_mosaic.version = 14 : i64} {
  func.func @_tc_final_body(%arg0: i32, %arg1: memref<2x1280x128xf32, #tpu.memory_space<vmem>>, %arg2: memref<1280x128xf32, #tpu.memory_space<vmem>>, %arg3: memref<2x1280x1xf32, #tpu.memory_space<vmem>>, %arg4: memref<1x128xf32, #tpu.memory_space<vmem>>, %arg5: memref<1280x128xf32, #tpu.memory_space<vmem>>) attributes {dimension_semantics = [#tpu.dimension_semantics<arbitrary>], iteration_bounds = array<i64: 8>, scalar_prefetch = 0 : i64, scratch_operands = 0 : i64, tpu.core_type = #tpu.core_type<tc>, window_params = [{transform_indices = @transform_0, window_bounds = array<i64: 2, 1280, 128>}, {transform_indices = @transform_1, window_bounds = array<i64: 1280, 128>}, {transform_indices = @transform_2, window_bounds = array<i64: 2, 1280, 1>}, {pipeline_mode = #tpu.pipeline_mode<synchronous>, transform_indices = @transform_3, window_bounds = array<i64: 1, 128>}, {transform_indices = @transform_4, window_bounds = array<i64: 1280, 128>}]} {
    %get3A = arith.constant 0 : index
    %get3A_0 = arith.constant 0 : index
    %get3A_1 = arith.constant 0 : index
    %get3A_2 = vector.load %arg3[%get3A, %get3A_0, %get3A_1] : memref<2x1280x1xf32, #tpu.memory_space<vmem>>, vector<1x1280x1xf32>
    %get3A_3 = vector.shape_cast %get3A_2 : vector<1x1280x1xf32> to vector<1280x1xf32>
    %get3A_4 = arith.constant 1 : index
    %get3A_5 = arith.constant 0 : index
    %get3A_6 = arith.constant 0 : index
    %get3A_7 = vector.load %arg3[%get3A_4, %get3A_5, %get3A_6] : memref<2x1280x1xf32, #tpu.memory_space<vmem>>, vector<1x1280x1xf32>
    %get3A_8 = vector.shape_cast %get3A_7 : vector<1x1280x1xf32> to vector<1280x1xf32>
    %add3A = arith.addf %get3A_3, %get3A_8 : vector<1280x1xf32>
    %add3A_9 = arith.constant 1.000000e+00 : f32
    %add3A_10 = vector.broadcast %add3A_9 : f32 to vector<1280x1xf32>
    %add3A_11 = arith.addf %add3A, %add3A_10 : vector<1280x1xf32>
    %rsqrt3A = math.rsqrt %add3A_11 : vector<1280x1xf32>
    %get3A_12 = arith.constant 0 : index
    %get3A_13 = arith.constant 0 : index
    %get3A_14 = arith.constant 0 : index
    %get3A_15 = vector.load %arg1[%get3A_12, %get3A_13, %get3A_14] : memref<2x1280x128xf32, #tpu.memory_space<vmem>>, vector<1x1280x128xf32>
    %get3A_16 = vector.shape_cast %get3A_15 : vector<1x1280x128xf32> to vector<1280x128xf32>
    %get3A_17 = arith.constant 1 : index
    %get3A_18 = arith.constant 0 : index
    %get3A_19 = arith.constant 0 : index
    %get3A_20 = vector.load %arg1[%get3A_17, %get3A_18, %get3A_19] : memref<2x1280x128xf32, #tpu.memory_space<vmem>>, vector<1x1280x128xf32>
    %get3A_21 = vector.shape_cast %get3A_20 : vector<1x1280x128xf32> to vector<1280x128xf32>
    %add3A_22 = arith.addf %get3A_16, %get3A_21 : vector<1280x128xf32>
    %get3A_23 = arith.constant 0 : index
    %get3A_24 = arith.constant 0 : index
    %get3A_25 = vector.load %arg2[%get3A_23, %get3A_24] : memref<1280x128xf32, #tpu.memory_space<vmem>>, vector<1280x128xf32>
    %add3A_26 = arith.addf %add3A_22, %get3A_25 : vector<1280x128xf32>
    %mul3A = vector.broadcast %rsqrt3A : vector<1280x1xf32> to vector<1280x128xf32>
    %mul3A_27 = arith.mulf %mul3A, %add3A_26 : vector<1280x128xf32>
    %get3A_28 = arith.constant 0 : index
    %get3A_29 = arith.constant 0 : index
    %get3A_30 = vector.load %arg4[%get3A_28, %get3A_29] : memref<1x128xf32, #tpu.memory_space<vmem>>, vector<1x128xf32>
    %add3A_31 = vector.broadcast %get3A_30 : vector<1x128xf32> to vector<1280x128xf32>
    %add3A_32 = arith.addf %mul3A_27, %add3A_31 : vector<1280x128xf32>
    %swap3A = arith.constant 0 : index
    %swap3A_33 = arith.constant 0 : index
    %swap3A_34 = vector.load %arg5[%swap3A, %swap3A_33] : memref<1280x128xf32, #tpu.memory_space<vmem>>, vector<1280x128xf32>
    tpu.vector_store %arg5[%swap3A, %swap3A_33], %add3A_32 {strides = array<i32>} : memref<1280x128xf32, #tpu.memory_space<vmem>>, vector<1280x128xf32>,
    return
  }
  func.func @transform_0(%arg0: i32) -> (i32, i32, i32) {
    %c0_i32 = arith.constant 0 : i32
    %c0_i32_0 = arith.constant 0 : i32
    %c0_i32_1 = arith.constant 0 : i32
    return %c0_i32, %arg0, %c0_i32_0 : i32, i32, i32
  }
  func.func @transform_1(%arg0: i32) -> (i32, i32) {
    %c0_i32 = arith.constant 0 : i32
    %c0_i32_0 = arith.constant 0 : i32
    return %arg0, %c0_i32 : i32, i32
  }
  func.func @transform_2(%arg0: i32) -> (i32, i32, i32) {
    %c0_i32 = arith.constant 0 : i32
    %c0_i32_0 = arith.constant 0 : i32
    %c0_i32_1 = arith.constant 0 : i32
    return %c0_i32, %arg0, %c0_i32_0 : i32, i32, i32
  }
  func.func @transform_3(%arg0: i32) -> (i32, i32) {
    %c0_i32 = arith.constant 0 : i32
    %c0_i32_0 = arith.constant 0 : i32
    %c0_i32_1 = arith.constant 0 : i32
    return %c0_i32, %c0_i32_0 : i32, i32
  }
  func.func @transform_4(%arg0: i32) -> (i32, i32) {
    %c0_i32 = arith.constant 0 : i32
    %c0_i32_0 = arith.constant 0 : i32
    return %arg0, %c0_i32 : i32, i32
  }
}

</mosaic_0001>

<sc_bundles>
// kernel: kernel.10.cloned.1.call-start
scs
__scs_entry_jumppad:
0x0: {  	(pc) =	sbr.rel $0x88, $3  }
0x1: {  	(tag) =	ssettag $0x0;
	lr =	simm.s32 $0x1  }
0x2: {  	[smem:$0x3F99] =	sst lr;
	_ =	strace $0xD0000000  }
0x3: {  	_ = 	snop  }
0x4: {  	_ = 	snop  }
0x5: {  	_ = 	snop  }
0x6: {  	_ = 	snop  }
0x7: {  	_ = 	snop  }
__scs_overlays_trampoline_lowered:
0x8: {  	[smem:$0x3FA8] =	sst s0  }
0x9: {  	[smem:$0x3FA9] =	sst s1  }
0xa: {  	[smem:$0x3FAA] =	sst s2  }
0xb: {  	[smem:$0x3FAB] =	sst s3  }
0xc: {  	[smem:$0x3FAC] =	sst s4  }
0xd: {  	[smem:$0x3FAD] =	sst s5  }
0xe: {  	[smem:$0x3FAE] =	sst s6  }
0xf: {  	[smem:$0x3FAF] =	sst s7  }
0x10: {  	[smem:$0x3FB0] =	sst s8  }
0x11: {  	[smem:$0x3FB1] =	sst s9;
	s0 =	simm.s32 @!p0 $0x0  }
0x12: {  	s1 =	sld [smem:$0x3F97];
	s0 =	simm.s32 @p0 $0x1  }
0x13: {  	[smem:$0x3FB2] =	sst s0;
	s0 =	simm.s32 @!p1 $0x0  }
0x14: {  	s2 =	sld [smem:$0x3F96];
	s0 =	simm.s32 @p1 $0x1  }
0x15: {  	[smem:$0x3FB3] =	sst s0;
	s0 =	simm.s32 @!p2 $0x0  }
0x16: {  	s3 =	sld [smem:$0x3FDB];
	s0 =	simm.s32 @p2 $0x1  }
0x17: {  	s4 =	simm.s32 $0x1BF5;
	[smem:$0x3FB5] =	sst s0  }
0x18: {  	s0 =	sld [smem:$0x3F98];
	_ =	swait.ge [sflag:s4], $0x0  }
0x19: {  	s7 =	sld [smem:$0x3F99]  }
0x1a: {  	s8 =	sadd.s32 $0xFFFFE003, lr  }
0x1b: {  	s9 =	sadd.s32 $0xFFFFFEF7, lr;
	s5 =	simm.s32 $0xFFFFFFFF;
	p2 =	slt.u32 s8, $0xFFFFF086  }
0x1c: {  	p1 =	slt.u32 s9, $0xF7A;
	s5 =	simm.s32 @!p2 $0x0  }
0x1d: {  	s5 =	simm.s32 @p1 $0x1;
	p0 =	seq.s32 s7, s2  }
0x1e: {  	s7 =	smul.u32 @!p0 $0xF7A, s2;
	p2 =	seq.s32 @!p0 s5, $0x0  }
0x1f: {  	s9 =	smul.u32 $0xF7A, s1;
	s8 =	simm.s32 @!p0 $0x1BF5;
	p2 =	por !p2, p0  }
0x20: {  	[sflag:s8] =	ssyncset.s32 @!p0 $0xFFFFF086;
	s6 =	sadd.s32 @!p0 s3, s7;
	s7 =	simm.s32 @!p0 $0x108  }
0x21: {  	s3 =	sadd.s32 s3, s9;
	s6 =	sadd.s32 @!p0 $0x88, s6;
	s7 =	simm.s32 @p2 $0x1082  }
0x22: {  	[simem:s7], [sflag:s8] =	dma.local @!p0 [hbm:s6], $0xF7A  }
0x23: {  	s9 =	sor.u32 $0xD0000000, s2;
	s6 =	simm.s32 $0x108;
	_ =	swait.ge @!p0 [sflag:s8], $0x0  }
0x24: {  	s3 =	sadd.s32 $0x88, s3;
	s6 =	simm.s32 @!p1 $0x1082;
	[sflag:s4] =	ssyncset.s32 $0xFFFFF086  }
0x25: {  	[simem:s6], [sflag:s4] =	dma.local [hbm:s3], $0xF7A  }
0x26: {  	[smem:$0x3F99] =	sst s1;
	(tag) =	ssettag s2;
	_ =	strace s9  }
0x27: {  	s1 =	sld [smem:$0x3FA9]  }
0x28: {  	s2 =	sld [smem:$0x3FAA]  }
0x29: {  	s4 =	sld [smem:$0x3FAC]  }
0x2a: {  	p0 =	seq.s32 s5, $0x0;
	s5 =	sld [smem:$0x3FAD]  }
0x2b: {  	s6 =	sld [smem:$0x3FAE]  }
0x2c: {  	s7 =	sld [smem:$0x3FAF]  }
0x2d: {  	s3 =	simm.s32 $0x108;
	s8 =	sld [smem:$0x3FB0]  }
0x2e: {  	s3 =	simm.s32 @!p0 $0x1082;
	s9 =	sld [smem:$0x3FB1]  }
0x2f: {  	lr =	sadd.s32 s0, s3;
	s0 =	sld [smem:$0x3FA8]  }
0x30: {  	s3 =	sld [smem:$0x3FAB]  }
0x31: {  	[smem:$0x3FB4] =	sst s10  }
0x32: {  	s10 =	sld [smem:$0x3FB2];
	_ =	sdelay $0x3  }
0x33: {  	p0 =	seq.s32 s10, $0x1;
	s10 =	sld [smem:$0x3FB4];
	_ =	sdelay $0x3  }
0x34: {  	[smem:$0x3FB4] =	sst s10  }
0x35: {  	s10 =	sld [smem:$0x3FB3];
	_ =	sdelay $0x3  }
0x36: {  	p1 =	seq.s32 s10, $0x1;
	s10 =	sld [smem:$0x3FB4];
	_ =	sdelay $0x3  }
0x37: {  	[smem:$0x3FB4] =	sst s10  }
0x38: {  	s10 =	sld [smem:$0x3FB5]  }
0x39: {  	_ = 	snop;
	(pc) =	sbr.ind lr, $3  }
0x3a: {  	_ = 	snop  }
0x3b: {  	_ = 	snop  }
0x3c: {  	p2 =	seq.s32 s10, $0x1;
	s10 =	sld [smem:$0x3FB4]  }
0x3d: {  	_ =	shalt  }
0x3e: {  	_ =	shalt  }
0x3f: {  	_ =	shalt  }
0x40: {  	_ =	shalt  }
0x41: {  	_ =	shalt  }
0x42: {  	_ =	shalt  }
0x43: {  	_ =	shalt  }
0x44: {  	_ =	shalt  }
0x45: {  	_ =	shalt  }
0x46: {  	_ =	shalt  }
0x47: {  	_ =	shalt  }
0x48: {  	_ =	shalt  }
0x49: {  	_ =	shalt  }
0x4a: {  	_ =	shalt  }
0x4b: {  	_ =	shalt  }
0x4c: {  	_ =	shalt  }
0x4d: {  	_ =	shalt  }
0x4e: {  	_ =	shalt  }
0x4f: {  	_ =	shalt  }
0x50: {  	_ =	shalt  }
0x51: {  	_ =	shalt  }
0x52: {  	_ =	shalt  }
0x53: {  	_ =	shalt  }
0x54: {  	_ =	shalt  }
0x55: {  	_ =	shalt  }
0x56: {  	_ =	shalt  }
0x57: {  	_ =	shalt  }
0x58: {  	_ =	shalt  }
0x59: {  	_ =	shalt  }
0x5a: {  	_ =	shalt  }
0x5b: {  	_ =	shalt  }
0x5c: {  	_ =	shalt  }
0x5d: {  	_ =	shalt  }
0x5e: {  	_ =	shalt  }
0x5f: {  	_ =	shalt  }
0x60: {  	_ =	shalt  }
0x61: {  	_ =	shalt  }
0x62: {  	_ =	shalt  }
0x63: {  	_ =	shalt  }
0x64: {  	_ =	shalt  }
0x65: {  	_ =	shalt  }
0x66: {  	_ =	shalt  }
0x67: {  	_ =	shalt  }
0x68: {  	_ =	shalt  }
0x69: {  	_ =	shalt  }
0x6a: {  	_ =	shalt  }
0x6b: {  	_ =	shalt  }
0x6c: {  	_ =	shalt  }
0x6d: {  	_ =	shalt  }
0x6e: {  	_ =	shalt  }
0x6f: {  	_ =	shalt  }
0x70: {  	_ =	shalt  }
0x71: {  	_ =	shalt  }
0x72: {  	_ =	shalt  }
0x73: {  	_ =	shalt  }
0x74: {  	_ =	shalt  }
0x75: {  	_ =	shalt  }
0x76: {  	_ =	shalt  }
0x77: {  	_ =	shalt  }
0x78: {  	_ =	shalt  }
0x79: {  	_ =	shalt  }
0x7a: {  	_ =	shalt  }
0x7b: {  	_ =	shalt  }
0x7c: {  	_ =	shalt  }
0x7d: {  	_ =	shalt  }
0x7e: {  	_ =	shalt  }
0x7f: {  	_ =	shalt  }
0x80: {  	_ =	shalt  }
0x81: {  	_ =	shalt  }
0x82: {  	_ =	shalt  }
0x83: {  	_ =	shalt  }
0x84: {  	_ =	shalt  }
0x85: {  	_ =	shalt  }
0x86: {  	_ =	shalt  }
0x87: {  	_ =	shalt  }
.Lfunc_end0:
.L_simem_size_0:
called_computation_lowered:
.L_overlay_start_0:
0x88: {  	s2 =	sld [smem:$0x3FD9]  }
0x89: {  	s3 =	sld [smem:$0x3FFE];
	_ =	sdelay $0x1  }
0x8a: {  	s1 =	srdreg.scid  }
0x8b: {  	s0 =	sand.u32 $0x1, s1  }
0x8c: {  	s16 =	sshll.u32 s0, $0xA;
	s2 =	sadd.s32 s3, s2  }
0x8d: {  	s2 =	sadd.s32 s2, s16  }
0x8e: {  	[smem:$0x3FC0] =	sst s2  }
0x8f: {  	_ = 	snop  }
0x90: {  	(tm) =	ssettm $0x1  }
0x91: {  	s17 =	sld [smem:$0x3FFB];
	_ =	sdelay $0x3  }
0x92: {  	_ =	strace s17  }
0x93: {  	s2 =	sld [smem:$0x3FFC];
	_ =	sdelay $0x3  }
0x94: {  	_ =	strace s2  }
0x95: {  	s2 =	sld [smem:$0x3FFD];
	_ =	sdelay $0x3  }
0x96: {  	_ =	strace s2  }
0x97: {  	_ =	strace $0x8FFFFFFF  }
0x98: {  	s18 =	sld [smem:$0x3FDB];
	_ =	sdelay $0x1  }
0x99: {  	s19 =	simm.s32 $_scs_section_size  }
0x9a: {  	s4 =	simm.s32 $_size__tile_overlayer_lowered;
	s5 =	simm.s32 $_tile_overlayer_lowered  }
0x9b: {  	s22 =	simm.s32 $0x1BFF;
	s21 =	sshll.u32 s5, $0x1;
	s2 =	sadd.s32 s19, s18  }
0x9c: {  	s6 =	simm.s32 $0x0;
	s20 =	sshll.u32 s4, $0x1;
	s4 =	sadd.s32 s21, s2  }
0x9d: {  	[timem:s6], [sflag:s22] =	dma.local [hbm:s4], s20  }
0x9e: {  	_ =	swait.ge [sflag:s22], s20  }
0x9f: {  	s3 =	ssub.s32 $0x0, s20;
	[sflag:s22] =	ssyncset.done $0x0  }
0xa0: {  	[sflag:s22] =	ssyncadd.s32 s3;
	_ =	sdelay $0x1  }
0xa1: {  	s23 =	simm.s32 $0x1B8B  }
0xa2: {  	_ =	swait.ge [sflag:s23], $0x1  }
0xa3: {  	[sflag:s23] =	ssyncset.done $0x0  }
0xa4: {  	s25 =	simm.s32 $0x1B8E;
	s24 =	sld [smem:$0x3FFE];
	[sflag:s23] =	ssyncadd.s32 $0xFFFFFFFF  }
0xa5: {  	s26 =	simm.s32 $execute0_lowered;
	[smem:$0x3FD2] =	sst s25  }
0xa6: {  	s4 =	sshll.u32 s26, $0x1;
	_ =	strace $0x80000046;
	[dreg:$0x1] =	wrdreg $0xFFFFFFFF  }
0xa7: {  	s28 =	simm.s32 $_size_execute0_lowered;
	s2 =	sadd.s32 s2, s4;
	[dreg:$0x0] =	wrdreg $0x0  }
0xa8: {  	s4 =	sshll.u32 s28, $0x1;
	[dreg:$0x2] =	wrdreg s2  }
0xa9: {  	[dreg:$0x3] =	wrdreg s4  }
0xaa: {  	[dreg:$0x4] =	wrdreg $0xC0  }
0xab: {  	_ =	task [dreg:s6], $0x5FFFF  }
0xac: {  	[dreg:$0x1] =	wrdreg $0xFFFFFFFF  }
0xad: {  	[dreg:$0x0] =	wrdreg $0x60  }
0xae: {  	[dreg:$0x2] =	wrdreg s24  }
0xaf: {  	[dreg:$0x3] =	wrdreg $0x29000  }
0xb0: {  	[dreg:$0x4] =	wrdreg $0x9  }
0xb1: {  	_ =	task.clear_ibuf [dreg:s6], $0x5FFFF;
	_ =	strace $0x90000046  }
0xb2: {  	s29 =	simm.s32 $0x9;
	_ =	strace $0x80000048  }
0xb3: {  	_ =	swait.ge [sflag:s29], $0x1  }
0xb4: {  	[sflag:s29] =	ssyncadd.s32 $0xFFFFFFFF  }
0xb5: {  	_ =	strace $0x90000048  }
0xb6: {  	_ =	sfence  }
0xb7: {  	s30 =	sld [smem:$0x0];
	_ =	sdelay $0x2  }
0xb8: {  	s31 =	sshll.u32 s1, $0xD;
	s1 =	sshrl.u32 s1, $0x2  }
0xb9: {  	s3 =	sand.u32 $0x4000, s31;
	s1 =	sadd.s32 s1, s30  }
0xba: {  	s0 =	sor.u32 s3, s0;
	s1 =	sshll.u32 s1, $0x11  }
0xbb: {  	s0 =	sor.u32 s1, s0  }
0xbc: {  	s0 =	sadd.s32 $0x8F2B, s0  }
0xbd: {  	[sflag:s0] =	ssyncadd.remote.s32 $0x1  }
0xbe: {  	_ =	sfence.sel $0xFFFF  }
0xbf: {  	[dreg:$0x0] =	wrdreg $0xFFFFFFFF;
	(pc) =	sbr.abs _section_cstart, $3  }
0xc0: {  	[dreg:$0x1] =	wrdreg $0xFFFFFFFF  }
0xc1: {  	_ =	task.clear_ibuf [dreg:s6], $0x2FFFF;
	_ =	strace $0x9FFFFFFF  }
0xc2: {  	(tm) =	ssettm $0x7FFFFFFF  }
0xc3: {  	_ =	shalt  }
tec
execute0_lowered:
.L_overlay_start_1:
0x0: {  	(tag) =	ssettag $0x1  }
0x1: {  	s0 =	srdreg.scid;
	s5 =	rddreg [dreg:$0x0]  }
0x2: {  	s2 =	rddreg [dreg:$0x1];
	s3 =	simm.s32 $0x0;
	s13 =	simm.s32 $0x1  }
0x3: {  	s14 =	simm.s32 $0x80;
	s15 =	simm.s32 $0x2800;
	s18 =	simm.s32 $0x20  }
0x4: {  	s19 =	simm.s32 $0x10;
	s4 =	sand.u32 $0x1, s0;
	s0 =	stileid.u32  }
0x5: {  	s20 =	simm.s32 $0x0;
	[smem:$0x7FF] =	sst s3;
	s7 =	smul.u32 $0x500, s0  }
0x6: {  	s1 =	sshll.u32 s4, $0x4;
	s8 =	sshll.u32 s4, $0x7;
	s9 =	smul.u32 $0xA00, s0  }
0x7: {  	s29 =	ssub.s32 $0x2, s4;
	s16 =	sshll.u32 s0, $0x6;
	s1 =	sor.u32 s0, s1  }
0x8: {  	s31 =	sshrl.u32 s29, $0x1;
	s16 =	sor.u32 $0x1C01, s16;
	s6 =	smul.u32 $0x500, s1  }
0x9: {  	s1 =	rddreg [dreg:$0x2];
	_ =	strace $0x80000047;
	s30 =	sshrl.u32 s9, $0x2  }
0xa: {  	s28 =	sor.u32 s8, s7;
	s12 =	ssub.s32 s29, s31;
	s4 =	sadd.s32 s30, s2  }
0xb: {  	s10 =	sadd.s32 s6, s5;
	s6 =	sshrl.u32 s28, $0x3;
	s7 =	sadd.s32 $0x180, s4  }
0xc: {  	s8 =	sadd.s32 $0x200, s4;
	s17 =	sshrl.u32 s4, $0x3;
	s11 =	sadd.s32 s6, s5  }
0xd: {  	s5 =	sadd.s32 $0x80, s4;
	s6 =	sadd.s32 $0x100, s4;
	s9 =	sadd.s32 $0x3000, s10  }
0xe: {  	v0 =	vimm.f32 $1.000000000e+00;
	v1 =	vimm.f32 $0.0e+00;
	s10 =	sadd.s32 $0xD000, s11;
	s11 =	smax.u32 s12, $0x1;
	s12 =	simm.s32 $0x2880  }
.LBB2_1:
0xf: {  	[tilespmem:$0x2800] =	vst v0  }
0x10: {  	[tilespmem:$0x2880] =	vst v1  }
0x11: {  	[tilespmem:$0x2810] =	vst v0  }
0x12: {  	[tilespmem:$0x2890] =	vst v1  }
0x13: {  	[tilespmem:$0x2820] =	vst v0  }
0x14: {  	[tilespmem:$0x28A0] =	vst v1  }
0x15: {  	[tilespmem:$0x2830] =	vst v0  }
0x16: {  	[tilespmem:$0x28B0] =	vst v1  }
0x17: {  	[tilespmem:$0x2840] =	vst v0  }
0x18: {  	[tilespmem:$0x28C0] =	vst v1  }
0x19: {  	[tilespmem:$0x2850] =	vst v0  }
0x1a: {  	[tilespmem:$0x28D0] =	vst v1  }
0x1b: {  	[tilespmem:$0x2860] =	vst v0  }
0x1c: {  	[tilespmem:$0x28E0] =	vst v1  }
0x1d: {  	[tilespmem:$0x2870] =	vst v0  }
0x1e: {  	[tilespmem:$0x28F0] =	vst v1  }
0x1f: {  	[spmem:s4] =	stream.linear.scatter [tilespmem:s12], [sflag:$0x1], $0x80, $0x38;
	[tilespmem:$0x2B80] =	vst v63  }
0x20: {  	_ =	swait.ge [sflag:s13], $0x80  }
0x21: {  	[sflag:s13] =	ssyncset.done $0x0  }
0x22: {  	[sflag:s13] =	ssyncadd.s32 $0xFFFFFF80  }
0x23: {  	[spmem:s5] =	stream.linear.scatter [tilespmem:s12], [sflag:$0x1], $0x80, $0x38;
	[tilespmem:$0x2B80] =	vst v63  }
0x24: {  	_ =	swait.ge [sflag:s13], $0x80  }
0x25: {  	[sflag:s13] =	ssyncset.done $0x0  }
0x26: {  	[sflag:s13] =	ssyncadd.s32 $0xFFFFFF80  }
0x27: {  	[spmem:s6] =	stream.linear.scatter [tilespmem:s12], [sflag:$0x1], $0x80, $0x38;
	[tilespmem:$0x2B80] =	vst v63  }
0x28: {  	_ =	swait.ge [sflag:s13], $0x80  }
0x29: {  	[sflag:s13] =	ssyncset.done $0x0  }
0x2a: {  	[sflag:s13] =	ssyncadd.s32 $0xFFFFFF80  }
0x2b: {  	[spmem:s7] =	stream.linear.scatter [tilespmem:s12], [sflag:$0x1], $0x80, $0x38;
	[tilespmem:$0x2B80] =	vst v63  }
0x2c: {  	_ =	swait.ge [sflag:s13], $0x80  }
0x2d: {  	[sflag:s13] =	ssyncset.done $0x0  }
0x2e: {  	[sflag:s13] =	ssyncadd.s32 $0xFFFFFF80  }
0x2f: {  	[spmem:s8] =	stream.linear.scatter [tilespmem:s12], [sflag:$0x1], $0x80, $0x38;
	[tilespmem:$0x2B80] =	vst v63  }
0x30: {  	_ =	swait.ge [sflag:s13], $0x80  }
0x31: {  	[sflag:s13] =	ssyncset.done $0x0  }
0x32: {  	[sflag:s13] =	ssyncadd.s32 $0xFFFFFF80  }
0x33: {  	[tilespmem:s3], [sflag:$0x1] =	stream.linear.gather [hbm4b:s9+s3], $0x2800, $0x38;
	[tilespmem:$0x2B80] =	vst v63  }
0x34: {  	_ =	swait.ge [sflag:s13], $0x2800  }
0x35: {  	[sflag:s13] =	ssyncset.done $0x0  }
0x36: {  	[sflag:s13] =	ssyncadd.s32 $0xFFFFD800  }
0x37: {  	s21 =	simm.s32 $0x0;
	[bflag:$0x0] =	sbarrier.arrive $0xFFFF  }
0x38: {  	[spmem:s2] =	stream.indirect.scatter.add.f32 [tilespmem:s15], [sflag:$0x1], $0x1, s21, s14, $0xb8;
	[tilespmem:$0x2B80] =	vst v63  }
0x39: {  	_ =	swait.ge [sflag:s13], $0x80  }
0x3a: {  	s21 =	simm.s32 $0x200;
	[sflag:s13] =	ssyncset.done $0x0  }
.LBB2_2:
0x3b: {  	s22 =	sshra.s32 s21, $0x2;
	[sflag:s13] =	ssyncadd.s32 $0xFFFFFF80;
	p0 =	sne.s32 s21, $0x9E00  }
0x3c: {  	[spmem:s2] =	stream.indirect.scatter.add.f32 [tilespmem:s15], [sflag:$0x1], $0x1, s22, s14, $0xb8;
	[tilespmem:$0x2B80] =	vst v63  }
.Ltmp0:
0x3d: {  	_ = 	snop;
	(pc) =	sbr.rel @p0 .LBB2_2-.Ltmp0, $4  }
0x3e: {  	_ = 	snop  }
0x3f: {  	s21 =	sadd.s32 $0x200, s21  }
0x40: {  	_ =	swait.ge [sflag:s13], $0x80  }
0x41: {  	[sflag:s13] =	ssyncset.done $0x0  }
0x42: {  	s20 =	sadd.s32 $0x1, s20  }
0x43: {  	[sflag:s13] =	ssyncadd.s32 $0xFFFFFF80;
	p0 =	sne.s32 s20, s11  }
.Ltmp1:
0x44: {  	[bflag:$0x0] =	sbarrier.arrive $0xFFFF;
	(pc) =	sbr.rel @p0 .LBB2_1-.Ltmp1, $4  }
0x45: {  	[hbm:s10@s18], [sflag:s16] =	dma.strided [spmem:s17@s19], $0x50, s13, $0x10   }
0x46: {  	_ =	swait.ge [sflag:s13], $0x50  }
0x47: {  	[sflag:s13] =	ssyncset.done $0x0  }
0x48: {  	[sflag:s13] =	ssyncadd.s32 $0xFFFFFFB0  }
0x49: {  	_ =	sfence.sel $0x180000  }
0x4a: {  	[bflag:$0x0] =	sbarrier.arrive $0xFFFF  }
0x4b: {  	p0 =	sne.s32 s0, $0x0;
	_ =	strace $0x90000047  }
0x4c: {  	s0 =	sadd.s32 @!p0 $0x100000, s1;
	[bflag:$0x2] =	sbarrier.arrive $0xFFFF  }
0x4d: {  	[sflag:s0] =	ssyncadd.tile.s32 @!p0 $0x1;
	_ =	shalt  }
.Lfunc_end2:
_tile_overlayer_lowered:
.L_overlay_start_2:
0x4e: {  	(tag) =	ssettag $0x2  }
0x4f: {  	s0 =	rddreg [dreg:$0x0];
	s2 =	stileid.u32  }
0x50: {  	s1 =	rddreg [dreg:$0x1];
	p0 =	sne.s32 s2, $0x0  }
0x51: {  	s3 =	rddreg [dreg:$0x2];
	[bflag:$0x3] =	sbarrier.arrive $0xFFFF;
	s2 =	simm.s32 @!p0 $0x1C01  }
0x52: {  	[timem:s3], [sflag:s2] =	dma.local @!p0 [hbm:s0], s1  }
0x53: {  	s0 =	simm.s32 @!p0 $0x1  }
0x54: {  	_ =	swait.ge @!p0 [sflag:s0], s1  }
0x55: {  	s1 =	ssub.s32 @!p0 $0x0, s1;
	[sflag:s0] =	ssyncset.done @!p0 $0x0  }
0x56: {  	[sflag:s0] =	ssyncadd.s32 @!p0 s1  }
0x57: {  	[bflag:$0x3] =	sbarrier.arrive $0xFFFF  }
0x58: {  	_ =	shalt  }

// kernel: kernel.13.cloned.1.call-start
scs
__scs_entry_jumppad:
0x0: {  	(pc) =	sbr.rel $0x88, $3  }
0x1: {  	(tag) =	ssettag $0x0;
	lr =	simm.s32 $0x1  }
0x2: {  	[smem:$0x3F99] =	sst lr;
	_ =	strace $0xD0000000  }
0x3: {  	_ = 	snop  }
0x4: {  	_ = 	snop  }
0x5: {  	_ = 	snop  }
0x6: {  	_ = 	snop  }
0x7: {  	_ = 	snop  }
__scs_overlays_trampoline_lowered:
0x8: {  	[smem:$0x3FA8] =	sst s0  }
0x9: {  	[smem:$0x3FA9] =	sst s1  }
0xa: {  	[smem:$0x3FAA] =	sst s2  }
0xb: {  	[smem:$0x3FAB] =	sst s3  }
0xc: {  	[smem:$0x3FAC] =	sst s4  }
0xd: {  	[smem:$0x3FAD] =	sst s5  }
0xe: {  	[smem:$0x3FAE] =	sst s6  }
0xf: {  	[smem:$0x3FAF] =	sst s7  }
0x10: {  	[smem:$0x3FB0] =	sst s8  }
0x11: {  	[smem:$0x3FB1] =	sst s9;
	s0 =	simm.s32 @!p0 $0x0  }
0x12: {  	s1 =	sld [smem:$0x3F97];
	s0 =	simm.s32 @p0 $0x1  }
0x13: {  	[smem:$0x3FB2] =	sst s0;
	s0 =	simm.s32 @!p1 $0x0  }
0x14: {  	s2 =	sld [smem:$0x3F96];
	s0 =	simm.s32 @p1 $0x1  }
0x15: {  	[smem:$0x3FB3] =	sst s0;
	s0 =	simm.s32 @!p2 $0x0  }
0x16: {  	s3 =	sld [smem:$0x3FDB];
	s0 =	simm.s32 @p2 $0x1  }
0x17: {  	s4 =	simm.s32 $0x1BF5;
	[smem:$0x3FB5] =	sst s0  }
0x18: {  	s0 =	sld [smem:$0x3F98];
	_ =	swait.ge [sflag:s4], $0x0  }
0x19: {  	s7 =	sld [smem:$0x3F99]  }
0x1a: {  	s8 =	sadd.s32 $0xFFFFE003, lr  }
0x1b: {  	s9 =	sadd.s32 $0xFFFFFEF7, lr;
	s5 =	simm.s32 $0xFFFFFFFF;
	p2 =	slt.u32 s8, $0xFFFFF086  }
0x1c: {  	p1 =	slt.u32 s9, $0xF7A;
	s5 =	simm.s32 @!p2 $0x0  }
0x1d: {  	s5 =	simm.s32 @p1 $0x1;
	p0 =	seq.s32 s7, s2  }
0x1e: {  	s7 =	smul.u32 @!p0 $0xF7A, s2;
	p2 =	seq.s32 @!p0 s5, $0x0  }
0x1f: {  	s9 =	smul.u32 $0xF7A, s1;
	s8 =	simm.s32 @!p0 $0x1BF5;
	p2 =	por !p2, p0  }
0x20: {  	[sflag:s8] =	ssyncset.s32 @!p0 $0xFFFFF086;
	s6 =	sadd.s32 @!p0 s3, s7;
	s7 =	simm.s32 @!p0 $0x108  }
0x21: {  	s3 =	sadd.s32 s3, s9;
	s6 =	sadd.s32 @!p0 $0x88, s6;
	s7 =	simm.s32 @p2 $0x1082  }
0x22: {  	[simem:s7], [sflag:s8] =	dma.local @!p0 [hbm:s6], $0xF7A  }
0x23: {  	s9 =	sor.u32 $0xD0000000, s2;
	s6 =	simm.s32 $0x108;
	_ =	swait.ge @!p0 [sflag:s8], $0x0  }
0x24: {  	s3 =	sadd.s32 $0x88, s3;
	s6 =	simm.s32 @!p1 $0x1082;
	[sflag:s4] =	ssyncset.s32 $0xFFFFF086  }
0x25: {  	[simem:s6], [sflag:s4] =	dma.local [hbm:s3], $0xF7A  }
0x26: {  	[smem:$0x3F99] =	sst s1;
	(tag) =	ssettag s2;
	_ =	strace s9  }
0x27: {  	s1 =	sld [smem:$0x3FA9]  }
0x28: {  	s2 =	sld [smem:$0x3FAA]  }
0x29: {  	s4 =	sld [smem:$0x3FAC]  }
0x2a: {  	p0 =	seq.s32 s5, $0x0;
	s5 =	sld [smem:$0x3FAD]  }
0x2b: {  	s6 =	sld [smem:$0x3FAE]  }
0x2c: {  	s7 =	sld [smem:$0x3FAF]  }
0x2d: {  	s3 =	simm.s32 $0x108;
	s8 =	sld [smem:$0x3FB0]  }
0x2e: {  	s3 =	simm.s32 @!p0 $0x1082;
	s9 =	sld [smem:$0x3FB1]  }
0x2f: {  	lr =	sadd.s32 s0, s3;
	s0 =	sld [smem:$0x3FA8]  }
0x30: {  	s3 =	sld [smem:$0x3FAB]  }
0x31: {  	[smem:$0x3FB4] =	sst s10  }
0x32: {  	s10 =	sld [smem:$0x3FB2];
	_ =	sdelay $0x3  }
0x33: {  	p0 =	seq.s32 s10, $0x1;
	s10 =	sld [smem:$0x3FB4];
	_ =	sdelay $0x3  }
0x34: {  	[smem:$0x3FB4] =	sst s10  }
0x35: {  	s10 =	sld [smem:$0x3FB3];
	_ =	sdelay $0x3  }
0x36: {  	p1 =	seq.s32 s10, $0x1;
	s10 =	sld [smem:$0x3FB4];
	_ =	sdelay $0x3  }
0x37: {  	[smem:$0x3FB4] =	sst s10  }
0x38: {  	s10 =	sld [smem:$0x3FB5]  }
0x39: {  	_ = 	snop;
	(pc) =	sbr.ind lr, $3  }
0x3a: {  	_ = 	snop  }
0x3b: {  	_ = 	snop  }
0x3c: {  	p2 =	seq.s32 s10, $0x1;
	s10 =	sld [smem:$0x3FB4]  }
0x3d: {  	_ =	shalt  }
0x3e: {  	_ =	shalt  }
0x3f: {  	_ =	shalt  }
0x40: {  	_ =	shalt  }
0x41: {  	_ =	shalt  }
0x42: {  	_ =	shalt  }
0x43: {  	_ =	shalt  }
0x44: {  	_ =	shalt  }
0x45: {  	_ =	shalt  }
0x46: {  	_ =	shalt  }
0x47: {  	_ =	shalt  }
0x48: {  	_ =	shalt  }
0x49: {  	_ =	shalt  }
0x4a: {  	_ =	shalt  }
0x4b: {  	_ =	shalt  }
0x4c: {  	_ =	shalt  }
0x4d: {  	_ =	shalt  }
0x4e: {  	_ =	shalt  }
0x4f: {  	_ =	shalt  }
0x50: {  	_ =	shalt  }
0x51: {  	_ =	shalt  }
0x52: {  	_ =	shalt  }
0x53: {  	_ =	shalt  }
0x54: {  	_ =	shalt  }
0x55: {  	_ =	shalt  }
0x56: {  	_ =	shalt  }
0x57: {  	_ =	shalt  }
0x58: {  	_ =	shalt  }
0x59: {  	_ =	shalt  }
0x5a: {  	_ =	shalt  }
0x5b: {  	_ =	shalt  }
0x5c: {  	_ =	shalt  }
0x5d: {  	_ =	shalt  }
0x5e: {  	_ =	shalt  }
0x5f: {  	_ =	shalt  }
0x60: {  	_ =	shalt  }
0x61: {  	_ =	shalt  }
0x62: {  	_ =	shalt  }
0x63: {  	_ =	shalt  }
0x64: {  	_ =	shalt  }
0x65: {  	_ =	shalt  }
0x66: {  	_ =	shalt  }
0x67: {  	_ =	shalt  }
0x68: {  	_ =	shalt  }
0x69: {  	_ =	shalt  }
0x6a: {  	_ =	shalt  }
0x6b: {  	_ =	shalt  }
0x6c: {  	_ =	shalt  }
0x6d: {  	_ =	shalt  }
0x6e: {  	_ =	shalt  }
0x6f: {  	_ =	shalt  }
0x70: {  	_ =	shalt  }
0x71: {  	_ =	shalt  }
0x72: {  	_ =	shalt  }
0x73: {  	_ =	shalt  }
0x74: {  	_ =	shalt  }
0x75: {  	_ =	shalt  }
0x76: {  	_ =	shalt  }
0x77: {  	_ =	shalt  }
0x78: {  	_ =	shalt  }
0x79: {  	_ =	shalt  }
0x7a: {  	_ =	shalt  }
0x7b: {  	_ =	shalt  }
0x7c: {  	_ =	shalt  }
0x7d: {  	_ =	shalt  }
0x7e: {  	_ =	shalt  }
0x7f: {  	_ =	shalt  }
0x80: {  	_ =	shalt  }
0x81: {  	_ =	shalt  }
0x82: {  	_ =	shalt  }
0x83: {  	_ =	shalt  }
0x84: {  	_ =	shalt  }
0x85: {  	_ =	shalt  }
0x86: {  	_ =	shalt  }
0x87: {  	_ =	shalt  }
.Lfunc_end0:
.L_simem_size_0:
called_computation.1_lowered:
.L_overlay_start_0:
0x88: {  	s2 =	sld [smem:$0x3FD9]  }
0x89: {  	s3 =	sld [smem:$0x3FFE];
	_ =	sdelay $0x1  }
0x8a: {  	s1 =	srdreg.scid  }
0x8b: {  	s0 =	sand.u32 $0x1, s1  }
0x8c: {  	s17 =	sshll.u32 s0, $0xA;
	s2 =	sadd.s32 s3, s2  }
0x8d: {  	s2 =	sadd.s32 s2, s17  }
0x8e: {  	[smem:$0x3FC0] =	sst s2  }
0x8f: {  	_ = 	snop  }
0x90: {  	s2 =	sld [smem:$0x3FD0];
	(tm) =	ssettm $0x1  }
0x91: {  	s18 =	sld [smem:$0x3FFB];
	_ =	sdelay $0x3  }
0x92: {  	_ =	strace s18  }
0x93: {  	s3 =	sld [smem:$0x3FFC];
	_ =	sdelay $0x3  }
0x94: {  	_ =	strace s3  }
0x95: {  	s3 =	sld [smem:$0x3FFD];
	_ =	sdelay $0x3  }
0x96: {  	_ =	strace s3  }
0x97: {  	_ =	strace $0x8FFFFFFF  }
0x98: {  	s19 =	sld [smem:$0x3FDB];
	_ =	sdelay $0x1  }
0x99: {  	s4 =	simm.s32 $_scs_section_size  }
0x9a: {  	s5 =	simm.s32 $_size__tile_overlayer_lowered;
	s6 =	simm.s32 $_tile_overlayer_lowered  }
0x9b: {  	s22 =	simm.s32 $0x1BFF;
	s21 =	sshll.u32 s6, $0x1;
	s3 =	sadd.s32 s4, s19  }
0x9c: {  	s7 =	simm.s32 $0x0;
	s20 =	sshll.u32 s5, $0x1;
	s5 =	sadd.s32 s21, s3  }
0x9d: {  	[timem:s7], [sflag:s22] =	dma.local [hbm:s5], s20  }
0x9e: {  	_ =	swait.ge [sflag:s22], s20  }
0x9f: {  	s4 =	ssub.s32 $0x0, s20;
	[sflag:s22] =	ssyncset.done $0x0  }
0xa0: {  	[sflag:s22] =	ssyncadd.s32 s4;
	_ =	sdelay $0x1  }
0xa1: {  	s23 =	simm.s32 $0x1B8B  }
0xa2: {  	_ =	swait.ge [sflag:s23], $0x1  }
0xa3: {  	[sflag:s23] =	ssyncset.done $0x0  }
0xa4: {  	s25 =	simm.s32 $0x1B8E;
	s24 =	sld [smem:$0x3FFE];
	[sflag:s23] =	ssyncadd.s32 $0xFFFFFFFF  }
0xa5: {  	s26 =	simm.s32 $execute0_lowered;
	[smem:$0x3FD2] =	sst s25  }
0xa6: {  	s5 =	sshll.u32 s26, $0x1;
	_ =	strace $0x80000049;
	[dreg:$0x1] =	wrdreg $0xFFFFFFFF  }
0xa7: {  	s28 =	simm.s32 $_size_execute0_lowered;
	s3 =	sadd.s32 s3, s5;
	[dreg:$0x0] =	wrdreg $0x0  }
0xa8: {  	s5 =	sshll.u32 s28, $0x1;
	[dreg:$0x2] =	wrdreg s3  }
0xa9: {  	[dreg:$0x3] =	wrdreg s5  }
0xaa: {  	[dreg:$0x4] =	wrdreg $0xC0  }
0xab: {  	_ =	task [dreg:s7], $0x5FFFF  }
0xac: {  	[dreg:$0x1] =	wrdreg $0xFFFFFFFF  }
0xad: {  	[dreg:$0x0] =	wrdreg $0x60  }
0xae: {  	[dreg:$0x2] =	wrdreg s24  }
0xaf: {  	[dreg:$0x3] =	wrdreg s2  }
0xb0: {  	[dreg:$0x4] =	wrdreg $0x84000  }
0xb1: {  	[dreg:$0x5] =	wrdreg $0x9  }
0xb2: {  	_ =	task.clear_ibuf [dreg:s7], $0x6FFFF;
	_ =	strace $0x90000049  }
0xb3: {  	s29 =	simm.s32 $0x9;
	_ =	strace $0x8000004B  }
0xb4: {  	_ =	swait.ge [sflag:s29], $0x1  }
0xb5: {  	[sflag:s29] =	ssyncadd.s32 $0xFFFFFFFF  }
0xb6: {  	_ =	strace $0x9000004B  }
0xb7: {  	_ =	sfence  }
0xb8: {  	s30 =	sld [smem:$0x0];
	_ =	sdelay $0x2  }
0xb9: {  	s31 =	sshll.u32 s1, $0xD;
	s1 =	sshrl.u32 s1, $0x2  }
0xba: {  	s3 =	sand.u32 $0x4000, s31;
	s1 =	sadd.s32 s1, s30  }
0xbb: {  	s0 =	sor.u32 s3, s0;
	s1 =	sshll.u32 s1, $0x11  }
0xbc: {  	s0 =	sor.u32 s1, s0  }
0xbd: {  	s0 =	sadd.s32 $0x8F2B, s0  }
0xbe: {  	[sflag:s0] =	ssyncadd.remote.s32 $0x1  }
0xbf: {  	_ =	sfence.sel $0xFFFF  }
0xc0: {  	[dreg:$0x0] =	wrdreg $0xFFFFFFFF;
	(pc) =	sbr.abs _section_cstart, $3  }
0xc1: {  	[dreg:$0x1] =	wrdreg $0xFFFFFFFF  }
0xc2: {  	_ =	task.clear_ibuf [dreg:s7], $0x2FFFF;
	_ =	strace $0x9FFFFFFF  }
0xc3: {  	(tm) =	ssettm $0x7FFFFFFF  }
tec
execute0_lowered:
.L_overlay_start_1:
0x0: {  	(tag) =	ssettag $0x1  }
0x1: {  	s0 =	rddreg [dreg:$0x0]  }
0x2: {  	s2 =	rddreg [dreg:$0x1];
	s1 =	srdreg.scid  }
0x3: {  	s3 =	rddreg [dreg:$0x2];
	s11 =	stileid.u32  }
0x4: {  	s4 =	simm.s32 $0x0;
	s28 =	simm.s32 $0x4400;
	s6 =	smul.u32 $0x14000, s11  }
0x5: {  	s29 =	simm.s32 $0x1;
	s30 =	simm.s32 $0x2;
	s8 =	smul.u32 $0x50000, s11  }
0x6: {  	s1 =	sand.u32 $0x1, s1;
	[smem:$0x7FF] =	sst s4;
	s19 =	smul.u32 $0x2A00, s11  }
0x7: {  	s31 =	simm.s32 $0x280;
	s5 =	smul.u32 $0x140000, s1;
	_ =	strace $0x8000004A  }
0x8: {  	s13 =	sshll.u32 s1, $0x4;
	s9 =	ssub.s32 $0x2, s1;
	s1 =	smul.u32 $0x2A000, s1  }
0x9: {  	s10 =	sor.u32 s11, s13;
	s14 =	sshrl.u32 s8, $0x2;
	s15 =	sshrl.u32 s9, $0x1  }
0xa: {  	s6 =	sadd.s32 s6, s5;
	s5 =	sadd.s32 $0x68200, s0;
	s10 =	smul.u32 $0x2A00, s10  }
0xb: {  	s8 =	ssub.s32 s9, s15;
	s1 =	sadd.s32 s19, s1;
	s7 =	sshrl.u32 s6, $0x3  }
0xc: {  	s6 =	sadd.s32 $0xDA00, s0;
	s25 =	sadd.s32 $0x300, s1;
	s12 =	sadd.s32 $0x200, s1  }
0xd: {  	s1 =	simm.s32 $0x380;
	s0 =	sadd.s32 s7, s0;
	s7 =	sadd.s32 s14, s3  }
0xe: {  	s18 =	sshrl.u32 s10, $0x3;
	s26 =	sshrl.u32 s25, $0x3;
	s16 =	sadd.s32 $0x4000, s7  }
0xf: {  	s25 =	simm.s32 $0x300;
	s17 =	sadd.s32 $0x8000, s7;
	[dreg:$0x4] =	wrdreg s16  }
0x10: {  	s10 =	simm.s32 $0x0;
	s20 =	sadd.s32 $0xC000, s7;
	[dreg:$0x5] =	wrdreg s17  }
0x11: {  	s21 =	sadd.s32 $0x10000, s7;
	s22 =	sadd.s32 s2, s18;
	[dreg:$0x6] =	wrdreg s20  }
0x12: {  	s23 =	sadd.s32 s6, s18;
	s9 =	sor.u32 $0x20, s18;
	[dreg:$0x7] =	wrdreg s21  }
0x13: {  	s18 =	sadd.s32 s26, s6;
	s19 =	sadd.s32 s26, s2;
	[dreg:$0x8] =	wrdreg s22  }
0x14: {  	s26 =	simm.s32 $0x80;
	[dreg:$0x9] =	wrdreg s23;
	s24 =	sadd.s32 s2, s9  }
0x15: {  	s9 =	sadd.s32 s6, s9;
	s16 =	sadd.s32 $0x90200, s0;
	s17 =	smax.u32 s8, $0x1  }
0x16: {  	s21 =	simm.s32 $0x400;
	s22 =	simm.s32 $0x5;
	s23 =	simm.s32 $0x200  }
0x17: {  	s0 =	simm.s32 $0x180;
	s8 =	simm.s32 $0x3;
	[dreg:$0xa] =	wrdreg s24  }
0x18: {  	v0 =	vimm.f32 $0.0e+00;
	[dreg:$0xb] =	wrdreg s9;
	s24 =	simm.s32 $0x100;
	s9 =	simm.s32 $0x4  }
.LBB2_1:
0x19: {  	s11 =	simm.s32 $0x0;
	s13 =	simm.s32 $0x200  }
.LBB2_2:
0x1a: {  	p0 =	sne.s32 s13, $0xFE00;
	[tilespmem:s11+$0x470] =	vst v0  }
0x1b: {  	[tilespmem:s11+$0x400] =	vst v0  }
0x1c: {  	[tilespmem:s11+$0x410] =	vst v0  }
.Ltmp0:
0x1d: {  	[tilespmem:s11+$0x420] =	vst v0;
	(pc) =	sbr.rel @p0 .LBB2_2-.Ltmp0, $4  }
0x1e: {  	[tilespmem:s11+$0x430] =	vst v0  }
0x1f: {  	[tilespmem:s11+$0x440] =	vst v0  }
0x20: {  	[tilespmem:s11+$0x450] =	vst v0  }
0x21: {  	[tilespmem:s11+$0x460] =	vst v0;
	s11 =	sshra.s32 s13, $0x2;
	s13 =	sadd.s32 $0x200, s13  }
0x22: {  	[tilespmem:s11+$0x470] =	vst v0  }
0x23: {  	[tilespmem:s11+$0x400] =	vst v0  }
0x24: {  	[tilespmem:s11+$0x410] =	vst v0  }
0x25: {  	[tilespmem:s11+$0x420] =	vst v0  }
0x26: {  	[tilespmem:s11+$0x430] =	vst v0  }
0x27: {  	[tilespmem:s11+$0x440] =	vst v0  }
0x28: {  	[tilespmem:s11+$0x450] =	vst v0  }
0x29: {  	[tilespmem:s11+$0x460] =	vst v0  }
0x2a: {  	[spmem:s7] =	stream.linear.scatter [tilespmem:s21], [sflag:$0x5], $0x4000, $0x38;
	[tilespmem:$0x1C400] =	vst v63  }
0x2b: {  	_ =	swait.ge [sflag:s22], $0x4000  }
0x2c: {  	[sflag:s22] =	ssyncset.done $0x0  }
0x2d: {  	s20 =	rddreg [dreg:$0x4];
	[sflag:s22] =	ssyncadd.s32 $0xFFFFC000  }
0x2e: {  	[spmem:s20] =	stream.linear.scatter [tilespmem:s21], [sflag:$0x5], $0x4000, $0x38;
	[tilespmem:$0x1C400] =	vst v63  }
0x2f: {  	_ =	swait.ge [sflag:s22], $0x4000  }
0x30: {  	[sflag:s22] =	ssyncset.done $0x0  }
0x31: {  	s13 =	rddreg [dreg:$0x5];
	[sflag:s22] =	ssyncadd.s32 $0xFFFFC000  }
0x32: {  	[spmem:s13] =	stream.linear.scatter [tilespmem:s21], [sflag:$0x5], $0x4000, $0x38;
	[tilespmem:$0x1C400] =	vst v63  }
0x33: {  	_ =	swait.ge [sflag:s22], $0x4000  }
0x34: {  	[sflag:s22] =	ssyncset.done $0x0  }
0x35: {  	s14 =	rddreg [dreg:$0x6];
	[sflag:s22] =	ssyncadd.s32 $0xFFFFC000  }
0x36: {  	[spmem:s14] =	stream.linear.scatter [tilespmem:s21], [sflag:$0x5], $0x4000, $0x38;
	[tilespmem:$0x1C400] =	vst v63  }
0x37: {  	_ =	swait.ge [sflag:s22], $0x4000  }
0x38: {  	[sflag:s22] =	ssyncset.done $0x0  }
0x39: {  	s15 =	rddreg [dreg:$0x7];
	[sflag:s22] =	ssyncadd.s32 $0xFFFFC000  }
0x3a: {  	[spmem:s15] =	stream.linear.scatter [tilespmem:s21], [sflag:$0x5], $0x4000, $0x38;
	[tilespmem:$0x1C400] =	vst v63  }
0x3b: {  	_ =	swait.ge [sflag:s22], $0x4000  }
0x3c: {  	[sflag:s22] =	ssyncset.done $0x0  }
0x3d: {  	s11 =	simm.s32 $0x0;
	s13 =	rddreg [dreg:$0x8];
	[sflag:s22] =	ssyncadd.s32 $0xFFFFC000  }
0x3e: {  	[tilespmem:s11], [sflag:$0x5] =	stream.linear.gather [hbm4b:s13+s11], $0x100, $0x38;
	[tilespmem:$0x1C400] =	vst v63  }
0x3f: {  	_ =	swait.ge [sflag:s22], $0x100  }
0x40: {  	[sflag:s22] =	ssyncset.done $0x0  }
0x41: {  	s20 =	rddreg [dreg:$0x9];
	[sflag:s22] =	ssyncadd.s32 $0xFFFFFF00  }
0x42: {  	[tilespmem:s23], [sflag:$0x5] =	stream.linear.gather [hbm4b:s20+s11], $0x100, $0x38;
	[tilespmem:$0x1C400] =	vst v63  }
0x43: {  	_ =	swait.ge [sflag:s22], $0x100  }
0x44: {  	[sflag:s22] =	ssyncset.done $0x0  }
0x45: {  	s14 =	rddreg [dreg:$0xa];
	[sflag:s22] =	ssyncadd.s32 $0xFFFFFF00  }
0x46: {  	[tilespmem:s24], [sflag:$0x5] =	stream.linear.gather [hbm4b:s14+s11], $0x100, $0x38;
	[tilespmem:$0x1C400] =	vst v63  }
0x47: {  	_ =	swait.ge [sflag:s22], $0x100  }
0x48: {  	[sflag:s22] =	ssyncset.done $0x0  }
0x49: {  	s15 =	rddreg [dreg:$0xb];
	[sflag:s22] =	ssyncadd.s32 $0xFFFFFF00  }
0x4a: {  	[tilespmem:s25], [sflag:$0x5] =	stream.linear.gather [hbm4b:s15+s11], $0x100, $0x38;
	[tilespmem:$0x1C400] =	vst v63  }
0x4b: {  	_ =	swait.ge [sflag:s22], $0x100  }
0x4c: {  	[sflag:s22] =	ssyncset.done $0x0  }
0x4d: {  	[sflag:s22] =	ssyncadd.s32 $0xFFFFFF00  }
0x4e: {  	[bflag:$0x0] =	sbarrier.arrive $0xFFFF  }
0x4f: {  	[tilespmem:s21], [sflag:$0x1] =	stream.indirect.gather [hbm4b:s5+s26], $0x80, s4, s26, $0xb8;
	[tilespmem:$0x1C400] =	vst v63  }
0x50: {  	_ = 	snop  }
0x51: {  	[tilespmem:s28], [sflag:$0x2] =	stream.indirect.gather [hbm4b:s5+s26], $0x80, s26, s26, $0xb8;
	[tilespmem:$0x1C400] =	vst v63  }
0x52: {  	_ =	swait.ge [sflag:s29], $0x4000  }
0x53: {  	[sflag:s29] =	ssyncset.done $0x0  }
0x54: {  	[sflag:s29] =	ssyncadd.s32 $0xFFFFC000  }
0x55: {  	[spmem:s3] =	stream.indirect.scatter.add.f32 [tilespmem:s21], [sflag:$0x5], $0x80, s23, s26, $0xb8;
	[tilespmem:$0x1C400] =	vst v63  }
0x56: {  	_ =	swait.ge [sflag:s22], $0x4000  }
0x57: {  	[sflag:s22] =	ssyncset.done $0x0  }
0x58: {  	[sflag:s22] =	ssyncadd.s32 $0xFFFFC000  }
0x59: {  	[tilespmem:s21], [sflag:$0x1] =	stream.indirect.gather [hbm4b:s5+s26], $0x80, s24, s26, $0xb8;
	[tilespmem:$0x1C400] =	vst v63  }
0x5a: {  	_ =	swait.ge [sflag:s30], $0x4000  }
0x5b: {  	[sflag:s30] =	ssyncset.done $0x0  }
0x5c: {  	[sflag:s30] =	ssyncadd.s32 $0xFFFFC000  }
0x5d: {  	[spmem:s3] =	stream.indirect.scatter.add.f32 [tilespmem:s28], [sflag:$0x5], $0x80, s31, s26, $0xb8;
	[tilespmem:$0x1C400] =	vst v63  }
0x5e: {  	_ =	swait.ge [sflag:s22], $0x4000  }
0x5f: {  	[sflag:s22] =	ssyncset.done $0x0  }
0x60: {  	s20 =	sshrl.u32 s12, $0x3;
	[sflag:s22] =	ssyncadd.s32 $0xFFFFC000  }
0x61: {  	[tilespmem:s28], [sflag:$0x2] =	stream.indirect.gather [hbm4b:s5+s26], $0x80, s0, s26, $0xb8;
	[tilespmem:$0x1C400] =	vst v63  }
0x62: {  	s14 =	sadd.s32 s2, s20  }
0x63: {  	[tilespmem:s4], [sflag:$0x3] =	stream.linear.gather [hbm4b:s14+s4], $0x100, $0x38;
	[tilespmem:$0x1C400] =	vst v63  }
0x64: {  	s11 =	sadd.s32 s6, s20  }
0x65: {  	[tilespmem:s23], [sflag:$0x3] =	stream.linear.gather [hbm4b:s11+s4], $0x100, $0x38;
	[tilespmem:$0x1C400] =	vst v63  }
0x66: {  	_ =	swait.ge [sflag:s29], $0x4000  }
0x67: {  	[sflag:s29] =	ssyncset.done $0x0  }
0x68: {  	[sflag:s29] =	ssyncadd.s32 $0xFFFFC000  }
0x69: {  	[spmem:s3] =	stream.indirect.scatter.add.f32 [tilespmem:s21], [sflag:$0x5], $0x80, s25, s26, $0xb8;
	[tilespmem:$0x1C400] =	vst v63  }
0x6a: {  	_ =	swait.ge [sflag:s22], $0x4000  }
0x6b: {  	[sflag:s22] =	ssyncset.done $0x0  }
0x6c: {  	[sflag:s22] =	ssyncadd.s32 $0xFFFFC000  }
0x6d: {  	_ =	swait.ge [sflag:s30], $0x4000  }
0x6e: {  	[sflag:s30] =	ssyncset.done $0x0  }
0x6f: {  	[sflag:s30] =	ssyncadd.s32 $0xFFFFC000  }
0x70: {  	[spmem:s3] =	stream.indirect.scatter.add.f32 [tilespmem:s28], [sflag:$0x5], $0x80, s1, s26, $0xb8;
	[tilespmem:$0x1C400] =	vst v63  }
0x71: {  	_ =	swait.ge [sflag:s22], $0x4000  }
0x72: {  	[sflag:s22] =	ssyncset.done $0x0  }
0x73: {  	s15 =	sadd.s32 $0x0, s19;
	[sflag:s22] =	ssyncadd.s32 $0xFFFFC000  }
0x74: {  	[tilespmem:s24], [sflag:$0x4] =	stream.linear.gather [hbm4b:s15+s4], $0x100, $0x38;
	[tilespmem:$0x1C400] =	vst v63  }
0x75: {  	s20 =	sadd.s32 $0x0, s18  }
0x76: {  	[tilespmem:s25], [sflag:$0x4] =	stream.linear.gather [hbm4b:s20+s4], $0x100, $0x38;
	[tilespmem:$0x1C400] =	vst v63  }
0x77: {  	_ =	swait.ge [sflag:s8], $0x100  }
0x78: {  	[sflag:s8] =	ssyncset.done $0x0  }
0x79: {  	[sflag:s8] =	ssyncadd.s32 $0xFFFFFF00  }
0x7a: {  	_ =	swait.ge [sflag:s8], $0x100  }
0x7b: {  	[sflag:s8] =	ssyncset.done $0x0  }
0x7c: {  	[sflag:s8] =	ssyncadd.s32 $0xFFFFFF00  }
0x7d: {  	_ =	swait.ge [sflag:s9], $0x100  }
0x7e: {  	[sflag:s9] =	ssyncset.done $0x0  }
0x7f: {  	[sflag:s9] =	ssyncadd.s32 $0xFFFFFF00  }
0x80: {  	_ =	swait.ge [sflag:s9], $0x100  }
0x81: {  	s11 =	simm.s32 $0x40;
	s20 =	smov.u32 s12;
	[sflag:s9] =	ssyncset.done $0x0  }
.LBB2_4:
0x82: {  	p0 =	sne.s32 s11, $0x4C0;
	[sflag:s9] =	ssyncadd.s32 $0xFFFFFF00;
	s20 =	sadd.s32 $0x200, s20  }
0x83: {  	[tilespmem:s21], [sflag:$0x1] =	stream.indirect.gather [hbm4b:s5+s26], $0x80, s4, s26, $0xb8;
	[tilespmem:$0x1C400] =	vst v63  }
0x84: {  	s13 =	smov.u32 s11;
	s11 =	sadd.s32 $0x40, s11  }
0x85: {  	[tilespmem:s28], [sflag:$0x2] =	stream.indirect.gather [hbm4b:s5+s26], $0x80, s26, s26, $0xb8;
	[tilespmem:$0x1C400] =	vst v63  }
0x86: {  	_ =	swait.ge [sflag:s29], $0x4000  }
0x87: {  	[sflag:s29] =	ssyncset.done $0x0  }
0x88: {  	[sflag:s29] =	ssyncadd.s32 $0xFFFFC000  }
0x89: {  	[spmem:s3] =	stream.indirect.scatter.add.f32 [tilespmem:s21], [sflag:$0x5], $0x80, s23, s26, $0xb8;
	[tilespmem:$0x1C400] =	vst v63  }
0x8a: {  	_ =	swait.ge [sflag:s22], $0x4000  }
0x8b: {  	[sflag:s22] =	ssyncset.done $0x0  }
0x8c: {  	[sflag:s22] =	ssyncadd.s32 $0xFFFFC000  }
0x8d: {  	[tilespmem:s21], [sflag:$0x1] =	stream.indirect.gather [hbm4b:s5+s26], $0x80, s24, s26, $0xb8;
	[tilespmem:$0x1C400] =	vst v63  }
0x8e: {  	_ =	swait.ge [sflag:s30], $0x4000  }
0x8f: {  	[sflag:s30] =	ssyncset.done $0x0  }
0x90: {  	[sflag:s30] =	ssyncadd.s32 $0xFFFFC000  }
0x91: {  	[spmem:s3] =	stream.indirect.scatter.add.f32 [tilespmem:s28], [sflag:$0x5], $0x80, s31, s26, $0xb8;
	[tilespmem:$0x1C400] =	vst v63  }
0x92: {  	_ =	swait.ge [sflag:s22], $0x4000  }
0x93: {  	[sflag:s22] =	ssyncset.done $0x0  }
0x94: {  	s14 =	sshrl.u32 s20, $0x3;
	[sflag:s22] =	ssyncadd.s32 $0xFFFFC000  }
0x95: {  	[tilespmem:s28], [sflag:$0x2] =	stream.indirect.gather [hbm4b:s5+s26], $0x80, s0, s26, $0xb8;
	[tilespmem:$0x1C400] =	vst v63  }
0x96: {  	s15 =	sadd.s32 s2, s14  }
0x97: {  	[tilespmem:s4], [sflag:$0x3] =	stream.linear.gather [hbm4b:s15+s4], $0x100, $0x38;
	[tilespmem:$0x1C400] =	vst v63  }
0x98: {  	s14 =	sadd.s32 s6, s14  }
0x99: {  	[tilespmem:s23], [sflag:$0x3] =	stream.linear.gather [hbm4b:s14+s4], $0x100, $0x38;
	[tilespmem:$0x1C400] =	vst v63  }
0x9a: {  	_ =	swait.ge [sflag:s29], $0x4000  }
0x9b: {  	[sflag:s29] =	ssyncset.done $0x0  }
0x9c: {  	[sflag:s29] =	ssyncadd.s32 $0xFFFFC000  }
0x9d: {  	[spmem:s3] =	stream.indirect.scatter.add.f32 [tilespmem:s21], [sflag:$0x5], $0x80, s25, s26, $0xb8;
	[tilespmem:$0x1C400] =	vst v63  }
0x9e: {  	_ =	swait.ge [sflag:s22], $0x4000  }
0x9f: {  	[sflag:s22] =	ssyncset.done $0x0  }
0xa0: {  	[sflag:s22] =	ssyncadd.s32 $0xFFFFC000  }
0xa1: {  	_ =	swait.ge [sflag:s30], $0x4000  }
0xa2: {  	[sflag:s30] =	ssyncset.done $0x0  }
0xa3: {  	[sflag:s30] =	ssyncadd.s32 $0xFFFFC000  }
0xa4: {  	[spmem:s3] =	stream.indirect.scatter.add.f32 [tilespmem:s28], [sflag:$0x5], $0x80, s1, s26, $0xb8;
	[tilespmem:$0x1C400] =	vst v63  }
0xa5: {  	_ =	swait.ge [sflag:s22], $0x4000  }
0xa6: {  	[sflag:s22] =	ssyncset.done $0x0  }
0xa7: {  	s14 =	sadd.s32 s13, s19;
	[sflag:s22] =	ssyncadd.s32 $0xFFFFC000  }
0xa8: {  	[tilespmem:s24], [sflag:$0x4] =	stream.linear.gather [hbm4b:s14+s4], $0x100, $0x38;
	[tilespmem:$0x1C400] =	vst v63  }
0xa9: {  	s13 =	sadd.s32 s13, s18  }
0xaa: {  	[tilespmem:s25], [sflag:$0x4] =	stream.linear.gather [hbm4b:s13+s4], $0x100, $0x38;
	[tilespmem:$0x1C400] =	vst v63  }
0xab: {  	_ =	swait.ge [sflag:s8], $0x100  }
0xac: {  	[sflag:s8] =	ssyncset.done $0x0  }
0xad: {  	[sflag:s8] =	ssyncadd.s32 $0xFFFFFF00  }
0xae: {  	_ =	swait.ge [sflag:s8], $0x100  }
0xaf: {  	[sflag:s8] =	ssyncset.done $0x0  }
0xb0: {  	[sflag:s8] =	ssyncadd.s32 $0xFFFFFF00  }
.Ltmp1:
0xb1: {  	_ =	swait.ge [sflag:s9], $0x100;
	(pc) =	sbr.rel @p0 .LBB2_4-.Ltmp1, $4  }
0xb2: {  	[sflag:s9] =	ssyncset.done $0x0  }
0xb3: {  	[sflag:s9] =	ssyncadd.s32 $0xFFFFFF00  }
0xb4: {  	_ =	swait.ge [sflag:s9], $0x100  }
0xb5: {  	[sflag:s9] =	ssyncset.done $0x0  }
0xb6: {  	[sflag:s9] =	ssyncadd.s32 $0xFFFFFF00;
	s11 =	stileid.u32;
	s10 =	sadd.s32 $0x1, s10  }
0xb7: {  	s13 =	sshrl.u32 s7, $0x3;
	s11 =	sshll.u32 s11, $0x6;
	p0 =	sne.s32 s10, s17  }
.Ltmp2:
0xb8: {  	[bflag:$0x0] =	sbarrier.arrive $0xFFFF;
	s11 =	sor.u32 $0x1C05, s11;
	(pc) =	sbr.rel @p0 .LBB2_1-.Ltmp2, $4  }
0xb9: {  	[hbm:s16], [sflag:s11] =	dma.local [spmem:s13], $0x2800  }
0xba: {  	_ =	swait.ge [sflag:s22], $0x2800  }
0xbb: {  	[sflag:s22] =	ssyncset.done $0x0  }
0xbc: {  	[sflag:s22] =	ssyncadd.s32 $0xFFFFD800  }
0xbd: {  	_ =	sfence.sel $0x180000  }
0xbe: {  	[bflag:$0x0] =	sbarrier.arrive $0xFFFF  }
0xbf: {  	_ =	strace $0x9000004A  }
0xc0: {  	s0 =	stileid.u32;
	[bflag:$0x2] =	sbarrier.arrive $0xFFFF  }
0xc1: {  	p0 =	sne.s32 s0, $0x0;
	s0 =	rddreg [dreg:$0x3]  }
0xc2: {  	s0 =	sadd.s32 @!p0 $0x100000, s0  }
0xc3: {  	[sflag:s0] =	ssyncadd.tile.s32 @!p0 $0x1;
	_ =	shalt  }
.Lfunc_end2:
_tile_overlayer_lowered:
.L_overlay_start_2:
0xc4: {  	(tag) =	ssettag $0x2  }
0xc5: {  	s0 =	rddreg [dreg:$0x0];
	s2 =	stileid.u32  }
0xc6: {  	s1 =	rddreg [dreg:$0x1];
	p0 =	sne.s32 s2, $0x0  }
0xc7: {  	s3 =	rddreg [dreg:$0x2];
	[bflag:$0x3] =	sbarrier.arrive $0xFFFF;
	s2 =	simm.s32 @!p0 $0x1C05  }
0xc8: {  	[timem:s3], [sflag:s2] =	dma.local @!p0 [hbm:s0], s1  }
0xc9: {  	s0 =	simm.s32 @!p0 $0x5  }
0xca: {  	_ =	swait.ge @!p0 [sflag:s0], s1  }
0xcb: {  	s1 =	ssub.s32 @!p0 $0x0, s1;
	[sflag:s0] =	ssyncset.done @!p0 $0x0  }
0xcc: {  	[sflag:s0] =	ssyncadd.s32 @!p0 s1  }
0xcd: {  	[bflag:$0x3] =	sbarrier.arrive $0xFFFF  }
0xce: {  	_ =	shalt  }

// kernel: kernel.16.cloned.1.call-start
scs
__scs_entry_jumppad:
0x0: {  	(pc) =	sbr.rel $0x88, $3  }
0x1: {  	(tag) =	ssettag $0x0;
	lr =	simm.s32 $0x1  }
0x2: {  	[smem:$0x3F99] =	sst lr;
	_ =	strace $0xD0000000  }
0x3: {  	_ = 	snop  }
0x4: {  	_ = 	snop  }
0x5: {  	_ = 	snop  }
0x6: {  	_ = 	snop  }
0x7: {  	_ = 	snop  }
__scs_overlays_trampoline_lowered:
0x8: {  	[smem:$0x3FA8] =	sst s0  }
0x9: {  	[smem:$0x3FA9] =	sst s1  }
0xa: {  	[smem:$0x3FAA] =	sst s2  }
0xb: {  	[smem:$0x3FAB] =	sst s3  }
0xc: {  	[smem:$0x3FAC] =	sst s4  }
0xd: {  	[smem:$0x3FAD] =	sst s5  }
0xe: {  	[smem:$0x3FAE] =	sst s6  }
0xf: {  	[smem:$0x3FAF] =	sst s7  }
0x10: {  	[smem:$0x3FB0] =	sst s8  }
0x11: {  	[smem:$0x3FB1] =	sst s9;
	s0 =	simm.s32 @!p0 $0x0  }
0x12: {  	s1 =	sld [smem:$0x3F97];
	s0 =	simm.s32 @p0 $0x1  }
0x13: {  	[smem:$0x3FB2] =	sst s0;
	s0 =	simm.s32 @!p1 $0x0  }
0x14: {  	s2 =	sld [smem:$0x3F96];
	s0 =	simm.s32 @p1 $0x1  }
0x15: {  	[smem:$0x3FB3] =	sst s0;
	s0 =	simm.s32 @!p2 $0x0  }
0x16: {  	s3 =	sld [smem:$0x3FDB];
	s0 =	simm.s32 @p2 $0x1  }
0x17: {  	s4 =	simm.s32 $0x1BF5;
	[smem:$0x3FB5] =	sst s0  }
0x18: {  	s0 =	sld [smem:$0x3F98];
	_ =	swait.ge [sflag:s4], $0x0  }
0x19: {  	s7 =	sld [smem:$0x3F99]  }
0x1a: {  	s8 =	sadd.s32 $0xFFFFE003, lr  }
0x1b: {  	s9 =	sadd.s32 $0xFFFFFEF7, lr;
	s5 =	simm.s32 $0xFFFFFFFF;
	p2 =	slt.u32 s8, $0xFFFFF086  }
0x1c: {  	p1 =	slt.u32 s9, $0xF7A;
	s5 =	simm.s32 @!p2 $0x0  }
0x1d: {  	s5 =	simm.s32 @p1 $0x1;
	p0 =	seq.s32 s7, s2  }
0x1e: {  	s7 =	smul.u32 @!p0 $0xF7A, s2;
	p2 =	seq.s32 @!p0 s5, $0x0  }
0x1f: {  	s9 =	smul.u32 $0xF7A, s1;
	s8 =	simm.s32 @!p0 $0x1BF5;
	p2 =	por !p2, p0  }
0x20: {  	[sflag:s8] =	ssyncset.s32 @!p0 $0xFFFFF086;
	s6 =	sadd.s32 @!p0 s3, s7;
	s7 =	simm.s32 @!p0 $0x108  }
0x21: {  	s3 =	sadd.s32 s3, s9;
	s6 =	sadd.s32 @!p0 $0x88, s6;
	s7 =	simm.s32 @p2 $0x1082  }
0x22: {  	[simem:s7], [sflag:s8] =	dma.local @!p0 [hbm:s6], $0xF7A  }
0x23: {  	s9 =	sor.u32 $0xD0000000, s2;
	s6 =	simm.s32 $0x108;
	_ =	swait.ge @!p0 [sflag:s8], $0x0  }
0x24: {  	s3 =	sadd.s32 $0x88, s3;
	s6 =	simm.s32 @!p1 $0x1082;
	[sflag:s4] =	ssyncset.s32 $0xFFFFF086  }
0x25: {  	[simem:s6], [sflag:s4] =	dma.local [hbm:s3], $0xF7A  }
0x26: {  	[smem:$0x3F99] =	sst s1;
	(tag) =	ssettag s2;
	_ =	strace s9  }
0x27: {  	s1 =	sld [smem:$0x3FA9]  }
0x28: {  	s2 =	sld [smem:$0x3FAA]  }
0x29: {  	s4 =	sld [smem:$0x3FAC]  }
0x2a: {  	p0 =	seq.s32 s5, $0x0;
	s5 =	sld [smem:$0x3FAD]  }
0x2b: {  	s6 =	sld [smem:$0x3FAE]  }
0x2c: {  	s7 =	sld [smem:$0x3FAF]  }
0x2d: {  	s3 =	simm.s32 $0x108;
	s8 =	sld [smem:$0x3FB0]  }
0x2e: {  	s3 =	simm.s32 @!p0 $0x1082;
	s9 =	sld [smem:$0x3FB1]  }
0x2f: {  	lr =	sadd.s32 s0, s3;
	s0 =	sld [smem:$0x3FA8]  }
0x30: {  	s3 =	sld [smem:$0x3FAB]  }
0x31: {  	[smem:$0x3FB4] =	sst s10  }
0x32: {  	s10 =	sld [smem:$0x3FB2];
	_ =	sdelay $0x3  }
0x33: {  	p0 =	seq.s32 s10, $0x1;
	s10 =	sld [smem:$0x3FB4];
	_ =	sdelay $0x3  }
0x34: {  	[smem:$0x3FB4] =	sst s10  }
0x35: {  	s10 =	sld [smem:$0x3FB3];
	_ =	sdelay $0x3  }
0x36: {  	p1 =	seq.s32 s10, $0x1;
	s10 =	sld [smem:$0x3FB4];
	_ =	sdelay $0x3  }
0x37: {  	[smem:$0x3FB4] =	sst s10  }
0x38: {  	s10 =	sld [smem:$0x3FB5]  }
0x39: {  	_ = 	snop;
	(pc) =	sbr.ind lr, $3  }
0x3a: {  	_ = 	snop  }
0x3b: {  	_ = 	snop  }
0x3c: {  	p2 =	seq.s32 s10, $0x1;
	s10 =	sld [smem:$0x3FB4]  }
0x3d: {  	_ =	shalt  }
0x3e: {  	_ =	shalt  }
0x3f: {  	_ =	shalt  }
0x40: {  	_ =	shalt  }
0x41: {  	_ =	shalt  }
0x42: {  	_ =	shalt  }
0x43: {  	_ =	shalt  }
0x44: {  	_ =	shalt  }
0x45: {  	_ =	shalt  }
0x46: {  	_ =	shalt  }
0x47: {  	_ =	shalt  }
0x48: {  	_ =	shalt  }
0x49: {  	_ =	shalt  }
0x4a: {  	_ =	shalt  }
0x4b: {  	_ =	shalt  }
0x4c: {  	_ =	shalt  }
0x4d: {  	_ =	shalt  }
0x4e: {  	_ =	shalt  }
0x4f: {  	_ =	shalt  }
0x50: {  	_ =	shalt  }
0x51: {  	_ =	shalt  }
0x52: {  	_ =	shalt  }
0x53: {  	_ =	shalt  }
0x54: {  	_ =	shalt  }
0x55: {  	_ =	shalt  }
0x56: {  	_ =	shalt  }
0x57: {  	_ =	shalt  }
0x58: {  	_ =	shalt  }
0x59: {  	_ =	shalt  }
0x5a: {  	_ =	shalt  }
0x5b: {  	_ =	shalt  }
0x5c: {  	_ =	shalt  }
0x5d: {  	_ =	shalt  }
0x5e: {  	_ =	shalt  }
0x5f: {  	_ =	shalt  }
0x60: {  	_ =	shalt  }
0x61: {  	_ =	shalt  }
0x62: {  	_ =	shalt  }
0x63: {  	_ =	shalt  }
0x64: {  	_ =	shalt  }
0x65: {  	_ =	shalt  }
0x66: {  	_ =	shalt  }
0x67: {  	_ =	shalt  }
0x68: {  	_ =	shalt  }
0x69: {  	_ =	shalt  }
0x6a: {  	_ =	shalt  }
0x6b: {  	_ =	shalt  }
0x6c: {  	_ =	shalt  }
0x6d: {  	_ =	shalt  }
0x6e: {  	_ =	shalt  }
0x6f: {  	_ =	shalt  }
0x70: {  	_ =	shalt  }
0x71: {  	_ =	shalt  }
0x72: {  	_ =	shalt  }
0x73: {  	_ =	shalt  }
0x74: {  	_ =	shalt  }
0x75: {  	_ =	shalt  }
0x76: {  	_ =	shalt  }
0x77: {  	_ =	shalt  }
0x78: {  	_ =	shalt  }
0x79: {  	_ =	shalt  }
0x7a: {  	_ =	shalt  }
0x7b: {  	_ =	shalt  }
0x7c: {  	_ =	shalt  }
0x7d: {  	_ =	shalt  }
0x7e: {  	_ =	shalt  }
0x7f: {  	_ =	shalt  }
0x80: {  	_ =	shalt  }
0x81: {  	_ =	shalt  }
0x82: {  	_ =	shalt  }
0x83: {  	_ =	shalt  }
0x84: {  	_ =	shalt  }
0x85: {  	_ =	shalt  }
0x86: {  	_ =	shalt  }
0x87: {  	_ =	shalt  }
.Lfunc_end0:
.L_simem_size_0:
called_computation.2_lowered:
.L_overlay_start_0:
0x88: {  	s2 =	sld [smem:$0x3FD9]  }
0x89: {  	s3 =	sld [smem:$0x3FFE];
	_ =	sdelay $0x1  }
0x8a: {  	s1 =	srdreg.scid  }
0x8b: {  	s0 =	sand.u32 $0x1, s1  }
0x8c: {  	s17 =	sshll.u32 s0, $0xA;
	s2 =	sadd.s32 s3, s2  }
0x8d: {  	s2 =	sadd.s32 s2, s17  }
0x8e: {  	[smem:$0x3FC0] =	sst s2  }
0x8f: {  	_ = 	snop  }
0x90: {  	s2 =	sld [smem:$0x3FD0];
	(tm) =	ssettm $0x1  }
0x91: {  	s18 =	sld [smem:$0x3FFB];
	_ =	sdelay $0x3  }
0x92: {  	_ =	strace s18  }
0x93: {  	s3 =	sld [smem:$0x3FFC];
	_ =	sdelay $0x3  }
0x94: {  	_ =	strace s3  }
0x95: {  	s3 =	sld [smem:$0x3FFD];
	_ =	sdelay $0x3  }
0x96: {  	_ =	strace s3  }
0x97: {  	_ =	strace $0x8FFFFFFF  }
0x98: {  	s19 =	sld [smem:$0x3FDB];
	_ =	sdelay $0x1  }
0x99: {  	s4 =	simm.s32 $_scs_section_size  }
0x9a: {  	s5 =	simm.s32 $_size__tile_overlayer_lowered;
	s6 =	simm.s32 $_tile_overlayer_lowered  }
0x9b: {  	s22 =	simm.s32 $0x1BFF;
	s21 =	sshll.u32 s6, $0x1;
	s3 =	sadd.s32 s4, s19  }
0x9c: {  	s7 =	simm.s32 $0x0;
	s20 =	sshll.u32 s5, $0x1;
	s5 =	sadd.s32 s21, s3  }
0x9d: {  	[timem:s7], [sflag:s22] =	dma.local [hbm:s5], s20  }
0x9e: {  	_ =	swait.ge [sflag:s22], s20  }
0x9f: {  	s4 =	ssub.s32 $0x0, s20;
	[sflag:s22] =	ssyncset.done $0x0  }
0xa0: {  	[sflag:s22] =	ssyncadd.s32 s4;
	_ =	sdelay $0x1  }
0xa1: {  	s23 =	simm.s32 $0x1B8B  }
0xa2: {  	_ =	swait.ge [sflag:s23], $0x1  }
0xa3: {  	[sflag:s23] =	ssyncset.done $0x0  }
0xa4: {  	s25 =	simm.s32 $0x1B8E;
	s24 =	sld [smem:$0x3FFE];
	[sflag:s23] =	ssyncadd.s32 $0xFFFFFFFF  }
0xa5: {  	s26 =	simm.s32 $execute0_lowered;
	[smem:$0x3FD2] =	sst s25  }
0xa6: {  	s5 =	sshll.u32 s26, $0x1;
	_ =	strace $0x8000004C;
	[dreg:$0x1] =	wrdreg $0xFFFFFFFF  }
0xa7: {  	s28 =	simm.s32 $_size_execute0_lowered;
	s3 =	sadd.s32 s3, s5;
	[dreg:$0x0] =	wrdreg $0x0  }
0xa8: {  	s5 =	sshll.u32 s28, $0x1;
	[dreg:$0x2] =	wrdreg s3  }
0xa9: {  	[dreg:$0x3] =	wrdreg s5  }
0xaa: {  	[dreg:$0x4] =	wrdreg $0xC0  }
0xab: {  	_ =	task [dreg:s7], $0x5FFFF  }
0xac: {  	[dreg:$0x1] =	wrdreg $0xFFFFFFFF  }
0xad: {  	[dreg:$0x0] =	wrdreg $0x60  }
0xae: {  	[dreg:$0x2] =	wrdreg s24  }
0xaf: {  	[dreg:$0x3] =	wrdreg s2  }
0xb0: {  	[dreg:$0x4] =	wrdreg $0x84000  }
0xb1: {  	[dreg:$0x5] =	wrdreg $0x9  }
0xb2: {  	_ =	task.clear_ibuf [dreg:s7], $0x6FFFF;
	_ =	strace $0x9000004C  }
0xb3: {  	s29 =	simm.s32 $0x9;
	_ =	strace $0x8000004E  }
0xb4: {  	_ =	swait.ge [sflag:s29], $0x1  }
0xb5: {  	[sflag:s29] =	ssyncadd.s32 $0xFFFFFFFF  }
0xb6: {  	_ =	strace $0x9000004E  }
0xb7: {  	_ =	sfence  }
0xb8: {  	s30 =	sld [smem:$0x0];
	_ =	sdelay $0x2  }
0xb9: {  	s31 =	sshll.u32 s1, $0xD;
	s1 =	sshrl.u32 s1, $0x2  }
0xba: {  	s3 =	sand.u32 $0x4000, s31;
	s1 =	sadd.s32 s1, s30  }
0xbb: {  	s0 =	sor.u32 s3, s0;
	s1 =	sshll.u32 s1, $0x11  }
0xbc: {  	s0 =	sor.u32 s1, s0  }
0xbd: {  	s0 =	sadd.s32 $0x8F2B, s0  }
0xbe: {  	[sflag:s0] =	ssyncadd.remote.s32 $0x1  }
0xbf: {  	_ =	sfence.sel $0xFFFF  }
0xc0: {  	[dreg:$0x0] =	wrdreg $0xFFFFFFFF;
	(pc) =	sbr.abs _section_cstart, $3  }
0xc1: {  	[dreg:$0x1] =	wrdreg $0xFFFFFFFF  }
0xc2: {  	_ =	task.clear_ibuf [dreg:s7], $0x2FFFF;
	_ =	strace $0x9FFFFFFF  }
0xc3: {  	(tm) =	ssettm $0x7FFFFFFF  }
tec
execute0_lowered:
.L_overlay_start_1:
0x0: {  	(tag) =	ssettag $0x1  }
0x1: {  	s0 =	rddreg [dreg:$0x0]  }
0x2: {  	s2 =	rddreg [dreg:$0x1];
	s1 =	srdreg.scid  }
0x3: {  	s3 =	rddreg [dreg:$0x2];
	s11 =	stileid.u32  }
0x4: {  	s4 =	simm.s32 $0x0;
	s28 =	simm.s32 $0x4400;
	s6 =	smul.u32 $0x14000, s11  }
0x5: {  	s29 =	simm.s32 $0x1;
	s30 =	simm.s32 $0x2;
	s8 =	smul.u32 $0x50000, s11  }
0x6: {  	s1 =	sand.u32 $0x1, s1;
	[smem:$0x7FF] =	sst s4;
	s19 =	smul.u32 $0x2A00, s11  }
0x7: {  	s31 =	simm.s32 $0x280;
	s5 =	smul.u32 $0x140000, s1;
	_ =	strace $0x8000004D  }
0x8: {  	s13 =	sshll.u32 s1, $0x4;
	s9 =	ssub.s32 $0x2, s1;
	s1 =	smul.u32 $0x2A000, s1  }
0x9: {  	s10 =	sor.u32 s11, s13;
	s14 =	sshrl.u32 s8, $0x2;
	s15 =	sshrl.u32 s9, $0x1  }
0xa: {  	s6 =	sadd.s32 s6, s5;
	s5 =	sadd.s32 $0x68200, s0;
	s10 =	smul.u32 $0x2A00, s10  }
0xb: {  	s8 =	ssub.s32 s9, s15;
	s1 =	sadd.s32 s19, s1;
	s7 =	sshrl.u32 s6, $0x3  }
0xc: {  	s6 =	sadd.s32 $0xDA00, s0;
	s25 =	sadd.s32 $0x300, s1;
	s12 =	sadd.s32 $0x200, s1  }
0xd: {  	s1 =	simm.s32 $0x380;
	s0 =	sadd.s32 s7, s0;
	s7 =	sadd.s32 s14, s3  }
0xe: {  	s18 =	sshrl.u32 s10, $0x3;
	s26 =	sshrl.u32 s25, $0x3;
	s16 =	sadd.s32 $0x4000, s7  }
0xf: {  	s25 =	simm.s32 $0x300;
	s17 =	sadd.s32 $0x8000, s7;
	[dreg:$0x4] =	wrdreg s16  }
0x10: {  	s10 =	simm.s32 $0x0;
	s20 =	sadd.s32 $0xC000, s7;
	[dreg:$0x5] =	wrdreg s17  }
0x11: {  	s21 =	sadd.s32 $0x10000, s7;
	s22 =	sadd.s32 s2, s18;
	[dreg:$0x6] =	wrdreg s20  }
0x12: {  	s23 =	sadd.s32 s6, s18;
	s9 =	sor.u32 $0x20, s18;
	[dreg:$0x7] =	wrdreg s21  }
0x13: {  	s18 =	sadd.s32 s26, s6;
	s19 =	sadd.s32 s26, s2;
	[dreg:$0x8] =	wrdreg s22  }
0x14: {  	s26 =	simm.s32 $0x80;
	[dreg:$0x9] =	wrdreg s23;
	s24 =	sadd.s32 s2, s9  }
0x15: {  	s9 =	sadd.s32 s6, s9;
	s16 =	sadd.s32 $0x90200, s0;
	s17 =	smax.u32 s8, $0x1  }
0x16: {  	s21 =	simm.s32 $0x400;
	s22 =	simm.s32 $0x5;
	s23 =	simm.s32 $0x200  }
0x17: {  	s0 =	simm.s32 $0x180;
	s8 =	simm.s32 $0x3;
	[dreg:$0xa] =	wrdreg s24  }
0x18: {  	v0 =	vimm.f32 $0.0e+00;
	[dreg:$0xb] =	wrdreg s9;
	s24 =	simm.s32 $0x100;
	s9 =	simm.s32 $0x4  }
.LBB2_1:
0x19: {  	s11 =	simm.s32 $0x0;
	s13 =	simm.s32 $0x200  }
.LBB2_2:
0x1a: {  	p0 =	sne.s32 s13, $0xFE00;
	[tilespmem:s11+$0x470] =	vst v0  }
0x1b: {  	[tilespmem:s11+$0x400] =	vst v0  }
0x1c: {  	[tilespmem:s11+$0x410] =	vst v0  }
.Ltmp0:
0x1d: {  	[tilespmem:s11+$0x420] =	vst v0;
	(pc) =	sbr.rel @p0 .LBB2_2-.Ltmp0, $4  }
0x1e: {  	[tilespmem:s11+$0x430] =	vst v0  }
0x1f: {  	[tilespmem:s11+$0x440] =	vst v0  }
0x20: {  	[tilespmem:s11+$0x450] =	vst v0  }
0x21: {  	[tilespmem:s11+$0x460] =	vst v0;
	s11 =	sshra.s32 s13, $0x2;
	s13 =	sadd.s32 $0x200, s13  }
0x22: {  	[tilespmem:s11+$0x470] =	vst v0  }
0x23: {  	[tilespmem:s11+$0x400] =	vst v0  }
0x24: {  	[tilespmem:s11+$0x410] =	vst v0  }
0x25: {  	[tilespmem:s11+$0x420] =	vst v0  }
0x26: {  	[tilespmem:s11+$0x430] =	vst v0  }
0x27: {  	[tilespmem:s11+$0x440] =	vst v0  }
0x28: {  	[tilespmem:s11+$0x450] =	vst v0  }
0x29: {  	[tilespmem:s11+$0x460] =	vst v0  }
0x2a: {  	[spmem:s7] =	stream.linear.scatter [tilespmem:s21], [sflag:$0x5], $0x4000, $0x38;
	[tilespmem:$0x1C400] =	vst v63  }
0x2b: {  	_ =	swait.ge [sflag:s22], $0x4000  }
0x2c: {  	[sflag:s22] =	ssyncset.done $0x0  }
0x2d: {  	s20 =	rddreg [dreg:$0x4];
	[sflag:s22] =	ssyncadd.s32 $0xFFFFC000  }
0x2e: {  	[spmem:s20] =	stream.linear.scatter [tilespmem:s21], [sflag:$0x5], $0x4000, $0x38;
	[tilespmem:$0x1C400] =	vst v63  }
0x2f: {  	_ =	swait.ge [sflag:s22], $0x4000  }
0x30: {  	[sflag:s22] =	ssyncset.done $0x0  }
0x31: {  	s13 =	rddreg [dreg:$0x5];
	[sflag:s22] =	ssyncadd.s32 $0xFFFFC000  }
0x32: {  	[spmem:s13] =	stream.linear.scatter [tilespmem:s21], [sflag:$0x5], $0x4000, $0x38;
	[tilespmem:$0x1C400] =	vst v63  }
0x33: {  	_ =	swait.ge [sflag:s22], $0x4000  }
0x34: {  	[sflag:s22] =	ssyncset.done $0x0  }
0x35: {  	s14 =	rddreg [dreg:$0x6];
	[sflag:s22] =	ssyncadd.s32 $0xFFFFC000  }
0x36: {  	[spmem:s14] =	stream.linear.scatter [tilespmem:s21], [sflag:$0x5], $0x4000, $0x38;
	[tilespmem:$0x1C400] =	vst v63  }
0x37: {  	_ =	swait.ge [sflag:s22], $0x4000  }
0x38: {  	[sflag:s22] =	ssyncset.done $0x0  }
0x39: {  	s15 =	rddreg [dreg:$0x7];
	[sflag:s22] =	ssyncadd.s32 $0xFFFFC000  }
0x3a: {  	[spmem:s15] =	stream.linear.scatter [tilespmem:s21], [sflag:$0x5], $0x4000, $0x38;
	[tilespmem:$0x1C400] =	vst v63  }
0x3b: {  	_ =	swait.ge [sflag:s22], $0x4000  }
0x3c: {  	[sflag:s22] =	ssyncset.done $0x0  }
0x3d: {  	s11 =	simm.s32 $0x0;
	s13 =	rddreg [dreg:$0x8];
	[sflag:s22] =	ssyncadd.s32 $0xFFFFC000  }
0x3e: {  	[tilespmem:s11], [sflag:$0x5] =	stream.linear.gather [hbm4b:s13+s11], $0x100, $0x38;
	[tilespmem:$0x1C400] =	vst v63  }
0x3f: {  	_ =	swait.ge [sflag:s22], $0x100  }
0x40: {  	[sflag:s22] =	ssyncset.done $0x0  }
0x41: {  	s20 =	rddreg [dreg:$0x9];
	[sflag:s22] =	ssyncadd.s32 $0xFFFFFF00  }
0x42: {  	[tilespmem:s23], [sflag:$0x5] =	stream.linear.gather [hbm4b:s20+s11], $0x100, $0x38;
	[tilespmem:$0x1C400] =	vst v63  }
0x43: {  	_ =	swait.ge [sflag:s22], $0x100  }
0x44: {  	[sflag:s22] =	ssyncset.done $0x0  }
0x45: {  	s14 =	rddreg [dreg:$0xa];
	[sflag:s22] =	ssyncadd.s32 $0xFFFFFF00  }
0x46: {  	[tilespmem:s24], [sflag:$0x5] =	stream.linear.gather [hbm4b:s14+s11], $0x100, $0x38;
	[tilespmem:$0x1C400] =	vst v63  }
0x47: {  	_ =	swait.ge [sflag:s22], $0x100  }
0x48: {  	[sflag:s22] =	ssyncset.done $0x0  }
0x49: {  	s15 =	rddreg [dreg:$0xb];
	[sflag:s22] =	ssyncadd.s32 $0xFFFFFF00  }
0x4a: {  	[tilespmem:s25], [sflag:$0x5] =	stream.linear.gather [hbm4b:s15+s11], $0x100, $0x38;
	[tilespmem:$0x1C400] =	vst v63  }
0x4b: {  	_ =	swait.ge [sflag:s22], $0x100  }
0x4c: {  	[sflag:s22] =	ssyncset.done $0x0  }
0x4d: {  	[sflag:s22] =	ssyncadd.s32 $0xFFFFFF00  }
0x4e: {  	[bflag:$0x0] =	sbarrier.arrive $0xFFFF  }
0x4f: {  	[tilespmem:s21], [sflag:$0x1] =	stream.indirect.gather [hbm4b:s5+s26], $0x80, s4, s26, $0xb8;
	[tilespmem:$0x1C400] =	vst v63  }
0x50: {  	_ = 	snop  }
0x51: {  	[tilespmem:s28], [sflag:$0x2] =	stream.indirect.gather [hbm4b:s5+s26], $0x80, s26, s26, $0xb8;
	[tilespmem:$0x1C400] =	vst v63  }
0x52: {  	_ =	swait.ge [sflag:s29], $0x4000  }
0x53: {  	[sflag:s29] =	ssyncset.done $0x0  }
0x54: {  	[sflag:s29] =	ssyncadd.s32 $0xFFFFC000  }
0x55: {  	[spmem:s3] =	stream.indirect.scatter.add.f32 [tilespmem:s21], [sflag:$0x5], $0x80, s23, s26, $0xb8;
	[tilespmem:$0x1C400] =	vst v63  }
0x56: {  	_ =	swait.ge [sflag:s22], $0x4000  }
0x57: {  	[sflag:s22] =	ssyncset.done $0x0  }
0x58: {  	[sflag:s22] =	ssyncadd.s32 $0xFFFFC000  }
0x59: {  	[tilespmem:s21], [sflag:$0x1] =	stream.indirect.gather [hbm4b:s5+s26], $0x80, s24, s26, $0xb8;
	[tilespmem:$0x1C400] =	vst v63  }
0x5a: {  	_ =	swait.ge [sflag:s30], $0x4000  }
0x5b: {  	[sflag:s30] =	ssyncset.done $0x0  }
0x5c: {  	[sflag:s30] =	ssyncadd.s32 $0xFFFFC000  }
0x5d: {  	[spmem:s3] =	stream.indirect.scatter.add.f32 [tilespmem:s28], [sflag:$0x5], $0x80, s31, s26, $0xb8;
	[tilespmem:$0x1C400] =	vst v63  }
0x5e: {  	_ =	swait.ge [sflag:s22], $0x4000  }
0x5f: {  	[sflag:s22] =	ssyncset.done $0x0  }
0x60: {  	s20 =	sshrl.u32 s12, $0x3;
	[sflag:s22] =	ssyncadd.s32 $0xFFFFC000  }
0x61: {  	[tilespmem:s28], [sflag:$0x2] =	stream.indirect.gather [hbm4b:s5+s26], $0x80, s0, s26, $0xb8;
	[tilespmem:$0x1C400] =	vst v63  }
0x62: {  	s14 =	sadd.s32 s2, s20  }
0x63: {  	[tilespmem:s4], [sflag:$0x3] =	stream.linear.gather [hbm4b:s14+s4], $0x100, $0x38;
	[tilespmem:$0x1C400] =	vst v63  }
0x64: {  	s11 =	sadd.s32 s6, s20  }
0x65: {  	[tilespmem:s23], [sflag:$0x3] =	stream.linear.gather [hbm4b:s11+s4], $0x100, $0x38;
	[tilespmem:$0x1C400] =	vst v63  }
0x66: {  	_ =	swait.ge [sflag:s29], $0x4000  }
0x67: {  	[sflag:s29] =	ssyncset.done $0x0  }
0x68: {  	[sflag:s29] =	ssyncadd.s32 $0xFFFFC000  }
0x69: {  	[spmem:s3] =	stream.indirect.scatter.add.f32 [tilespmem:s21], [sflag:$0x5], $0x80, s25, s26, $0xb8;
	[tilespmem:$0x1C400] =	vst v63  }
0x6a: {  	_ =	swait.ge [sflag:s22], $0x4000  }
0x6b: {  	[sflag:s22] =	ssyncset.done $0x0  }
0x6c: {  	[sflag:s22] =	ssyncadd.s32 $0xFFFFC000  }
0x6d: {  	_ =	swait.ge [sflag:s30], $0x4000  }
0x6e: {  	[sflag:s30] =	ssyncset.done $0x0  }
0x6f: {  	[sflag:s30] =	ssyncadd.s32 $0xFFFFC000  }
0x70: {  	[spmem:s3] =	stream.indirect.scatter.add.f32 [tilespmem:s28], [sflag:$0x5], $0x80, s1, s26, $0xb8;
	[tilespmem:$0x1C400] =	vst v63  }
0x71: {  	_ =	swait.ge [sflag:s22], $0x4000  }
0x72: {  	[sflag:s22] =	ssyncset.done $0x0  }
0x73: {  	s15 =	sadd.s32 $0x0, s19;
	[sflag:s22] =	ssyncadd.s32 $0xFFFFC000  }
0x74: {  	[tilespmem:s24], [sflag:$0x4] =	stream.linear.gather [hbm4b:s15+s4], $0x100, $0x38;
	[tilespmem:$0x1C400] =	vst v63  }
0x75: {  	s20 =	sadd.s32 $0x0, s18  }
0x76: {  	[tilespmem:s25], [sflag:$0x4] =	stream.linear.gather [hbm4b:s20+s4], $0x100, $0x38;
	[tilespmem:$0x1C400] =	vst v63  }
0x77: {  	_ =	swait.ge [sflag:s8], $0x100  }
0x78: {  	[sflag:s8] =	ssyncset.done $0x0  }
0x79: {  	[sflag:s8] =	ssyncadd.s32 $0xFFFFFF00  }
0x7a: {  	_ =	swait.ge [sflag:s8], $0x100  }
0x7b: {  	[sflag:s8] =	ssyncset.done $0x0  }
0x7c: {  	[sflag:s8] =	ssyncadd.s32 $0xFFFFFF00  }
0x7d: {  	_ =	swait.ge [sflag:s9], $0x100  }
0x7e: {  	[sflag:s9] =	ssyncset.done $0x0  }
0x7f: {  	[sflag:s9] =	ssyncadd.s32 $0xFFFFFF00  }
0x80: {  	_ =	swait.ge [sflag:s9], $0x100  }
0x81: {  	s11 =	simm.s32 $0x40;
	s20 =	smov.u32 s12;
	[sflag:s9] =	ssyncset.done $0x0  }
.LBB2_4:
0x82: {  	p0 =	sne.s32 s11, $0x4C0;
	[sflag:s9] =	ssyncadd.s32 $0xFFFFFF00;
	s20 =	sadd.s32 $0x200, s20  }
0x83: {  	[tilespmem:s21], [sflag:$0x1] =	stream.indirect.gather [hbm4b:s5+s26], $0x80, s4, s26, $0xb8;
	[tilespmem:$0x1C400] =	vst v63  }
0x84: {  	s13 =	smov.u32 s11;
	s11 =	sadd.s32 $0x40, s11  }
0x85: {  	[tilespmem:s28], [sflag:$0x2] =	stream.indirect.gather [hbm4b:s5+s26], $0x80, s26, s26, $0xb8;
	[tilespmem:$0x1C400] =	vst v63  }
0x86: {  	_ =	swait.ge [sflag:s29], $0x4000  }
0x87: {  	[sflag:s29] =	ssyncset.done $0x0  }
0x88: {  	[sflag:s29] =	ssyncadd.s32 $0xFFFFC000  }
0x89: {  	[spmem:s3] =	stream.indirect.scatter.add.f32 [tilespmem:s21], [sflag:$0x5], $0x80, s23, s26, $0xb8;
	[tilespmem:$0x1C400] =	vst v63  }
0x8a: {  	_ =	swait.ge [sflag:s22], $0x4000  }
0x8b: {  	[sflag:s22] =	ssyncset.done $0x0  }
0x8c: {  	[sflag:s22] =	ssyncadd.s32 $0xFFFFC000  }
0x8d: {  	[tilespmem:s21], [sflag:$0x1] =	stream.indirect.gather [hbm4b:s5+s26], $0x80, s24, s26, $0xb8;
	[tilespmem:$0x1C400] =	vst v63  }
0x8e: {  	_ =	swait.ge [sflag:s30], $0x4000  }
0x8f: {  	[sflag:s30] =	ssyncset.done $0x0  }
0x90: {  	[sflag:s30] =	ssyncadd.s32 $0xFFFFC000  }
0x91: {  	[spmem:s3] =	stream.indirect.scatter.add.f32 [tilespmem:s28], [sflag:$0x5], $0x80, s31, s26, $0xb8;
	[tilespmem:$0x1C400] =	vst v63  }
0x92: {  	_ =	swait.ge [sflag:s22], $0x4000  }
0x93: {  	[sflag:s22] =	ssyncset.done $0x0  }
0x94: {  	s14 =	sshrl.u32 s20, $0x3;
	[sflag:s22] =	ssyncadd.s32 $0xFFFFC000  }
0x95: {  	[tilespmem:s28], [sflag:$0x2] =	stream.indirect.gather [hbm4b:s5+s26], $0x80, s0, s26, $0xb8;
	[tilespmem:$0x1C400] =	vst v63  }
0x96: {  	s15 =	sadd.s32 s2, s14  }
0x97: {  	[tilespmem:s4], [sflag:$0x3] =	stream.linear.gather [hbm4b:s15+s4], $0x100, $0x38;
	[tilespmem:$0x1C400] =	vst v63  }
0x98: {  	s14 =	sadd.s32 s6, s14  }
0x99: {  	[tilespmem:s23], [sflag:$0x3] =	stream.linear.gather [hbm4b:s14+s4], $0x100, $0x38;
	[tilespmem:$0x1C400] =	vst v63  }
0x9a: {  	_ =	swait.ge [sflag:s29], $0x4000  }
0x9b: {  	[sflag:s29] =	ssyncset.done $0x0  }
0x9c: {  	[sflag:s29] =	ssyncadd.s32 $0xFFFFC000  }
0x9d: {  	[spmem:s3] =	stream.indirect.scatter.add.f32 [tilespmem:s21], [sflag:$0x5], $0x80, s25, s26, $0xb8;
	[tilespmem:$0x1C400] =	vst v63  }
0x9e: {  	_ =	swait.ge [sflag:s22], $0x4000  }
0x9f: {  	[sflag:s22] =	ssyncset.done $0x0  }
0xa0: {  	[sflag:s22] =	ssyncadd.s32 $0xFFFFC000  }
0xa1: {  	_ =	swait.ge [sflag:s30], $0x4000  }
0xa2: {  	[sflag:s30] =	ssyncset.done $0x0  }
0xa3: {  	[sflag:s30] =	ssyncadd.s32 $0xFFFFC000  }
0xa4: {  	[spmem:s3] =	stream.indirect.scatter.add.f32 [tilespmem:s28], [sflag:$0x5], $0x80, s1, s26, $0xb8;
	[tilespmem:$0x1C400] =	vst v63  }
0xa5: {  	_ =	swait.ge [sflag:s22], $0x4000  }
0xa6: {  	[sflag:s22] =	ssyncset.done $0x0  }
0xa7: {  	s14 =	sadd.s32 s13, s19;
	[sflag:s22] =	ssyncadd.s32 $0xFFFFC000  }
0xa8: {  	[tilespmem:s24], [sflag:$0x4] =	stream.linear.gather [hbm4b:s14+s4], $0x100, $0x38;
	[tilespmem:$0x1C400] =	vst v63  }
0xa9: {  	s13 =	sadd.s32 s13, s18  }
0xaa: {  	[tilespmem:s25], [sflag:$0x4] =	stream.linear.gather [hbm4b:s13+s4], $0x100, $0x38;
	[tilespmem:$0x1C400] =	vst v63  }
0xab: {  	_ =	swait.ge [sflag:s8], $0x100  }
0xac: {  	[sflag:s8] =	ssyncset.done $0x0  }
0xad: {  	[sflag:s8] =	ssyncadd.s32 $0xFFFFFF00  }
0xae: {  	_ =	swait.ge [sflag:s8], $0x100  }
0xaf: {  	[sflag:s8] =	ssyncset.done $0x0  }
0xb0: {  	[sflag:s8] =	ssyncadd.s32 $0xFFFFFF00  }
.Ltmp1:
0xb1: {  	_ =	swait.ge [sflag:s9], $0x100;
	(pc) =	sbr.rel @p0 .LBB2_4-.Ltmp1, $4  }
0xb2: {  	[sflag:s9] =	ssyncset.done $0x0  }
0xb3: {  	[sflag:s9] =	ssyncadd.s32 $0xFFFFFF00  }
0xb4: {  	_ =	swait.ge [sflag:s9], $0x100  }
0xb5: {  	[sflag:s9] =	ssyncset.done $0x0  }
0xb6: {  	[sflag:s9] =	ssyncadd.s32 $0xFFFFFF00;
	s11 =	stileid.u32;
	s10 =	sadd.s32 $0x1, s10  }
0xb7: {  	s13 =	sshrl.u32 s7, $0x3;
	s11 =	sshll.u32 s11, $0x6;
	p0 =	sne.s32 s10, s17  }
.Ltmp2:
0xb8: {  	[bflag:$0x0] =	sbarrier.arrive $0xFFFF;
	s11 =	sor.u32 $0x1C05, s11;
	(pc) =	sbr.rel @p0 .LBB2_1-.Ltmp2, $4  }
0xb9: {  	[hbm:s16], [sflag:s11] =	dma.local [spmem:s13], $0x2800  }
0xba: {  	_ =	swait.ge [sflag:s22], $0x2800  }
0xbb: {  	[sflag:s22] =	ssyncset.done $0x0  }
0xbc: {  	[sflag:s22] =	ssyncadd.s32 $0xFFFFD800  }
0xbd: {  	_ =	sfence.sel $0x180000  }
0xbe: {  	[bflag:$0x0] =	sbarrier.arrive $0xFFFF  }
0xbf: {  	_ =	strace $0x9000004D  }
0xc0: {  	s0 =	stileid.u32;
	[bflag:$0x2] =	sbarrier.arrive $0xFFFF  }
0xc1: {  	p0 =	sne.s32 s0, $0x0;
	s0 =	rddreg [dreg:$0x3]  }
0xc2: {  	s0 =	sadd.s32 @!p0 $0x100000, s0  }
0xc3: {  	[sflag:s0] =	ssyncadd.tile.s32 @!p0 $0x1;
	_ =	shalt  }
.Lfunc_end2:
_tile_overlayer_lowered:
.L_overlay_start_2:
0xc4: {  	(tag) =	ssettag $0x2  }
0xc5: {  	s0 =	rddreg [dreg:$0x0];
	s2 =	stileid.u32  }
0xc6: {  	s1 =	rddreg [dreg:$0x1];
	p0 =	sne.s32 s2, $0x0  }
0xc7: {  	s3 =	rddreg [dreg:$0x2];
	[bflag:$0x3] =	sbarrier.arrive $0xFFFF;
	s2 =	simm.s32 @!p0 $0x1C05  }
0xc8: {  	[timem:s3], [sflag:s2] =	dma.local @!p0 [hbm:s0], s1  }
0xc9: {  	s0 =	simm.s32 @!p0 $0x5  }
0xca: {  	_ =	swait.ge @!p0 [sflag:s0], s1  }
0xcb: {  	s1 =	ssub.s32 @!p0 $0x0, s1;
	[sflag:s0] =	ssyncset.done @!p0 $0x0  }
0xcc: {  	[sflag:s0] =	ssyncadd.s32 @!p0 s1  }
0xcd: {  	[bflag:$0x3] =	sbarrier.arrive $0xFFFF  }
0xce: {  	_ =	shalt  }

// kernel: kernel.19.cloned.1.call-start
scs
__scs_entry_jumppad:
0x0: {  	(pc) =	sbr.rel $0x88, $3  }
0x1: {  	(tag) =	ssettag $0x0;
	lr =	simm.s32 $0x1  }
0x2: {  	[smem:$0x3F99] =	sst lr;
	_ =	strace $0xD0000000  }
0x3: {  	_ = 	snop  }
0x4: {  	_ = 	snop  }
0x5: {  	_ = 	snop  }
0x6: {  	_ = 	snop  }
0x7: {  	_ = 	snop  }
__scs_overlays_trampoline_lowered:
0x8: {  	[smem:$0x3FA8] =	sst s0  }
0x9: {  	[smem:$0x3FA9] =	sst s1  }
0xa: {  	[smem:$0x3FAA] =	sst s2  }
0xb: {  	[smem:$0x3FAB] =	sst s3  }
0xc: {  	[smem:$0x3FAC] =	sst s4  }
0xd: {  	[smem:$0x3FAD] =	sst s5  }
0xe: {  	[smem:$0x3FAE] =	sst s6  }
0xf: {  	[smem:$0x3FAF] =	sst s7  }
0x10: {  	[smem:$0x3FB0] =	sst s8  }
0x11: {  	[smem:$0x3FB1] =	sst s9;
	s0 =	simm.s32 @!p0 $0x0  }
0x12: {  	s1 =	sld [smem:$0x3F97];
	s0 =	simm.s32 @p0 $0x1  }
0x13: {  	[smem:$0x3FB2] =	sst s0;
	s0 =	simm.s32 @!p1 $0x0  }
0x14: {  	s2 =	sld [smem:$0x3F96];
	s0 =	simm.s32 @p1 $0x1  }
0x15: {  	[smem:$0x3FB3] =	sst s0;
	s0 =	simm.s32 @!p2 $0x0  }
0x16: {  	s3 =	sld [smem:$0x3FDB];
	s0 =	simm.s32 @p2 $0x1  }
0x17: {  	s4 =	simm.s32 $0x1BF5;
	[smem:$0x3FB5] =	sst s0  }
0x18: {  	s0 =	sld [smem:$0x3F98];
	_ =	swait.ge [sflag:s4], $0x0  }
0x19: {  	s7 =	sld [smem:$0x3F99]  }
0x1a: {  	s8 =	sadd.s32 $0xFFFFE003, lr  }
0x1b: {  	s9 =	sadd.s32 $0xFFFFFEF7, lr;
	s5 =	simm.s32 $0xFFFFFFFF;
	p2 =	slt.u32 s8, $0xFFFFF086  }
0x1c: {  	p1 =	slt.u32 s9, $0xF7A;
	s5 =	simm.s32 @!p2 $0x0  }
0x1d: {  	s5 =	simm.s32 @p1 $0x1;
	p0 =	seq.s32 s7, s2  }
0x1e: {  	s7 =	smul.u32 @!p0 $0xF7A, s2;
	p2 =	seq.s32 @!p0 s5, $0x0  }
0x1f: {  	s9 =	smul.u32 $0xF7A, s1;
	s8 =	simm.s32 @!p0 $0x1BF5;
	p2 =	por !p2, p0  }
0x20: {  	[sflag:s8] =	ssyncset.s32 @!p0 $0xFFFFF086;
	s6 =	sadd.s32 @!p0 s3, s7;
	s7 =	simm.s32 @!p0 $0x108  }
0x21: {  	s3 =	sadd.s32 s3, s9;
	s6 =	sadd.s32 @!p0 $0x88, s6;
	s7 =	simm.s32 @p2 $0x1082  }
0x22: {  	[simem:s7], [sflag:s8] =	dma.local @!p0 [hbm:s6], $0xF7A  }
0x23: {  	s9 =	sor.u32 $0xD0000000, s2;
	s6 =	simm.s32 $0x108;
	_ =	swait.ge @!p0 [sflag:s8], $0x0  }
0x24: {  	s3 =	sadd.s32 $0x88, s3;
	s6 =	simm.s32 @!p1 $0x1082;
	[sflag:s4] =	ssyncset.s32 $0xFFFFF086  }
0x25: {  	[simem:s6], [sflag:s4] =	dma.local [hbm:s3], $0xF7A  }
0x26: {  	[smem:$0x3F99] =	sst s1;
	(tag) =	ssettag s2;
	_ =	strace s9  }
0x27: {  	s1 =	sld [smem:$0x3FA9]  }
0x28: {  	s2 =	sld [smem:$0x3FAA]  }
0x29: {  	s4 =	sld [smem:$0x3FAC]  }
0x2a: {  	p0 =	seq.s32 s5, $0x0;
	s5 =	sld [smem:$0x3FAD]  }
0x2b: {  	s6 =	sld [smem:$0x3FAE]  }
0x2c: {  	s7 =	sld [smem:$0x3FAF]  }
0x2d: {  	s3 =	simm.s32 $0x108;
	s8 =	sld [smem:$0x3FB0]  }
0x2e: {  	s3 =	simm.s32 @!p0 $0x1082;
	s9 =	sld [smem:$0x3FB1]  }
0x2f: {  	lr =	sadd.s32 s0, s3;
	s0 =	sld [smem:$0x3FA8]  }
0x30: {  	s3 =	sld [smem:$0x3FAB]  }
0x31: {  	[smem:$0x3FB4] =	sst s10  }
0x32: {  	s10 =	sld [smem:$0x3FB2];
	_ =	sdelay $0x3  }
0x33: {  	p0 =	seq.s32 s10, $0x1;
	s10 =	sld [smem:$0x3FB4];
	_ =	sdelay $0x3  }
0x34: {  	[smem:$0x3FB4] =	sst s10  }
0x35: {  	s10 =	sld [smem:$0x3FB3];
	_ =	sdelay $0x3  }
0x36: {  	p1 =	seq.s32 s10, $0x1;
	s10 =	sld [smem:$0x3FB4];
	_ =	sdelay $0x3  }
0x37: {  	[smem:$0x3FB4] =	sst s10  }
0x38: {  	s10 =	sld [smem:$0x3FB5]  }
0x39: {  	_ = 	snop;
	(pc) =	sbr.ind lr, $3  }
0x3a: {  	_ = 	snop  }
0x3b: {  	_ = 	snop  }
0x3c: {  	p2 =	seq.s32 s10, $0x1;
	s10 =	sld [smem:$0x3FB4]  }
0x3d: {  	_ =	shalt  }
0x3e: {  	_ =	shalt  }
0x3f: {  	_ =	shalt  }
0x40: {  	_ =	shalt  }
0x41: {  	_ =	shalt  }
0x42: {  	_ =	shalt  }
0x43: {  	_ =	shalt  }
0x44: {  	_ =	shalt  }
0x45: {  	_ =	shalt  }
0x46: {  	_ =	shalt  }
0x47: {  	_ =	shalt  }
0x48: {  	_ =	shalt  }
0x49: {  	_ =	shalt  }
0x4a: {  	_ =	shalt  }
0x4b: {  	_ =	shalt  }
0x4c: {  	_ =	shalt  }
0x4d: {  	_ =	shalt  }
0x4e: {  	_ =	shalt  }
0x4f: {  	_ =	shalt  }
0x50: {  	_ =	shalt  }
0x51: {  	_ =	shalt  }
0x52: {  	_ =	shalt  }
0x53: {  	_ =	shalt  }
0x54: {  	_ =	shalt  }
0x55: {  	_ =	shalt  }
0x56: {  	_ =	shalt  }
0x57: {  	_ =	shalt  }
0x58: {  	_ =	shalt  }
0x59: {  	_ =	shalt  }
0x5a: {  	_ =	shalt  }
0x5b: {  	_ =	shalt  }
0x5c: {  	_ =	shalt  }
0x5d: {  	_ =	shalt  }
0x5e: {  	_ =	shalt  }
0x5f: {  	_ =	shalt  }
0x60: {  	_ =	shalt  }
0x61: {  	_ =	shalt  }
0x62: {  	_ =	shalt  }
0x63: {  	_ =	shalt  }
0x64: {  	_ =	shalt  }
0x65: {  	_ =	shalt  }
0x66: {  	_ =	shalt  }
0x67: {  	_ =	shalt  }
0x68: {  	_ =	shalt  }
0x69: {  	_ =	shalt  }
0x6a: {  	_ =	shalt  }
0x6b: {  	_ =	shalt  }
0x6c: {  	_ =	shalt  }
0x6d: {  	_ =	shalt  }
0x6e: {  	_ =	shalt  }
0x6f: {  	_ =	shalt  }
0x70: {  	_ =	shalt  }
0x71: {  	_ =	shalt  }
0x72: {  	_ =	shalt  }
0x73: {  	_ =	shalt  }
0x74: {  	_ =	shalt  }
0x75: {  	_ =	shalt  }
0x76: {  	_ =	shalt  }
0x77: {  	_ =	shalt  }
0x78: {  	_ =	shalt  }
0x79: {  	_ =	shalt  }
0x7a: {  	_ =	shalt  }
0x7b: {  	_ =	shalt  }
0x7c: {  	_ =	shalt  }
0x7d: {  	_ =	shalt  }
0x7e: {  	_ =	shalt  }
0x7f: {  	_ =	shalt  }
0x80: {  	_ =	shalt  }
0x81: {  	_ =	shalt  }
0x82: {  	_ =	shalt  }
0x83: {  	_ =	shalt  }
0x84: {  	_ =	shalt  }
0x85: {  	_ =	shalt  }
0x86: {  	_ =	shalt  }
0x87: {  	_ =	shalt  }
.Lfunc_end0:
.L_simem_size_0:
called_computation.3_lowered:
.L_overlay_start_0:
0x88: {  	s2 =	sld [smem:$0x3FD9]  }
0x89: {  	s3 =	sld [smem:$0x3FFE];
	_ =	sdelay $0x1  }
0x8a: {  	s1 =	srdreg.scid  }
0x8b: {  	s0 =	sand.u32 $0x1, s1  }
0x8c: {  	s17 =	sshll.u32 s0, $0xA;
	s2 =	sadd.s32 s3, s2  }
0x8d: {  	s2 =	sadd.s32 s2, s17  }
0x8e: {  	[smem:$0x3FC0] =	sst s2  }
0x8f: {  	_ = 	snop  }
0x90: {  	s2 =	sld [smem:$0x3FD0];
	(tm) =	ssettm $0x1  }
0x91: {  	s18 =	sld [smem:$0x3FFB];
	_ =	sdelay $0x3  }
0x92: {  	_ =	strace s18  }
0x93: {  	s3 =	sld [smem:$0x3FFC];
	_ =	sdelay $0x3  }
0x94: {  	_ =	strace s3  }
0x95: {  	s3 =	sld [smem:$0x3FFD];
	_ =	sdelay $0x3  }
0x96: {  	_ =	strace s3  }
0x97: {  	_ =	strace $0x8FFFFFFF  }
0x98: {  	s19 =	sld [smem:$0x3FDB];
	_ =	sdelay $0x1  }
0x99: {  	s4 =	simm.s32 $_scs_section_size  }
0x9a: {  	s5 =	simm.s32 $_size__tile_overlayer_lowered;
	s6 =	simm.s32 $_tile_overlayer_lowered  }
0x9b: {  	s22 =	simm.s32 $0x1BFF;
	s21 =	sshll.u32 s6, $0x1;
	s3 =	sadd.s32 s4, s19  }
0x9c: {  	s7 =	simm.s32 $0x0;
	s20 =	sshll.u32 s5, $0x1;
	s5 =	sadd.s32 s21, s3  }
0x9d: {  	[timem:s7], [sflag:s22] =	dma.local [hbm:s5], s20  }
0x9e: {  	_ =	swait.ge [sflag:s22], s20  }
0x9f: {  	s4 =	ssub.s32 $0x0, s20;
	[sflag:s22] =	ssyncset.done $0x0  }
0xa0: {  	[sflag:s22] =	ssyncadd.s32 s4;
	_ =	sdelay $0x1  }
0xa1: {  	s23 =	simm.s32 $0x1B8B  }
0xa2: {  	_ =	swait.ge [sflag:s23], $0x1  }
0xa3: {  	[sflag:s23] =	ssyncset.done $0x0  }
0xa4: {  	s25 =	simm.s32 $0x1B8E;
	s24 =	sld [smem:$0x3FFE];
	[sflag:s23] =	ssyncadd.s32 $0xFFFFFFFF  }
0xa5: {  	s26 =	simm.s32 $execute0_lowered;
	[smem:$0x3FD2] =	sst s25  }
0xa6: {  	s5 =	sshll.u32 s26, $0x1;
	_ =	strace $0x8000004F;
	[dreg:$0x1] =	wrdreg $0xFFFFFFFF  }
0xa7: {  	s28 =	simm.s32 $_size_execute0_lowered;
	s3 =	sadd.s32 s3, s5;
	[dreg:$0x0] =	wrdreg $0x0  }
0xa8: {  	s5 =	sshll.u32 s28, $0x1;
	[dreg:$0x2] =	wrdreg s3  }
0xa9: {  	[dreg:$0x3] =	wrdreg s5  }
0xaa: {  	[dreg:$0x4] =	wrdreg $0xC0  }
0xab: {  	_ =	task [dreg:s7], $0x5FFFF  }
0xac: {  	[dreg:$0x1] =	wrdreg $0xFFFFFFFF  }
0xad: {  	[dreg:$0x0] =	wrdreg $0x60  }
0xae: {  	[dreg:$0x2] =	wrdreg s24  }
0xaf: {  	[dreg:$0x3] =	wrdreg s2  }
0xb0: {  	[dreg:$0x4] =	wrdreg $0x84000  }
0xb1: {  	[dreg:$0x5] =	wrdreg $0x9  }
0xb2: {  	_ =	task.clear_ibuf [dreg:s7], $0x6FFFF;
	_ =	strace $0x9000004F  }
0xb3: {  	s29 =	simm.s32 $0x9;
	_ =	strace $0x80000051  }
0xb4: {  	_ =	swait.ge [sflag:s29], $0x1  }
0xb5: {  	[sflag:s29] =	ssyncadd.s32 $0xFFFFFFFF  }
0xb6: {  	_ =	strace $0x90000051  }
0xb7: {  	_ =	sfence  }
0xb8: {  	s30 =	sld [smem:$0x0];
	_ =	sdelay $0x2  }
0xb9: {  	s31 =	sshll.u32 s1, $0xD;
	s1 =	sshrl.u32 s1, $0x2  }
0xba: {  	s3 =	sand.u32 $0x4000, s31;
	s1 =	sadd.s32 s1, s30  }
0xbb: {  	s0 =	sor.u32 s3, s0;
	s1 =	sshll.u32 s1, $0x11  }
0xbc: {  	s0 =	sor.u32 s1, s0  }
0xbd: {  	s0 =	sadd.s32 $0x8F2B, s0  }
0xbe: {  	[sflag:s0] =	ssyncadd.remote.s32 $0x1  }
0xbf: {  	_ =	sfence.sel $0xFFFF  }
0xc0: {  	[dreg:$0x0] =	wrdreg $0xFFFFFFFF;
	(pc) =	sbr.abs _section_cstart, $3  }
0xc1: {  	[dreg:$0x1] =	wrdreg $0xFFFFFFFF  }
0xc2: {  	_ =	task.clear_ibuf [dreg:s7], $0x2FFFF;
	_ =	strace $0x9FFFFFFF  }
0xc3: {  	(tm) =	ssettm $0x7FFFFFFF  }
tec
execute0_lowered:
.L_overlay_start_1:
0x0: {  	(tag) =	ssettag $0x1  }
0x1: {  	s0 =	rddreg [dreg:$0x0]  }
0x2: {  	s2 =	rddreg [dreg:$0x1];
	s1 =	srdreg.scid  }
0x3: {  	s3 =	rddreg [dreg:$0x2];
	s11 =	stileid.u32  }
0x4: {  	s4 =	simm.s32 $0x0;
	s28 =	simm.s32 $0x4400;
	s6 =	smul.u32 $0x14000, s11  }
0x5: {  	s29 =	simm.s32 $0x1;
	s30 =	simm.s32 $0x2;
	s8 =	smul.u32 $0x50000, s11  }
0x6: {  	s1 =	sand.u32 $0x1, s1;
	[smem:$0x7FF] =	sst s4;
	s19 =	smul.u32 $0x2A00, s11  }
0x7: {  	s31 =	simm.s32 $0x280;
	s5 =	smul.u32 $0x140000, s1;
	_ =	strace $0x80000050  }
0x8: {  	s13 =	sshll.u32 s1, $0x4;
	s9 =	ssub.s32 $0x2, s1;
	s1 =	smul.u32 $0x2A000, s1  }
0x9: {  	s10 =	sor.u32 s11, s13;
	s14 =	sshrl.u32 s8, $0x2;
	s15 =	sshrl.u32 s9, $0x1  }
0xa: {  	s6 =	sadd.s32 s6, s5;
	s5 =	sadd.s32 $0x68200, s0;
	s10 =	smul.u32 $0x2A00, s10  }
0xb: {  	s8 =	ssub.s32 s9, s15;
	s1 =	sadd.s32 s19, s1;
	s7 =	sshrl.u32 s6, $0x3  }
0xc: {  	s6 =	sadd.s32 $0xDA00, s0;
	s25 =	sadd.s32 $0x300, s1;
	s12 =	sadd.s32 $0x200, s1  }
0xd: {  	s1 =	simm.s32 $0x380;
	s0 =	sadd.s32 s7, s0;
	s7 =	sadd.s32 s14, s3  }
0xe: {  	s18 =	sshrl.u32 s10, $0x3;
	s26 =	sshrl.u32 s25, $0x3;
	s16 =	sadd.s32 $0x4000, s7  }
0xf: {  	s25 =	simm.s32 $0x300;
	s17 =	sadd.s32 $0x8000, s7;
	[dreg:$0x4] =	wrdreg s16  }
0x10: {  	s10 =	simm.s32 $0x0;
	s20 =	sadd.s32 $0xC000, s7;
	[dreg:$0x5] =	wrdreg s17  }
0x11: {  	s21 =	sadd.s32 $0x10000, s7;
	s22 =	sadd.s32 s2, s18;
	[dreg:$0x6] =	wrdreg s20  }
0x12: {  	s23 =	sadd.s32 s6, s18;
	s9 =	sor.u32 $0x20, s18;
	[dreg:$0x7] =	wrdreg s21  }
0x13: {  	s18 =	sadd.s32 s26, s6;
	s19 =	sadd.s32 s26, s2;
	[dreg:$0x8] =	wrdreg s22  }
0x14: {  	s26 =	simm.s32 $0x80;
	[dreg:$0x9] =	wrdreg s23;
	s24 =	sadd.s32 s2, s9  }
0x15: {  	s9 =	sadd.s32 s6, s9;
	s16 =	sadd.s32 $0x90200, s0;
	s17 =	smax.u32 s8, $0x1  }
0x16: {  	s21 =	simm.s32 $0x400;
	s22 =	simm.s32 $0x5;
	s23 =	simm.s32 $0x200  }
0x17: {  	s0 =	simm.s32 $0x180;
	s8 =	simm.s32 $0x3;
	[dreg:$0xa] =	wrdreg s24  }
0x18: {  	v0 =	vimm.f32 $0.0e+00;
	[dreg:$0xb] =	wrdreg s9;
	s24 =	simm.s32 $0x100;
	s9 =	simm.s32 $0x4  }
.LBB2_1:
0x19: {  	s11 =	simm.s32 $0x0;
	s13 =	simm.s32 $0x200  }
.LBB2_2:
0x1a: {  	p0 =	sne.s32 s13, $0xFE00;
	[tilespmem:s11+$0x470] =	vst v0  }
0x1b: {  	[tilespmem:s11+$0x400] =	vst v0  }
0x1c: {  	[tilespmem:s11+$0x410] =	vst v0  }
.Ltmp0:
0x1d: {  	[tilespmem:s11+$0x420] =	vst v0;
	(pc) =	sbr.rel @p0 .LBB2_2-.Ltmp0, $4  }
0x1e: {  	[tilespmem:s11+$0x430] =	vst v0  }
0x1f: {  	[tilespmem:s11+$0x440] =	vst v0  }
0x20: {  	[tilespmem:s11+$0x450] =	vst v0  }
0x21: {  	[tilespmem:s11+$0x460] =	vst v0;
	s11 =	sshra.s32 s13, $0x2;
	s13 =	sadd.s32 $0x200, s13  }
0x22: {  	[tilespmem:s11+$0x470] =	vst v0  }
0x23: {  	[tilespmem:s11+$0x400] =	vst v0  }
0x24: {  	[tilespmem:s11+$0x410] =	vst v0  }
0x25: {  	[tilespmem:s11+$0x420] =	vst v0  }
0x26: {  	[tilespmem:s11+$0x430] =	vst v0  }
0x27: {  	[tilespmem:s11+$0x440] =	vst v0  }
0x28: {  	[tilespmem:s11+$0x450] =	vst v0  }
0x29: {  	[tilespmem:s11+$0x460] =	vst v0  }
0x2a: {  	[spmem:s7] =	stream.linear.scatter [tilespmem:s21], [sflag:$0x5], $0x4000, $0x38;
	[tilespmem:$0x1C400] =	vst v63  }
0x2b: {  	_ =	swait.ge [sflag:s22], $0x4000  }
0x2c: {  	[sflag:s22] =	ssyncset.done $0x0  }
0x2d: {  	s20 =	rddreg [dreg:$0x4];
	[sflag:s22] =	ssyncadd.s32 $0xFFFFC000  }
0x2e: {  	[spmem:s20] =	stream.linear.scatter [tilespmem:s21], [sflag:$0x5], $0x4000, $0x38;
	[tilespmem:$0x1C400] =	vst v63  }
0x2f: {  	_ =	swait.ge [sflag:s22], $0x4000  }
0x30: {  	[sflag:s22] =	ssyncset.done $0x0  }
0x31: {  	s13 =	rddreg [dreg:$0x5];
	[sflag:s22] =	ssyncadd.s32 $0xFFFFC000  }
0x32: {  	[spmem:s13] =	stream.linear.scatter [tilespmem:s21], [sflag:$0x5], $0x4000, $0x38;
	[tilespmem:$0x1C400] =	vst v63  }
0x33: {  	_ =	swait.ge [sflag:s22], $0x4000  }
0x34: {  	[sflag:s22] =	ssyncset.done $0x0  }
0x35: {  	s14 =	rddreg [dreg:$0x6];
	[sflag:s22] =	ssyncadd.s32 $0xFFFFC000  }
0x36: {  	[spmem:s14] =	stream.linear.scatter [tilespmem:s21], [sflag:$0x5], $0x4000, $0x38;
	[tilespmem:$0x1C400] =	vst v63  }
0x37: {  	_ =	swait.ge [sflag:s22], $0x4000  }
0x38: {  	[sflag:s22] =	ssyncset.done $0x0  }
0x39: {  	s15 =	rddreg [dreg:$0x7];
	[sflag:s22] =	ssyncadd.s32 $0xFFFFC000  }
0x3a: {  	[spmem:s15] =	stream.linear.scatter [tilespmem:s21], [sflag:$0x5], $0x4000, $0x38;
	[tilespmem:$0x1C400] =	vst v63  }
0x3b: {  	_ =	swait.ge [sflag:s22], $0x4000  }
0x3c: {  	[sflag:s22] =	ssyncset.done $0x0  }
0x3d: {  	s11 =	simm.s32 $0x0;
	s13 =	rddreg [dreg:$0x8];
	[sflag:s22] =	ssyncadd.s32 $0xFFFFC000  }
0x3e: {  	[tilespmem:s11], [sflag:$0x5] =	stream.linear.gather [hbm4b:s13+s11], $0x100, $0x38;
	[tilespmem:$0x1C400] =	vst v63  }
0x3f: {  	_ =	swait.ge [sflag:s22], $0x100  }
0x40: {  	[sflag:s22] =	ssyncset.done $0x0  }
0x41: {  	s20 =	rddreg [dreg:$0x9];
	[sflag:s22] =	ssyncadd.s32 $0xFFFFFF00  }
0x42: {  	[tilespmem:s23], [sflag:$0x5] =	stream.linear.gather [hbm4b:s20+s11], $0x100, $0x38;
	[tilespmem:$0x1C400] =	vst v63  }
0x43: {  	_ =	swait.ge [sflag:s22], $0x100  }
0x44: {  	[sflag:s22] =	ssyncset.done $0x0  }
0x45: {  	s14 =	rddreg [dreg:$0xa];
	[sflag:s22] =	ssyncadd.s32 $0xFFFFFF00  }
0x46: {  	[tilespmem:s24], [sflag:$0x5] =	stream.linear.gather [hbm4b:s14+s11], $0x100, $0x38;
	[tilespmem:$0x1C400] =	vst v63  }
0x47: {  	_ =	swait.ge [sflag:s22], $0x100  }
0x48: {  	[sflag:s22] =	ssyncset.done $0x0  }
0x49: {  	s15 =	rddreg [dreg:$0xb];
	[sflag:s22] =	ssyncadd.s32 $0xFFFFFF00  }
0x4a: {  	[tilespmem:s25], [sflag:$0x5] =	stream.linear.gather [hbm4b:s15+s11], $0x100, $0x38;
	[tilespmem:$0x1C400] =	vst v63  }
0x4b: {  	_ =	swait.ge [sflag:s22], $0x100  }
0x4c: {  	[sflag:s22] =	ssyncset.done $0x0  }
0x4d: {  	[sflag:s22] =	ssyncadd.s32 $0xFFFFFF00  }
0x4e: {  	[bflag:$0x0] =	sbarrier.arrive $0xFFFF  }
0x4f: {  	[tilespmem:s21], [sflag:$0x1] =	stream.indirect.gather [hbm4b:s5+s26], $0x80, s4, s26, $0xb8;
	[tilespmem:$0x1C400] =	vst v63  }
0x50: {  	_ = 	snop  }
0x51: {  	[tilespmem:s28], [sflag:$0x2] =	stream.indirect.gather [hbm4b:s5+s26], $0x80, s26, s26, $0xb8;
	[tilespmem:$0x1C400] =	vst v63  }
0x52: {  	_ =	swait.ge [sflag:s29], $0x4000  }
0x53: {  	[sflag:s29] =	ssyncset.done $0x0  }
0x54: {  	[sflag:s29] =	ssyncadd.s32 $0xFFFFC000  }
0x55: {  	[spmem:s3] =	stream.indirect.scatter.add.f32 [tilespmem:s21], [sflag:$0x5], $0x80, s23, s26, $0xb8;
	[tilespmem:$0x1C400] =	vst v63  }
0x56: {  	_ =	swait.ge [sflag:s22], $0x4000  }
0x57: {  	[sflag:s22] =	ssyncset.done $0x0  }
0x58: {  	[sflag:s22] =	ssyncadd.s32 $0xFFFFC000  }
0x59: {  	[tilespmem:s21], [sflag:$0x1] =	stream.indirect.gather [hbm4b:s5+s26], $0x80, s24, s26, $0xb8;
	[tilespmem:$0x1C400] =	vst v63  }
0x5a: {  	_ =	swait.ge [sflag:s30], $0x4000  }
0x5b: {  	[sflag:s30] =	ssyncset.done $0x0  }
0x5c: {  	[sflag:s30] =	ssyncadd.s32 $0xFFFFC000  }
0x5d: {  	[spmem:s3] =	stream.indirect.scatter.add.f32 [tilespmem:s28], [sflag:$0x5], $0x80, s31, s26, $0xb8;
	[tilespmem:$0x1C400] =	vst v63  }
0x5e: {  	_ =	swait.ge [sflag:s22], $0x4000  }
0x5f: {  	[sflag:s22] =	ssyncset.done $0x0  }
0x60: {  	s20 =	sshrl.u32 s12, $0x3;
	[sflag:s22] =	ssyncadd.s32 $0xFFFFC000  }
0x61: {  	[tilespmem:s28], [sflag:$0x2] =	stream.indirect.gather [hbm4b:s5+s26], $0x80, s0, s26, $0xb8;
	[tilespmem:$0x1C400] =	vst v63  }
0x62: {  	s14 =	sadd.s32 s2, s20  }
0x63: {  	[tilespmem:s4], [sflag:$0x3] =	stream.linear.gather [hbm4b:s14+s4], $0x100, $0x38;
	[tilespmem:$0x1C400] =	vst v63  }
0x64: {  	s11 =	sadd.s32 s6, s20  }
0x65: {  	[tilespmem:s23], [sflag:$0x3] =	stream.linear.gather [hbm4b:s11+s4], $0x100, $0x38;
	[tilespmem:$0x1C400] =	vst v63  }
0x66: {  	_ =	swait.ge [sflag:s29], $0x4000  }
0x67: {  	[sflag:s29] =	ssyncset.done $0x0  }
0x68: {  	[sflag:s29] =	ssyncadd.s32 $0xFFFFC000  }
0x69: {  	[spmem:s3] =	stream.indirect.scatter.add.f32 [tilespmem:s21], [sflag:$0x5], $0x80, s25, s26, $0xb8;
	[tilespmem:$0x1C400] =	vst v63  }
0x6a: {  	_ =	swait.ge [sflag:s22], $0x4000  }
0x6b: {  	[sflag:s22] =	ssyncset.done $0x0  }
0x6c: {  	[sflag:s22] =	ssyncadd.s32 $0xFFFFC000  }
0x6d: {  	_ =	swait.ge [sflag:s30], $0x4000  }
0x6e: {  	[sflag:s30] =	ssyncset.done $0x0  }
0x6f: {  	[sflag:s30] =	ssyncadd.s32 $0xFFFFC000  }
0x70: {  	[spmem:s3] =	stream.indirect.scatter.add.f32 [tilespmem:s28], [sflag:$0x5], $0x80, s1, s26, $0xb8;
	[tilespmem:$0x1C400] =	vst v63  }
0x71: {  	_ =	swait.ge [sflag:s22], $0x4000  }
0x72: {  	[sflag:s22] =	ssyncset.done $0x0  }
0x73: {  	s15 =	sadd.s32 $0x0, s19;
	[sflag:s22] =	ssyncadd.s32 $0xFFFFC000  }
0x74: {  	[tilespmem:s24], [sflag:$0x4] =	stream.linear.gather [hbm4b:s15+s4], $0x100, $0x38;
	[tilespmem:$0x1C400] =	vst v63  }
0x75: {  	s20 =	sadd.s32 $0x0, s18  }
0x76: {  	[tilespmem:s25], [sflag:$0x4] =	stream.linear.gather [hbm4b:s20+s4], $0x100, $0x38;
	[tilespmem:$0x1C400] =	vst v63  }
0x77: {  	_ =	swait.ge [sflag:s8], $0x100  }
0x78: {  	[sflag:s8] =	ssyncset.done $0x0  }
0x79: {  	[sflag:s8] =	ssyncadd.s32 $0xFFFFFF00  }
0x7a: {  	_ =	swait.ge [sflag:s8], $0x100  }
0x7b: {  	[sflag:s8] =	ssyncset.done $0x0  }
0x7c: {  	[sflag:s8] =	ssyncadd.s32 $0xFFFFFF00  }
0x7d: {  	_ =	swait.ge [sflag:s9], $0x100  }
0x7e: {  	[sflag:s9] =	ssyncset.done $0x0  }
0x7f: {  	[sflag:s9] =	ssyncadd.s32 $0xFFFFFF00  }
0x80: {  	_ =	swait.ge [sflag:s9], $0x100  }
0x81: {  	s11 =	simm.s32 $0x40;
	s20 =	smov.u32 s12;
	[sflag:s9] =	ssyncset.done $0x0  }
.LBB2_4:
0x82: {  	p0 =	sne.s32 s11, $0x4C0;
	[sflag:s9] =	ssyncadd.s32 $0xFFFFFF00;
	s20 =	sadd.s32 $0x200, s20  }
0x83: {  	[tilespmem:s21], [sflag:$0x1] =	stream.indirect.gather [hbm4b:s5+s26], $0x80, s4, s26, $0xb8;
	[tilespmem:$0x1C400] =	vst v63  }
0x84: {  	s13 =	smov.u32 s11;
	s11 =	sadd.s32 $0x40, s11  }
0x85: {  	[tilespmem:s28], [sflag:$0x2] =	stream.indirect.gather [hbm4b:s5+s26], $0x80, s26, s26, $0xb8;
	[tilespmem:$0x1C400] =	vst v63  }
0x86: {  	_ =	swait.ge [sflag:s29], $0x4000  }
0x87: {  	[sflag:s29] =	ssyncset.done $0x0  }
0x88: {  	[sflag:s29] =	ssyncadd.s32 $0xFFFFC000  }
0x89: {  	[spmem:s3] =	stream.indirect.scatter.add.f32 [tilespmem:s21], [sflag:$0x5], $0x80, s23, s26, $0xb8;
	[tilespmem:$0x1C400] =	vst v63  }
0x8a: {  	_ =	swait.ge [sflag:s22], $0x4000  }
0x8b: {  	[sflag:s22] =	ssyncset.done $0x0  }
0x8c: {  	[sflag:s22] =	ssyncadd.s32 $0xFFFFC000  }
0x8d: {  	[tilespmem:s21], [sflag:$0x1] =	stream.indirect.gather [hbm4b:s5+s26], $0x80, s24, s26, $0xb8;
	[tilespmem:$0x1C400] =	vst v63  }
0x8e: {  	_ =	swait.ge [sflag:s30], $0x4000  }
0x8f: {  	[sflag:s30] =	ssyncset.done $0x0  }
0x90: {  	[sflag:s30] =	ssyncadd.s32 $0xFFFFC000  }
0x91: {  	[spmem:s3] =	stream.indirect.scatter.add.f32 [tilespmem:s28], [sflag:$0x5], $0x80, s31, s26, $0xb8;
	[tilespmem:$0x1C400] =	vst v63  }
0x92: {  	_ =	swait.ge [sflag:s22], $0x4000  }
0x93: {  	[sflag:s22] =	ssyncset.done $0x0  }
0x94: {  	s14 =	sshrl.u32 s20, $0x3;
	[sflag:s22] =	ssyncadd.s32 $0xFFFFC000  }
0x95: {  	[tilespmem:s28], [sflag:$0x2] =	stream.indirect.gather [hbm4b:s5+s26], $0x80, s0, s26, $0xb8;
	[tilespmem:$0x1C400] =	vst v63  }
0x96: {  	s15 =	sadd.s32 s2, s14  }
0x97: {  	[tilespmem:s4], [sflag:$0x3] =	stream.linear.gather [hbm4b:s15+s4], $0x100, $0x38;
	[tilespmem:$0x1C400] =	vst v63  }
0x98: {  	s14 =	sadd.s32 s6, s14  }
0x99: {  	[tilespmem:s23], [sflag:$0x3] =	stream.linear.gather [hbm4b:s14+s4], $0x100, $0x38;
	[tilespmem:$0x1C400] =	vst v63  }
0x9a: {  	_ =	swait.ge [sflag:s29], $0x4000  }
0x9b: {  	[sflag:s29] =	ssyncset.done $0x0  }
0x9c: {  	[sflag:s29] =	ssyncadd.s32 $0xFFFFC000  }
0x9d: {  	[spmem:s3] =	stream.indirect.scatter.add.f32 [tilespmem:s21], [sflag:$0x5], $0x80, s25, s26, $0xb8;
	[tilespmem:$0x1C400] =	vst v63  }
0x9e: {  	_ =	swait.ge [sflag:s22], $0x4000  }
0x9f: {  	[sflag:s22] =	ssyncset.done $0x0  }
0xa0: {  	[sflag:s22] =	ssyncadd.s32 $0xFFFFC000  }
0xa1: {  	_ =	swait.ge [sflag:s30], $0x4000  }
0xa2: {  	[sflag:s30] =	ssyncset.done $0x0  }
0xa3: {  	[sflag:s30] =	ssyncadd.s32 $0xFFFFC000  }
0xa4: {  	[spmem:s3] =	stream.indirect.scatter.add.f32 [tilespmem:s28], [sflag:$0x5], $0x80, s1, s26, $0xb8;
	[tilespmem:$0x1C400] =	vst v63  }
0xa5: {  	_ =	swait.ge [sflag:s22], $0x4000  }
0xa6: {  	[sflag:s22] =	ssyncset.done $0x0  }
0xa7: {  	s14 =	sadd.s32 s13, s19;
	[sflag:s22] =	ssyncadd.s32 $0xFFFFC000  }
0xa8: {  	[tilespmem:s24], [sflag:$0x4] =	stream.linear.gather [hbm4b:s14+s4], $0x100, $0x38;
	[tilespmem:$0x1C400] =	vst v63  }
0xa9: {  	s13 =	sadd.s32 s13, s18  }
0xaa: {  	[tilespmem:s25], [sflag:$0x4] =	stream.linear.gather [hbm4b:s13+s4], $0x100, $0x38;
	[tilespmem:$0x1C400] =	vst v63  }
0xab: {  	_ =	swait.ge [sflag:s8], $0x100  }
0xac: {  	[sflag:s8] =	ssyncset.done $0x0  }
0xad: {  	[sflag:s8] =	ssyncadd.s32 $0xFFFFFF00  }
0xae: {  	_ =	swait.ge [sflag:s8], $0x100  }
0xaf: {  	[sflag:s8] =	ssyncset.done $0x0  }
0xb0: {  	[sflag:s8] =	ssyncadd.s32 $0xFFFFFF00  }
.Ltmp1:
0xb1: {  	_ =	swait.ge [sflag:s9], $0x100;
	(pc) =	sbr.rel @p0 .LBB2_4-.Ltmp1, $4  }
0xb2: {  	[sflag:s9] =	ssyncset.done $0x0  }
0xb3: {  	[sflag:s9] =	ssyncadd.s32 $0xFFFFFF00  }
0xb4: {  	_ =	swait.ge [sflag:s9], $0x100  }
0xb5: {  	[sflag:s9] =	ssyncset.done $0x0  }
0xb6: {  	[sflag:s9] =	ssyncadd.s32 $0xFFFFFF00;
	s11 =	stileid.u32;
	s10 =	sadd.s32 $0x1, s10  }
0xb7: {  	s13 =	sshrl.u32 s7, $0x3;
	s11 =	sshll.u32 s11, $0x6;
	p0 =	sne.s32 s10, s17  }
.Ltmp2:
0xb8: {  	[bflag:$0x0] =	sbarrier.arrive $0xFFFF;
	s11 =	sor.u32 $0x1C05, s11;
	(pc) =	sbr.rel @p0 .LBB2_1-.Ltmp2, $4  }
0xb9: {  	[hbm:s16], [sflag:s11] =	dma.local [spmem:s13], $0x2800  }
0xba: {  	_ =	swait.ge [sflag:s22], $0x2800  }
0xbb: {  	[sflag:s22] =	ssyncset.done $0x0  }
0xbc: {  	[sflag:s22] =	ssyncadd.s32 $0xFFFFD800  }
0xbd: {  	_ =	sfence.sel $0x180000  }
0xbe: {  	[bflag:$0x0] =	sbarrier.arrive $0xFFFF  }
0xbf: {  	_ =	strace $0x90000050  }
0xc0: {  	s0 =	stileid.u32;
	[bflag:$0x2] =	sbarrier.arrive $0xFFFF  }
0xc1: {  	p0 =	sne.s32 s0, $0x0;
	s0 =	rddreg [dreg:$0x3]  }
0xc2: {  	s0 =	sadd.s32 @!p0 $0x100000, s0  }
0xc3: {  	[sflag:s0] =	ssyncadd.tile.s32 @!p0 $0x1;
	_ =	shalt  }
.Lfunc_end2:
_tile_overlayer_lowered:
.L_overlay_start_2:
0xc4: {  	(tag) =	ssettag $0x2  }
0xc5: {  	s0 =	rddreg [dreg:$0x0];
	s2 =	stileid.u32  }
0xc6: {  	s1 =	rddreg [dreg:$0x1];
	p0 =	sne.s32 s2, $0x0  }
0xc7: {  	s3 =	rddreg [dreg:$0x2];
	[bflag:$0x3] =	sbarrier.arrive $0xFFFF;
	s2 =	simm.s32 @!p0 $0x1C05  }
0xc8: {  	[timem:s3], [sflag:s2] =	dma.local @!p0 [hbm:s0], s1  }
0xc9: {  	s0 =	simm.s32 @!p0 $0x5  }
0xca: {  	_ =	swait.ge @!p0 [sflag:s0], s1  }
0xcb: {  	s1 =	ssub.s32 @!p0 $0x0, s1;
	[sflag:s0] =	ssyncset.done @!p0 $0x0  }
0xcc: {  	[sflag:s0] =	ssyncadd.s32 @!p0 s1  }
0xcd: {  	[bflag:$0x3] =	sbarrier.arrive $0xFFFF  }
0xce: {  	_ =	shalt  }

</sc_bundles>
